<compile_context>
chip_gen: v7x
topology: tpu7x:2x2x1
jax: 0.10.2.dev20260603
libtpu: 0.0.44.dev20260713+nightly
codegen_flags: <defaults>
</compile_context>

<pallas_src>
import functools

import jax
import jax.numpy as jnp
from jax import lax
from jax.experimental import pallas as pl
from jax.experimental.pallas import tpu as pltpu
from jax.experimental.pallas import tpu_sc as plsc

B = 8
N = 1250
NP = 1280
E = 20000
EP = 20480
IN_C = 256
HID = 512
OUT_C = 256

NC = 2
NS = 16
NG = 2
GB = B // NG
CHUNKS = 10
CELLS = NP * NP
SLICE = CELLS // NS
PAD_CELL = CELLS


def _leaky(x):
    return jnp.where(x > 0, x, 0.01 * x)


def _build_adjacency(idx, zeros_src, grp):
    mesh = plsc.VectorSubcoreMesh(
        core_axis_name="c", subcore_axis_name="s",
        num_cores=NC, num_subcores=NS)

    @functools.partial(
        pl.kernel,
        mesh=mesh,
        out_type=jax.ShapeDtypeStruct((GB, NP, NP), jnp.float32),
        scratch_types=[
            pltpu.VMEM((CHUNKS, 128), jnp.int32),
            pltpu.VMEM((128,), jnp.float32),
            pltpu.VMEM((16, NP), jnp.float32),
            pltpu.VMEM_SHARED((CELLS + 16,), jnp.float32),
        ],
    )
    def build(idx_hbm, zeros_hbm, a_hbm, idx_v, ones_v, row_v, a_sh):
        cid = lax.axis_index("c")
        sid = lax.axis_index("s")
        rows = NP // NS
        for i in range(8):
            ones_v[pl.ds(16 * i, 16)] = jnp.ones((16,), jnp.float32)
        pltpu.sync_copy(zeros_hbm, a_sh.at[pl.ds(sid * SLICE, SLICE)])
        plsc.subcore_barrier()
        for bi in range(GB // NC):
            b = grp * GB + cid * (GB // NC) + bi
            bo = cid * (GB // NC) + bi
            pltpu.sync_copy(idx_hbm.at[b * NS + sid], idx_v)
            for j in range(CHUNKS):
                pltpu.sync_copy(ones_v, a_sh.at[idx_v.at[j]], add=True)
            plsc.subcore_barrier()
            for g in range(rows // 16):
                def _row(r, _):
                    pltpu.sync_copy(
                        a_sh.at[pl.ds((sid * rows + g * 16 + r) * NP, NP)],
                        row_v.at[r])
                    return _
                lax.fori_loop(0, 16, _row, 0)
                pltpu.sync_copy(
                    row_v, a_hbm.at[bo].at[pl.ds(sid * rows + g * 16, 16)])
            if bi != GB // NC - 1:
                pltpu.sync_copy(zeros_hbm, a_sh.at[pl.ds(sid * SLICE, SLICE)])
                plsc.subcore_barrier()

    return build(idx, zeros_src)


RB = 640


def _conv_kernel_first(a_ref, xf_ref, w1_ref, b1_ref, w2_ref, b2_ref,
                       eps_ref, out_ref):
    xf = xf_ref[0]
    aggr = jnp.dot(a_ref[0][:N, :N], xf, preferred_element_type=jnp.float32)
    h = aggr + (1.0 + eps_ref[0, 0]) * xf
    t = jnp.dot(h, w1_ref[...], preferred_element_type=jnp.float32)
    t = _leaky(t + b1_ref[...])
    o = jnp.dot(t, w2_ref[...], preferred_element_type=jnp.float32)
    o = _leaky(o + b2_ref[...])
    out_ref[0] = jnp.concatenate(
        [o, jnp.zeros((NP - N, HID), jnp.float32)], axis=0)


def _conv_layer_first(a, x, w1, b1, w2, b2, eps, grp):
    d = x.shape[-1]
    g0 = grp * GB
    return pl.pallas_call(
        _conv_kernel_first,
        grid=(GB,),
        in_specs=[
            pl.BlockSpec((1, NP, NP), lambda b: (b, 0, 0)),
            pl.BlockSpec((1, N, d), lambda b, g0=g0: (g0 + b, 0, 0)),
            pl.BlockSpec((d, HID), lambda b: (0, 0)),
            pl.BlockSpec((1, HID), lambda b: (0, 0)),
            pl.BlockSpec((HID, HID), lambda b: (0, 0)),
            pl.BlockSpec((1, HID), lambda b: (0, 0)),
            pl.BlockSpec((1, 128), lambda b: (0, 0)),
        ],
        out_specs=pl.BlockSpec((1, NP, HID), lambda b: (b, 0, 0)),
        out_shape=jax.ShapeDtypeStruct((GB, NP, HID), jnp.float32),
    )(a, x, w1, b1.reshape(1, HID), w2, b2.reshape(1, HID),
      jnp.full((1, 128), eps, jnp.float32))


def _conv_kernel(a_ref, xf_ref, w1_ref, b1_ref, w2_ref, b2_ref,
                 eps_ref, out_ref):
    r = pl.program_id(1)
    xf = xf_ref[0]
    aggr = jnp.dot(a_ref[0], xf, preferred_element_type=jnp.float32)
    xb = xf_ref[0, pl.ds(r * RB, RB), :]
    h = aggr + (1.0 + eps_ref[0, 0]) * xb
    t = jnp.dot(h, w1_ref[...], preferred_element_type=jnp.float32)
    t = _leaky(t + b1_ref[...])
    o = jnp.dot(t, w2_ref[...], preferred_element_type=jnp.float32)
    o = _leaky(o + b2_ref[...])
    grow = r * RB + lax.broadcasted_iota(jnp.int32, (RB, HID), 0)
    out_ref[0] = jnp.where(grow < N, o, 0.0)


def _conv_layer(a, x, w1, b1, w2, b2, eps):
    d = x.shape[-1]
    nr = NP // RB
    return pl.pallas_call(
        _conv_kernel,
        grid=(GB, nr),
        in_specs=[
            pl.BlockSpec((1, RB, NP), lambda b, r: (b, r, 0)),
            pl.BlockSpec((1, NP, d), lambda b, r: (b, 0, 0)),
            pl.BlockSpec((d, HID), lambda b, r: (0, 0)),
            pl.BlockSpec((1, HID), lambda b, r: (0, 0)),
            pl.BlockSpec((HID, HID), lambda b, r: (0, 0)),
            pl.BlockSpec((1, HID), lambda b, r: (0, 0)),
            pl.BlockSpec((1, 128), lambda b, r: (0, 0)),
        ],
        out_specs=pl.BlockSpec((1, RB, HID), lambda b, r: (b, r, 0)),
        out_shape=jax.ShapeDtypeStruct((GB, NP, HID), jnp.float32),
    )(a, x, w1, b1.reshape(1, HID), w2, b2.reshape(1, HID),
      jnp.full((1, 128), eps, jnp.float32))


def _final_kernel(x_ref, w1_ref, b1_ref, w2_ref, b2_ref, w3_ref, b3_ref,
                  out_ref):
    h = jnp.dot(x_ref[0], w1_ref[...], preferred_element_type=jnp.float32)
    h = _leaky(h + b1_ref[...])
    y = jnp.dot(h, w2_ref[...], preferred_element_type=jnp.float32)
    y = y + b2_ref[...]
    rows = lax.broadcasted_iota(jnp.int32, (NP, OUT_C), 0)
    y = jnp.where(rows < N, y, 0.0)
    g = jnp.sum(y, axis=0)
    val = jnp.sum(g * w3_ref[0]) + b3_ref[0, 0]
    out_ref[0] = jnp.full((8, 128), val, jnp.float32)


def _final_layers(x, lin1_W, lin1_b, lin2_W, lin2_b, lin3_W, lin3_b):
    out = pl.pallas_call(
        _final_kernel,
        grid=(GB,),
        in_specs=[
            pl.BlockSpec((1, NP, HID), lambda b: (b, 0, 0)),
            pl.BlockSpec((HID, HID), lambda b: (0, 0)),
            pl.BlockSpec((1, HID), lambda b: (0, 0)),
            pl.BlockSpec((HID, OUT_C), lambda b: (0, 0)),
            pl.BlockSpec((1, OUT_C), lambda b: (0, 0)),
            pl.BlockSpec((1, OUT_C), lambda b: (0, 0)),
            pl.BlockSpec((1, 128), lambda b: (0, 0)),
        ],
        out_specs=pl.BlockSpec((1, 8, 128), lambda b: (b, 0, 0)),
        out_shape=jax.ShapeDtypeStruct((GB, 8, 128), jnp.float32),
    )(x, lin1_W, lin1_b.reshape(1, HID), lin2_W, lin2_b.reshape(1, OUT_C),
      lin3_W.reshape(1, OUT_C),
      jnp.full((1, 128), lin3_b[0], jnp.float32))
    return out[:, 0, :1]


def kernel(graph_nodes, graph_edge_links, graph_edges,
           conv0_W1, conv0_b1, conv0_W2, conv0_b2, eps0,
           conv1_W1, conv1_b1, conv1_W2, conv1_b2, eps1,
           conv2_W1, conv2_b1, conv2_W2, conv2_b2, eps2,
           conv3_W1, conv3_b1, conv3_W2, conv3_b2, eps3,
           lin1_W, lin1_b, lin2_W, lin2_b, lin3_W, lin3_b):
    del graph_edges
    src = graph_edge_links[:, 0, :]
    dst = graph_edge_links[:, 1, :]
    flat = dst * NP + src
    flat = jnp.concatenate(
        [flat, jnp.full((B, EP - E), PAD_CELL, jnp.int32)], axis=1)
    flat = flat.reshape(B * NS, CHUNKS, 128)
    zeros_src = jnp.zeros((SLICE,), jnp.float32)

    a_gs = [_build_adjacency(flat, zeros_src, g) for g in range(NG)]

    outs = []
    for g in range(NG):
        x = _conv_layer_first(a_gs[g], graph_nodes, conv0_W1, conv0_b1,
                              conv0_W2, conv0_b2, eps0, g)
        x = _conv_layer(a_gs[g], x, conv1_W1, conv1_b1, conv1_W2, conv1_b2,
                        eps1)
        x = _conv_layer(a_gs[g], x, conv2_W1, conv2_b1, conv2_W2, conv2_b2,
                        eps2)
        x = _conv_layer(a_gs[g], x, conv3_W1, conv3_b1, conv3_W2, conv3_b2,
                        eps3)
        outs.append(_final_layers(x, lin1_W, lin1_b, lin2_W, lin2_b,
                                  lin3_W, lin3_b))
    return jnp.concatenate(outs, axis=0)

# --- scband reference (transcript-rebuilt; emitter-appended) ---
"""Pipeline reference for scband-ginnet-tianshou-ppo-critic-44976897524023 (READ-ONLY COPY).

The authoritative reference and input builder live on the scoring server;
editing this copy changes nothing except your own understanding.
"""

import jax, jax.numpy as jnp
import numpy as np


def _leaky(x):
    return jnp.where(x > 0, x, 0.01 * x)


def _lin(k, i, o):
    k1, k2 = jax.random.split(k)
    s = 1.0 / np.sqrt(i)
    W = jax.random.uniform(k1, (i, o), minval=-s, maxval=s, dtype=jnp.float32)
    b = jax.random.uniform(k2, (o,), minval=-s, maxval=s, dtype=jnp.float32)
    return W, b


def setup_inputs(seed=0):
    key = jax.random.key(seed)
    ks = jax.random.split(key, 20)
    B, N, E = 8, 1250, 20000
    in_c, hid, out_c = 256, 512, 256
    inp = {}
    inp["graph_nodes"] = jax.random.normal(ks[0], (B, N, in_c), dtype=jnp.float32)
    inp["graph_edge_links"] = jax.random.randint(ks[1], (B, 2, E), 0, N, dtype=jnp.int32)
    inp["graph_edges"] = jnp.zeros((B, E), dtype=jnp.float32)
    kidx = 2
    d_in = in_c
    for ci in range(4):
        W1, b1 = _lin(ks[kidx], d_in, hid); kidx += 1
        W2, b2 = _lin(ks[kidx], hid, hid); kidx += 1
        inp[f"conv{ci}_W1"] = W1
        inp[f"conv{ci}_b1"] = b1
        inp[f"conv{ci}_W2"] = W2
        inp[f"conv{ci}_b2"] = b2
        inp[f"eps{ci}"] = jnp.zeros((), dtype=jnp.float32)
        d_in = hid
    inp["lin1_W"], inp["lin1_b"] = _lin(ks[kidx], hid, hid); kidx += 1
    inp["lin2_W"], inp["lin2_b"] = _lin(ks[kidx], hid, out_c); kidx += 1
    inp["lin3_W"], inp["lin3_b"] = _lin(ks[kidx], out_c, 1)
    return inp


def _forward(graph_nodes, graph_edge_links, params):
    B, N, d = graph_nodes.shape
    E = graph_edge_links.shape[2]
    x = graph_nodes.reshape(B * N, d)
    off = (jnp.arange(B, dtype=graph_edge_links.dtype) * N)[:, None, None]
    ei = jnp.transpose(graph_edge_links + off, (1, 0, 2)).reshape(2, B * E)
    src, dst = ei[0], ei[1]
    for ci in range(4):
        W1 = params[f"conv{ci}_W1"]
        b1 = params[f"conv{ci}_b1"]
        W2 = params[f"conv{ci}_W2"]
        b2 = params[f"conv{ci}_b2"]
        eps = params[f"eps{ci}"]
        aggr = jax.ops.segment_sum(x[src], dst, num_segments=B * N)
        h = (1.0 + eps) * x + aggr
        h = _leaky(h @ W1 + b1)
        x = _leaky(h @ W2 + b2)
    x = _leaky(x @ params["lin1_W"] + params["lin1_b"])
    x = x @ params["lin2_W"] + params["lin2_b"]
    batch_ids = jnp.repeat(jnp.arange(B, dtype=jnp.int32), N)
    g = jax.ops.segment_sum(x, batch_ids, num_segments=B)
    return g @ params["lin3_W"] + params["lin3_b"]


def reference(graph_nodes, graph_edge_links, graph_edges,
              conv0_W1, conv0_b1, conv0_W2, conv0_b2, eps0,
              conv1_W1, conv1_b1, conv1_W2, conv1_b2, eps1,
              conv2_W1, conv2_b1, conv2_W2, conv2_b2, eps2,
              conv3_W1, conv3_b1, conv3_W2, conv3_b2, eps3,
              lin1_W, lin1_b, lin2_W, lin2_b, lin3_W, lin3_b):
    params = {
        "conv0_W1": conv0_W1, "conv0_b1": conv0_b1,
        "conv0_W2": conv0_W2, "conv0_b2": conv0_b2, "eps0": eps0,
        "conv1_W1": conv1_W1, "conv1_b1": conv1_b1,
        "conv1_W2": conv1_W2, "conv1_b2": conv1_b2, "eps1": eps1,
        "conv2_W1": conv2_W1, "conv2_b1": conv2_b1,
        "conv2_W2": conv2_W2, "conv2_b2": conv2_b2, "eps2": eps2,
        "conv3_W1": conv3_W1, "conv3_b1": conv3_b1,
        "conv3_W2": conv3_W2, "conv3_b2": conv3_b2, "eps3": eps3,
        "lin1_W": lin1_W, "lin1_b": lin1_b,
        "lin2_W": lin2_W, "lin2_b": lin2_b,
        "lin3_W": lin3_W, "lin3_b": lin3_b,
    }
    del graph_edges
    return _forward(graph_nodes, graph_edge_links, params)

if __name__ == "__main__":
    import jax
    _d = setup_inputs()
    print(jax.jit(kernel)(*tuple(_d.values())))

</pallas_src>

<mosaic_0001>
#map = affine_map<(d0, d1) -> (0, 0, 0)>
#map1 = affine_map<(d0, d1) -> (0)>
module attributes {stable_mosaic.version = 14 : i64} {
  func.func @build(%arg0: i32, %arg1: i32, %arg2: memref<128x10x128xi32, #tpu.memory_space<hbm>>, %arg3: memref<102400xf32, #tpu.memory_space<hbm>>, %arg4: memref<4x1280x1280xf32, #tpu.memory_space<hbm>>, %arg5: memref<10x128xi32, #tpu.memory_space<vmem>>, %arg6: memref<128xf32, #tpu.memory_space<vmem>>, %arg7: memref<16x1280xf32, #tpu.memory_space<vmem>>, %arg8: memref<1638416xf32, #tpu.memory_space<vmem_shared>>) attributes {dimension_semantics = [#tpu.dimension_semantics<core_parallel>, #tpu.dimension_semantics<subcore_parallel>], iteration_bounds = array<i64: 2, 16>, scalar_prefetch = 0 : i64, scratch_operands = 4 : i64, tpu.core_type = #tpu.core_type<sc_vector_subcore>, window_params = [{transform_indices = #map}, {transform_indices = #map1}, {transform_indices = #map}]} {
    %broadcast_in_dim3A = arith.constant 1.000000e+00 : f32
    %broadcast_in_dim3A_0 = vector.broadcast %broadcast_in_dim3A : f32 to vector<16xf32>
    %swap3A = arith.constant 0 : index
    %swap3A_1 = tpu.vector_load %arg6[%swap3A] {strides = array<i32>} : memref<128xf32, #tpu.memory_space<vmem>>, vector<16xf32>,
    %swap3A_2 = vector.shape_cast %swap3A_1 : vector<16xf32> to vector<16xf32>
    %swap3A_3 = vector.shape_cast %broadcast_in_dim3A_0 : vector<16xf32> to vector<16xf32>
    tpu.vector_store %arg6[%swap3A], %swap3A_3 {strides = array<i32>} : memref<128xf32, #tpu.memory_space<vmem>>, vector<16xf32>,
    %broadcast_in_dim3A_4 = arith.constant 1.000000e+00 : f32
    %broadcast_in_dim3A_5 = vector.broadcast %broadcast_in_dim3A_4 : f32 to vector<16xf32>
    %swap3A_6 = arith.constant 16 : index
    %swap3A_7 = tpu.vector_load %arg6[%swap3A_6] {strides = array<i32>} : memref<128xf32, #tpu.memory_space<vmem>>, vector<16xf32>,
    %swap3A_8 = vector.shape_cast %swap3A_7 : vector<16xf32> to vector<16xf32>
    %swap3A_9 = vector.shape_cast %broadcast_in_dim3A_5 : vector<16xf32> to vector<16xf32>
    tpu.vector_store %arg6[%swap3A_6], %swap3A_9 {strides = array<i32>} : memref<128xf32, #tpu.memory_space<vmem>>, vector<16xf32>,
    %broadcast_in_dim3A_10 = arith.constant 1.000000e+00 : f32
    %broadcast_in_dim3A_11 = vector.broadcast %broadcast_in_dim3A_10 : f32 to vector<16xf32>
    %swap3A_12 = arith.constant 32 : index
    %swap3A_13 = tpu.vector_load %arg6[%swap3A_12] {strides = array<i32>} : memref<128xf32, #tpu.memory_space<vmem>>, vector<16xf32>,
    %swap3A_14 = vector.shape_cast %swap3A_13 : vector<16xf32> to vector<16xf32>
    %swap3A_15 = vector.shape_cast %broadcast_in_dim3A_11 : vector<16xf32> to vector<16xf32>
    tpu.vector_store %arg6[%swap3A_12], %swap3A_15 {strides = array<i32>} : memref<128xf32, #tpu.memory_space<vmem>>, vector<16xf32>,
    %broadcast_in_dim3A_16 = arith.constant 1.000000e+00 : f32
    %broadcast_in_dim3A_17 = vector.broadcast %broadcast_in_dim3A_16 : f32 to vector<16xf32>
    %swap3A_18 = arith.constant 48 : index
    %swap3A_19 = tpu.vector_load %arg6[%swap3A_18] {strides = array<i32>} : memref<128xf32, #tpu.memory_space<vmem>>, vector<16xf32>,
    %swap3A_20 = vector.shape_cast %swap3A_19 : vector<16xf32> to vector<16xf32>
    %swap3A_21 = vector.shape_cast %broadcast_in_dim3A_17 : vector<16xf32> to vector<16xf32>
    tpu.vector_store %arg6[%swap3A_18], %swap3A_21 {strides = array<i32>} : memref<128xf32, #tpu.memory_space<vmem>>, vector<16xf32>,
    %broadcast_in_dim3A_22 = arith.constant 1.000000e+00 : f32
    %broadcast_in_dim3A_23 = vector.broadcast %broadcast_in_dim3A_22 : f32 to vector<16xf32>
    %swap3A_24 = arith.constant 64 : index
    %swap3A_25 = tpu.vector_load %arg6[%swap3A_24] {strides = array<i32>} : memref<128xf32, #tpu.memory_space<vmem>>, vector<16xf32>,
    %swap3A_26 = vector.shape_cast %swap3A_25 : vector<16xf32> to vector<16xf32>
    %swap3A_27 = vector.shape_cast %broadcast_in_dim3A_23 : vector<16xf32> to vector<16xf32>
    tpu.vector_store %arg6[%swap3A_24], %swap3A_27 {strides = array<i32>} : memref<128xf32, #tpu.memory_space<vmem>>, vector<16xf32>,
    %broadcast_in_dim3A_28 = arith.constant 1.000000e+00 : f32
    %broadcast_in_dim3A_29 = vector.broadcast %broadcast_in_dim3A_28 : f32 to vector<16xf32>
    %swap3A_30 = arith.constant 80 : index
    %swap3A_31 = tpu.vector_load %arg6[%swap3A_30] {strides = array<i32>} : memref<128xf32, #tpu.memory_space<vmem>>, vector<16xf32>,
    %swap3A_32 = vector.shape_cast %swap3A_31 : vector<16xf32> to vector<16xf32>
    %swap3A_33 = vector.shape_cast %broadcast_in_dim3A_29 : vector<16xf32> to vector<16xf32>
    tpu.vector_store %arg6[%swap3A_30], %swap3A_33 {strides = array<i32>} : memref<128xf32, #tpu.memory_space<vmem>>, vector<16xf32>,
    %broadcast_in_dim3A_34 = arith.constant 1.000000e+00 : f32
    %broadcast_in_dim3A_35 = vector.broadcast %broadcast_in_dim3A_34 : f32 to vector<16xf32>
    %swap3A_36 = arith.constant 96 : index
    %swap3A_37 = tpu.vector_load %arg6[%swap3A_36] {strides = array<i32>} : memref<128xf32, #tpu.memory_space<vmem>>, vector<16xf32>,
    %swap3A_38 = vector.shape_cast %swap3A_37 : vector<16xf32> to vector<16xf32>
    %swap3A_39 = vector.shape_cast %broadcast_in_dim3A_35 : vector<16xf32> to vector<16xf32>
    tpu.vector_store %arg6[%swap3A_36], %swap3A_39 {strides = array<i32>} : memref<128xf32, #tpu.memory_space<vmem>>, vector<16xf32>,
    %broadcast_in_dim3A_40 = arith.constant 1.000000e+00 : f32
    %broadcast_in_dim3A_41 = vector.broadcast %broadcast_in_dim3A_40 : f32 to vector<16xf32>
    %swap3A_42 = arith.constant 112 : index
    %swap3A_43 = tpu.vector_load %arg6[%swap3A_42] {strides = array<i32>} : memref<128xf32, #tpu.memory_space<vmem>>, vector<16xf32>,
    %swap3A_44 = vector.shape_cast %swap3A_43 : vector<16xf32> to vector<16xf32>
    %swap3A_45 = vector.shape_cast %broadcast_in_dim3A_41 : vector<16xf32> to vector<16xf32>
    tpu.vector_store %arg6[%swap3A_42], %swap3A_45 {strides = array<i32>} : memref<128xf32, #tpu.memory_space<vmem>>, vector<16xf32>,
    %mul3A = arith.constant 102400 : i32
    %mul3A_46 = arith.muli %arg1, %mul3A : i32
    "tpu.region"() ({
      %run_scoped3A_195 = tpu.sem_alloc : memref<!tpu.dma_semaphore, #tpu.memory_space<semaphore_mem>>
      %dma_start3A = tpu.memref_slice %arg8[%mul3A_46] : memref<1638416xf32, #tpu.memory_space<vmem_shared>> -> memref<102400xf32, #tpu.memory_space<vmem_shared>>
      tpu.enqueue_dma source(%arg3 : memref<102400xf32, #tpu.memory_space<hbm>>) target(%dma_start3A : memref<102400xf32, #tpu.memory_space<vmem_shared>>) target_semaphore(%run_scoped3A_195 : memref<!tpu.dma_semaphore, #tpu.memory_space<semaphore_mem>>)
      %dma_wait3A = tpu.memref_slice %arg8[%mul3A_46] : memref<1638416xf32, #tpu.memory_space<vmem_shared>> -> memref<102400xf32, #tpu.memory_space<vmem_shared>>
      tpu.wait_dma2 semaphore(%run_scoped3A_195 : memref<!tpu.dma_semaphore, #tpu.memory_space<semaphore_mem>>) src(%arg3 : memref<102400xf32, #tpu.memory_space<hbm>>) dst(%dma_wait3A : memref<102400xf32, #tpu.memory_space<vmem_shared>>)
      tpu.yield
    }) : () -> ()
    %barrier3A = arith.constant 0 : index
    tpu.barrier barrier_id(%barrier3A)
    %mul3A_47 = arith.constant 2 : i32
    %mul3A_48 = arith.muli %arg0, %mul3A_47 : i32
    %add3A = arith.constant 0 : i32
    %add3A_49 = arith.addi %add3A, %mul3A_48 : i32
    %add3A_50 = arith.constant 0 : i32
    %add3A_51 = arith.addi %add3A_49, %add3A_50 : i32
    %mul3A_52 = arith.constant 2 : i32
    %mul3A_53 = arith.muli %arg0, %mul3A_52 : i32
    %add3A_54 = arith.constant 0 : i32
    %add3A_55 = arith.addi %mul3A_53, %add3A_54 : i32
    %mul3A_56 = arith.constant 16 : i32
    %mul3A_57 = arith.muli %add3A_51, %mul3A_56 : i32
    %add3A_58 = arith.addi %mul3A_57, %arg1 : i32
    "tpu.region"() ({
      %run_scoped3A_195 = tpu.sem_alloc : memref<!tpu.dma_semaphore, #tpu.memory_space<semaphore_mem>>
      %dma_start3A = arith.constant 0 : i32
      %dma_start3A_196 = arith.constant 0 : i32
      %dma_start3A_197 = tpu.memref_slice %arg2[%add3A_58, %dma_start3A, %dma_start3A_196] : memref<128x10x128xi32, #tpu.memory_space<hbm>> -> memref<1x10x128xi32, #tpu.memory_space<hbm>>
      %dma_start3A_198 = tpu.memref_squeeze %dma_start3A_197 : memref<1x10x128xi32, #tpu.memory_space<hbm>> -> memref<10x128xi32, #tpu.memory_space<hbm>>
      %dma_start3A_199 = arith.constant 0 : i32
      %dma_start3A_200 = arith.constant 0 : i32
      %dma_start3A_201 = tpu.memref_slice %arg2[%add3A_58, %dma_start3A_199, %dma_start3A_200] : memref<128x10x128xi32, #tpu.memory_space<hbm>> -> memref<1x10x128xi32, #tpu.memory_space<hbm>>
      %dma_start3A_202 = tpu.memref_squeeze %dma_start3A_201 : memref<1x10x128xi32, #tpu.memory_space<hbm>> -> memref<10x128xi32, #tpu.memory_space<hbm>>
      tpu.enqueue_dma source(%dma_start3A_202 : memref<10x128xi32, #tpu.memory_space<hbm>>) target(%arg5 : memref<10x128xi32, #tpu.memory_space<vmem>>) target_semaphore(%run_scoped3A_195 : memref<!tpu.dma_semaphore, #tpu.memory_space<semaphore_mem>>)
      %dma_wait3A = arith.constant 0 : i32
      %dma_wait3A_203 = arith.constant 0 : i32
      %dma_wait3A_204 = tpu.memref_slice %arg2[%add3A_58, %dma_wait3A, %dma_wait3A_203] : memref<128x10x128xi32, #tpu.memory_space<hbm>> -> memref<1x10x128xi32, #tpu.memory_space<hbm>>
      %dma_wait3A_205 = tpu.memref_squeeze %dma_wait3A_204 : memref<1x10x128xi32, #tpu.memory_space<hbm>> -> memref<10x128xi32, #tpu.memory_space<hbm>>
      %dma_wait3A_206 = arith.constant 0 : i32
      %dma_wait3A_207 = arith.constant 0 : i32
      %dma_wait3A_208 = tpu.memref_slice %arg2[%add3A_58, %dma_wait3A_206, %dma_wait3A_207] : memref<128x10x128xi32, #tpu.memory_space<hbm>> -> memref<1x10x128xi32, #tpu.memory_space<hbm>>
      %dma_wait3A_209 = tpu.memref_squeeze %dma_wait3A_208 : memref<1x10x128xi32, #tpu.memory_space<hbm>> -> memref<10x128xi32, #tpu.memory_space<hbm>>
      tpu.wait_dma2 semaphore(%run_scoped3A_195 : memref<!tpu.dma_semaphore, #tpu.memory_space<semaphore_mem>>) src(%dma_wait3A_209 : memref<10x128xi32, #tpu.memory_space<hbm>>) dst(%arg5 : memref<10x128xi32, #tpu.memory_space<vmem>>)
      tpu.yield
    }) : () -> ()
    %run_scoped3A = arith.constant 0 : i32
    "tpu.region"() ({
      %run_scoped3A_195 = tpu.sem_alloc : memref<!tpu.dma_semaphore, #tpu.memory_space<semaphore_mem>>
      %dma_start3A = arith.constant 0 : i32
      %dma_start3A_196 = tpu.memref_slice %arg5[%run_scoped3A, %dma_start3A] : memref<10x128xi32, #tpu.memory_space<vmem>> -> memref<1x128xi32, #tpu.memory_space<vmem>>
      %dma_start3A_197 = tpu.memref_squeeze %dma_start3A_196 : memref<1x128xi32, #tpu.memory_space<vmem>> -> memref<128xi32, #tpu.memory_space<vmem>>
      %dma_start3A_198 = arith.constant 0 : i32
      %dma_start3A_199 = tpu.memref_slice %arg8[%dma_start3A_198] : memref<1638416xf32, #tpu.memory_space<vmem_shared>> -> memref<1638416xf32, #tpu.memory_space<vmem_shared>>
      tpu.enqueue_indirect_dma source(%arg6 : memref<128xf32, #tpu.memory_space<vmem>>) target(%dma_start3A_199 : memref<1638416xf32, #tpu.memory_space<vmem_shared>>) offsets(%dma_start3A_197 : memref<128xi32, #tpu.memory_space<vmem>>) semaphore(%run_scoped3A_195 : memref<!tpu.dma_semaphore, #tpu.memory_space<semaphore_mem>>) {add = true}
      %dma_wait3A = arith.constant 0 : i32
      %dma_wait3A_200 = tpu.memref_slice %arg5[%run_scoped3A, %dma_wait3A] : memref<10x128xi32, #tpu.memory_space<vmem>> -> memref<1x128xi32, #tpu.memory_space<vmem>>
      %dma_wait3A_201 = tpu.memref_squeeze %dma_wait3A_200 : memref<1x128xi32, #tpu.memory_space<vmem>> -> memref<128xi32, #tpu.memory_space<vmem>>
      %dma_wait3A_202 = arith.constant 0 : i32
      %dma_wait3A_203 = tpu.memref_slice %arg8[%dma_wait3A_202] : memref<1638416xf32, #tpu.memory_space<vmem_shared>> -> memref<1638416xf32, #tpu.memory_space<vmem_shared>>
      tpu.wait_indirect_dma semaphore(%run_scoped3A_195 : memref<!tpu.dma_semaphore, #tpu.memory_space<semaphore_mem>>) src(%arg6 : memref<128xf32, #tpu.memory_space<vmem>>) dst(%dma_wait3A_203 : memref<1638416xf32, #tpu.memory_space<vmem_shared>>)
      tpu.yield
    }) : () -> ()
    %run_scoped3A_59 = arith.constant 1 : i32
    "tpu.region"() ({
      %run_scoped3A_195 = tpu.sem_alloc : memref<!tpu.dma_semaphore, #tpu.memory_space<semaphore_mem>>
      %dma_start3A = arith.constant 0 : i32
      %dma_start3A_196 = tpu.memref_slice %arg5[%run_scoped3A_59, %dma_start3A] : memref<10x128xi32, #tpu.memory_space<vmem>> -> memref<1x128xi32, #tpu.memory_space<vmem>>
      %dma_start3A_197 = tpu.memref_squeeze %dma_start3A_196 : memref<1x128xi32, #tpu.memory_space<vmem>> -> memref<128xi32, #tpu.memory_space<vmem>>
      %dma_start3A_198 = arith.constant 0 : i32
      %dma_start3A_199 = tpu.memref_slice %arg8[%dma_start3A_198] : memref<1638416xf32, #tpu.memory_space<vmem_shared>> -> memref<1638416xf32, #tpu.memory_space<vmem_shared>>
      tpu.enqueue_indirect_dma source(%arg6 : memref<128xf32, #tpu.memory_space<vmem>>) target(%dma_start3A_199 : memref<1638416xf32, #tpu.memory_space<vmem_shared>>) offsets(%dma_start3A_197 : memref<128xi32, #tpu.memory_space<vmem>>) semaphore(%run_scoped3A_195 : memref<!tpu.dma_semaphore, #tpu.memory_space<semaphore_mem>>) {add = true}
      %dma_wait3A = arith.constant 0 : i32
      %dma_wait3A_200 = tpu.memref_slice %arg5[%run_scoped3A_59, %dma_wait3A] : memref<10x128xi32, #tpu.memory_space<vmem>> -> memref<1x128xi32, #tpu.memory_space<vmem>>
      %dma_wait3A_201 = tpu.memref_squeeze %dma_wait3A_200 : memref<1x128xi32, #tpu.memory_space<vmem>> -> memref<128xi32, #tpu.memory_space<vmem>>
      %dma_wait3A_202 = arith.constant 0 : i32
      %dma_wait3A_203 = tpu.memref_slice %arg8[%dma_wait3A_202] : memref<1638416xf32, #tpu.memory_space<vmem_shared>> -> memref<1638416xf32, #tpu.memory_space<vmem_shared>>
      tpu.wait_indirect_dma semaphore(%run_scoped3A_195 : memref<!tpu.dma_semaphore, #tpu.memory_space<semaphore_mem>>) src(%arg6 : memref<128xf32, #tpu.memory_space<vmem>>) dst(%dma_wait3A_203 : memref<1638416xf32, #tpu.memory_space<vmem_shared>>)
      tpu.yield
    }) : () -> ()
    %run_scoped3A_60 = arith.constant 2 : i32
    "tpu.region"() ({
      %run_scoped3A_195 = tpu.sem_alloc : memref<!tpu.dma_semaphore, #tpu.memory_space<semaphore_mem>>
      %dma_start3A = arith.constant 0 : i32
      %dma_start3A_196 = tpu.memref_slice %arg5[%run_scoped3A_60, %dma_start3A] : memref<10x128xi32, #tpu.memory_space<vmem>> -> memref<1x128xi32, #tpu.memory_space<vmem>>
      %dma_start3A_197 = tpu.memref_squeeze %dma_start3A_196 : memref<1x128xi32, #tpu.memory_space<vmem>> -> memref<128xi32, #tpu.memory_space<vmem>>
      %dma_start3A_198 = arith.constant 0 : i32
      %dma_start3A_199 = tpu.memref_slice %arg8[%dma_start3A_198] : memref<1638416xf32, #tpu.memory_space<vmem_shared>> -> memref<1638416xf32, #tpu.memory_space<vmem_shared>>
      tpu.enqueue_indirect_dma source(%arg6 : memref<128xf32, #tpu.memory_space<vmem>>) target(%dma_start3A_199 : memref<1638416xf32, #tpu.memory_space<vmem_shared>>) offsets(%dma_start3A_197 : memref<128xi32, #tpu.memory_space<vmem>>) semaphore(%run_scoped3A_195 : memref<!tpu.dma_semaphore, #tpu.memory_space<semaphore_mem>>) {add = true}
      %dma_wait3A = arith.constant 0 : i32
      %dma_wait3A_200 = tpu.memref_slice %arg5[%run_scoped3A_60, %dma_wait3A] : memref<10x128xi32, #tpu.memory_space<vmem>> -> memref<1x128xi32, #tpu.memory_space<vmem>>
      %dma_wait3A_201 = tpu.memref_squeeze %dma_wait3A_200 : memref<1x128xi32, #tpu.memory_space<vmem>> -> memref<128xi32, #tpu.memory_space<vmem>>
      %dma_wait3A_202 = arith.constant 0 : i32
      %dma_wait3A_203 = tpu.memref_slice %arg8[%dma_wait3A_202] : memref<1638416xf32, #tpu.memory_space<vmem_shared>> -> memref<1638416xf32, #tpu.memory_space<vmem_shared>>
      tpu.wait_indirect_dma semaphore(%run_scoped3A_195 : memref<!tpu.dma_semaphore, #tpu.memory_space<semaphore_mem>>) src(%arg6 : memref<128xf32, #tpu.memory_space<vmem>>) dst(%dma_wait3A_203 : memref<1638416xf32, #tpu.memory_space<vmem_shared>>)
      tpu.yield
    }) : () -> ()
    %run_scoped3A_61 = arith.constant 3 : i32
    "tpu.region"() ({
      %run_scoped3A_195 = tpu.sem_alloc : memref<!tpu.dma_semaphore, #tpu.memory_space<semaphore_mem>>
      %dma_start3A = arith.constant 0 : i32
      %dma_start3A_196 = tpu.memref_slice %arg5[%run_scoped3A_61, %dma_start3A] : memref<10x128xi32, #tpu.memory_space<vmem>> -> memref<1x128xi32, #tpu.memory_space<vmem>>
      %dma_start3A_197 = tpu.memref_squeeze %dma_start3A_196 : memref<1x128xi32, #tpu.memory_space<vmem>> -> memref<128xi32, #tpu.memory_space<vmem>>
      %dma_start3A_198 = arith.constant 0 : i32
      %dma_start3A_199 = tpu.memref_slice %arg8[%dma_start3A_198] : memref<1638416xf32, #tpu.memory_space<vmem_shared>> -> memref<1638416xf32, #tpu.memory_space<vmem_shared>>
      tpu.enqueue_indirect_dma source(%arg6 : memref<128xf32, #tpu.memory_space<vmem>>) target(%dma_start3A_199 : memref<1638416xf32, #tpu.memory_space<vmem_shared>>) offsets(%dma_start3A_197 : memref<128xi32, #tpu.memory_space<vmem>>) semaphore(%run_scoped3A_195 : memref<!tpu.dma_semaphore, #tpu.memory_space<semaphore_mem>>) {add = true}
      %dma_wait3A = arith.constant 0 : i32
      %dma_wait3A_200 = tpu.memref_slice %arg5[%run_scoped3A_61, %dma_wait3A] : memref<10x128xi32, #tpu.memory_space<vmem>> -> memref<1x128xi32, #tpu.memory_space<vmem>>
      %dma_wait3A_201 = tpu.memref_squeeze %dma_wait3A_200 : memref<1x128xi32, #tpu.memory_space<vmem>> -> memref<128xi32, #tpu.memory_space<vmem>>
      %dma_wait3A_202 = arith.constant 0 : i32
      %dma_wait3A_203 = tpu.memref_slice %arg8[%dma_wait3A_202] : memref<1638416xf32, #tpu.memory_space<vmem_shared>> -> memref<1638416xf32, #tpu.memory_space<vmem_shared>>
      tpu.wait_indirect_dma semaphore(%run_scoped3A_195 : memref<!tpu.dma_semaphore, #tpu.memory_space<semaphore_mem>>) src(%arg6 : memref<128xf32, #tpu.memory_space<vmem>>) dst(%dma_wait3A_203 : memref<1638416xf32, #tpu.memory_space<vmem_shared>>)
      tpu.yield
    }) : () -> ()
    %run_scoped3A_62 = arith.constant 4 : i32
    "tpu.region"() ({
      %run_scoped3A_195 = tpu.sem_alloc : memref<!tpu.dma_semaphore, #tpu.memory_space<semaphore_mem>>
      %dma_start3A = arith.constant 0 : i32
      %dma_start3A_196 = tpu.memref_slice %arg5[%run_scoped3A_62, %dma_start3A] : memref<10x128xi32, #tpu.memory_space<vmem>> -> memref<1x128xi32, #tpu.memory_space<vmem>>
      %dma_start3A_197 = tpu.memref_squeeze %dma_start3A_196 : memref<1x128xi32, #tpu.memory_space<vmem>> -> memref<128xi32, #tpu.memory_space<vmem>>
      %dma_start3A_198 = arith.constant 0 : i32
      %dma_start3A_199 = tpu.memref_slice %arg8[%dma_start3A_198] : memref<1638416xf32, #tpu.memory_space<vmem_shared>> -> memref<1638416xf32, #tpu.memory_space<vmem_shared>>
      tpu.enqueue_indirect_dma source(%arg6 : memref<128xf32, #tpu.memory_space<vmem>>) target(%dma_start3A_199 : memref<1638416xf32, #tpu.memory_space<vmem_shared>>) offsets(%dma_start3A_197 : memref<128xi32, #tpu.memory_space<vmem>>) semaphore(%run_scoped3A_195 : memref<!tpu.dma_semaphore, #tpu.memory_space<semaphore_mem>>) {add = true}
      %dma_wait3A = arith.constant 0 : i32
      %dma_wait3A_200 = tpu.memref_slice %arg5[%run_scoped3A_62, %dma_wait3A] : memref<10x128xi32, #tpu.memory_space<vmem>> -> memref<1x128xi32, #tpu.memory_space<vmem>>
      %dma_wait3A_201 = tpu.memref_squeeze %dma_wait3A_200 : memref<1x128xi32, #tpu.memory_space<vmem>> -> memref<128xi32, #tpu.memory_space<vmem>>
      %dma_wait3A_202 = arith.constant 0 : i32
      %dma_wait3A_203 = tpu.memref_slice %arg8[%dma_wait3A_202] : memref<1638416xf32, #tpu.memory_space<vmem_shared>> -> memref<1638416xf32, #tpu.memory_space<vmem_shared>>
      tpu.wait_indirect_dma semaphore(%run_scoped3A_195 : memref<!tpu.dma_semaphore, #tpu.memory_space<semaphore_mem>>) src(%arg6 : memref<128xf32, #tpu.memory_space<vmem>>) dst(%dma_wait3A_203 : memref<1638416xf32, #tpu.memory_space<vmem_shared>>)
      tpu.yield
    }) : () -> ()
    %run_scoped3A_63 = arith.constant 5 : i32
    "tpu.region"() ({
      %run_scoped3A_195 = tpu.sem_alloc : memref<!tpu.dma_semaphore, #tpu.memory_space<semaphore_mem>>
      %dma_start3A = arith.constant 0 : i32
      %dma_start3A_196 = tpu.memref_slice %arg5[%run_scoped3A_63, %dma_start3A] : memref<10x128xi32, #tpu.memory_space<vmem>> -> memref<1x128xi32, #tpu.memory_space<vmem>>
      %dma_start3A_197 = tpu.memref_squeeze %dma_start3A_196 : memref<1x128xi32, #tpu.memory_space<vmem>> -> memref<128xi32, #tpu.memory_space<vmem>>
      %dma_start3A_198 = arith.constant 0 : i32
      %dma_start3A_199 = tpu.memref_slice %arg8[%dma_start3A_198] : memref<1638416xf32, #tpu.memory_space<vmem_shared>> -> memref<1638416xf32, #tpu.memory_space<vmem_shared>>
      tpu.enqueue_indirect_dma source(%arg6 : memref<128xf32, #tpu.memory_space<vmem>>) target(%dma_start3A_199 : memref<1638416xf32, #tpu.memory_space<vmem_shared>>) offsets(%dma_start3A_197 : memref<128xi32, #tpu.memory_space<vmem>>) semaphore(%run_scoped3A_195 : memref<!tpu.dma_semaphore, #tpu.memory_space<semaphore_mem>>) {add = true}
      %dma_wait3A = arith.constant 0 : i32
      %dma_wait3A_200 = tpu.memref_slice %arg5[%run_scoped3A_63, %dma_wait3A] : memref<10x128xi32, #tpu.memory_space<vmem>> -> memref<1x128xi32, #tpu.memory_space<vmem>>
      %dma_wait3A_201 = tpu.memref_squeeze %dma_wait3A_200 : memref<1x128xi32, #tpu.memory_space<vmem>> -> memref<128xi32, #tpu.memory_space<vmem>>
      %dma_wait3A_202 = arith.constant 0 : i32
      %dma_wait3A_203 = tpu.memref_slice %arg8[%dma_wait3A_202] : memref<1638416xf32, #tpu.memory_space<vmem_shared>> -> memref<1638416xf32, #tpu.memory_space<vmem_shared>>
      tpu.wait_indirect_dma semaphore(%run_scoped3A_195 : memref<!tpu.dma_semaphore, #tpu.memory_space<semaphore_mem>>) src(%arg6 : memref<128xf32, #tpu.memory_space<vmem>>) dst(%dma_wait3A_203 : memref<1638416xf32, #tpu.memory_space<vmem_shared>>)
      tpu.yield
    }) : () -> ()
    %run_scoped3A_64 = arith.constant 6 : i32
    "tpu.region"() ({
      %run_scoped3A_195 = tpu.sem_alloc : memref<!tpu.dma_semaphore, #tpu.memory_space<semaphore_mem>>
      %dma_start3A = arith.constant 0 : i32
      %dma_start3A_196 = tpu.memref_slice %arg5[%run_scoped3A_64, %dma_start3A] : memref<10x128xi32, #tpu.memory_space<vmem>> -> memref<1x128xi32, #tpu.memory_space<vmem>>
      %dma_start3A_197 = tpu.memref_squeeze %dma_start3A_196 : memref<1x128xi32, #tpu.memory_space<vmem>> -> memref<128xi32, #tpu.memory_space<vmem>>
      %dma_start3A_198 = arith.constant 0 : i32
      %dma_start3A_199 = tpu.memref_slice %arg8[%dma_start3A_198] : memref<1638416xf32, #tpu.memory_space<vmem_shared>> -> memref<1638416xf32, #tpu.memory_space<vmem_shared>>
      tpu.enqueue_indirect_dma source(%arg6 : memref<128xf32, #tpu.memory_space<vmem>>) target(%dma_start3A_199 : memref<1638416xf32, #tpu.memory_space<vmem_shared>>) offsets(%dma_start3A_197 : memref<128xi32, #tpu.memory_space<vmem>>) semaphore(%run_scoped3A_195 : memref<!tpu.dma_semaphore, #tpu.memory_space<semaphore_mem>>) {add = true}
      %dma_wait3A = arith.constant 0 : i32
      %dma_wait3A_200 = tpu.memref_slice %arg5[%run_scoped3A_64, %dma_wait3A] : memref<10x128xi32, #tpu.memory_space<vmem>> -> memref<1x128xi32, #tpu.memory_space<vmem>>
      %dma_wait3A_201 = tpu.memref_squeeze %dma_wait3A_200 : memref<1x128xi32, #tpu.memory_space<vmem>> -> memref<128xi32, #tpu.memory_space<vmem>>
      %dma_wait3A_202 = arith.constant 0 : i32
      %dma_wait3A_203 = tpu.memref_slice %arg8[%dma_wait3A_202] : memref<1638416xf32, #tpu.memory_space<vmem_shared>> -> memref<1638416xf32, #tpu.memory_space<vmem_shared>>
      tpu.wait_indirect_dma semaphore(%run_scoped3A_195 : memref<!tpu.dma_semaphore, #tpu.memory_space<semaphore_mem>>) src(%arg6 : memref<128xf32, #tpu.memory_space<vmem>>) dst(%dma_wait3A_203 : memref<1638416xf32, #tpu.memory_space<vmem_shared>>)
      tpu.yield
    }) : () -> ()
    %run_scoped3A_65 = arith.constant 7 : i32
    "tpu.region"() ({
      %run_scoped3A_195 = tpu.sem_alloc : memref<!tpu.dma_semaphore, #tpu.memory_space<semaphore_mem>>
      %dma_start3A = arith.constant 0 : i32
      %dma_start3A_196 = tpu.memref_slice %arg5[%run_scoped3A_65, %dma_start3A] : memref<10x128xi32, #tpu.memory_space<vmem>> -> memref<1x128xi32, #tpu.memory_space<vmem>>
      %dma_start3A_197 = tpu.memref_squeeze %dma_start3A_196 : memref<1x128xi32, #tpu.memory_space<vmem>> -> memref<128xi32, #tpu.memory_space<vmem>>
      %dma_start3A_198 = arith.constant 0 : i32
      %dma_start3A_199 = tpu.memref_slice %arg8[%dma_start3A_198] : memref<1638416xf32, #tpu.memory_space<vmem_shared>> -> memref<1638416xf32, #tpu.memory_space<vmem_shared>>
      tpu.enqueue_indirect_dma source(%arg6 : memref<128xf32, #tpu.memory_space<vmem>>) target(%dma_start3A_199 : memref<1638416xf32, #tpu.memory_space<vmem_shared>>) offsets(%dma_start3A_197 : memref<128xi32, #tpu.memory_space<vmem>>) semaphore(%run_scoped3A_195 : memref<!tpu.dma_semaphore, #tpu.memory_space<semaphore_mem>>) {add = true}
      %dma_wait3A = arith.constant 0 : i32
      %dma_wait3A_200 = tpu.memref_slice %arg5[%run_scoped3A_65, %dma_wait3A] : memref<10x128xi32, #tpu.memory_space<vmem>> -> memref<1x128xi32, #tpu.memory_space<vmem>>
      %dma_wait3A_201 = tpu.memref_squeeze %dma_wait3A_200 : memref<1x128xi32, #tpu.memory_space<vmem>> -> memref<128xi32, #tpu.memory_space<vmem>>
      %dma_wait3A_202 = arith.constant 0 : i32
      %dma_wait3A_203 = tpu.memref_slice %arg8[%dma_wait3A_202] : memref<1638416xf32, #tpu.memory_space<vmem_shared>> -> memref<1638416xf32, #tpu.memory_space<vmem_shared>>
      tpu.wait_indirect_dma semaphore(%run_scoped3A_195 : memref<!tpu.dma_semaphore, #tpu.memory_space<semaphore_mem>>) src(%arg6 : memref<128xf32, #tpu.memory_space<vmem>>) dst(%dma_wait3A_203 : memref<1638416xf32, #tpu.memory_space<vmem_shared>>)
      tpu.yield
    }) : () -> ()
    %run_scoped3A_66 = arith.constant 8 : i32
    "tpu.region"() ({
      %run_scoped3A_195 = tpu.sem_alloc : memref<!tpu.dma_semaphore, #tpu.memory_space<semaphore_mem>>
      %dma_start3A = arith.constant 0 : i32
      %dma_start3A_196 = tpu.memref_slice %arg5[%run_scoped3A_66, %dma_start3A] : memref<10x128xi32, #tpu.memory_space<vmem>> -> memref<1x128xi32, #tpu.memory_space<vmem>>
      %dma_start3A_197 = tpu.memref_squeeze %dma_start3A_196 : memref<1x128xi32, #tpu.memory_space<vmem>> -> memref<128xi32, #tpu.memory_space<vmem>>
      %dma_start3A_198 = arith.constant 0 : i32
      %dma_start3A_199 = tpu.memref_slice %arg8[%dma_start3A_198] : memref<1638416xf32, #tpu.memory_space<vmem_shared>> -> memref<1638416xf32, #tpu.memory_space<vmem_shared>>
      tpu.enqueue_indirect_dma source(%arg6 : memref<128xf32, #tpu.memory_space<vmem>>) target(%dma_start3A_199 : memref<1638416xf32, #tpu.memory_space<vmem_shared>>) offsets(%dma_start3A_197 : memref<128xi32, #tpu.memory_space<vmem>>) semaphore(%run_scoped3A_195 : memref<!tpu.dma_semaphore, #tpu.memory_space<semaphore_mem>>) {add = true}
      %dma_wait3A = arith.constant 0 : i32
      %dma_wait3A_200 = tpu.memref_slice %arg5[%run_scoped3A_66, %dma_wait3A] : memref<10x128xi32, #tpu.memory_space<vmem>> -> memref<1x128xi32, #tpu.memory_space<vmem>>
      %dma_wait3A_201 = tpu.memref_squeeze %dma_wait3A_200 : memref<1x128xi32, #tpu.memory_space<vmem>> -> memref<128xi32, #tpu.memory_space<vmem>>
      %dma_wait3A_202 = arith.constant 0 : i32
      %dma_wait3A_203 = tpu.memref_slice %arg8[%dma_wait3A_202] : memref<1638416xf32, #tpu.memory_space<vmem_shared>> -> memref<1638416xf32, #tpu.memory_space<vmem_shared>>
      tpu.wait_indirect_dma semaphore(%run_scoped3A_195 : memref<!tpu.dma_semaphore, #tpu.memory_space<semaphore_mem>>) src(%arg6 : memref<128xf32, #tpu.memory_space<vmem>>) dst(%dma_wait3A_203 : memref<1638416xf32, #tpu.memory_space<vmem_shared>>)
      tpu.yield
    }) : () -> ()
    %run_scoped3A_67 = arith.constant 9 : i32
    "tpu.region"() ({
      %run_scoped3A_195 = tpu.sem_alloc : memref<!tpu.dma_semaphore, #tpu.memory_space<semaphore_mem>>
      %dma_start3A = arith.constant 0 : i32
      %dma_start3A_196 = tpu.memref_slice %arg5[%run_scoped3A_67, %dma_start3A] : memref<10x128xi32, #tpu.memory_space<vmem>> -> memref<1x128xi32, #tpu.memory_space<vmem>>
      %dma_start3A_197 = tpu.memref_squeeze %dma_start3A_196 : memref<1x128xi32, #tpu.memory_space<vmem>> -> memref<128xi32, #tpu.memory_space<vmem>>
      %dma_start3A_198 = arith.constant 0 : i32
      %dma_start3A_199 = tpu.memref_slice %arg8[%dma_start3A_198] : memref<1638416xf32, #tpu.memory_space<vmem_shared>> -> memref<1638416xf32, #tpu.memory_space<vmem_shared>>
      tpu.enqueue_indirect_dma source(%arg6 : memref<128xf32, #tpu.memory_space<vmem>>) target(%dma_start3A_199 : memref<1638416xf32, #tpu.memory_space<vmem_shared>>) offsets(%dma_start3A_197 : memref<128xi32, #tpu.memory_space<vmem>>) semaphore(%run_scoped3A_195 : memref<!tpu.dma_semaphore, #tpu.memory_space<semaphore_mem>>) {add = true}
      %dma_wait3A = arith.constant 0 : i32
      %dma_wait3A_200 = tpu.memref_slice %arg5[%run_scoped3A_67, %dma_wait3A] : memref<10x128xi32, #tpu.memory_space<vmem>> -> memref<1x128xi32, #tpu.memory_space<vmem>>
      %dma_wait3A_201 = tpu.memref_squeeze %dma_wait3A_200 : memref<1x128xi32, #tpu.memory_space<vmem>> -> memref<128xi32, #tpu.memory_space<vmem>>
      %dma_wait3A_202 = arith.constant 0 : i32
      %dma_wait3A_203 = tpu.memref_slice %arg8[%dma_wait3A_202] : memref<1638416xf32, #tpu.memory_space<vmem_shared>> -> memref<1638416xf32, #tpu.memory_space<vmem_shared>>
      tpu.wait_indirect_dma semaphore(%run_scoped3A_195 : memref<!tpu.dma_semaphore, #tpu.memory_space<semaphore_mem>>) src(%arg6 : memref<128xf32, #tpu.memory_space<vmem>>) dst(%dma_wait3A_203 : memref<1638416xf32, #tpu.memory_space<vmem_shared>>)
      tpu.yield
    }) : () -> ()
    %barrier3A_68 = arith.constant 0 : index
    tpu.barrier barrier_id(%barrier3A_68)
    %scan3A = arith.constant 0 : i32
    %scan3A_69 = arith.constant 0 : i32
    %scan3A_70 = arith.constant 16 : i32
    %scan3A_71 = arith.addi %scan3A_69, %scan3A_70 : i32
    %scan3A_72 = arith.constant 1 : i32
    scf.for %scan3A_195 = %scan3A_69 to %scan3A_71 step %scan3A_72  : i32 {
      %mul3A_196 = arith.constant 80 : i32
      %mul3A_197 = arith.muli %arg1, %mul3A_196 : i32
      %add3A_198 = arith.constant 0 : i32
      %add3A_199 = arith.addi %mul3A_197, %add3A_198 : i32
      %add3A_200 = arith.addi %add3A_199, %scan3A_195 : i32
      %mul3A_201 = arith.constant 1280 : i32
      %mul3A_202 = arith.muli %add3A_200, %mul3A_201 : i32
      "tpu.region"() ({
        %run_scoped3A_203 = tpu.sem_alloc : memref<!tpu.dma_semaphore, #tpu.memory_space<semaphore_mem>>
        %dma_start3A = arith.constant 0 : i32
        %dma_start3A_204 = tpu.memref_slice %arg7[%scan3A_195, %dma_start3A] : memref<16x1280xf32, #tpu.memory_space<vmem>> -> memref<1x1280xf32, #tpu.memory_space<vmem>>
        %dma_start3A_205 = tpu.memref_squeeze %dma_start3A_204 : memref<1x1280xf32, #tpu.memory_space<vmem>> -> memref<1280xf32, #tpu.memory_space<vmem>>
        %dma_start3A_206 = tpu.memref_slice %arg8[%mul3A_202] : memref<1638416xf32, #tpu.memory_space<vmem_shared>> -> memref<1280xf32, #tpu.memory_space<vmem_shared>>
        %dma_start3A_207 = arith.constant 0 : i32
        %dma_start3A_208 = tpu.memref_slice %arg7[%scan3A_195, %dma_start3A_207] : memref<16x1280xf32, #tpu.memory_space<vmem>> -> memref<1x1280xf32, #tpu.memory_space<vmem>>
        %dma_start3A_209 = tpu.memref_squeeze %dma_start3A_208 : memref<1x1280xf32, #tpu.memory_space<vmem>> -> memref<1280xf32, #tpu.memory_space<vmem>>
        %dma_start3A_210 = tpu.memref_slice %arg8[%mul3A_202] : memref<1638416xf32, #tpu.memory_space<vmem_shared>> -> memref<1280xf32, #tpu.memory_space<vmem_shared>>
        tpu.enqueue_dma source(%dma_start3A_210 : memref<1280xf32, #tpu.memory_space<vmem_shared>>) target(%dma_start3A_209 : memref<1280xf32, #tpu.memory_space<vmem>>) target_semaphore(%run_scoped3A_203 : memref<!tpu.dma_semaphore, #tpu.memory_space<semaphore_mem>>)
        %dma_wait3A = arith.constant 0 : i32
        %dma_wait3A_211 = tpu.memref_slice %arg7[%scan3A_195, %dma_wait3A] : memref<16x1280xf32, #tpu.memory_space<vmem>> -> memref<1x1280xf32, #tpu.memory_space<vmem>>
        %dma_wait3A_212 = tpu.memref_squeeze %dma_wait3A_211 : memref<1x1280xf32, #tpu.memory_space<vmem>> -> memref<1280xf32, #tpu.memory_space<vmem>>
        %dma_wait3A_213 = tpu.memref_slice %arg8[%mul3A_202] : memref<1638416xf32, #tpu.memory_space<vmem_shared>> -> memref<1280xf32, #tpu.memory_space<vmem_shared>>
        %dma_wait3A_214 = arith.constant 0 : i32
        %dma_wait3A_215 = tpu.memref_slice %arg7[%scan3A_195, %dma_wait3A_214] : memref<16x1280xf32, #tpu.memory_space<vmem>> -> memref<1x1280xf32, #tpu.memory_space<vmem>>
        %dma_wait3A_216 = tpu.memref_squeeze %dma_wait3A_215 : memref<1x1280xf32, #tpu.memory_space<vmem>> -> memref<1280xf32, #tpu.memory_space<vmem>>
        %dma_wait3A_217 = tpu.memref_slice %arg8[%mul3A_202] : memref<1638416xf32, #tpu.memory_space<vmem_shared>> -> memref<1280xf32, #tpu.memory_space<vmem_shared>>
        tpu.wait_dma2 semaphore(%run_scoped3A_203 : memref<!tpu.dma_semaphore, #tpu.memory_space<semaphore_mem>>) src(%dma_wait3A_217 : memref<1280xf32, #tpu.memory_space<vmem_shared>>) dst(%dma_wait3A_216 : memref<1280xf32, #tpu.memory_space<vmem>>)
        tpu.yield
      }) : () -> ()
    }
    %scan3A_73 = arith.constant 16 : i32
    %mul3A_74 = arith.constant 80 : i32
    %mul3A_75 = arith.muli %arg1, %mul3A_74 : i32
    %add3A_76 = arith.constant 0 : i32
    %add3A_77 = arith.addi %mul3A_75, %add3A_76 : i32
    "tpu.region"() ({
      %run_scoped3A_195 = tpu.sem_alloc : memref<!tpu.dma_semaphore, #tpu.memory_space<semaphore_mem>>
      %dma_start3A = arith.constant 0 : i32
      %dma_start3A_196 = arith.constant 0 : i32
      %dma_start3A_197 = tpu.memref_slice %arg4[%add3A_55, %dma_start3A, %dma_start3A_196] : memref<4x1280x1280xf32, #tpu.memory_space<hbm>> -> memref<1x1280x1280xf32, #tpu.memory_space<hbm>>
      %dma_start3A_198 = tpu.memref_squeeze %dma_start3A_197 : memref<1x1280x1280xf32, #tpu.memory_space<hbm>> -> memref<1280x1280xf32, #tpu.memory_space<hbm>>
      %dma_start3A_199 = arith.constant 0 : i32
      %dma_start3A_200 = tpu.memref_slice %dma_start3A_198[%add3A_77, %dma_start3A_199] : memref<1280x1280xf32, #tpu.memory_space<hbm>> -> memref<16x1280xf32, #tpu.memory_space<hbm>>
      %dma_start3A_201 = arith.constant 0 : i32
      %dma_start3A_202 = arith.constant 0 : i32
      %dma_start3A_203 = tpu.memref_slice %arg4[%add3A_55, %dma_start3A_201, %dma_start3A_202] : memref<4x1280x1280xf32, #tpu.memory_space<hbm>> -> memref<1x1280x1280xf32, #tpu.memory_space<hbm>>
      %dma_start3A_204 = tpu.memref_squeeze %dma_start3A_203 : memref<1x1280x1280xf32, #tpu.memory_space<hbm>> -> memref<1280x1280xf32, #tpu.memory_space<hbm>>
      %dma_start3A_205 = arith.constant 0 : i32
      %dma_start3A_206 = tpu.memref_slice %dma_start3A_204[%add3A_77, %dma_start3A_205] : memref<1280x1280xf32, #tpu.memory_space<hbm>> -> memref<16x1280xf32, #tpu.memory_space<hbm>>
      tpu.enqueue_dma source(%arg7 : memref<16x1280xf32, #tpu.memory_space<vmem>>) target(%dma_start3A_206 : memref<16x1280xf32, #tpu.memory_space<hbm>>) target_semaphore(%run_scoped3A_195 : memref<!tpu.dma_semaphore, #tpu.memory_space<semaphore_mem>>)
      %dma_wait3A = arith.constant 0 : i32
      %dma_wait3A_207 = arith.constant 0 : i32
      %dma_wait3A_208 = tpu.memref_slice %arg4[%add3A_55, %dma_wait3A, %dma_wait3A_207] : memref<4x1280x1280xf32, #tpu.memory_space<hbm>> -> memref<1x1280x1280xf32, #tpu.memory_space<hbm>>
      %dma_wait3A_209 = tpu.memref_squeeze %dma_wait3A_208 : memref<1x1280x1280xf32, #tpu.memory_space<hbm>> -> memref<1280x1280xf32, #tpu.memory_space<hbm>>
      %dma_wait3A_210 = arith.constant 0 : i32
      %dma_wait3A_211 = tpu.memref_slice %dma_wait3A_209[%add3A_77, %dma_wait3A_210] : memref<1280x1280xf32, #tpu.memory_space<hbm>> -> memref<16x1280xf32, #tpu.memory_space<hbm>>
      %dma_wait3A_212 = arith.constant 0 : i32
      %dma_wait3A_213 = arith.constant 0 : i32
      %dma_wait3A_214 = tpu.memref_slice %arg4[%add3A_55, %dma_wait3A_212, %dma_wait3A_213] : memref<4x1280x1280xf32, #tpu.memory_space<hbm>> -> memref<1x1280x1280xf32, #tpu.memory_space<hbm>>
      %dma_wait3A_215 = tpu.memref_squeeze %dma_wait3A_214 : memref<1x1280x1280xf32, #tpu.memory_space<hbm>> -> memref<1280x1280xf32, #tpu.memory_space<hbm>>
      %dma_wait3A_216 = arith.constant 0 : i32
      %dma_wait3A_217 = tpu.memref_slice %dma_wait3A_215[%add3A_77, %dma_wait3A_216] : memref<1280x1280xf32, #tpu.memory_space<hbm>> -> memref<16x1280xf32, #tpu.memory_space<hbm>>
      tpu.wait_dma2 semaphore(%run_scoped3A_195 : memref<!tpu.dma_semaphore, #tpu.memory_space<semaphore_mem>>) src(%arg7 : memref<16x1280xf32, #tpu.memory_space<vmem>>) dst(%dma_wait3A_217 : memref<16x1280xf32, #tpu.memory_space<hbm>>)
      tpu.yield
    }) : () -> ()
    %scan3A_78 = arith.constant 0 : i32
    %scan3A_79 = arith.constant 0 : i32
    %scan3A_80 = arith.constant 16 : i32
    %scan3A_81 = arith.addi %scan3A_79, %scan3A_80 : i32
    %scan3A_82 = arith.constant 1 : i32
    scf.for %scan3A_195 = %scan3A_79 to %scan3A_81 step %scan3A_82  : i32 {
      %mul3A_196 = arith.constant 80 : i32
      %mul3A_197 = arith.muli %arg1, %mul3A_196 : i32
      %add3A_198 = arith.constant 16 : i32
      %add3A_199 = arith.addi %mul3A_197, %add3A_198 : i32
      %add3A_200 = arith.addi %add3A_199, %scan3A_195 : i32
      %mul3A_201 = arith.constant 1280 : i32
      %mul3A_202 = arith.muli %add3A_200, %mul3A_201 : i32
      "tpu.region"() ({
        %run_scoped3A_203 = tpu.sem_alloc : memref<!tpu.dma_semaphore, #tpu.memory_space<semaphore_mem>>
        %dma_start3A = arith.constant 0 : i32
        %dma_start3A_204 = tpu.memref_slice %arg7[%scan3A_195, %dma_start3A] : memref<16x1280xf32, #tpu.memory_space<vmem>> -> memref<1x1280xf32, #tpu.memory_space<vmem>>
        %dma_start3A_205 = tpu.memref_squeeze %dma_start3A_204 : memref<1x1280xf32, #tpu.memory_space<vmem>> -> memref<1280xf32, #tpu.memory_space<vmem>>
        %dma_start3A_206 = tpu.memref_slice %arg8[%mul3A_202] : memref<1638416xf32, #tpu.memory_space<vmem_shared>> -> memref<1280xf32, #tpu.memory_space<vmem_shared>>
        %dma_start3A_207 = arith.constant 0 : i32
        %dma_start3A_208 = tpu.memref_slice %arg7[%scan3A_195, %dma_start3A_207] : memref<16x1280xf32, #tpu.memory_space<vmem>> -> memref<1x1280xf32, #tpu.memory_space<vmem>>
        %dma_start3A_209 = tpu.memref_squeeze %dma_start3A_208 : memref<1x1280xf32, #tpu.memory_space<vmem>> -> memref<1280xf32, #tpu.memory_space<vmem>>
        %dma_start3A_210 = tpu.memref_slice %arg8[%mul3A_202] : memref<1638416xf32, #tpu.memory_space<vmem_shared>> -> memref<1280xf32, #tpu.memory_space<vmem_shared>>
        tpu.enqueue_dma source(%dma_start3A_210 : memref<1280xf32, #tpu.memory_space<vmem_shared>>) target(%dma_start3A_209 : memref<1280xf32, #tpu.memory_space<vmem>>) target_semaphore(%run_scoped3A_203 : memref<!tpu.dma_semaphore, #tpu.memory_space<semaphore_mem>>)
        %dma_wait3A = arith.constant 0 : i32
        %dma_wait3A_211 = tpu.memref_slice %arg7[%scan3A_195, %dma_wait3A] : memref<16x1280xf32, #tpu.memory_space<vmem>> -> memref<1x1280xf32, #tpu.memory_space<vmem>>
        %dma_wait3A_212 = tpu.memref_squeeze %dma_wait3A_211 : memref<1x1280xf32, #tpu.memory_space<vmem>> -> memref<1280xf32, #tpu.memory_space<vmem>>
        %dma_wait3A_213 = tpu.memref_slice %arg8[%mul3A_202] : memref<1638416xf32, #tpu.memory_space<vmem_shared>> -> memref<1280xf32, #tpu.memory_space<vmem_shared>>
        %dma_wait3A_214 = arith.constant 0 : i32
        %dma_wait3A_215 = tpu.memref_slice %arg7[%scan3A_195, %dma_wait3A_214] : memref<16x1280xf32, #tpu.memory_space<vmem>> -> memref<1x1280xf32, #tpu.memory_space<vmem>>
        %dma_wait3A_216 = tpu.memref_squeeze %dma_wait3A_215 : memref<1x1280xf32, #tpu.memory_space<vmem>> -> memref<1280xf32, #tpu.memory_space<vmem>>
        %dma_wait3A_217 = tpu.memref_slice %arg8[%mul3A_202] : memref<1638416xf32, #tpu.memory_space<vmem_shared>> -> memref<1280xf32, #tpu.memory_space<vmem_shared>>
        tpu.wait_dma2 semaphore(%run_scoped3A_203 : memref<!tpu.dma_semaphore, #tpu.memory_space<semaphore_mem>>) src(%dma_wait3A_217 : memref<1280xf32, #tpu.memory_space<vmem_shared>>) dst(%dma_wait3A_216 : memref<1280xf32, #tpu.memory_space<vmem>>)
        tpu.yield
      }) : () -> ()
    }
    %scan3A_83 = arith.constant 16 : i32
    %mul3A_84 = arith.constant 80 : i32
    %mul3A_85 = arith.muli %arg1, %mul3A_84 : i32
    %add3A_86 = arith.constant 16 : i32
    %add3A_87 = arith.addi %mul3A_85, %add3A_86 : i32
    "tpu.region"() ({
      %run_scoped3A_195 = tpu.sem_alloc : memref<!tpu.dma_semaphore, #tpu.memory_space<semaphore_mem>>
      %dma_start3A = arith.constant 0 : i32
      %dma_start3A_196 = arith.constant 0 : i32
      %dma_start3A_197 = tpu.memref_slice %arg4[%add3A_55, %dma_start3A, %dma_start3A_196] : memref<4x1280x1280xf32, #tpu.memory_space<hbm>> -> memref<1x1280x1280xf32, #tpu.memory_space<hbm>>
      %dma_start3A_198 = tpu.memref_squeeze %dma_start3A_197 : memref<1x1280x1280xf32, #tpu.memory_space<hbm>> -> memref<1280x1280xf32, #tpu.memory_space<hbm>>
      %dma_start3A_199 = arith.constant 0 : i32
      %dma_start3A_200 = tpu.memref_slice %dma_start3A_198[%add3A_87, %dma_start3A_199] : memref<1280x1280xf32, #tpu.memory_space<hbm>> -> memref<16x1280xf32, #tpu.memory_space<hbm>>
      %dma_start3A_201 = arith.constant 0 : i32
      %dma_start3A_202 = arith.constant 0 : i32
      %dma_start3A_203 = tpu.memref_slice %arg4[%add3A_55, %dma_start3A_201, %dma_start3A_202] : memref<4x1280x1280xf32, #tpu.memory_space<hbm>> -> memref<1x1280x1280xf32, #tpu.memory_space<hbm>>
      %dma_start3A_204 = tpu.memref_squeeze %dma_start3A_203 : memref<1x1280x1280xf32, #tpu.memory_space<hbm>> -> memref<1280x1280xf32, #tpu.memory_space<hbm>>
      %dma_start3A_205 = arith.constant 0 : i32
      %dma_start3A_206 = tpu.memref_slice %dma_start3A_204[%add3A_87, %dma_start3A_205] : memref<1280x1280xf32, #tpu.memory_space<hbm>> -> memref<16x1280xf32, #tpu.memory_space<hbm>>
      tpu.enqueue_dma source(%arg7 : memref<16x1280xf32, #tpu.memory_space<vmem>>) target(%dma_start3A_206 : memref<16x1280xf32, #tpu.memory_space<hbm>>) target_semaphore(%run_scoped3A_195 : memref<!tpu.dma_semaphore, #tpu.memory_space<semaphore_mem>>)
      %dma_wait3A = arith.constant 0 : i32
      %dma_wait3A_207 = arith.constant 0 : i32
      %dma_wait3A_208 = tpu.memref_slice %arg4[%add3A_55, %dma_wait3A, %dma_wait3A_207] : memref<4x1280x1280xf32, #tpu.memory_space<hbm>> -> memref<1x1280x1280xf32, #tpu.memory_space<hbm>>
      %dma_wait3A_209 = tpu.memref_squeeze %dma_wait3A_208 : memref<1x1280x1280xf32, #tpu.memory_space<hbm>> -> memref<1280x1280xf32, #tpu.memory_space<hbm>>
      %dma_wait3A_210 = arith.constant 0 : i32
      %dma_wait3A_211 = tpu.memref_slice %dma_wait3A_209[%add3A_87, %dma_wait3A_210] : memref<1280x1280xf32, #tpu.memory_space<hbm>> -> memref<16x1280xf32, #tpu.memory_space<hbm>>
      %dma_wait3A_212 = arith.constant 0 : i32
      %dma_wait3A_213 = arith.constant 0 : i32
      %dma_wait3A_214 = tpu.memref_slice %arg4[%add3A_55, %dma_wait3A_212, %dma_wait3A_213] : memref<4x1280x1280xf32, #tpu.memory_space<hbm>> -> memref<1x1280x1280xf32, #tpu.memory_space<hbm>>
      %dma_wait3A_215 = tpu.memref_squeeze %dma_wait3A_214 : memref<1x1280x1280xf32, #tpu.memory_space<hbm>> -> memref<1280x1280xf32, #tpu.memory_space<hbm>>
      %dma_wait3A_216 = arith.constant 0 : i32
      %dma_wait3A_217 = tpu.memref_slice %dma_wait3A_215[%add3A_87, %dma_wait3A_216] : memref<1280x1280xf32, #tpu.memory_space<hbm>> -> memref<16x1280xf32, #tpu.memory_space<hbm>>
      tpu.wait_dma2 semaphore(%run_scoped3A_195 : memref<!tpu.dma_semaphore, #tpu.memory_space<semaphore_mem>>) src(%arg7 : memref<16x1280xf32, #tpu.memory_space<vmem>>) dst(%dma_wait3A_217 : memref<16x1280xf32, #tpu.memory_space<hbm>>)
      tpu.yield
    }) : () -> ()
    %scan3A_88 = arith.constant 0 : i32
    %scan3A_89 = arith.constant 0 : i32
    %scan3A_90 = arith.constant 16 : i32
    %scan3A_91 = arith.addi %scan3A_89, %scan3A_90 : i32
    %scan3A_92 = arith.constant 1 : i32
    scf.for %scan3A_195 = %scan3A_89 to %scan3A_91 step %scan3A_92  : i32 {
      %mul3A_196 = arith.constant 80 : i32
      %mul3A_197 = arith.muli %arg1, %mul3A_196 : i32
      %add3A_198 = arith.constant 32 : i32
      %add3A_199 = arith.addi %mul3A_197, %add3A_198 : i32
      %add3A_200 = arith.addi %add3A_199, %scan3A_195 : i32
      %mul3A_201 = arith.constant 1280 : i32
      %mul3A_202 = arith.muli %add3A_200, %mul3A_201 : i32
      "tpu.region"() ({
        %run_scoped3A_203 = tpu.sem_alloc : memref<!tpu.dma_semaphore, #tpu.memory_space<semaphore_mem>>
        %dma_start3A = arith.constant 0 : i32
        %dma_start3A_204 = tpu.memref_slice %arg7[%scan3A_195, %dma_start3A] : memref<16x1280xf32, #tpu.memory_space<vmem>> -> memref<1x1280xf32, #tpu.memory_space<vmem>>
        %dma_start3A_205 = tpu.memref_squeeze %dma_start3A_204 : memref<1x1280xf32, #tpu.memory_space<vmem>> -> memref<1280xf32, #tpu.memory_space<vmem>>
        %dma_start3A_206 = tpu.memref_slice %arg8[%mul3A_202] : memref<1638416xf32, #tpu.memory_space<vmem_shared>> -> memref<1280xf32, #tpu.memory_space<vmem_shared>>
        %dma_start3A_207 = arith.constant 0 : i32
        %dma_start3A_208 = tpu.memref_slice %arg7[%scan3A_195, %dma_start3A_207] : memref<16x1280xf32, #tpu.memory_space<vmem>> -> memref<1x1280xf32, #tpu.memory_space<vmem>>
        %dma_start3A_209 = tpu.memref_squeeze %dma_start3A_208 : memref<1x1280xf32, #tpu.memory_space<vmem>> -> memref<1280xf32, #tpu.memory_space<vmem>>
        %dma_start3A_210 = tpu.memref_slice %arg8[%mul3A_202] : memref<1638416xf32, #tpu.memory_space<vmem_shared>> -> memref<1280xf32, #tpu.memory_space<vmem_shared>>
        tpu.enqueue_dma source(%dma_start3A_210 : memref<1280xf32, #tpu.memory_space<vmem_shared>>) target(%dma_start3A_209 : memref<1280xf32, #tpu.memory_space<vmem>>) target_semaphore(%run_scoped3A_203 : memref<!tpu.dma_semaphore, #tpu.memory_space<semaphore_mem>>)
        %dma_wait3A = arith.constant 0 : i32
        %dma_wait3A_211 = tpu.memref_slice %arg7[%scan3A_195, %dma_wait3A] : memref<16x1280xf32, #tpu.memory_space<vmem>> -> memref<1x1280xf32, #tpu.memory_space<vmem>>
        %dma_wait3A_212 = tpu.memref_squeeze %dma_wait3A_211 : memref<1x1280xf32, #tpu.memory_space<vmem>> -> memref<1280xf32, #tpu.memory_space<vmem>>
        %dma_wait3A_213 = tpu.memref_slice %arg8[%mul3A_202] : memref<1638416xf32, #tpu.memory_space<vmem_shared>> -> memref<1280xf32, #tpu.memory_space<vmem_shared>>
        %dma_wait3A_214 = arith.constant 0 : i32
        %dma_wait3A_215 = tpu.memref_slice %arg7[%scan3A_195, %dma_wait3A_214] : memref<16x1280xf32, #tpu.memory_space<vmem>> -> memref<1x1280xf32, #tpu.memory_space<vmem>>
        %dma_wait3A_216 = tpu.memref_squeeze %dma_wait3A_215 : memref<1x1280xf32, #tpu.memory_space<vmem>> -> memref<1280xf32, #tpu.memory_space<vmem>>
        %dma_wait3A_217 = tpu.memref_slice %arg8[%mul3A_202] : memref<1638416xf32, #tpu.memory_space<vmem_shared>> -> memref<1280xf32, #tpu.memory_space<vmem_shared>>
        tpu.wait_dma2 semaphore(%run_scoped3A_203 : memref<!tpu.dma_semaphore, #tpu.memory_space<semaphore_mem>>) src(%dma_wait3A_217 : memref<1280xf32, #tpu.memory_space<vmem_shared>>) dst(%dma_wait3A_216 : memref<1280xf32, #tpu.memory_space<vmem>>)
        tpu.yield
      }) : () -> ()
    }
    %scan3A_93 = arith.constant 16 : i32
    %mul3A_94 = arith.constant 80 : i32
    %mul3A_95 = arith.muli %arg1, %mul3A_94 : i32
    %add3A_96 = arith.constant 32 : i32
    %add3A_97 = arith.addi %mul3A_95, %add3A_96 : i32
    "tpu.region"() ({
      %run_scoped3A_195 = tpu.sem_alloc : memref<!tpu.dma_semaphore, #tpu.memory_space<semaphore_mem>>
      %dma_start3A = arith.constant 0 : i32
      %dma_start3A_196 = arith.constant 0 : i32
      %dma_start3A_197 = tpu.memref_slice %arg4[%add3A_55, %dma_start3A, %dma_start3A_196] : memref<4x1280x1280xf32, #tpu.memory_space<hbm>> -> memref<1x1280x1280xf32, #tpu.memory_space<hbm>>
      %dma_start3A_198 = tpu.memref_squeeze %dma_start3A_197 : memref<1x1280x1280xf32, #tpu.memory_space<hbm>> -> memref<1280x1280xf32, #tpu.memory_space<hbm>>
      %dma_start3A_199 = arith.constant 0 : i32
      %dma_start3A_200 = tpu.memref_slice %dma_start3A_198[%add3A_97, %dma_start3A_199] : memref<1280x1280xf32, #tpu.memory_space<hbm>> -> memref<16x1280xf32, #tpu.memory_space<hbm>>
      %dma_start3A_201 = arith.constant 0 : i32
      %dma_start3A_202 = arith.constant 0 : i32
      %dma_start3A_203 = tpu.memref_slice %arg4[%add3A_55, %dma_start3A_201, %dma_start3A_202] : memref<4x1280x1280xf32, #tpu.memory_space<hbm>> -> memref<1x1280x1280xf32, #tpu.memory_space<hbm>>
      %dma_start3A_204 = tpu.memref_squeeze %dma_start3A_203 : memref<1x1280x1280xf32, #tpu.memory_space<hbm>> -> memref<1280x1280xf32, #tpu.memory_space<hbm>>
      %dma_start3A_205 = arith.constant 0 : i32
      %dma_start3A_206 = tpu.memref_slice %dma_start3A_204[%add3A_97, %dma_start3A_205] : memref<1280x1280xf32, #tpu.memory_space<hbm>> -> memref<16x1280xf32, #tpu.memory_space<hbm>>
      tpu.enqueue_dma source(%arg7 : memref<16x1280xf32, #tpu.memory_space<vmem>>) target(%dma_start3A_206 : memref<16x1280xf32, #tpu.memory_space<hbm>>) target_semaphore(%run_scoped3A_195 : memref<!tpu.dma_semaphore, #tpu.memory_space<semaphore_mem>>)
      %dma_wait3A = arith.constant 0 : i32
      %dma_wait3A_207 = arith.constant 0 : i32
      %dma_wait3A_208 = tpu.memref_slice %arg4[%add3A_55, %dma_wait3A, %dma_wait3A_207] : memref<4x1280x1280xf32, #tpu.memory_space<hbm>> -> memref<1x1280x1280xf32, #tpu.memory_space<hbm>>
      %dma_wait3A_209 = tpu.memref_squeeze %dma_wait3A_208 : memref<1x1280x1280xf32, #tpu.memory_space<hbm>> -> memref<1280x1280xf32, #tpu.memory_space<hbm>>
      %dma_wait3A_210 = arith.constant 0 : i32
      %dma_wait3A_211 = tpu.memref_slice %dma_wait3A_209[%add3A_97, %dma_wait3A_210] : memref<1280x1280xf32, #tpu.memory_space<hbm>> -> memref<16x1280xf32, #tpu.memory_space<hbm>>
      %dma_wait3A_212 = arith.constant 0 : i32
      %dma_wait3A_213 = arith.constant 0 : i32
      %dma_wait3A_214 = tpu.memref_slice %arg4[%add3A_55, %dma_wait3A_212, %dma_wait3A_213] : memref<4x1280x1280xf32, #tpu.memory_space<hbm>> -> memref<1x1280x1280xf32, #tpu.memory_space<hbm>>
      %dma_wait3A_215 = tpu.memref_squeeze %dma_wait3A_214 : memref<1x1280x1280xf32, #tpu.memory_space<hbm>> -> memref<1280x1280xf32, #tpu.memory_space<hbm>>
      %dma_wait3A_216 = arith.constant 0 : i32
      %dma_wait3A_217 = tpu.memref_slice %dma_wait3A_215[%add3A_97, %dma_wait3A_216] : memref<1280x1280xf32, #tpu.memory_space<hbm>> -> memref<16x1280xf32, #tpu.memory_space<hbm>>
      tpu.wait_dma2 semaphore(%run_scoped3A_195 : memref<!tpu.dma_semaphore, #tpu.memory_space<semaphore_mem>>) src(%arg7 : memref<16x1280xf32, #tpu.memory_space<vmem>>) dst(%dma_wait3A_217 : memref<16x1280xf32, #tpu.memory_space<hbm>>)
      tpu.yield
    }) : () -> ()
    %scan3A_98 = arith.constant 0 : i32
    %scan3A_99 = arith.constant 0 : i32
    %scan3A_100 = arith.constant 16 : i32
    %scan3A_101 = arith.addi %scan3A_99, %scan3A_100 : i32
    %scan3A_102 = arith.constant 1 : i32
    scf.for %scan3A_195 = %scan3A_99 to %scan3A_101 step %scan3A_102  : i32 {
      %mul3A_196 = arith.constant 80 : i32
      %mul3A_197 = arith.muli %arg1, %mul3A_196 : i32
      %add3A_198 = arith.constant 48 : i32
      %add3A_199 = arith.addi %mul3A_197, %add3A_198 : i32
      %add3A_200 = arith.addi %add3A_199, %scan3A_195 : i32
      %mul3A_201 = arith.constant 1280 : i32
      %mul3A_202 = arith.muli %add3A_200, %mul3A_201 : i32
      "tpu.region"() ({
        %run_scoped3A_203 = tpu.sem_alloc : memref<!tpu.dma_semaphore, #tpu.memory_space<semaphore_mem>>
        %dma_start3A = arith.constant 0 : i32
        %dma_start3A_204 = tpu.memref_slice %arg7[%scan3A_195, %dma_start3A] : memref<16x1280xf32, #tpu.memory_space<vmem>> -> memref<1x1280xf32, #tpu.memory_space<vmem>>
        %dma_start3A_205 = tpu.memref_squeeze %dma_start3A_204 : memref<1x1280xf32, #tpu.memory_space<vmem>> -> memref<1280xf32, #tpu.memory_space<vmem>>
        %dma_start3A_206 = tpu.memref_slice %arg8[%mul3A_202] : memref<1638416xf32, #tpu.memory_space<vmem_shared>> -> memref<1280xf32, #tpu.memory_space<vmem_shared>>
        %dma_start3A_207 = arith.constant 0 : i32
        %dma_start3A_208 = tpu.memref_slice %arg7[%scan3A_195, %dma_start3A_207] : memref<16x1280xf32, #tpu.memory_space<vmem>> -> memref<1x1280xf32, #tpu.memory_space<vmem>>
        %dma_start3A_209 = tpu.memref_squeeze %dma_start3A_208 : memref<1x1280xf32, #tpu.memory_space<vmem>> -> memref<1280xf32, #tpu.memory_space<vmem>>
        %dma_start3A_210 = tpu.memref_slice %arg8[%mul3A_202] : memref<1638416xf32, #tpu.memory_space<vmem_shared>> -> memref<1280xf32, #tpu.memory_space<vmem_shared>>
        tpu.enqueue_dma source(%dma_start3A_210 : memref<1280xf32, #tpu.memory_space<vmem_shared>>) target(%dma_start3A_209 : memref<1280xf32, #tpu.memory_space<vmem>>) target_semaphore(%run_scoped3A_203 : memref<!tpu.dma_semaphore, #tpu.memory_space<semaphore_mem>>)
        %dma_wait3A = arith.constant 0 : i32
        %dma_wait3A_211 = tpu.memref_slice %arg7[%scan3A_195, %dma_wait3A] : memref<16x1280xf32, #tpu.memory_space<vmem>> -> memref<1x1280xf32, #tpu.memory_space<vmem>>
        %dma_wait3A_212 = tpu.memref_squeeze %dma_wait3A_211 : memref<1x1280xf32, #tpu.memory_space<vmem>> -> memref<1280xf32, #tpu.memory_space<vmem>>
        %dma_wait3A_213 = tpu.memref_slice %arg8[%mul3A_202] : memref<1638416xf32, #tpu.memory_space<vmem_shared>> -> memref<1280xf32, #tpu.memory_space<vmem_shared>>
        %dma_wait3A_214 = arith.constant 0 : i32
        %dma_wait3A_215 = tpu.memref_slice %arg7[%scan3A_195, %dma_wait3A_214] : memref<16x1280xf32, #tpu.memory_space<vmem>> -> memref<1x1280xf32, #tpu.memory_space<vmem>>
        %dma_wait3A_216 = tpu.memref_squeeze %dma_wait3A_215 : memref<1x1280xf32, #tpu.memory_space<vmem>> -> memref<1280xf32, #tpu.memory_space<vmem>>
        %dma_wait3A_217 = tpu.memref_slice %arg8[%mul3A_202] : memref<1638416xf32, #tpu.memory_space<vmem_shared>> -> memref<1280xf32, #tpu.memory_space<vmem_shared>>
        tpu.wait_dma2 semaphore(%run_scoped3A_203 : memref<!tpu.dma_semaphore, #tpu.memory_space<semaphore_mem>>) src(%dma_wait3A_217 : memref<1280xf32, #tpu.memory_space<vmem_shared>>) dst(%dma_wait3A_216 : memref<1280xf32, #tpu.memory_space<vmem>>)
        tpu.yield
      }) : () -> ()
    }
    %scan3A_103 = arith.constant 16 : i32
    %mul3A_104 = arith.constant 80 : i32
    %mul3A_105 = arith.muli %arg1, %mul3A_104 : i32
    %add3A_106 = arith.constant 48 : i32
    %add3A_107 = arith.addi %mul3A_105, %add3A_106 : i32
    "tpu.region"() ({
      %run_scoped3A_195 = tpu.sem_alloc : memref<!tpu.dma_semaphore, #tpu.memory_space<semaphore_mem>>
      %dma_start3A = arith.constant 0 : i32
      %dma_start3A_196 = arith.constant 0 : i32
      %dma_start3A_197 = tpu.memref_slice %arg4[%add3A_55, %dma_start3A, %dma_start3A_196] : memref<4x1280x1280xf32, #tpu.memory_space<hbm>> -> memref<1x1280x1280xf32, #tpu.memory_space<hbm>>
      %dma_start3A_198 = tpu.memref_squeeze %dma_start3A_197 : memref<1x1280x1280xf32, #tpu.memory_space<hbm>> -> memref<1280x1280xf32, #tpu.memory_space<hbm>>
      %dma_start3A_199 = arith.constant 0 : i32
      %dma_start3A_200 = tpu.memref_slice %dma_start3A_198[%add3A_107, %dma_start3A_199] : memref<1280x1280xf32, #tpu.memory_space<hbm>> -> memref<16x1280xf32, #tpu.memory_space<hbm>>
      %dma_start3A_201 = arith.constant 0 : i32
      %dma_start3A_202 = arith.constant 0 : i32
      %dma_start3A_203 = tpu.memref_slice %arg4[%add3A_55, %dma_start3A_201, %dma_start3A_202] : memref<4x1280x1280xf32, #tpu.memory_space<hbm>> -> memref<1x1280x1280xf32, #tpu.memory_space<hbm>>
      %dma_start3A_204 = tpu.memref_squeeze %dma_start3A_203 : memref<1x1280x1280xf32, #tpu.memory_space<hbm>> -> memref<1280x1280xf32, #tpu.memory_space<hbm>>
      %dma_start3A_205 = arith.constant 0 : i32
      %dma_start3A_206 = tpu.memref_slice %dma_start3A_204[%add3A_107, %dma_start3A_205] : memref<1280x1280xf32, #tpu.memory_space<hbm>> -> memref<16x1280xf32, #tpu.memory_space<hbm>>
      tpu.enqueue_dma source(%arg7 : memref<16x1280xf32, #tpu.memory_space<vmem>>) target(%dma_start3A_206 : memref<16x1280xf32, #tpu.memory_space<hbm>>) target_semaphore(%run_scoped3A_195 : memref<!tpu.dma_semaphore, #tpu.memory_space<semaphore_mem>>)
      %dma_wait3A = arith.constant 0 : i32
      %dma_wait3A_207 = arith.constant 0 : i32
      %dma_wait3A_208 = tpu.memref_slice %arg4[%add3A_55, %dma_wait3A, %dma_wait3A_207] : memref<4x1280x1280xf32, #tpu.memory_space<hbm>> -> memref<1x1280x1280xf32, #tpu.memory_space<hbm>>
      %dma_wait3A_209 = tpu.memref_squeeze %dma_wait3A_208 : memref<1x1280x1280xf32, #tpu.memory_space<hbm>> -> memref<1280x1280xf32, #tpu.memory_space<hbm>>
      %dma_wait3A_210 = arith.constant 0 : i32
      %dma_wait3A_211 = tpu.memref_slice %dma_wait3A_209[%add3A_107, %dma_wait3A_210] : memref<1280x1280xf32, #tpu.memory_space<hbm>> -> memref<16x1280xf32, #tpu.memory_space<hbm>>
      %dma_wait3A_212 = arith.constant 0 : i32
      %dma_wait3A_213 = arith.constant 0 : i32
      %dma_wait3A_214 = tpu.memref_slice %arg4[%add3A_55, %dma_wait3A_212, %dma_wait3A_213] : memref<4x1280x1280xf32, #tpu.memory_space<hbm>> -> memref<1x1280x1280xf32, #tpu.memory_space<hbm>>
      %dma_wait3A_215 = tpu.memref_squeeze %dma_wait3A_214 : memref<1x1280x1280xf32, #tpu.memory_space<hbm>> -> memref<1280x1280xf32, #tpu.memory_space<hbm>>
      %dma_wait3A_216 = arith.constant 0 : i32
      %dma_wait3A_217 = tpu.memref_slice %dma_wait3A_215[%add3A_107, %dma_wait3A_216] : memref<1280x1280xf32, #tpu.memory_space<hbm>> -> memref<16x1280xf32, #tpu.memory_space<hbm>>
      tpu.wait_dma2 semaphore(%run_scoped3A_195 : memref<!tpu.dma_semaphore, #tpu.memory_space<semaphore_mem>>) src(%arg7 : memref<16x1280xf32, #tpu.memory_space<vmem>>) dst(%dma_wait3A_217 : memref<16x1280xf32, #tpu.memory_space<hbm>>)
      tpu.yield
    }) : () -> ()
    %scan3A_108 = arith.constant 0 : i32
    %scan3A_109 = arith.constant 0 : i32
    %scan3A_110 = arith.constant 16 : i32
    %scan3A_111 = arith.addi %scan3A_109, %scan3A_110 : i32
    %scan3A_112 = arith.constant 1 : i32
    scf.for %scan3A_195 = %scan3A_109 to %scan3A_111 step %scan3A_112  : i32 {
      %mul3A_196 = arith.constant 80 : i32
      %mul3A_197 = arith.muli %arg1, %mul3A_196 : i32
      %add3A_198 = arith.constant 64 : i32
      %add3A_199 = arith.addi %mul3A_197, %add3A_198 : i32
      %add3A_200 = arith.addi %add3A_199, %scan3A_195 : i32
      %mul3A_201 = arith.constant 1280 : i32
      %mul3A_202 = arith.muli %add3A_200, %mul3A_201 : i32
      "tpu.region"() ({
        %run_scoped3A_203 = tpu.sem_alloc : memref<!tpu.dma_semaphore, #tpu.memory_space<semaphore_mem>>
        %dma_start3A = arith.constant 0 : i32
        %dma_start3A_204 = tpu.memref_slice %arg7[%scan3A_195, %dma_start3A] : memref<16x1280xf32, #tpu.memory_space<vmem>> -> memref<1x1280xf32, #tpu.memory_space<vmem>>
        %dma_start3A_205 = tpu.memref_squeeze %dma_start3A_204 : memref<1x1280xf32, #tpu.memory_space<vmem>> -> memref<1280xf32, #tpu.memory_space<vmem>>
        %dma_start3A_206 = tpu.memref_slice %arg8[%mul3A_202] : memref<1638416xf32, #tpu.memory_space<vmem_shared>> -> memref<1280xf32, #tpu.memory_space<vmem_shared>>
        %dma_start3A_207 = arith.constant 0 : i32
        %dma_start3A_208 = tpu.memref_slice %arg7[%scan3A_195, %dma_start3A_207] : memref<16x1280xf32, #tpu.memory_space<vmem>> -> memref<1x1280xf32, #tpu.memory_space<vmem>>
        %dma_start3A_209 = tpu.memref_squeeze %dma_start3A_208 : memref<1x1280xf32, #tpu.memory_space<vmem>> -> memref<1280xf32, #tpu.memory_space<vmem>>
        %dma_start3A_210 = tpu.memref_slice %arg8[%mul3A_202] : memref<1638416xf32, #tpu.memory_space<vmem_shared>> -> memref<1280xf32, #tpu.memory_space<vmem_shared>>
        tpu.enqueue_dma source(%dma_start3A_210 : memref<1280xf32, #tpu.memory_space<vmem_shared>>) target(%dma_start3A_209 : memref<1280xf32, #tpu.memory_space<vmem>>) target_semaphore(%run_scoped3A_203 : memref<!tpu.dma_semaphore, #tpu.memory_space<semaphore_mem>>)
        %dma_wait3A = arith.constant 0 : i32
        %dma_wait3A_211 = tpu.memref_slice %arg7[%scan3A_195, %dma_wait3A] : memref<16x1280xf32, #tpu.memory_space<vmem>> -> memref<1x1280xf32, #tpu.memory_space<vmem>>
        %dma_wait3A_212 = tpu.memref_squeeze %dma_wait3A_211 : memref<1x1280xf32, #tpu.memory_space<vmem>> -> memref<1280xf32, #tpu.memory_space<vmem>>
        %dma_wait3A_213 = tpu.memref_slice %arg8[%mul3A_202] : memref<1638416xf32, #tpu.memory_space<vmem_shared>> -> memref<1280xf32, #tpu.memory_space<vmem_shared>>
        %dma_wait3A_214 = arith.constant 0 : i32
        %dma_wait3A_215 = tpu.memref_slice %arg7[%scan3A_195, %dma_wait3A_214] : memref<16x1280xf32, #tpu.memory_space<vmem>> -> memref<1x1280xf32, #tpu.memory_space<vmem>>
        %dma_wait3A_216 = tpu.memref_squeeze %dma_wait3A_215 : memref<1x1280xf32, #tpu.memory_space<vmem>> -> memref<1280xf32, #tpu.memory_space<vmem>>
        %dma_wait3A_217 = tpu.memref_slice %arg8[%mul3A_202] : memref<1638416xf32, #tpu.memory_space<vmem_shared>> -> memref<1280xf32, #tpu.memory_space<vmem_shared>>
        tpu.wait_dma2 semaphore(%run_scoped3A_203 : memref<!tpu.dma_semaphore, #tpu.memory_space<semaphore_mem>>) src(%dma_wait3A_217 : memref<1280xf32, #tpu.memory_space<vmem_shared>>) dst(%dma_wait3A_216 : memref<1280xf32, #tpu.memory_space<vmem>>)
        tpu.yield
      }) : () -> ()
    }
    %scan3A_113 = arith.constant 16 : i32
    %mul3A_114 = arith.constant 80 : i32
    %mul3A_115 = arith.muli %arg1, %mul3A_114 : i32
    %add3A_116 = arith.constant 64 : i32
    %add3A_117 = arith.addi %mul3A_115, %add3A_116 : i32
    "tpu.region"() ({
      %run_scoped3A_195 = tpu.sem_alloc : memref<!tpu.dma_semaphore, #tpu.memory_space<semaphore_mem>>
      %dma_start3A = arith.constant 0 : i32
      %dma_start3A_196 = arith.constant 0 : i32
      %dma_start3A_197 = tpu.memref_slice %arg4[%add3A_55, %dma_start3A, %dma_start3A_196] : memref<4x1280x1280xf32, #tpu.memory_space<hbm>> -> memref<1x1280x1280xf32, #tpu.memory_space<hbm>>
      %dma_start3A_198 = tpu.memref_squeeze %dma_start3A_197 : memref<1x1280x1280xf32, #tpu.memory_space<hbm>> -> memref<1280x1280xf32, #tpu.memory_space<hbm>>
      %dma_start3A_199 = arith.constant 0 : i32
      %dma_start3A_200 = tpu.memref_slice %dma_start3A_198[%add3A_117, %dma_start3A_199] : memref<1280x1280xf32, #tpu.memory_space<hbm>> -> memref<16x1280xf32, #tpu.memory_space<hbm>>
      %dma_start3A_201 = arith.constant 0 : i32
      %dma_start3A_202 = arith.constant 0 : i32
      %dma_start3A_203 = tpu.memref_slice %arg4[%add3A_55, %dma_start3A_201, %dma_start3A_202] : memref<4x1280x1280xf32, #tpu.memory_space<hbm>> -> memref<1x1280x1280xf32, #tpu.memory_space<hbm>>
      %dma_start3A_204 = tpu.memref_squeeze %dma_start3A_203 : memref<1x1280x1280xf32, #tpu.memory_space<hbm>> -> memref<1280x1280xf32, #tpu.memory_space<hbm>>
      %dma_start3A_205 = arith.constant 0 : i32
      %dma_start3A_206 = tpu.memref_slice %dma_start3A_204[%add3A_117, %dma_start3A_205] : memref<1280x1280xf32, #tpu.memory_space<hbm>> -> memref<16x1280xf32, #tpu.memory_space<hbm>>
      tpu.enqueue_dma source(%arg7 : memref<16x1280xf32, #tpu.memory_space<vmem>>) target(%dma_start3A_206 : memref<16x1280xf32, #tpu.memory_space<hbm>>) target_semaphore(%run_scoped3A_195 : memref<!tpu.dma_semaphore, #tpu.memory_space<semaphore_mem>>)
      %dma_wait3A = arith.constant 0 : i32
      %dma_wait3A_207 = arith.constant 0 : i32
      %dma_wait3A_208 = tpu.memref_slice %arg4[%add3A_55, %dma_wait3A, %dma_wait3A_207] : memref<4x1280x1280xf32, #tpu.memory_space<hbm>> -> memref<1x1280x1280xf32, #tpu.memory_space<hbm>>
      %dma_wait3A_209 = tpu.memref_squeeze %dma_wait3A_208 : memref<1x1280x1280xf32, #tpu.memory_space<hbm>> -> memref<1280x1280xf32, #tpu.memory_space<hbm>>
      %dma_wait3A_210 = arith.constant 0 : i32
      %dma_wait3A_211 = tpu.memref_slice %dma_wait3A_209[%add3A_117, %dma_wait3A_210] : memref<1280x1280xf32, #tpu.memory_space<hbm>> -> memref<16x1280xf32, #tpu.memory_space<hbm>>
      %dma_wait3A_212 = arith.constant 0 : i32
      %dma_wait3A_213 = arith.constant 0 : i32
      %dma_wait3A_214 = tpu.memref_slice %arg4[%add3A_55, %dma_wait3A_212, %dma_wait3A_213] : memref<4x1280x1280xf32, #tpu.memory_space<hbm>> -> memref<1x1280x1280xf32, #tpu.memory_space<hbm>>
      %dma_wait3A_215 = tpu.memref_squeeze %dma_wait3A_214 : memref<1x1280x1280xf32, #tpu.memory_space<hbm>> -> memref<1280x1280xf32, #tpu.memory_space<hbm>>
      %dma_wait3A_216 = arith.constant 0 : i32
      %dma_wait3A_217 = tpu.memref_slice %dma_wait3A_215[%add3A_117, %dma_wait3A_216] : memref<1280x1280xf32, #tpu.memory_space<hbm>> -> memref<16x1280xf32, #tpu.memory_space<hbm>>
      tpu.wait_dma2 semaphore(%run_scoped3A_195 : memref<!tpu.dma_semaphore, #tpu.memory_space<semaphore_mem>>) src(%arg7 : memref<16x1280xf32, #tpu.memory_space<vmem>>) dst(%dma_wait3A_217 : memref<16x1280xf32, #tpu.memory_space<hbm>>)
      tpu.yield
    }) : () -> ()
    %mul3A_118 = arith.constant 102400 : i32
    %mul3A_119 = arith.muli %arg1, %mul3A_118 : i32
    "tpu.region"() ({
      %run_scoped3A_195 = tpu.sem_alloc : memref<!tpu.dma_semaphore, #tpu.memory_space<semaphore_mem>>
      %dma_start3A = tpu.memref_slice %arg8[%mul3A_119] : memref<1638416xf32, #tpu.memory_space<vmem_shared>> -> memref<102400xf32, #tpu.memory_space<vmem_shared>>
      tpu.enqueue_dma source(%arg3 : memref<102400xf32, #tpu.memory_space<hbm>>) target(%dma_start3A : memref<102400xf32, #tpu.memory_space<vmem_shared>>) target_semaphore(%run_scoped3A_195 : memref<!tpu.dma_semaphore, #tpu.memory_space<semaphore_mem>>)
      %dma_wait3A = tpu.memref_slice %arg8[%mul3A_119] : memref<1638416xf32, #tpu.memory_space<vmem_shared>> -> memref<102400xf32, #tpu.memory_space<vmem_shared>>
      tpu.wait_dma2 semaphore(%run_scoped3A_195 : memref<!tpu.dma_semaphore, #tpu.memory_space<semaphore_mem>>) src(%arg3 : memref<102400xf32, #tpu.memory_space<hbm>>) dst(%dma_wait3A : memref<102400xf32, #tpu.memory_space<vmem_shared>>)
      tpu.yield
    }) : () -> ()
    %barrier3A_120 = arith.constant 0 : index
    tpu.barrier barrier_id(%barrier3A_120)
    %mul3A_121 = arith.constant 2 : i32
    %mul3A_122 = arith.muli %arg0, %mul3A_121 : i32
    %add3A_123 = arith.constant 0 : i32
    %add3A_124 = arith.addi %add3A_123, %mul3A_122 : i32
    %add3A_125 = arith.constant 1 : i32
    %add3A_126 = arith.addi %add3A_124, %add3A_125 : i32
    %mul3A_127 = arith.constant 2 : i32
    %mul3A_128 = arith.muli %arg0, %mul3A_127 : i32
    %add3A_129 = arith.constant 1 : i32
    %add3A_130 = arith.addi %mul3A_128, %add3A_129 : i32
    %mul3A_131 = arith.constant 16 : i32
    %mul3A_132 = arith.muli %add3A_126, %mul3A_131 : i32
    %add3A_133 = arith.addi %mul3A_132, %arg1 : i32
    "tpu.region"() ({
      %run_scoped3A_195 = tpu.sem_alloc : memref<!tpu.dma_semaphore, #tpu.memory_space<semaphore_mem>>
      %dma_start3A = arith.constant 0 : i32
      %dma_start3A_196 = arith.constant 0 : i32
      %dma_start3A_197 = tpu.memref_slice %arg2[%add3A_133, %dma_start3A, %dma_start3A_196] : memref<128x10x128xi32, #tpu.memory_space<hbm>> -> memref<1x10x128xi32, #tpu.memory_space<hbm>>
      %dma_start3A_198 = tpu.memref_squeeze %dma_start3A_197 : memref<1x10x128xi32, #tpu.memory_space<hbm>> -> memref<10x128xi32, #tpu.memory_space<hbm>>
      %dma_start3A_199 = arith.constant 0 : i32
      %dma_start3A_200 = arith.constant 0 : i32
      %dma_start3A_201 = tpu.memref_slice %arg2[%add3A_133, %dma_start3A_199, %dma_start3A_200] : memref<128x10x128xi32, #tpu.memory_space<hbm>> -> memref<1x10x128xi32, #tpu.memory_space<hbm>>
      %dma_start3A_202 = tpu.memref_squeeze %dma_start3A_201 : memref<1x10x128xi32, #tpu.memory_space<hbm>> -> memref<10x128xi32, #tpu.memory_space<hbm>>
      tpu.enqueue_dma source(%dma_start3A_202 : memref<10x128xi32, #tpu.memory_space<hbm>>) target(%arg5 : memref<10x128xi32, #tpu.memory_space<vmem>>) target_semaphore(%run_scoped3A_195 : memref<!tpu.dma_semaphore, #tpu.memory_space<semaphore_mem>>)
      %dma_wait3A = arith.constant 0 : i32
      %dma_wait3A_203 = arith.constant 0 : i32
      %dma_wait3A_204 = tpu.memref_slice %arg2[%add3A_133, %dma_wait3A, %dma_wait3A_203] : memref<128x10x128xi32, #tpu.memory_space<hbm>> -> memref<1x10x128xi32, #tpu.memory_space<hbm>>
      %dma_wait3A_205 = tpu.memref_squeeze %dma_wait3A_204 : memref<1x10x128xi32, #tpu.memory_space<hbm>> -> memref<10x128xi32, #tpu.memory_space<hbm>>
      %dma_wait3A_206 = arith.constant 0 : i32
      %dma_wait3A_207 = arith.constant 0 : i32
      %dma_wait3A_208 = tpu.memref_slice %arg2[%add3A_133, %dma_wait3A_206, %dma_wait3A_207] : memref<128x10x128xi32, #tpu.memory_space<hbm>> -> memref<1x10x128xi32, #tpu.memory_space<hbm>>
      %dma_wait3A_209 = tpu.memref_squeeze %dma_wait3A_208 : memref<1x10x128xi32, #tpu.memory_space<hbm>> -> memref<10x128xi32, #tpu.memory_space<hbm>>
      tpu.wait_dma2 semaphore(%run_scoped3A_195 : memref<!tpu.dma_semaphore, #tpu.memory_space<semaphore_mem>>) src(%dma_wait3A_209 : memref<10x128xi32, #tpu.memory_space<hbm>>) dst(%arg5 : memref<10x128xi32, #tpu.memory_space<vmem>>)
      tpu.yield
    }) : () -> ()
    %run_scoped3A_134 = arith.constant 0 : i32
    "tpu.region"() ({
      %run_scoped3A_195 = tpu.sem_alloc : memref<!tpu.dma_semaphore, #tpu.memory_space<semaphore_mem>>
      %dma_start3A = arith.constant 0 : i32
      %dma_start3A_196 = tpu.memref_slice %arg5[%run_scoped3A_134, %dma_start3A] : memref<10x128xi32, #tpu.memory_space<vmem>> -> memref<1x128xi32, #tpu.memory_space<vmem>>
      %dma_start3A_197 = tpu.memref_squeeze %dma_start3A_196 : memref<1x128xi32, #tpu.memory_space<vmem>> -> memref<128xi32, #tpu.memory_space<vmem>>
      %dma_start3A_198 = arith.constant 0 : i32
      %dma_start3A_199 = tpu.memref_slice %arg8[%dma_start3A_198] : memref<1638416xf32, #tpu.memory_space<vmem_shared>> -> memref<1638416xf32, #tpu.memory_space<vmem_shared>>
      tpu.enqueue_indirect_dma source(%arg6 : memref<128xf32, #tpu.memory_space<vmem>>) target(%dma_start3A_199 : memref<1638416xf32, #tpu.memory_space<vmem_shared>>) offsets(%dma_start3A_197 : memref<128xi32, #tpu.memory_space<vmem>>) semaphore(%run_scoped3A_195 : memref<!tpu.dma_semaphore, #tpu.memory_space<semaphore_mem>>) {add = true}
      %dma_wait3A = arith.constant 0 : i32
      %dma_wait3A_200 = tpu.memref_slice %arg5[%run_scoped3A_134, %dma_wait3A] : memref<10x128xi32, #tpu.memory_space<vmem>> -> memref<1x128xi32, #tpu.memory_space<vmem>>
      %dma_wait3A_201 = tpu.memref_squeeze %dma_wait3A_200 : memref<1x128xi32, #tpu.memory_space<vmem>> -> memref<128xi32, #tpu.memory_space<vmem>>
      %dma_wait3A_202 = arith.constant 0 : i32
      %dma_wait3A_203 = tpu.memref_slice %arg8[%dma_wait3A_202] : memref<1638416xf32, #tpu.memory_space<vmem_shared>> -> memref<1638416xf32, #tpu.memory_space<vmem_shared>>
      tpu.wait_indirect_dma semaphore(%run_scoped3A_195 : memref<!tpu.dma_semaphore, #tpu.memory_space<semaphore_mem>>) src(%arg6 : memref<128xf32, #tpu.memory_space<vmem>>) dst(%dma_wait3A_203 : memref<1638416xf32, #tpu.memory_space<vmem_shared>>)
      tpu.yield
    }) : () -> ()
    %run_scoped3A_135 = arith.constant 1 : i32
    "tpu.region"() ({
      %run_scoped3A_195 = tpu.sem_alloc : memref<!tpu.dma_semaphore, #tpu.memory_space<semaphore_mem>>
      %dma_start3A = arith.constant 0 : i32
      %dma_start3A_196 = tpu.memref_slice %arg5[%run_scoped3A_135, %dma_start3A] : memref<10x128xi32, #tpu.memory_space<vmem>> -> memref<1x128xi32, #tpu.memory_space<vmem>>
      %dma_start3A_197 = tpu.memref_squeeze %dma_start3A_196 : memref<1x128xi32, #tpu.memory_space<vmem>> -> memref<128xi32, #tpu.memory_space<vmem>>
      %dma_start3A_198 = arith.constant 0 : i32
      %dma_start3A_199 = tpu.memref_slice %arg8[%dma_start3A_198] : memref<1638416xf32, #tpu.memory_space<vmem_shared>> -> memref<1638416xf32, #tpu.memory_space<vmem_shared>>
      tpu.enqueue_indirect_dma source(%arg6 : memref<128xf32, #tpu.memory_space<vmem>>) target(%dma_start3A_199 : memref<1638416xf32, #tpu.memory_space<vmem_shared>>) offsets(%dma_start3A_197 : memref<128xi32, #tpu.memory_space<vmem>>) semaphore(%run_scoped3A_195 : memref<!tpu.dma_semaphore, #tpu.memory_space<semaphore_mem>>) {add = true}
      %dma_wait3A = arith.constant 0 : i32
      %dma_wait3A_200 = tpu.memref_slice %arg5[%run_scoped3A_135, %dma_wait3A] : memref<10x128xi32, #tpu.memory_space<vmem>> -> memref<1x128xi32, #tpu.memory_space<vmem>>
      %dma_wait3A_201 = tpu.memref_squeeze %dma_wait3A_200 : memref<1x128xi32, #tpu.memory_space<vmem>> -> memref<128xi32, #tpu.memory_space<vmem>>
      %dma_wait3A_202 = arith.constant 0 : i32
      %dma_wait3A_203 = tpu.memref_slice %arg8[%dma_wait3A_202] : memref<1638416xf32, #tpu.memory_space<vmem_shared>> -> memref<1638416xf32, #tpu.memory_space<vmem_shared>>
      tpu.wait_indirect_dma semaphore(%run_scoped3A_195 : memref<!tpu.dma_semaphore, #tpu.memory_space<semaphore_mem>>) src(%arg6 : memref<128xf32, #tpu.memory_space<vmem>>) dst(%dma_wait3A_203 : memref<1638416xf32, #tpu.memory_space<vmem_shared>>)
      tpu.yield
    }) : () -> ()
    %run_scoped3A_136 = arith.constant 2 : i32
    "tpu.region"() ({
      %run_scoped3A_195 = tpu.sem_alloc : memref<!tpu.dma_semaphore, #tpu.memory_space<semaphore_mem>>
      %dma_start3A = arith.constant 0 : i32
      %dma_start3A_196 = tpu.memref_slice %arg5[%run_scoped3A_136, %dma_start3A] : memref<10x128xi32, #tpu.memory_space<vmem>> -> memref<1x128xi32, #tpu.memory_space<vmem>>
      %dma_start3A_197 = tpu.memref_squeeze %dma_start3A_196 : memref<1x128xi32, #tpu.memory_space<vmem>> -> memref<128xi32, #tpu.memory_space<vmem>>
      %dma_start3A_198 = arith.constant 0 : i32
      %dma_start3A_199 = tpu.memref_slice %arg8[%dma_start3A_198] : memref<1638416xf32, #tpu.memory_space<vmem_shared>> -> memref<1638416xf32, #tpu.memory_space<vmem_shared>>
      tpu.enqueue_indirect_dma source(%arg6 : memref<128xf32, #tpu.memory_space<vmem>>) target(%dma_start3A_199 : memref<1638416xf32, #tpu.memory_space<vmem_shared>>) offsets(%dma_start3A_197 : memref<128xi32, #tpu.memory_space<vmem>>) semaphore(%run_scoped3A_195 : memref<!tpu.dma_semaphore, #tpu.memory_space<semaphore_mem>>) {add = true}
      %dma_wait3A = arith.constant 0 : i32
      %dma_wait3A_200 = tpu.memref_slice %arg5[%run_scoped3A_136, %dma_wait3A] : memref<10x128xi32, #tpu.memory_space<vmem>> -> memref<1x128xi32, #tpu.memory_space<vmem>>
      %dma_wait3A_201 = tpu.memref_squeeze %dma_wait3A_200 : memref<1x128xi32, #tpu.memory_space<vmem>> -> memref<128xi32, #tpu.memory_space<vmem>>
      %dma_wait3A_202 = arith.constant 0 : i32
      %dma_wait3A_203 = tpu.memref_slice %arg8[%dma_wait3A_202] : memref<1638416xf32, #tpu.memory_space<vmem_shared>> -> memref<1638416xf32, #tpu.memory_space<vmem_shared>>
      tpu.wait_indirect_dma semaphore(%run_scoped3A_195 : memref<!tpu.dma_semaphore, #tpu.memory_space<semaphore_mem>>) src(%arg6 : memref<128xf32, #tpu.memory_space<vmem>>) dst(%dma_wait3A_203 : memref<1638416xf32, #tpu.memory_space<vmem_shared>>)
      tpu.yield
    }) : () -> ()
    %run_scoped3A_137 = arith.constant 3 : i32
    "tpu.region"() ({
      %run_scoped3A_195 = tpu.sem_alloc : memref<!tpu.dma_semaphore, #tpu.memory_space<semaphore_mem>>
      %dma_start3A = arith.constant 0 : i32
      %dma_start3A_196 = tpu.memref_slice %arg5[%run_scoped3A_137, %dma_start3A] : memref<10x128xi32, #tpu.memory_space<vmem>> -> memref<1x128xi32, #tpu.memory_space<vmem>>
      %dma_start3A_197 = tpu.memref_squeeze %dma_start3A_196 : memref<1x128xi32, #tpu.memory_space<vmem>> -> memref<128xi32, #tpu.memory_space<vmem>>
      %dma_start3A_198 = arith.constant 0 : i32
      %dma_start3A_199 = tpu.memref_slice %arg8[%dma_start3A_198] : memref<1638416xf32, #tpu.memory_space<vmem_shared>> -> memref<1638416xf32, #tpu.memory_space<vmem_shared>>
      tpu.enqueue_indirect_dma source(%arg6 : memref<128xf32, #tpu.memory_space<vmem>>) target(%dma_start3A_199 : memref<1638416xf32, #tpu.memory_space<vmem_shared>>) offsets(%dma_start3A_197 : memref<128xi32, #tpu.memory_space<vmem>>) semaphore(%run_scoped3A_195 : memref<!tpu.dma_semaphore, #tpu.memory_space<semaphore_mem>>) {add = true}
      %dma_wait3A = arith.constant 0 : i32
      %dma_wait3A_200 = tpu.memref_slice %arg5[%run_scoped3A_137, %dma_wait3A] : memref<10x128xi32, #tpu.memory_space<vmem>> -> memref<1x128xi32, #tpu.memory_space<vmem>>
      %dma_wait3A_201 = tpu.memref_squeeze %dma_wait3A_200 : memref<1x128xi32, #tpu.memory_space<vmem>> -> memref<128xi32, #tpu.memory_space<vmem>>
      %dma_wait3A_202 = arith.constant 0 : i32
      %dma_wait3A_203 = tpu.memref_slice %arg8[%dma_wait3A_202] : memref<1638416xf32, #tpu.memory_space<vmem_shared>> -> memref<1638416xf32, #tpu.memory_space<vmem_shared>>
      tpu.wait_indirect_dma semaphore(%run_scoped3A_195 : memref<!tpu.dma_semaphore, #tpu.memory_space<semaphore_mem>>) src(%arg6 : memref<128xf32, #tpu.memory_space<vmem>>) dst(%dma_wait3A_203 : memref<1638416xf32, #tpu.memory_space<vmem_shared>>)
      tpu.yield
    }) : () -> ()
    %run_scoped3A_138 = arith.constant 4 : i32
    "tpu.region"() ({
      %run_scoped3A_195 = tpu.sem_alloc : memref<!tpu.dma_semaphore, #tpu.memory_space<semaphore_mem>>
      %dma_start3A = arith.constant 0 : i32
      %dma_start3A_196 = tpu.memref_slice %arg5[%run_scoped3A_138, %dma_start3A] : memref<10x128xi32, #tpu.memory_space<vmem>> -> memref<1x128xi32, #tpu.memory_space<vmem>>
      %dma_start3A_197 = tpu.memref_squeeze %dma_start3A_196 : memref<1x128xi32, #tpu.memory_space<vmem>> -> memref<128xi32, #tpu.memory_space<vmem>>
      %dma_start3A_198 = arith.constant 0 : i32
      %dma_start3A_199 = tpu.memref_slice %arg8[%dma_start3A_198] : memref<1638416xf32, #tpu.memory_space<vmem_shared>> -> memref<1638416xf32, #tpu.memory_space<vmem_shared>>
      tpu.enqueue_indirect_dma source(%arg6 : memref<128xf32, #tpu.memory_space<vmem>>) target(%dma_start3A_199 : memref<1638416xf32, #tpu.memory_space<vmem_shared>>) offsets(%dma_start3A_197 : memref<128xi32, #tpu.memory_space<vmem>>) semaphore(%run_scoped3A_195 : memref<!tpu.dma_semaphore, #tpu.memory_space<semaphore_mem>>) {add = true}
      %dma_wait3A = arith.constant 0 : i32
      %dma_wait3A_200 = tpu.memref_slice %arg5[%run_scoped3A_138, %dma_wait3A] : memref<10x128xi32, #tpu.memory_space<vmem>> -> memref<1x128xi32, #tpu.memory_space<vmem>>
      %dma_wait3A_201 = tpu.memref_squeeze %dma_wait3A_200 : memref<1x128xi32, #tpu.memory_space<vmem>> -> memref<128xi32, #tpu.memory_space<vmem>>
      %dma_wait3A_202 = arith.constant 0 : i32
      %dma_wait3A_203 = tpu.memref_slice %arg8[%dma_wait3A_202] : memref<1638416xf32, #tpu.memory_space<vmem_shared>> -> memref<1638416xf32, #tpu.memory_space<vmem_shared>>
      tpu.wait_indirect_dma semaphore(%run_scoped3A_195 : memref<!tpu.dma_semaphore, #tpu.memory_space<semaphore_mem>>) src(%arg6 : memref<128xf32, #tpu.memory_space<vmem>>) dst(%dma_wait3A_203 : memref<1638416xf32, #tpu.memory_space<vmem_shared>>)
      tpu.yield
    }) : () -> ()
    %run_scoped3A_139 = arith.constant 5 : i32
    "tpu.region"() ({
      %run_scoped3A_195 = tpu.sem_alloc : memref<!tpu.dma_semaphore, #tpu.memory_space<semaphore_mem>>
      %dma_start3A = arith.constant 0 : i32
      %dma_start3A_196 = tpu.memref_slice %arg5[%run_scoped3A_139, %dma_start3A] : memref<10x128xi32, #tpu.memory_space<vmem>> -> memref<1x128xi32, #tpu.memory_space<vmem>>
      %dma_start3A_197 = tpu.memref_squeeze %dma_start3A_196 : memref<1x128xi32, #tpu.memory_space<vmem>> -> memref<128xi32, #tpu.memory_space<vmem>>
      %dma_start3A_198 = arith.constant 0 : i32
      %dma_start3A_199 = tpu.memref_slice %arg8[%dma_start3A_198] : memref<1638416xf32, #tpu.memory_space<vmem_shared>> -> memref<1638416xf32, #tpu.memory_space<vmem_shared>>
      tpu.enqueue_indirect_dma source(%arg6 : memref<128xf32, #tpu.memory_space<vmem>>) target(%dma_start3A_199 : memref<1638416xf32, #tpu.memory_space<vmem_shared>>) offsets(%dma_start3A_197 : memref<128xi32, #tpu.memory_space<vmem>>) semaphore(%run_scoped3A_195 : memref<!tpu.dma_semaphore, #tpu.memory_space<semaphore_mem>>) {add = true}
      %dma_wait3A = arith.constant 0 : i32
      %dma_wait3A_200 = tpu.memref_slice %arg5[%run_scoped3A_139, %dma_wait3A] : memref<10x128xi32, #tpu.memory_space<vmem>> -> memref<1x128xi32, #tpu.memory_space<vmem>>
      %dma_wait3A_201 = tpu.memref_squeeze %dma_wait3A_200 : memref<1x128xi32, #tpu.memory_space<vmem>> -> memref<128xi32, #tpu.memory_space<vmem>>
      %dma_wait3A_202 = arith.constant 0 : i32
      %dma_wait3A_203 = tpu.memref_slice %arg8[%dma_wait3A_202] : memref<1638416xf32, #tpu.memory_space<vmem_shared>> -> memref<1638416xf32, #tpu.memory_space<vmem_shared>>
      tpu.wait_indirect_dma semaphore(%run_scoped3A_195 : memref<!tpu.dma_semaphore, #tpu.memory_space<semaphore_mem>>) src(%arg6 : memref<128xf32, #tpu.memory_space<vmem>>) dst(%dma_wait3A_203 : memref<1638416xf32, #tpu.memory_space<vmem_shared>>)
      tpu.yield
    }) : () -> ()
    %run_scoped3A_140 = arith.constant 6 : i32
    "tpu.region"() ({
      %run_scoped3A_195 = tpu.sem_alloc : memref<!tpu.dma_semaphore, #tpu.memory_space<semaphore_mem>>
      %dma_start3A = arith.constant 0 : i32
      %dma_start3A_196 = tpu.memref_slice %arg5[%run_scoped3A_140, %dma_start3A] : memref<10x128xi32, #tpu.memory_space<vmem>> -> memref<1x128xi32, #tpu.memory_space<vmem>>
      %dma_start3A_197 = tpu.memref_squeeze %dma_start3A_196 : memref<1x128xi32, #tpu.memory_space<vmem>> -> memref<128xi32, #tpu.memory_space<vmem>>
      %dma_start3A_198 = arith.constant 0 : i32
      %dma_start3A_199 = tpu.memref_slice %arg8[%dma_start3A_198] : memref<1638416xf32, #tpu.memory_space<vmem_shared>> -> memref<1638416xf32, #tpu.memory_space<vmem_shared>>
      tpu.enqueue_indirect_dma source(%arg6 : memref<128xf32, #tpu.memory_space<vmem>>) target(%dma_start3A_199 : memref<1638416xf32, #tpu.memory_space<vmem_shared>>) offsets(%dma_start3A_197 : memref<128xi32, #tpu.memory_space<vmem>>) semaphore(%run_scoped3A_195 : memref<!tpu.dma_semaphore, #tpu.memory_space<semaphore_mem>>) {add = true}
      %dma_wait3A = arith.constant 0 : i32
      %dma_wait3A_200 = tpu.memref_slice %arg5[%run_scoped3A_140, %dma_wait3A] : memref<10x128xi32, #tpu.memory_space<vmem>> -> memref<1x128xi32, #tpu.memory_space<vmem>>
      %dma_wait3A_201 = tpu.memref_squeeze %dma_wait3A_200 : memref<1x128xi32, #tpu.memory_space<vmem>> -> memref<128xi32, #tpu.memory_space<vmem>>
      %dma_wait3A_202 = arith.constant 0 : i32
      %dma_wait3A_203 = tpu.memref_slice %arg8[%dma_wait3A_202] : memref<1638416xf32, #tpu.memory_space<vmem_shared>> -> memref<1638416xf32, #tpu.memory_space<vmem_shared>>
      tpu.wait_indirect_dma semaphore(%run_scoped3A_195 : memref<!tpu.dma_semaphore, #tpu.memory_space<semaphore_mem>>) src(%arg6 : memref<128xf32, #tpu.memory_space<vmem>>) dst(%dma_wait3A_203 : memref<1638416xf32, #tpu.memory_space<vmem_shared>>)
      tpu.yield
    }) : () -> ()
    %run_scoped3A_141 = arith.constant 7 : i32
    "tpu.region"() ({
      %run_scoped3A_195 = tpu.sem_alloc : memref<!tpu.dma_semaphore, #tpu.memory_space<semaphore_mem>>
      %dma_start3A = arith.constant 0 : i32
      %dma_start3A_196 = tpu.memref_slice %arg5[%run_scoped3A_141, %dma_start3A] : memref<10x128xi32, #tpu.memory_space<vmem>> -> memref<1x128xi32, #tpu.memory_space<vmem>>
      %dma_start3A_197 = tpu.memref_squeeze %dma_start3A_196 : memref<1x128xi32, #tpu.memory_space<vmem>> -> memref<128xi32, #tpu.memory_space<vmem>>
      %dma_start3A_198 = arith.constant 0 : i32
      %dma_start3A_199 = tpu.memref_slice %arg8[%dma_start3A_198] : memref<1638416xf32, #tpu.memory_space<vmem_shared>> -> memref<1638416xf32, #tpu.memory_space<vmem_shared>>
      tpu.enqueue_indirect_dma source(%arg6 : memref<128xf32, #tpu.memory_space<vmem>>) target(%dma_start3A_199 : memref<1638416xf32, #tpu.memory_space<vmem_shared>>) offsets(%dma_start3A_197 : memref<128xi32, #tpu.memory_space<vmem>>) semaphore(%run_scoped3A_195 : memref<!tpu.dma_semaphore, #tpu.memory_space<semaphore_mem>>) {add = true}
      %dma_wait3A = arith.constant 0 : i32
      %dma_wait3A_200 = tpu.memref_slice %arg5[%run_scoped3A_141, %dma_wait3A] : memref<10x128xi32, #tpu.memory_space<vmem>> -> memref<1x128xi32, #tpu.memory_space<vmem>>
      %dma_wait3A_201 = tpu.memref_squeeze %dma_wait3A_200 : memref<1x128xi32, #tpu.memory_space<vmem>> -> memref<128xi32, #tpu.memory_space<vmem>>
      %dma_wait3A_202 = arith.constant 0 : i32
      %dma_wait3A_203 = tpu.memref_slice %arg8[%dma_wait3A_202] : memref<1638416xf32, #tpu.memory_space<vmem_shared>> -> memref<1638416xf32, #tpu.memory_space<vmem_shared>>
      tpu.wait_indirect_dma semaphore(%run_scoped3A_195 : memref<!tpu.dma_semaphore, #tpu.memory_space<semaphore_mem>>) src(%arg6 : memref<128xf32, #tpu.memory_space<vmem>>) dst(%dma_wait3A_203 : memref<1638416xf32, #tpu.memory_space<vmem_shared>>)
      tpu.yield
    }) : () -> ()
    %run_scoped3A_142 = arith.constant 8 : i32
    "tpu.region"() ({
      %run_scoped3A_195 = tpu.sem_alloc : memref<!tpu.dma_semaphore, #tpu.memory_space<semaphore_mem>>
      %dma_start3A = arith.constant 0 : i32
      %dma_start3A_196 = tpu.memref_slice %arg5[%run_scoped3A_142, %dma_start3A] : memref<10x128xi32, #tpu.memory_space<vmem>> -> memref<1x128xi32, #tpu.memory_space<vmem>>
      %dma_start3A_197 = tpu.memref_squeeze %dma_start3A_196 : memref<1x128xi32, #tpu.memory_space<vmem>> -> memref<128xi32, #tpu.memory_space<vmem>>
      %dma_start3A_198 = arith.constant 0 : i32
      %dma_start3A_199 = tpu.memref_slice %arg8[%dma_start3A_198] : memref<1638416xf32, #tpu.memory_space<vmem_shared>> -> memref<1638416xf32, #tpu.memory_space<vmem_shared>>
      tpu.enqueue_indirect_dma source(%arg6 : memref<128xf32, #tpu.memory_space<vmem>>) target(%dma_start3A_199 : memref<1638416xf32, #tpu.memory_space<vmem_shared>>) offsets(%dma_start3A_197 : memref<128xi32, #tpu.memory_space<vmem>>) semaphore(%run_scoped3A_195 : memref<!tpu.dma_semaphore, #tpu.memory_space<semaphore_mem>>) {add = true}
      %dma_wait3A = arith.constant 0 : i32
      %dma_wait3A_200 = tpu.memref_slice %arg5[%run_scoped3A_142, %dma_wait3A] : memref<10x128xi32, #tpu.memory_space<vmem>> -> memref<1x128xi32, #tpu.memory_space<vmem>>
      %dma_wait3A_201 = tpu.memref_squeeze %dma_wait3A_200 : memref<1x128xi32, #tpu.memory_space<vmem>> -> memref<128xi32, #tpu.memory_space<vmem>>
      %dma_wait3A_202 = arith.constant 0 : i32
      %dma_wait3A_203 = tpu.memref_slice %arg8[%dma_wait3A_202] : memref<1638416xf32, #tpu.memory_space<vmem_shared>> -> memref<1638416xf32, #tpu.memory_space<vmem_shared>>
      tpu.wait_indirect_dma semaphore(%run_scoped3A_195 : memref<!tpu.dma_semaphore, #tpu.memory_space<semaphore_mem>>) src(%arg6 : memref<128xf32, #tpu.memory_space<vmem>>) dst(%dma_wait3A_203 : memref<1638416xf32, #tpu.memory_space<vmem_shared>>)
      tpu.yield
    }) : () -> ()
    %run_scoped3A_143 = arith.constant 9 : i32
    "tpu.region"() ({
      %run_scoped3A_195 = tpu.sem_alloc : memref<!tpu.dma_semaphore, #tpu.memory_space<semaphore_mem>>
      %dma_start3A = arith.constant 0 : i32
      %dma_start3A_196 = tpu.memref_slice %arg5[%run_scoped3A_143, %dma_start3A] : memref<10x128xi32, #tpu.memory_space<vmem>> -> memref<1x128xi32, #tpu.memory_space<vmem>>
      %dma_start3A_197 = tpu.memref_squeeze %dma_start3A_196 : memref<1x128xi32, #tpu.memory_space<vmem>> -> memref<128xi32, #tpu.memory_space<vmem>>
      %dma_start3A_198 = arith.constant 0 : i32
      %dma_start3A_199 = tpu.memref_slice %arg8[%dma_start3A_198] : memref<1638416xf32, #tpu.memory_space<vmem_shared>> -> memref<1638416xf32, #tpu.memory_space<vmem_shared>>
      tpu.enqueue_indirect_dma source(%arg6 : memref<128xf32, #tpu.memory_space<vmem>>) target(%dma_start3A_199 : memref<1638416xf32, #tpu.memory_space<vmem_shared>>) offsets(%dma_start3A_197 : memref<128xi32, #tpu.memory_space<vmem>>) semaphore(%run_scoped3A_195 : memref<!tpu.dma_semaphore, #tpu.memory_space<semaphore_mem>>) {add = true}
      %dma_wait3A = arith.constant 0 : i32
      %dma_wait3A_200 = tpu.memref_slice %arg5[%run_scoped3A_143, %dma_wait3A] : memref<10x128xi32, #tpu.memory_space<vmem>> -> memref<1x128xi32, #tpu.memory_space<vmem>>
      %dma_wait3A_201 = tpu.memref_squeeze %dma_wait3A_200 : memref<1x128xi32, #tpu.memory_space<vmem>> -> memref<128xi32, #tpu.memory_space<vmem>>
      %dma_wait3A_202 = arith.constant 0 : i32
      %dma_wait3A_203 = tpu.memref_slice %arg8[%dma_wait3A_202] : memref<1638416xf32, #tpu.memory_space<vmem_shared>> -> memref<1638416xf32, #tpu.memory_space<vmem_shared>>
      tpu.wait_indirect_dma semaphore(%run_scoped3A_195 : memref<!tpu.dma_semaphore, #tpu.memory_space<semaphore_mem>>) src(%arg6 : memref<128xf32, #tpu.memory_space<vmem>>) dst(%dma_wait3A_203 : memref<1638416xf32, #tpu.memory_space<vmem_shared>>)
      tpu.yield
    }) : () -> ()
    %barrier3A_144 = arith.constant 0 : index
    tpu.barrier barrier_id(%barrier3A_144)
    %scan3A_145 = arith.constant 0 : i32
    %scan3A_146 = arith.constant 0 : i32
    %scan3A_147 = arith.constant 16 : i32
    %scan3A_148 = arith.addi %scan3A_146, %scan3A_147 : i32
    %scan3A_149 = arith.constant 1 : i32
    scf.for %scan3A_195 = %scan3A_146 to %scan3A_148 step %scan3A_149  : i32 {
      %mul3A_196 = arith.constant 80 : i32
      %mul3A_197 = arith.muli %arg1, %mul3A_196 : i32
      %add3A_198 = arith.constant 0 : i32
      %add3A_199 = arith.addi %mul3A_197, %add3A_198 : i32
      %add3A_200 = arith.addi %add3A_199, %scan3A_195 : i32
      %mul3A_201 = arith.constant 1280 : i32
      %mul3A_202 = arith.muli %add3A_200, %mul3A_201 : i32
      "tpu.region"() ({
        %run_scoped3A_203 = tpu.sem_alloc : memref<!tpu.dma_semaphore, #tpu.memory_space<semaphore_mem>>
        %dma_start3A = arith.constant 0 : i32
        %dma_start3A_204 = tpu.memref_slice %arg7[%scan3A_195, %dma_start3A] : memref<16x1280xf32, #tpu.memory_space<vmem>> -> memref<1x1280xf32, #tpu.memory_space<vmem>>
        %dma_start3A_205 = tpu.memref_squeeze %dma_start3A_204 : memref<1x1280xf32, #tpu.memory_space<vmem>> -> memref<1280xf32, #tpu.memory_space<vmem>>
        %dma_start3A_206 = tpu.memref_slice %arg8[%mul3A_202] : memref<1638416xf32, #tpu.memory_space<vmem_shared>> -> memref<1280xf32, #tpu.memory_space<vmem_shared>>
        %dma_start3A_207 = arith.constant 0 : i32
        %dma_start3A_208 = tpu.memref_slice %arg7[%scan3A_195, %dma_start3A_207] : memref<16x1280xf32, #tpu.memory_space<vmem>> -> memref<1x1280xf32, #tpu.memory_space<vmem>>
        %dma_start3A_209 = tpu.memref_squeeze %dma_start3A_208 : memref<1x1280xf32, #tpu.memory_space<vmem>> -> memref<1280xf32, #tpu.memory_space<vmem>>
        %dma_start3A_210 = tpu.memref_slice %arg8[%mul3A_202] : memref<1638416xf32, #tpu.memory_space<vmem_shared>> -> memref<1280xf32, #tpu.memory_space<vmem_shared>>
        tpu.enqueue_dma source(%dma_start3A_210 : memref<1280xf32, #tpu.memory_space<vmem_shared>>) target(%dma_start3A_209 : memref<1280xf32, #tpu.memory_space<vmem>>) target_semaphore(%run_scoped3A_203 : memref<!tpu.dma_semaphore, #tpu.memory_space<semaphore_mem>>)
        %dma_wait3A = arith.constant 0 : i32
        %dma_wait3A_211 = tpu.memref_slice %arg7[%scan3A_195, %dma_wait3A] : memref<16x1280xf32, #tpu.memory_space<vmem>> -> memref<1x1280xf32, #tpu.memory_space<vmem>>
        %dma_wait3A_212 = tpu.memref_squeeze %dma_wait3A_211 : memref<1x1280xf32, #tpu.memory_space<vmem>> -> memref<1280xf32, #tpu.memory_space<vmem>>
        %dma_wait3A_213 = tpu.memref_slice %arg8[%mul3A_202] : memref<1638416xf32, #tpu.memory_space<vmem_shared>> -> memref<1280xf32, #tpu.memory_space<vmem_shared>>
        %dma_wait3A_214 = arith.constant 0 : i32
        %dma_wait3A_215 = tpu.memref_slice %arg7[%scan3A_195, %dma_wait3A_214] : memref<16x1280xf32, #tpu.memory_space<vmem>> -> memref<1x1280xf32, #tpu.memory_space<vmem>>
        %dma_wait3A_216 = tpu.memref_squeeze %dma_wait3A_215 : memref<1x1280xf32, #tpu.memory_space<vmem>> -> memref<1280xf32, #tpu.memory_space<vmem>>
        %dma_wait3A_217 = tpu.memref_slice %arg8[%mul3A_202] : memref<1638416xf32, #tpu.memory_space<vmem_shared>> -> memref<1280xf32, #tpu.memory_space<vmem_shared>>
        tpu.wait_dma2 semaphore(%run_scoped3A_203 : memref<!tpu.dma_semaphore, #tpu.memory_space<semaphore_mem>>) src(%dma_wait3A_217 : memref<1280xf32, #tpu.memory_space<vmem_shared>>) dst(%dma_wait3A_216 : memref<1280xf32, #tpu.memory_space<vmem>>)
        tpu.yield
      }) : () -> ()
    }
    %scan3A_150 = arith.constant 16 : i32
    %mul3A_151 = arith.constant 80 : i32
    %mul3A_152 = arith.muli %arg1, %mul3A_151 : i32
    %add3A_153 = arith.constant 0 : i32
    %add3A_154 = arith.addi %mul3A_152, %add3A_153 : i32
    "tpu.region"() ({
      %run_scoped3A_195 = tpu.sem_alloc : memref<!tpu.dma_semaphore, #tpu.memory_space<semaphore_mem>>
      %dma_start3A = arith.constant 0 : i32
      %dma_start3A_196 = arith.constant 0 : i32
      %dma_start3A_197 = tpu.memref_slice %arg4[%add3A_130, %dma_start3A, %dma_start3A_196] : memref<4x1280x1280xf32, #tpu.memory_space<hbm>> -> memref<1x1280x1280xf32, #tpu.memory_space<hbm>>
      %dma_start3A_198 = tpu.memref_squeeze %dma_start3A_197 : memref<1x1280x1280xf32, #tpu.memory_space<hbm>> -> memref<1280x1280xf32, #tpu.memory_space<hbm>>
      %dma_start3A_199 = arith.constant 0 : i32
      %dma_start3A_200 = tpu.memref_slice %dma_start3A_198[%add3A_154, %dma_start3A_199] : memref<1280x1280xf32, #tpu.memory_space<hbm>> -> memref<16x1280xf32, #tpu.memory_space<hbm>>
      %dma_start3A_201 = arith.constant 0 : i32
      %dma_start3A_202 = arith.constant 0 : i32
      %dma_start3A_203 = tpu.memref_slice %arg4[%add3A_130, %dma_start3A_201, %dma_start3A_202] : memref<4x1280x1280xf32, #tpu.memory_space<hbm>> -> memref<1x1280x1280xf32, #tpu.memory_space<hbm>>
      %dma_start3A_204 = tpu.memref_squeeze %dma_start3A_203 : memref<1x1280x1280xf32, #tpu.memory_space<hbm>> -> memref<1280x1280xf32, #tpu.memory_space<hbm>>
      %dma_start3A_205 = arith.constant 0 : i32
      %dma_start3A_206 = tpu.memref_slice %dma_start3A_204[%add3A_154, %dma_start3A_205] : memref<1280x1280xf32, #tpu.memory_space<hbm>> -> memref<16x1280xf32, #tpu.memory_space<hbm>>
      tpu.enqueue_dma source(%arg7 : memref<16x1280xf32, #tpu.memory_space<vmem>>) target(%dma_start3A_206 : memref<16x1280xf32, #tpu.memory_space<hbm>>) target_semaphore(%run_scoped3A_195 : memref<!tpu.dma_semaphore, #tpu.memory_space<semaphore_mem>>)
      %dma_wait3A = arith.constant 0 : i32
      %dma_wait3A_207 = arith.constant 0 : i32
      %dma_wait3A_208 = tpu.memref_slice %arg4[%add3A_130, %dma_wait3A, %dma_wait3A_207] : memref<4x1280x1280xf32, #tpu.memory_space<hbm>> -> memref<1x1280x1280xf32, #tpu.memory_space<hbm>>
      %dma_wait3A_209 = tpu.memref_squeeze %dma_wait3A_208 : memref<1x1280x1280xf32, #tpu.memory_space<hbm>> -> memref<1280x1280xf32, #tpu.memory_space<hbm>>
      %dma_wait3A_210 = arith.constant 0 : i32
      %dma_wait3A_211 = tpu.memref_slice %dma_wait3A_209[%add3A_154, %dma_wait3A_210] : memref<1280x1280xf32, #tpu.memory_space<hbm>> -> memref<16x1280xf32, #tpu.memory_space<hbm>>
      %dma_wait3A_212 = arith.constant 0 : i32
      %dma_wait3A_213 = arith.constant 0 : i32
      %dma_wait3A_214 = tpu.memref_slice %arg4[%add3A_130, %dma_wait3A_212, %dma_wait3A_213] : memref<4x1280x1280xf32, #tpu.memory_space<hbm>> -> memref<1x1280x1280xf32, #tpu.memory_space<hbm>>
      %dma_wait3A_215 = tpu.memref_squeeze %dma_wait3A_214 : memref<1x1280x1280xf32, #tpu.memory_space<hbm>> -> memref<1280x1280xf32, #tpu.memory_space<hbm>>
      %dma_wait3A_216 = arith.constant 0 : i32
      %dma_wait3A_217 = tpu.memref_slice %dma_wait3A_215[%add3A_154, %dma_wait3A_216] : memref<1280x1280xf32, #tpu.memory_space<hbm>> -> memref<16x1280xf32, #tpu.memory_space<hbm>>
      tpu.wait_dma2 semaphore(%run_scoped3A_195 : memref<!tpu.dma_semaphore, #tpu.memory_space<semaphore_mem>>) src(%arg7 : memref<16x1280xf32, #tpu.memory_space<vmem>>) dst(%dma_wait3A_217 : memref<16x1280xf32, #tpu.memory_space<hbm>>)
      tpu.yield
    }) : () -> ()
    %scan3A_155 = arith.constant 0 : i32
    %scan3A_156 = arith.constant 0 : i32
    %scan3A_157 = arith.constant 16 : i32
    %scan3A_158 = arith.addi %scan3A_156, %scan3A_157 : i32
    %scan3A_159 = arith.constant 1 : i32
    scf.for %scan3A_195 = %scan3A_156 to %scan3A_158 step %scan3A_159  : i32 {
      %mul3A_196 = arith.constant 80 : i32
      %mul3A_197 = arith.muli %arg1, %mul3A_196 : i32
      %add3A_198 = arith.constant 16 : i32
      %add3A_199 = arith.addi %mul3A_197, %add3A_198 : i32
      %add3A_200 = arith.addi %add3A_199, %scan3A_195 : i32
      %mul3A_201 = arith.constant 1280 : i32
      %mul3A_202 = arith.muli %add3A_200, %mul3A_201 : i32
      "tpu.region"() ({
        %run_scoped3A_203 = tpu.sem_alloc : memref<!tpu.dma_semaphore, #tpu.memory_space<semaphore_mem>>
        %dma_start3A = arith.constant 0 : i32
        %dma_start3A_204 = tpu.memref_slice %arg7[%scan3A_195, %dma_start3A] : memref<16x1280xf32, #tpu.memory_space<vmem>> -> memref<1x1280xf32, #tpu.memory_space<vmem>>
        %dma_start3A_205 = tpu.memref_squeeze %dma_start3A_204 : memref<1x1280xf32, #tpu.memory_space<vmem>> -> memref<1280xf32, #tpu.memory_space<vmem>>
        %dma_start3A_206 = tpu.memref_slice %arg8[%mul3A_202] : memref<1638416xf32, #tpu.memory_space<vmem_shared>> -> memref<1280xf32, #tpu.memory_space<vmem_shared>>
        %dma_start3A_207 = arith.constant 0 : i32
        %dma_start3A_208 = tpu.memref_slice %arg7[%scan3A_195, %dma_start3A_207] : memref<16x1280xf32, #tpu.memory_space<vmem>> -> memref<1x1280xf32, #tpu.memory_space<vmem>>
        %dma_start3A_209 = tpu.memref_squeeze %dma_start3A_208 : memref<1x1280xf32, #tpu.memory_space<vmem>> -> memref<1280xf32, #tpu.memory_space<vmem>>
        %dma_start3A_210 = tpu.memref_slice %arg8[%mul3A_202] : memref<1638416xf32, #tpu.memory_space<vmem_shared>> -> memref<1280xf32, #tpu.memory_space<vmem_shared>>
        tpu.enqueue_dma source(%dma_start3A_210 : memref<1280xf32, #tpu.memory_space<vmem_shared>>) target(%dma_start3A_209 : memref<1280xf32, #tpu.memory_space<vmem>>) target_semaphore(%run_scoped3A_203 : memref<!tpu.dma_semaphore, #tpu.memory_space<semaphore_mem>>)
        %dma_wait3A = arith.constant 0 : i32
        %dma_wait3A_211 = tpu.memref_slice %arg7[%scan3A_195, %dma_wait3A] : memref<16x1280xf32, #tpu.memory_space<vmem>> -> memref<1x1280xf32, #tpu.memory_space<vmem>>
        %dma_wait3A_212 = tpu.memref_squeeze %dma_wait3A_211 : memref<1x1280xf32, #tpu.memory_space<vmem>> -> memref<1280xf32, #tpu.memory_space<vmem>>
        %dma_wait3A_213 = tpu.memref_slice %arg8[%mul3A_202] : memref<1638416xf32, #tpu.memory_space<vmem_shared>> -> memref<1280xf32, #tpu.memory_space<vmem_shared>>
        %dma_wait3A_214 = arith.constant 0 : i32
        %dma_wait3A_215 = tpu.memref_slice %arg7[%scan3A_195, %dma_wait3A_214] : memref<16x1280xf32, #tpu.memory_space<vmem>> -> memref<1x1280xf32, #tpu.memory_space<vmem>>
        %dma_wait3A_216 = tpu.memref_squeeze %dma_wait3A_215 : memref<1x1280xf32, #tpu.memory_space<vmem>> -> memref<1280xf32, #tpu.memory_space<vmem>>
        %dma_wait3A_217 = tpu.memref_slice %arg8[%mul3A_202] : memref<1638416xf32, #tpu.memory_space<vmem_shared>> -> memref<1280xf32, #tpu.memory_space<vmem_shared>>
        tpu.wait_dma2 semaphore(%run_scoped3A_203 : memref<!tpu.dma_semaphore, #tpu.memory_space<semaphore_mem>>) src(%dma_wait3A_217 : memref<1280xf32, #tpu.memory_space<vmem_shared>>) dst(%dma_wait3A_216 : memref<1280xf32, #tpu.memory_space<vmem>>)
        tpu.yield
      }) : () -> ()
    }
    %scan3A_160 = arith.constant 16 : i32
    %mul3A_161 = arith.constant 80 : i32
    %mul3A_162 = arith.muli %arg1, %mul3A_161 : i32
    %add3A_163 = arith.constant 16 : i32
    %add3A_164 = arith.addi %mul3A_162, %add3A_163 : i32
    "tpu.region"() ({
      %run_scoped3A_195 = tpu.sem_alloc : memref<!tpu.dma_semaphore, #tpu.memory_space<semaphore_mem>>
      %dma_start3A = arith.constant 0 : i32
      %dma_start3A_196 = arith.constant 0 : i32
      %dma_start3A_197 = tpu.memref_slice %arg4[%add3A_130, %dma_start3A, %dma_start3A_196] : memref<4x1280x1280xf32, #tpu.memory_space<hbm>> -> memref<1x1280x1280xf32, #tpu.memory_space<hbm>>
      %dma_start3A_198 = tpu.memref_squeeze %dma_start3A_197 : memref<1x1280x1280xf32, #tpu.memory_space<hbm>> -> memref<1280x1280xf32, #tpu.memory_space<hbm>>
      %dma_start3A_199 = arith.constant 0 : i32
      %dma_start3A_200 = tpu.memref_slice %dma_start3A_198[%add3A_164, %dma_start3A_199] : memref<1280x1280xf32, #tpu.memory_space<hbm>> -> memref<16x1280xf32, #tpu.memory_space<hbm>>
      %dma_start3A_201 = arith.constant 0 : i32
      %dma_start3A_202 = arith.constant 0 : i32
      %dma_start3A_203 = tpu.memref_slice %arg4[%add3A_130, %dma_start3A_201, %dma_start3A_202] : memref<4x1280x1280xf32, #tpu.memory_space<hbm>> -> memref<1x1280x1280xf32, #tpu.memory_space<hbm>>
      %dma_start3A_204 = tpu.memref_squeeze %dma_start3A_203 : memref<1x1280x1280xf32, #tpu.memory_space<hbm>> -> memref<1280x1280xf32, #tpu.memory_space<hbm>>
      %dma_start3A_205 = arith.constant 0 : i32
      %dma_start3A_206 = tpu.memref_slice %dma_start3A_204[%add3A_164, %dma_start3A_205] : memref<1280x1280xf32, #tpu.memory_space<hbm>> -> memref<16x1280xf32, #tpu.memory_space<hbm>>
      tpu.enqueue_dma source(%arg7 : memref<16x1280xf32, #tpu.memory_space<vmem>>) target(%dma_start3A_206 : memref<16x1280xf32, #tpu.memory_space<hbm>>) target_semaphore(%run_scoped3A_195 : memref<!tpu.dma_semaphore, #tpu.memory_space<semaphore_mem>>)
      %dma_wait3A = arith.constant 0 : i32
      %dma_wait3A_207 = arith.constant 0 : i32
      %dma_wait3A_208 = tpu.memref_slice %arg4[%add3A_130, %dma_wait3A, %dma_wait3A_207] : memref<4x1280x1280xf32, #tpu.memory_space<hbm>> -> memref<1x1280x1280xf32, #tpu.memory_space<hbm>>
      %dma_wait3A_209 = tpu.memref_squeeze %dma_wait3A_208 : memref<1x1280x1280xf32, #tpu.memory_space<hbm>> -> memref<1280x1280xf32, #tpu.memory_space<hbm>>
      %dma_wait3A_210 = arith.constant 0 : i32
      %dma_wait3A_211 = tpu.memref_slice %dma_wait3A_209[%add3A_164, %dma_wait3A_210] : memref<1280x1280xf32, #tpu.memory_space<hbm>> -> memref<16x1280xf32, #tpu.memory_space<hbm>>
      %dma_wait3A_212 = arith.constant 0 : i32
      %dma_wait3A_213 = arith.constant 0 : i32
      %dma_wait3A_214 = tpu.memref_slice %arg4[%add3A_130, %dma_wait3A_212, %dma_wait3A_213] : memref<4x1280x1280xf32, #tpu.memory_space<hbm>> -> memref<1x1280x1280xf32, #tpu.memory_space<hbm>>
      %dma_wait3A_215 = tpu.memref_squeeze %dma_wait3A_214 : memref<1x1280x1280xf32, #tpu.memory_space<hbm>> -> memref<1280x1280xf32, #tpu.memory_space<hbm>>
      %dma_wait3A_216 = arith.constant 0 : i32
      %dma_wait3A_217 = tpu.memref_slice %dma_wait3A_215[%add3A_164, %dma_wait3A_216] : memref<1280x1280xf32, #tpu.memory_space<hbm>> -> memref<16x1280xf32, #tpu.memory_space<hbm>>
      tpu.wait_dma2 semaphore(%run_scoped3A_195 : memref<!tpu.dma_semaphore, #tpu.memory_space<semaphore_mem>>) src(%arg7 : memref<16x1280xf32, #tpu.memory_space<vmem>>) dst(%dma_wait3A_217 : memref<16x1280xf32, #tpu.memory_space<hbm>>)
      tpu.yield
    }) : () -> ()
    %scan3A_165 = arith.constant 0 : i32
    %scan3A_166 = arith.constant 0 : i32
    %scan3A_167 = arith.constant 16 : i32
    %scan3A_168 = arith.addi %scan3A_166, %scan3A_167 : i32
    %scan3A_169 = arith.constant 1 : i32
    scf.for %scan3A_195 = %scan3A_166 to %scan3A_168 step %scan3A_169  : i32 {
      %mul3A_196 = arith.constant 80 : i32
      %mul3A_197 = arith.muli %arg1, %mul3A_196 : i32
      %add3A_198 = arith.constant 32 : i32
      %add3A_199 = arith.addi %mul3A_197, %add3A_198 : i32
      %add3A_200 = arith.addi %add3A_199, %scan3A_195 : i32
      %mul3A_201 = arith.constant 1280 : i32
      %mul3A_202 = arith.muli %add3A_200, %mul3A_201 : i32
      "tpu.region"() ({
        %run_scoped3A_203 = tpu.sem_alloc : memref<!tpu.dma_semaphore, #tpu.memory_space<semaphore_mem>>
        %dma_start3A = arith.constant 0 : i32
        %dma_start3A_204 = tpu.memref_slice %arg7[%scan3A_195, %dma_start3A] : memref<16x1280xf32, #tpu.memory_space<vmem>> -> memref<1x1280xf32, #tpu.memory_space<vmem>>
        %dma_start3A_205 = tpu.memref_squeeze %dma_start3A_204 : memref<1x1280xf32, #tpu.memory_space<vmem>> -> memref<1280xf32, #tpu.memory_space<vmem>>
        %dma_start3A_206 = tpu.memref_slice %arg8[%mul3A_202] : memref<1638416xf32, #tpu.memory_space<vmem_shared>> -> memref<1280xf32, #tpu.memory_space<vmem_shared>>
        %dma_start3A_207 = arith.constant 0 : i32
        %dma_start3A_208 = tpu.memref_slice %arg7[%scan3A_195, %dma_start3A_207] : memref<16x1280xf32, #tpu.memory_space<vmem>> -> memref<1x1280xf32, #tpu.memory_space<vmem>>
        %dma_start3A_209 = tpu.memref_squeeze %dma_start3A_208 : memref<1x1280xf32, #tpu.memory_space<vmem>> -> memref<1280xf32, #tpu.memory_space<vmem>>
        %dma_start3A_210 = tpu.memref_slice %arg8[%mul3A_202] : memref<1638416xf32, #tpu.memory_space<vmem_shared>> -> memref<1280xf32, #tpu.memory_space<vmem_shared>>
        tpu.enqueue_dma source(%dma_start3A_210 : memref<1280xf32, #tpu.memory_space<vmem_shared>>) target(%dma_start3A_209 : memref<1280xf32, #tpu.memory_space<vmem>>) target_semaphore(%run_scoped3A_203 : memref<!tpu.dma_semaphore, #tpu.memory_space<semaphore_mem>>)
        %dma_wait3A = arith.constant 0 : i32
        %dma_wait3A_211 = tpu.memref_slice %arg7[%scan3A_195, %dma_wait3A] : memref<16x1280xf32, #tpu.memory_space<vmem>> -> memref<1x1280xf32, #tpu.memory_space<vmem>>
        %dma_wait3A_212 = tpu.memref_squeeze %dma_wait3A_211 : memref<1x1280xf32, #tpu.memory_space<vmem>> -> memref<1280xf32, #tpu.memory_space<vmem>>
        %dma_wait3A_213 = tpu.memref_slice %arg8[%mul3A_202] : memref<1638416xf32, #tpu.memory_space<vmem_shared>> -> memref<1280xf32, #tpu.memory_space<vmem_shared>>
        %dma_wait3A_214 = arith.constant 0 : i32
        %dma_wait3A_215 = tpu.memref_slice %arg7[%scan3A_195, %dma_wait3A_214] : memref<16x1280xf32, #tpu.memory_space<vmem>> -> memref<1x1280xf32, #tpu.memory_space<vmem>>
        %dma_wait3A_216 = tpu.memref_squeeze %dma_wait3A_215 : memref<1x1280xf32, #tpu.memory_space<vmem>> -> memref<1280xf32, #tpu.memory_space<vmem>>
        %dma_wait3A_217 = tpu.memref_slice %arg8[%mul3A_202] : memref<1638416xf32, #tpu.memory_space<vmem_shared>> -> memref<1280xf32, #tpu.memory_space<vmem_shared>>
        tpu.wait_dma2 semaphore(%run_scoped3A_203 : memref<!tpu.dma_semaphore, #tpu.memory_space<semaphore_mem>>) src(%dma_wait3A_217 : memref<1280xf32, #tpu.memory_space<vmem_shared>>) dst(%dma_wait3A_216 : memref<1280xf32, #tpu.memory_space<vmem>>)
        tpu.yield
      }) : () -> ()
    }
    %scan3A_170 = arith.constant 16 : i32
    %mul3A_171 = arith.constant 80 : i32
    %mul3A_172 = arith.muli %arg1, %mul3A_171 : i32
    %add3A_173 = arith.constant 32 : i32
    %add3A_174 = arith.addi %mul3A_172, %add3A_173 : i32
    "tpu.region"() ({
      %run_scoped3A_195 = tpu.sem_alloc : memref<!tpu.dma_semaphore, #tpu.memory_space<semaphore_mem>>
      %dma_start3A = arith.constant 0 : i32
      %dma_start3A_196 = arith.constant 0 : i32
      %dma_start3A_197 = tpu.memref_slice %arg4[%add3A_130, %dma_start3A, %dma_start3A_196] : memref<4x1280x1280xf32, #tpu.memory_space<hbm>> -> memref<1x1280x1280xf32, #tpu.memory_space<hbm>>
      %dma_start3A_198 = tpu.memref_squeeze %dma_start3A_197 : memref<1x1280x1280xf32, #tpu.memory_space<hbm>> -> memref<1280x1280xf32, #tpu.memory_space<hbm>>
      %dma_start3A_199 = arith.constant 0 : i32
      %dma_start3A_200 = tpu.memref_slice %dma_start3A_198[%add3A_174, %dma_start3A_199] : memref<1280x1280xf32, #tpu.memory_space<hbm>> -> memref<16x1280xf32, #tpu.memory_space<hbm>>
      %dma_start3A_201 = arith.constant 0 : i32
      %dma_start3A_202 = arith.constant 0 : i32
      %dma_start3A_203 = tpu.memref_slice %arg4[%add3A_130, %dma_start3A_201, %dma_start3A_202] : memref<4x1280x1280xf32, #tpu.memory_space<hbm>> -> memref<1x1280x1280xf32, #tpu.memory_space<hbm>>
      %dma_start3A_204 = tpu.memref_squeeze %dma_start3A_203 : memref<1x1280x1280xf32, #tpu.memory_space<hbm>> -> memref<1280x1280xf32, #tpu.memory_space<hbm>>
      %dma_start3A_205 = arith.constant 0 : i32
      %dma_start3A_206 = tpu.memref_slice %dma_start3A_204[%add3A_174, %dma_start3A_205] : memref<1280x1280xf32, #tpu.memory_space<hbm>> -> memref<16x1280xf32, #tpu.memory_space<hbm>>
      tpu.enqueue_dma source(%arg7 : memref<16x1280xf32, #tpu.memory_space<vmem>>) target(%dma_start3A_206 : memref<16x1280xf32, #tpu.memory_space<hbm>>) target_semaphore(%run_scoped3A_195 : memref<!tpu.dma_semaphore, #tpu.memory_space<semaphore_mem>>)
      %dma_wait3A = arith.constant 0 : i32
      %dma_wait3A_207 = arith.constant 0 : i32
      %dma_wait3A_208 = tpu.memref_slice %arg4[%add3A_130, %dma_wait3A, %dma_wait3A_207] : memref<4x1280x1280xf32, #tpu.memory_space<hbm>> -> memref<1x1280x1280xf32, #tpu.memory_space<hbm>>
      %dma_wait3A_209 = tpu.memref_squeeze %dma_wait3A_208 : memref<1x1280x1280xf32, #tpu.memory_space<hbm>> -> memref<1280x1280xf32, #tpu.memory_space<hbm>>
      %dma_wait3A_210 = arith.constant 0 : i32
      %dma_wait3A_211 = tpu.memref_slice %dma_wait3A_209[%add3A_174, %dma_wait3A_210] : memref<1280x1280xf32, #tpu.memory_space<hbm>> -> memref<16x1280xf32, #tpu.memory_space<hbm>>
      %dma_wait3A_212 = arith.constant 0 : i32
      %dma_wait3A_213 = arith.constant 0 : i32
      %dma_wait3A_214 = tpu.memref_slice %arg4[%add3A_130, %dma_wait3A_212, %dma_wait3A_213] : memref<4x1280x1280xf32, #tpu.memory_space<hbm>> -> memref<1x1280x1280xf32, #tpu.memory_space<hbm>>
      %dma_wait3A_215 = tpu.memref_squeeze %dma_wait3A_214 : memref<1x1280x1280xf32, #tpu.memory_space<hbm>> -> memref<1280x1280xf32, #tpu.memory_space<hbm>>
      %dma_wait3A_216 = arith.constant 0 : i32
      %dma_wait3A_217 = tpu.memref_slice %dma_wait3A_215[%add3A_174, %dma_wait3A_216] : memref<1280x1280xf32, #tpu.memory_space<hbm>> -> memref<16x1280xf32, #tpu.memory_space<hbm>>
      tpu.wait_dma2 semaphore(%run_scoped3A_195 : memref<!tpu.dma_semaphore, #tpu.memory_space<semaphore_mem>>) src(%arg7 : memref<16x1280xf32, #tpu.memory_space<vmem>>) dst(%dma_wait3A_217 : memref<16x1280xf32, #tpu.memory_space<hbm>>)
      tpu.yield
    }) : () -> ()
    %scan3A_175 = arith.constant 0 : i32
    %scan3A_176 = arith.constant 0 : i32
    %scan3A_177 = arith.constant 16 : i32
    %scan3A_178 = arith.addi %scan3A_176, %scan3A_177 : i32
    %scan3A_179 = arith.constant 1 : i32
    scf.for %scan3A_195 = %scan3A_176 to %scan3A_178 step %scan3A_179  : i32 {
      %mul3A_196 = arith.constant 80 : i32
      %mul3A_197 = arith.muli %arg1, %mul3A_196 : i32
      %add3A_198 = arith.constant 48 : i32
      %add3A_199 = arith.addi %mul3A_197, %add3A_198 : i32
      %add3A_200 = arith.addi %add3A_199, %scan3A_195 : i32
      %mul3A_201 = arith.constant 1280 : i32
      %mul3A_202 = arith.muli %add3A_200, %mul3A_201 : i32
      "tpu.region"() ({
        %run_scoped3A_203 = tpu.sem_alloc : memref<!tpu.dma_semaphore, #tpu.memory_space<semaphore_mem>>
        %dma_start3A = arith.constant 0 : i32
        %dma_start3A_204 = tpu.memref_slice %arg7[%scan3A_195, %dma_start3A] : memref<16x1280xf32, #tpu.memory_space<vmem>> -> memref<1x1280xf32, #tpu.memory_space<vmem>>
        %dma_start3A_205 = tpu.memref_squeeze %dma_start3A_204 : memref<1x1280xf32, #tpu.memory_space<vmem>> -> memref<1280xf32, #tpu.memory_space<vmem>>
        %dma_start3A_206 = tpu.memref_slice %arg8[%mul3A_202] : memref<1638416xf32, #tpu.memory_space<vmem_shared>> -> memref<1280xf32, #tpu.memory_space<vmem_shared>>
        %dma_start3A_207 = arith.constant 0 : i32
        %dma_start3A_208 = tpu.memref_slice %arg7[%scan3A_195, %dma_start3A_207] : memref<16x1280xf32, #tpu.memory_space<vmem>> -> memref<1x1280xf32, #tpu.memory_space<vmem>>
        %dma_start3A_209 = tpu.memref_squeeze %dma_start3A_208 : memref<1x1280xf32, #tpu.memory_space<vmem>> -> memref<1280xf32, #tpu.memory_space<vmem>>
        %dma_start3A_210 = tpu.memref_slice %arg8[%mul3A_202] : memref<1638416xf32, #tpu.memory_space<vmem_shared>> -> memref<1280xf32, #tpu.memory_space<vmem_shared>>
        tpu.enqueue_dma source(%dma_start3A_210 : memref<1280xf32, #tpu.memory_space<vmem_shared>>) target(%dma_start3A_209 : memref<1280xf32, #tpu.memory_space<vmem>>) target_semaphore(%run_scoped3A_203 : memref<!tpu.dma_semaphore, #tpu.memory_space<semaphore_mem>>)
        %dma_wait3A = arith.constant 0 : i32
        %dma_wait3A_211 = tpu.memref_slice %arg7[%scan3A_195, %dma_wait3A] : memref<16x1280xf32, #tpu.memory_space<vmem>> -> memref<1x1280xf32, #tpu.memory_space<vmem>>
        %dma_wait3A_212 = tpu.memref_squeeze %dma_wait3A_211 : memref<1x1280xf32, #tpu.memory_space<vmem>> -> memref<1280xf32, #tpu.memory_space<vmem>>
        %dma_wait3A_213 = tpu.memref_slice %arg8[%mul3A_202] : memref<1638416xf32, #tpu.memory_space<vmem_shared>> -> memref<1280xf32, #tpu.memory_space<vmem_shared>>
        %dma_wait3A_214 = arith.constant 0 : i32
        %dma_wait3A_215 = tpu.memref_slice %arg7[%scan3A_195, %dma_wait3A_214] : memref<16x1280xf32, #tpu.memory_space<vmem>> -> memref<1x1280xf32, #tpu.memory_space<vmem>>
        %dma_wait3A_216 = tpu.memref_squeeze %dma_wait3A_215 : memref<1x1280xf32, #tpu.memory_space<vmem>> -> memref<1280xf32, #tpu.memory_space<vmem>>
        %dma_wait3A_217 = tpu.memref_slice %arg8[%mul3A_202] : memref<1638416xf32, #tpu.memory_space<vmem_shared>> -> memref<1280xf32, #tpu.memory_space<vmem_shared>>
        tpu.wait_dma2 semaphore(%run_scoped3A_203 : memref<!tpu.dma_semaphore, #tpu.memory_space<semaphore_mem>>) src(%dma_wait3A_217 : memref<1280xf32, #tpu.memory_space<vmem_shared>>) dst(%dma_wait3A_216 : memref<1280xf32, #tpu.memory_space<vmem>>)
        tpu.yield
      }) : () -> ()
    }
    %scan3A_180 = arith.constant 16 : i32
    %mul3A_181 = arith.constant 80 : i32
    %mul3A_182 = arith.muli %arg1, %mul3A_181 : i32
    %add3A_183 = arith.constant 48 : i32
    %add3A_184 = arith.addi %mul3A_182, %add3A_183 : i32
    "tpu.region"() ({
      %run_scoped3A_195 = tpu.sem_alloc : memref<!tpu.dma_semaphore, #tpu.memory_space<semaphore_mem>>
      %dma_start3A = arith.constant 0 : i32
      %dma_start3A_196 = arith.constant 0 : i32
      %dma_start3A_197 = tpu.memref_slice %arg4[%add3A_130, %dma_start3A, %dma_start3A_196] : memref<4x1280x1280xf32, #tpu.memory_space<hbm>> -> memref<1x1280x1280xf32, #tpu.memory_space<hbm>>
      %dma_start3A_198 = tpu.memref_squeeze %dma_start3A_197 : memref<1x1280x1280xf32, #tpu.memory_space<hbm>> -> memref<1280x1280xf32, #tpu.memory_space<hbm>>
      %dma_start3A_199 = arith.constant 0 : i32
      %dma_start3A_200 = tpu.memref_slice %dma_start3A_198[%add3A_184, %dma_start3A_199] : memref<1280x1280xf32, #tpu.memory_space<hbm>> -> memref<16x1280xf32, #tpu.memory_space<hbm>>
      %dma_start3A_201 = arith.constant 0 : i32
      %dma_start3A_202 = arith.constant 0 : i32
      %dma_start3A_203 = tpu.memref_slice %arg4[%add3A_130, %dma_start3A_201, %dma_start3A_202] : memref<4x1280x1280xf32, #tpu.memory_space<hbm>> -> memref<1x1280x1280xf32, #tpu.memory_space<hbm>>
      %dma_start3A_204 = tpu.memref_squeeze %dma_start3A_203 : memref<1x1280x1280xf32, #tpu.memory_space<hbm>> -> memref<1280x1280xf32, #tpu.memory_space<hbm>>
      %dma_start3A_205 = arith.constant 0 : i32
      %dma_start3A_206 = tpu.memref_slice %dma_start3A_204[%add3A_184, %dma_start3A_205] : memref<1280x1280xf32, #tpu.memory_space<hbm>> -> memref<16x1280xf32, #tpu.memory_space<hbm>>
      tpu.enqueue_dma source(%arg7 : memref<16x1280xf32, #tpu.memory_space<vmem>>) target(%dma_start3A_206 : memref<16x1280xf32, #tpu.memory_space<hbm>>) target_semaphore(%run_scoped3A_195 : memref<!tpu.dma_semaphore, #tpu.memory_space<semaphore_mem>>)
      %dma_wait3A = arith.constant 0 : i32
      %dma_wait3A_207 = arith.constant 0 : i32
      %dma_wait3A_208 = tpu.memref_slice %arg4[%add3A_130, %dma_wait3A, %dma_wait3A_207] : memref<4x1280x1280xf32, #tpu.memory_space<hbm>> -> memref<1x1280x1280xf32, #tpu.memory_space<hbm>>
      %dma_wait3A_209 = tpu.memref_squeeze %dma_wait3A_208 : memref<1x1280x1280xf32, #tpu.memory_space<hbm>> -> memref<1280x1280xf32, #tpu.memory_space<hbm>>
      %dma_wait3A_210 = arith.constant 0 : i32
      %dma_wait3A_211 = tpu.memref_slice %dma_wait3A_209[%add3A_184, %dma_wait3A_210] : memref<1280x1280xf32, #tpu.memory_space<hbm>> -> memref<16x1280xf32, #tpu.memory_space<hbm>>
      %dma_wait3A_212 = arith.constant 0 : i32
      %dma_wait3A_213 = arith.constant 0 : i32
      %dma_wait3A_214 = tpu.memref_slice %arg4[%add3A_130, %dma_wait3A_212, %dma_wait3A_213] : memref<4x1280x1280xf32, #tpu.memory_space<hbm>> -> memref<1x1280x1280xf32, #tpu.memory_space<hbm>>
      %dma_wait3A_215 = tpu.memref_squeeze %dma_wait3A_214 : memref<1x1280x1280xf32, #tpu.memory_space<hbm>> -> memref<1280x1280xf32, #tpu.memory_space<hbm>>
      %dma_wait3A_216 = arith.constant 0 : i32
      %dma_wait3A_217 = tpu.memref_slice %dma_wait3A_215[%add3A_184, %dma_wait3A_216] : memref<1280x1280xf32, #tpu.memory_space<hbm>> -> memref<16x1280xf32, #tpu.memory_space<hbm>>
      tpu.wait_dma2 semaphore(%run_scoped3A_195 : memref<!tpu.dma_semaphore, #tpu.memory_space<semaphore_mem>>) src(%arg7 : memref<16x1280xf32, #tpu.memory_space<vmem>>) dst(%dma_wait3A_217 : memref<16x1280xf32, #tpu.memory_space<hbm>>)
      tpu.yield
    }) : () -> ()
    %scan3A_185 = arith.constant 0 : i32
    %scan3A_186 = arith.constant 0 : i32
    %scan3A_187 = arith.constant 16 : i32
    %scan3A_188 = arith.addi %scan3A_186, %scan3A_187 : i32
    %scan3A_189 = arith.constant 1 : i32
    scf.for %scan3A_195 = %scan3A_186 to %scan3A_188 step %scan3A_189  : i32 {
      %mul3A_196 = arith.constant 80 : i32
      %mul3A_197 = arith.muli %arg1, %mul3A_196 : i32
      %add3A_198 = arith.constant 64 : i32
      %add3A_199 = arith.addi %mul3A_197, %add3A_198 : i32
      %add3A_200 = arith.addi %add3A_199, %scan3A_195 : i32
      %mul3A_201 = arith.constant 1280 : i32
      %mul3A_202 = arith.muli %add3A_200, %mul3A_201 : i32
      "tpu.region"() ({
        %run_scoped3A_203 = tpu.sem_alloc : memref<!tpu.dma_semaphore, #tpu.memory_space<semaphore_mem>>
        %dma_start3A = arith.constant 0 : i32
        %dma_start3A_204 = tpu.memref_slice %arg7[%scan3A_195, %dma_start3A] : memref<16x1280xf32, #tpu.memory_space<vmem>> -> memref<1x1280xf32, #tpu.memory_space<vmem>>
        %dma_start3A_205 = tpu.memref_squeeze %dma_start3A_204 : memref<1x1280xf32, #tpu.memory_space<vmem>> -> memref<1280xf32, #tpu.memory_space<vmem>>
        %dma_start3A_206 = tpu.memref_slice %arg8[%mul3A_202] : memref<1638416xf32, #tpu.memory_space<vmem_shared>> -> memref<1280xf32, #tpu.memory_space<vmem_shared>>
        %dma_start3A_207 = arith.constant 0 : i32
        %dma_start3A_208 = tpu.memref_slice %arg7[%scan3A_195, %dma_start3A_207] : memref<16x1280xf32, #tpu.memory_space<vmem>> -> memref<1x1280xf32, #tpu.memory_space<vmem>>
        %dma_start3A_209 = tpu.memref_squeeze %dma_start3A_208 : memref<1x1280xf32, #tpu.memory_space<vmem>> -> memref<1280xf32, #tpu.memory_space<vmem>>
        %dma_start3A_210 = tpu.memref_slice %arg8[%mul3A_202] : memref<1638416xf32, #tpu.memory_space<vmem_shared>> -> memref<1280xf32, #tpu.memory_space<vmem_shared>>
        tpu.enqueue_dma source(%dma_start3A_210 : memref<1280xf32, #tpu.memory_space<vmem_shared>>) target(%dma_start3A_209 : memref<1280xf32, #tpu.memory_space<vmem>>) target_semaphore(%run_scoped3A_203 : memref<!tpu.dma_semaphore, #tpu.memory_space<semaphore_mem>>)
        %dma_wait3A = arith.constant 0 : i32
        %dma_wait3A_211 = tpu.memref_slice %arg7[%scan3A_195, %dma_wait3A] : memref<16x1280xf32, #tpu.memory_space<vmem>> -> memref<1x1280xf32, #tpu.memory_space<vmem>>
        %dma_wait3A_212 = tpu.memref_squeeze %dma_wait3A_211 : memref<1x1280xf32, #tpu.memory_space<vmem>> -> memref<1280xf32, #tpu.memory_space<vmem>>
        %dma_wait3A_213 = tpu.memref_slice %arg8[%mul3A_202] : memref<1638416xf32, #tpu.memory_space<vmem_shared>> -> memref<1280xf32, #tpu.memory_space<vmem_shared>>
        %dma_wait3A_214 = arith.constant 0 : i32
        %dma_wait3A_215 = tpu.memref_slice %arg7[%scan3A_195, %dma_wait3A_214] : memref<16x1280xf32, #tpu.memory_space<vmem>> -> memref<1x1280xf32, #tpu.memory_space<vmem>>
        %dma_wait3A_216 = tpu.memref_squeeze %dma_wait3A_215 : memref<1x1280xf32, #tpu.memory_space<vmem>> -> memref<1280xf32, #tpu.memory_space<vmem>>
        %dma_wait3A_217 = tpu.memref_slice %arg8[%mul3A_202] : memref<1638416xf32, #tpu.memory_space<vmem_shared>> -> memref<1280xf32, #tpu.memory_space<vmem_shared>>
        tpu.wait_dma2 semaphore(%run_scoped3A_203 : memref<!tpu.dma_semaphore, #tpu.memory_space<semaphore_mem>>) src(%dma_wait3A_217 : memref<1280xf32, #tpu.memory_space<vmem_shared>>) dst(%dma_wait3A_216 : memref<1280xf32, #tpu.memory_space<vmem>>)
        tpu.yield
      }) : () -> ()
    }
    %scan3A_190 = arith.constant 16 : i32
    %mul3A_191 = arith.constant 80 : i32
    %mul3A_192 = arith.muli %arg1, %mul3A_191 : i32
    %add3A_193 = arith.constant 64 : i32
    %add3A_194 = arith.addi %mul3A_192, %add3A_193 : i32
    "tpu.region"() ({
      %run_scoped3A_195 = tpu.sem_alloc : memref<!tpu.dma_semaphore, #tpu.memory_space<semaphore_mem>>
      %dma_start3A = arith.constant 0 : i32
      %dma_start3A_196 = arith.constant 0 : i32
      %dma_start3A_197 = tpu.memref_slice %arg4[%add3A_130, %dma_start3A, %dma_start3A_196] : memref<4x1280x1280xf32, #tpu.memory_space<hbm>> -> memref<1x1280x1280xf32, #tpu.memory_space<hbm>>
      %dma_start3A_198 = tpu.memref_squeeze %dma_start3A_197 : memref<1x1280x1280xf32, #tpu.memory_space<hbm>> -> memref<1280x1280xf32, #tpu.memory_space<hbm>>
      %dma_start3A_199 = arith.constant 0 : i32
      %dma_start3A_200 = tpu.memref_slice %dma_start3A_198[%add3A_194, %dma_start3A_199] : memref<1280x1280xf32, #tpu.memory_space<hbm>> -> memref<16x1280xf32, #tpu.memory_space<hbm>>
      %dma_start3A_201 = arith.constant 0 : i32
      %dma_start3A_202 = arith.constant 0 : i32
      %dma_start3A_203 = tpu.memref_slice %arg4[%add3A_130, %dma_start3A_201, %dma_start3A_202] : memref<4x1280x1280xf32, #tpu.memory_space<hbm>> -> memref<1x1280x1280xf32, #tpu.memory_space<hbm>>
      %dma_start3A_204 = tpu.memref_squeeze %dma_start3A_203 : memref<1x1280x1280xf32, #tpu.memory_space<hbm>> -> memref<1280x1280xf32, #tpu.memory_space<hbm>>
      %dma_start3A_205 = arith.constant 0 : i32
      %dma_start3A_206 = tpu.memref_slice %dma_start3A_204[%add3A_194, %dma_start3A_205] : memref<1280x1280xf32, #tpu.memory_space<hbm>> -> memref<16x1280xf32, #tpu.memory_space<hbm>>
      tpu.enqueue_dma source(%arg7 : memref<16x1280xf32, #tpu.memory_space<vmem>>) target(%dma_start3A_206 : memref<16x1280xf32, #tpu.memory_space<hbm>>) target_semaphore(%run_scoped3A_195 : memref<!tpu.dma_semaphore, #tpu.memory_space<semaphore_mem>>)
      %dma_wait3A = arith.constant 0 : i32
      %dma_wait3A_207 = arith.constant 0 : i32
      %dma_wait3A_208 = tpu.memref_slice %arg4[%add3A_130, %dma_wait3A, %dma_wait3A_207] : memref<4x1280x1280xf32, #tpu.memory_space<hbm>> -> memref<1x1280x1280xf32, #tpu.memory_space<hbm>>
      %dma_wait3A_209 = tpu.memref_squeeze %dma_wait3A_208 : memref<1x1280x1280xf32, #tpu.memory_space<hbm>> -> memref<1280x1280xf32, #tpu.memory_space<hbm>>
      %dma_wait3A_210 = arith.constant 0 : i32
      %dma_wait3A_211 = tpu.memref_slice %dma_wait3A_209[%add3A_194, %dma_wait3A_210] : memref<1280x1280xf32, #tpu.memory_space<hbm>> -> memref<16x1280xf32, #tpu.memory_space<hbm>>
      %dma_wait3A_212 = arith.constant 0 : i32
      %dma_wait3A_213 = arith.constant 0 : i32
      %dma_wait3A_214 = tpu.memref_slice %arg4[%add3A_130, %dma_wait3A_212, %dma_wait3A_213] : memref<4x1280x1280xf32, #tpu.memory_space<hbm>> -> memref<1x1280x1280xf32, #tpu.memory_space<hbm>>
      %dma_wait3A_215 = tpu.memref_squeeze %dma_wait3A_214 : memref<1x1280x1280xf32, #tpu.memory_space<hbm>> -> memref<1280x1280xf32, #tpu.memory_space<hbm>>
      %dma_wait3A_216 = arith.constant 0 : i32
      %dma_wait3A_217 = tpu.memref_slice %dma_wait3A_215[%add3A_194, %dma_wait3A_216] : memref<1280x1280xf32, #tpu.memory_space<hbm>> -> memref<16x1280xf32, #tpu.memory_space<hbm>>
      tpu.wait_dma2 semaphore(%run_scoped3A_195 : memref<!tpu.dma_semaphore, #tpu.memory_space<semaphore_mem>>) src(%arg7 : memref<16x1280xf32, #tpu.memory_space<vmem>>) dst(%dma_wait3A_217 : memref<16x1280xf32, #tpu.memory_space<hbm>>)
      tpu.yield
    }) : () -> ()
    return
  }
}

#map = affine_map<(d0, d1) -> (0, 0, 0)>
#map1 = affine_map<(d0, d1) -> (0)>
module attributes {stable_mosaic.version = 14 : i64} {
  func.func @build(%arg0: i32, %arg1: i32, %arg2: memref<128x10x128xi32, #tpu.memory_space<hbm>>, %arg3: memref<102400xf32, #tpu.memory_space<hbm>>, %arg4: memref<4x1280x1280xf32, #tpu.memory_space<hbm>>, %arg5: memref<10x128xi32, #tpu.memory_space<vmem>>, %arg6: memref<128xf32, #tpu.memory_space<vmem>>, %arg7: memref<16x1280xf32, #tpu.memory_space<vmem>>, %arg8: memref<1638416xf32, #tpu.memory_space<vmem_shared>>) attributes {dimension_semantics = [#tpu.dimension_semantics<core_parallel>, #tpu.dimension_semantics<subcore_parallel>], iteration_bounds = array<i64: 2, 16>, scalar_prefetch = 0 : i64, scratch_operands = 4 : i64, tpu.core_type = #tpu.core_type<sc_vector_subcore>, window_params = [{transform_indices = #map}, {transform_indices = #map1}, {transform_indices = #map}]} {
    %broadcast_in_dim3A = arith.constant 1.000000e+00 : f32
    %broadcast_in_dim3A_0 = vector.broadcast %broadcast_in_dim3A : f32 to vector<16xf32>
    %swap3A = arith.constant 0 : index
    %swap3A_1 = tpu.vector_load %arg6[%swap3A] {strides = array<i32>} : memref<128xf32, #tpu.memory_space<vmem>>, vector<16xf32>,
    %swap3A_2 = vector.shape_cast %swap3A_1 : vector<16xf32> to vector<16xf32>
    %swap3A_3 = vector.shape_cast %broadcast_in_dim3A_0 : vector<16xf32> to vector<16xf32>
    tpu.vector_store %arg6[%swap3A], %swap3A_3 {strides = array<i32>} : memref<128xf32, #tpu.memory_space<vmem>>, vector<16xf32>,
    %broadcast_in_dim3A_4 = arith.constant 1.000000e+00 : f32
    %broadcast_in_dim3A_5 = vector.broadcast %broadcast_in_dim3A_4 : f32 to vector<16xf32>
    %swap3A_6 = arith.constant 16 : index
    %swap3A_7 = tpu.vector_load %arg6[%swap3A_6] {strides = array<i32>} : memref<128xf32, #tpu.memory_space<vmem>>, vector<16xf32>,
    %swap3A_8 = vector.shape_cast %swap3A_7 : vector<16xf32> to vector<16xf32>
    %swap3A_9 = vector.shape_cast %broadcast_in_dim3A_5 : vector<16xf32> to vector<16xf32>
    tpu.vector_store %arg6[%swap3A_6], %swap3A_9 {strides = array<i32>} : memref<128xf32, #tpu.memory_space<vmem>>, vector<16xf32>,
    %broadcast_in_dim3A_10 = arith.constant 1.000000e+00 : f32
    %broadcast_in_dim3A_11 = vector.broadcast %broadcast_in_dim3A_10 : f32 to vector<16xf32>
    %swap3A_12 = arith.constant 32 : index
    %swap3A_13 = tpu.vector_load %arg6[%swap3A_12] {strides = array<i32>} : memref<128xf32, #tpu.memory_space<vmem>>, vector<16xf32>,
    %swap3A_14 = vector.shape_cast %swap3A_13 : vector<16xf32> to vector<16xf32>
    %swap3A_15 = vector.shape_cast %broadcast_in_dim3A_11 : vector<16xf32> to vector<16xf32>
    tpu.vector_store %arg6[%swap3A_12], %swap3A_15 {strides = array<i32>} : memref<128xf32, #tpu.memory_space<vmem>>, vector<16xf32>,
    %broadcast_in_dim3A_16 = arith.constant 1.000000e+00 : f32
    %broadcast_in_dim3A_17 = vector.broadcast %broadcast_in_dim3A_16 : f32 to vector<16xf32>
    %swap3A_18 = arith.constant 48 : index
    %swap3A_19 = tpu.vector_load %arg6[%swap3A_18] {strides = array<i32>} : memref<128xf32, #tpu.memory_space<vmem>>, vector<16xf32>,
    %swap3A_20 = vector.shape_cast %swap3A_19 : vector<16xf32> to vector<16xf32>
    %swap3A_21 = vector.shape_cast %broadcast_in_dim3A_17 : vector<16xf32> to vector<16xf32>
    tpu.vector_store %arg6[%swap3A_18], %swap3A_21 {strides = array<i32>} : memref<128xf32, #tpu.memory_space<vmem>>, vector<16xf32>,
    %broadcast_in_dim3A_22 = arith.constant 1.000000e+00 : f32
    %broadcast_in_dim3A_23 = vector.broadcast %broadcast_in_dim3A_22 : f32 to vector<16xf32>
    %swap3A_24 = arith.constant 64 : index
    %swap3A_25 = tpu.vector_load %arg6[%swap3A_24] {strides = array<i32>} : memref<128xf32, #tpu.memory_space<vmem>>, vector<16xf32>,
    %swap3A_26 = vector.shape_cast %swap3A_25 : vector<16xf32> to vector<16xf32>
    %swap3A_27 = vector.shape_cast %broadcast_in_dim3A_23 : vector<16xf32> to vector<16xf32>
    tpu.vector_store %arg6[%swap3A_24], %swap3A_27 {strides = array<i32>} : memref<128xf32, #tpu.memory_space<vmem>>, vector<16xf32>,
    %broadcast_in_dim3A_28 = arith.constant 1.000000e+00 : f32
    %broadcast_in_dim3A_29 = vector.broadcast %broadcast_in_dim3A_28 : f32 to vector<16xf32>
    %swap3A_30 = arith.constant 80 : index
    %swap3A_31 = tpu.vector_load %arg6[%swap3A_30] {strides = array<i32>} : memref<128xf32, #tpu.memory_space<vmem>>, vector<16xf32>,
    %swap3A_32 = vector.shape_cast %swap3A_31 : vector<16xf32> to vector<16xf32>
    %swap3A_33 = vector.shape_cast %broadcast_in_dim3A_29 : vector<16xf32> to vector<16xf32>
    tpu.vector_store %arg6[%swap3A_30], %swap3A_33 {strides = array<i32>} : memref<128xf32, #tpu.memory_space<vmem>>, vector<16xf32>,
    %broadcast_in_dim3A_34 = arith.constant 1.000000e+00 : f32
    %broadcast_in_dim3A_35 = vector.broadcast %broadcast_in_dim3A_34 : f32 to vector<16xf32>
    %swap3A_36 = arith.constant 96 : index
    %swap3A_37 = tpu.vector_load %arg6[%swap3A_36] {strides = array<i32>} : memref<128xf32, #tpu.memory_space<vmem>>, vector<16xf32>,
    %swap3A_38 = vector.shape_cast %swap3A_37 : vector<16xf32> to vector<16xf32>
    %swap3A_39 = vector.shape_cast %broadcast_in_dim3A_35 : vector<16xf32> to vector<16xf32>
    tpu.vector_store %arg6[%swap3A_36], %swap3A_39 {strides = array<i32>} : memref<128xf32, #tpu.memory_space<vmem>>, vector<16xf32>,
    %broadcast_in_dim3A_40 = arith.constant 1.000000e+00 : f32
    %broadcast_in_dim3A_41 = vector.broadcast %broadcast_in_dim3A_40 : f32 to vector<16xf32>
    %swap3A_42 = arith.constant 112 : index
    %swap3A_43 = tpu.vector_load %arg6[%swap3A_42] {strides = array<i32>} : memref<128xf32, #tpu.memory_space<vmem>>, vector<16xf32>,
    %swap3A_44 = vector.shape_cast %swap3A_43 : vector<16xf32> to vector<16xf32>
    %swap3A_45 = vector.shape_cast %broadcast_in_dim3A_41 : vector<16xf32> to vector<16xf32>
    tpu.vector_store %arg6[%swap3A_42], %swap3A_45 {strides = array<i32>} : memref<128xf32, #tpu.memory_space<vmem>>, vector<16xf32>,
    %mul3A = arith.constant 102400 : i32
    %mul3A_46 = arith.muli %arg1, %mul3A : i32
    "tpu.region"() ({
      %run_scoped3A_195 = tpu.sem_alloc : memref<!tpu.dma_semaphore, #tpu.memory_space<semaphore_mem>>
      %dma_start3A = tpu.memref_slice %arg8[%mul3A_46] : memref<1638416xf32, #tpu.memory_space<vmem_shared>> -> memref<102400xf32, #tpu.memory_space<vmem_shared>>
      tpu.enqueue_dma source(%arg3 : memref<102400xf32, #tpu.memory_space<hbm>>) target(%dma_start3A : memref<102400xf32, #tpu.memory_space<vmem_shared>>) target_semaphore(%run_scoped3A_195 : memref<!tpu.dma_semaphore, #tpu.memory_space<semaphore_mem>>)
      %dma_wait3A = tpu.memref_slice %arg8[%mul3A_46] : memref<1638416xf32, #tpu.memory_space<vmem_shared>> -> memref<102400xf32, #tpu.memory_space<vmem_shared>>
      tpu.wait_dma2 semaphore(%run_scoped3A_195 : memref<!tpu.dma_semaphore, #tpu.memory_space<semaphore_mem>>) src(%arg3 : memref<102400xf32, #tpu.memory_space<hbm>>) dst(%dma_wait3A : memref<102400xf32, #tpu.memory_space<vmem_shared>>)
      tpu.yield
    }) : () -> ()
    %barrier3A = arith.constant 0 : index
    tpu.barrier barrier_id(%barrier3A)
    %mul3A_47 = arith.constant 2 : i32
    %mul3A_48 = arith.muli %arg0, %mul3A_47 : i32
    %add3A = arith.constant 4 : i32
    %add3A_49 = arith.addi %add3A, %mul3A_48 : i32
    %add3A_50 = arith.constant 0 : i32
    %add3A_51 = arith.addi %add3A_49, %add3A_50 : i32
    %mul3A_52 = arith.constant 2 : i32
    %mul3A_53 = arith.muli %arg0, %mul3A_52 : i32
    %add3A_54 = arith.constant 0 : i32
    %add3A_55 = arith.addi %mul3A_53, %add3A_54 : i32
    %mul3A_56 = arith.constant 16 : i32
    %mul3A_57 = arith.muli %add3A_51, %mul3A_56 : i32
    %add3A_58 = arith.addi %mul3A_57, %arg1 : i32
    "tpu.region"() ({
      %run_scoped3A_195 = tpu.sem_alloc : memref<!tpu.dma_semaphore, #tpu.memory_space<semaphore_mem>>
      %dma_start3A = arith.constant 0 : i32
      %dma_start3A_196 = arith.constant 0 : i32
      %dma_start3A_197 = tpu.memref_slice %arg2[%add3A_58, %dma_start3A, %dma_start3A_196] : memref<128x10x128xi32, #tpu.memory_space<hbm>> -> memref<1x10x128xi32, #tpu.memory_space<hbm>>
      %dma_start3A_198 = tpu.memref_squeeze %dma_start3A_197 : memref<1x10x128xi32, #tpu.memory_space<hbm>> -> memref<10x128xi32, #tpu.memory_space<hbm>>
      %dma_start3A_199 = arith.constant 0 : i32
      %dma_start3A_200 = arith.constant 0 : i32
      %dma_start3A_201 = tpu.memref_slice %arg2[%add3A_58, %dma_start3A_199, %dma_start3A_200] : memref<128x10x128xi32, #tpu.memory_space<hbm>> -> memref<1x10x128xi32, #tpu.memory_space<hbm>>
      %dma_start3A_202 = tpu.memref_squeeze %dma_start3A_201 : memref<1x10x128xi32, #tpu.memory_space<hbm>> -> memref<10x128xi32, #tpu.memory_space<hbm>>
      tpu.enqueue_dma source(%dma_start3A_202 : memref<10x128xi32, #tpu.memory_space<hbm>>) target(%arg5 : memref<10x128xi32, #tpu.memory_space<vmem>>) target_semaphore(%run_scoped3A_195 : memref<!tpu.dma_semaphore, #tpu.memory_space<semaphore_mem>>)
      %dma_wait3A = arith.constant 0 : i32
      %dma_wait3A_203 = arith.constant 0 : i32
      %dma_wait3A_204 = tpu.memref_slice %arg2[%add3A_58, %dma_wait3A, %dma_wait3A_203] : memref<128x10x128xi32, #tpu.memory_space<hbm>> -> memref<1x10x128xi32, #tpu.memory_space<hbm>>
      %dma_wait3A_205 = tpu.memref_squeeze %dma_wait3A_204 : memref<1x10x128xi32, #tpu.memory_space<hbm>> -> memref<10x128xi32, #tpu.memory_space<hbm>>
      %dma_wait3A_206 = arith.constant 0 : i32
      %dma_wait3A_207 = arith.constant 0 : i32
      %dma_wait3A_208 = tpu.memref_slice %arg2[%add3A_58, %dma_wait3A_206, %dma_wait3A_207] : memref<128x10x128xi32, #tpu.memory_space<hbm>> -> memref<1x10x128xi32, #tpu.memory_space<hbm>>
      %dma_wait3A_209 = tpu.memref_squeeze %dma_wait3A_208 : memref<1x10x128xi32, #tpu.memory_space<hbm>> -> memref<10x128xi32, #tpu.memory_space<hbm>>
      tpu.wait_dma2 semaphore(%run_scoped3A_195 : memref<!tpu.dma_semaphore, #tpu.memory_space<semaphore_mem>>) src(%dma_wait3A_209 : memref<10x128xi32, #tpu.memory_space<hbm>>) dst(%arg5 : memref<10x128xi32, #tpu.memory_space<vmem>>)
      tpu.yield
    }) : () -> ()
    %run_scoped3A = arith.constant 0 : i32
    "tpu.region"() ({
      %run_scoped3A_195 = tpu.sem_alloc : memref<!tpu.dma_semaphore, #tpu.memory_space<semaphore_mem>>
      %dma_start3A = arith.constant 0 : i32
      %dma_start3A_196 = tpu.memref_slice %arg5[%run_scoped3A, %dma_start3A] : memref<10x128xi32, #tpu.memory_space<vmem>> -> memref<1x128xi32, #tpu.memory_space<vmem>>
      %dma_start3A_197 = tpu.memref_squeeze %dma_start3A_196 : memref<1x128xi32, #tpu.memory_space<vmem>> -> memref<128xi32, #tpu.memory_space<vmem>>
      %dma_start3A_198 = arith.constant 0 : i32
      %dma_start3A_199 = tpu.memref_slice %arg8[%dma_start3A_198] : memref<1638416xf32, #tpu.memory_space<vmem_shared>> -> memref<1638416xf32, #tpu.memory_space<vmem_shared>>
      tpu.enqueue_indirect_dma source(%arg6 : memref<128xf32, #tpu.memory_space<vmem>>) target(%dma_start3A_199 : memref<1638416xf32, #tpu.memory_space<vmem_shared>>) offsets(%dma_start3A_197 : memref<128xi32, #tpu.memory_space<vmem>>) semaphore(%run_scoped3A_195 : memref<!tpu.dma_semaphore, #tpu.memory_space<semaphore_mem>>) {add = true}
      %dma_wait3A = arith.constant 0 : i32
      %dma_wait3A_200 = tpu.memref_slice %arg5[%run_scoped3A, %dma_wait3A] : memref<10x128xi32, #tpu.memory_space<vmem>> -> memref<1x128xi32, #tpu.memory_space<vmem>>
      %dma_wait3A_201 = tpu.memref_squeeze %dma_wait3A_200 : memref<1x128xi32, #tpu.memory_space<vmem>> -> memref<128xi32, #tpu.memory_space<vmem>>
      %dma_wait3A_202 = arith.constant 0 : i32
      %dma_wait3A_203 = tpu.memref_slice %arg8[%dma_wait3A_202] : memref<1638416xf32, #tpu.memory_space<vmem_shared>> -> memref<1638416xf32, #tpu.memory_space<vmem_shared>>
      tpu.wait_indirect_dma semaphore(%run_scoped3A_195 : memref<!tpu.dma_semaphore, #tpu.memory_space<semaphore_mem>>) src(%arg6 : memref<128xf32, #tpu.memory_space<vmem>>) dst(%dma_wait3A_203 : memref<1638416xf32, #tpu.memory_space<vmem_shared>>)
      tpu.yield
    }) : () -> ()
    %run_scoped3A_59 = arith.constant 1 : i32
    "tpu.region"() ({
      %run_scoped3A_195 = tpu.sem_alloc : memref<!tpu.dma_semaphore, #tpu.memory_space<semaphore_mem>>
      %dma_start3A = arith.constant 0 : i32
      %dma_start3A_196 = tpu.memref_slice %arg5[%run_scoped3A_59, %dma_start3A] : memref<10x128xi32, #tpu.memory_space<vmem>> -> memref<1x128xi32, #tpu.memory_space<vmem>>
      %dma_start3A_197 = tpu.memref_squeeze %dma_start3A_196 : memref<1x128xi32, #tpu.memory_space<vmem>> -> memref<128xi32, #tpu.memory_space<vmem>>
      %dma_start3A_198 = arith.constant 0 : i32
      %dma_start3A_199 = tpu.memref_slice %arg8[%dma_start3A_198] : memref<1638416xf32, #tpu.memory_space<vmem_shared>> -> memref<1638416xf32, #tpu.memory_space<vmem_shared>>
      tpu.enqueue_indirect_dma source(%arg6 : memref<128xf32, #tpu.memory_space<vmem>>) target(%dma_start3A_199 : memref<1638416xf32, #tpu.memory_space<vmem_shared>>) offsets(%dma_start3A_197 : memref<128xi32, #tpu.memory_space<vmem>>) semaphore(%run_scoped3A_195 : memref<!tpu.dma_semaphore, #tpu.memory_space<semaphore_mem>>) {add = true}
      %dma_wait3A = arith.constant 0 : i32
      %dma_wait3A_200 = tpu.memref_slice %arg5[%run_scoped3A_59, %dma_wait3A] : memref<10x128xi32, #tpu.memory_space<vmem>> -> memref<1x128xi32, #tpu.memory_space<vmem>>
      %dma_wait3A_201 = tpu.memref_squeeze %dma_wait3A_200 : memref<1x128xi32, #tpu.memory_space<vmem>> -> memref<128xi32, #tpu.memory_space<vmem>>
      %dma_wait3A_202 = arith.constant 0 : i32
      %dma_wait3A_203 = tpu.memref_slice %arg8[%dma_wait3A_202] : memref<1638416xf32, #tpu.memory_space<vmem_shared>> -> memref<1638416xf32, #tpu.memory_space<vmem_shared>>
      tpu.wait_indirect_dma semaphore(%run_scoped3A_195 : memref<!tpu.dma_semaphore, #tpu.memory_space<semaphore_mem>>) src(%arg6 : memref<128xf32, #tpu.memory_space<vmem>>) dst(%dma_wait3A_203 : memref<1638416xf32, #tpu.memory_space<vmem_shared>>)
      tpu.yield
    }) : () -> ()
    %run_scoped3A_60 = arith.constant 2 : i32
    "tpu.region"() ({
      %run_scoped3A_195 = tpu.sem_alloc : memref<!tpu.dma_semaphore, #tpu.memory_space<semaphore_mem>>
      %dma_start3A = arith.constant 0 : i32
      %dma_start3A_196 = tpu.memref_slice %arg5[%run_scoped3A_60, %dma_start3A] : memref<10x128xi32, #tpu.memory_space<vmem>> -> memref<1x128xi32, #tpu.memory_space<vmem>>
      %dma_start3A_197 = tpu.memref_squeeze %dma_start3A_196 : memref<1x128xi32, #tpu.memory_space<vmem>> -> memref<128xi32, #tpu.memory_space<vmem>>
      %dma_start3A_198 = arith.constant 0 : i32
      %dma_start3A_199 = tpu.memref_slice %arg8[%dma_start3A_198] : memref<1638416xf32, #tpu.memory_space<vmem_shared>> -> memref<1638416xf32, #tpu.memory_space<vmem_shared>>
      tpu.enqueue_indirect_dma source(%arg6 : memref<128xf32, #tpu.memory_space<vmem>>) target(%dma_start3A_199 : memref<1638416xf32, #tpu.memory_space<vmem_shared>>) offsets(%dma_start3A_197 : memref<128xi32, #tpu.memory_space<vmem>>) semaphore(%run_scoped3A_195 : memref<!tpu.dma_semaphore, #tpu.memory_space<semaphore_mem>>) {add = true}
      %dma_wait3A = arith.constant 0 : i32
      %dma_wait3A_200 = tpu.memref_slice %arg5[%run_scoped3A_60, %dma_wait3A] : memref<10x128xi32, #tpu.memory_space<vmem>> -> memref<1x128xi32, #tpu.memory_space<vmem>>
      %dma_wait3A_201 = tpu.memref_squeeze %dma_wait3A_200 : memref<1x128xi32, #tpu.memory_space<vmem>> -> memref<128xi32, #tpu.memory_space<vmem>>
      %dma_wait3A_202 = arith.constant 0 : i32
      %dma_wait3A_203 = tpu.memref_slice %arg8[%dma_wait3A_202] : memref<1638416xf32, #tpu.memory_space<vmem_shared>> -> memref<1638416xf32, #tpu.memory_space<vmem_shared>>
      tpu.wait_indirect_dma semaphore(%run_scoped3A_195 : memref<!tpu.dma_semaphore, #tpu.memory_space<semaphore_mem>>) src(%arg6 : memref<128xf32, #tpu.memory_space<vmem>>) dst(%dma_wait3A_203 : memref<1638416xf32, #tpu.memory_space<vmem_shared>>)
      tpu.yield
    }) : () -> ()
    %run_scoped3A_61 = arith.constant 3 : i32
    "tpu.region"() ({
      %run_scoped3A_195 = tpu.sem_alloc : memref<!tpu.dma_semaphore, #tpu.memory_space<semaphore_mem>>
      %dma_start3A = arith.constant 0 : i32
      %dma_start3A_196 = tpu.memref_slice %arg5[%run_scoped3A_61, %dma_start3A] : memref<10x128xi32, #tpu.memory_space<vmem>> -> memref<1x128xi32, #tpu.memory_space<vmem>>
      %dma_start3A_197 = tpu.memref_squeeze %dma_start3A_196 : memref<1x128xi32, #tpu.memory_space<vmem>> -> memref<128xi32, #tpu.memory_space<vmem>>
      %dma_start3A_198 = arith.constant 0 : i32
      %dma_start3A_199 = tpu.memref_slice %arg8[%dma_start3A_198] : memref<1638416xf32, #tpu.memory_space<vmem_shared>> -> memref<1638416xf32, #tpu.memory_space<vmem_shared>>
      tpu.enqueue_indirect_dma source(%arg6 : memref<128xf32, #tpu.memory_space<vmem>>) target(%dma_start3A_199 : memref<1638416xf32, #tpu.memory_space<vmem_shared>>) offsets(%dma_start3A_197 : memref<128xi32, #tpu.memory_space<vmem>>) semaphore(%run_scoped3A_195 : memref<!tpu.dma_semaphore, #tpu.memory_space<semaphore_mem>>) {add = true}
      %dma_wait3A = arith.constant 0 : i32
      %dma_wait3A_200 = tpu.memref_slice %arg5[%run_scoped3A_61, %dma_wait3A] : memref<10x128xi32, #tpu.memory_space<vmem>> -> memref<1x128xi32, #tpu.memory_space<vmem>>
      %dma_wait3A_201 = tpu.memref_squeeze %dma_wait3A_200 : memref<1x128xi32, #tpu.memory_space<vmem>> -> memref<128xi32, #tpu.memory_space<vmem>>
      %dma_wait3A_202 = arith.constant 0 : i32
      %dma_wait3A_203 = tpu.memref_slice %arg8[%dma_wait3A_202] : memref<1638416xf32, #tpu.memory_space<vmem_shared>> -> memref<1638416xf32, #tpu.memory_space<vmem_shared>>
      tpu.wait_indirect_dma semaphore(%run_scoped3A_195 : memref<!tpu.dma_semaphore, #tpu.memory_space<semaphore_mem>>) src(%arg6 : memref<128xf32, #tpu.memory_space<vmem>>) dst(%dma_wait3A_203 : memref<1638416xf32, #tpu.memory_space<vmem_shared>>)
      tpu.yield
    }) : () -> ()
    %run_scoped3A_62 = arith.constant 4 : i32
    "tpu.region"() ({
      %run_scoped3A_195 = tpu.sem_alloc : memref<!tpu.dma_semaphore, #tpu.memory_space<semaphore_mem>>
      %dma_start3A = arith.constant 0 : i32
      %dma_start3A_196 = tpu.memref_slice %arg5[%run_scoped3A_62, %dma_start3A] : memref<10x128xi32, #tpu.memory_space<vmem>> -> memref<1x128xi32, #tpu.memory_space<vmem>>
      %dma_start3A_197 = tpu.memref_squeeze %dma_start3A_196 : memref<1x128xi32, #tpu.memory_space<vmem>> -> memref<128xi32, #tpu.memory_space<vmem>>
      %dma_start3A_198 = arith.constant 0 : i32
      %dma_start3A_199 = tpu.memref_slice %arg8[%dma_start3A_198] : memref<1638416xf32, #tpu.memory_space<vmem_shared>> -> memref<1638416xf32, #tpu.memory_space<vmem_shared>>
      tpu.enqueue_indirect_dma source(%arg6 : memref<128xf32, #tpu.memory_space<vmem>>) target(%dma_start3A_199 : memref<1638416xf32, #tpu.memory_space<vmem_shared>>) offsets(%dma_start3A_197 : memref<128xi32, #tpu.memory_space<vmem>>) semaphore(%run_scoped3A_195 : memref<!tpu.dma_semaphore, #tpu.memory_space<semaphore_mem>>) {add = true}
      %dma_wait3A = arith.constant 0 : i32
      %dma_wait3A_200 = tpu.memref_slice %arg5[%run_scoped3A_62, %dma_wait3A] : memref<10x128xi32, #tpu.memory_space<vmem>> -> memref<1x128xi32, #tpu.memory_space<vmem>>
      %dma_wait3A_201 = tpu.memref_squeeze %dma_wait3A_200 : memref<1x128xi32, #tpu.memory_space<vmem>> -> memref<128xi32, #tpu.memory_space<vmem>>
      %dma_wait3A_202 = arith.constant 0 : i32
      %dma_wait3A_203 = tpu.memref_slice %arg8[%dma_wait3A_202] : memref<1638416xf32, #tpu.memory_space<vmem_shared>> -> memref<1638416xf32, #tpu.memory_space<vmem_shared>>
      tpu.wait_indirect_dma semaphore(%run_scoped3A_195 : memref<!tpu.dma_semaphore, #tpu.memory_space<semaphore_mem>>) src(%arg6 : memref<128xf32, #tpu.memory_space<vmem>>) dst(%dma_wait3A_203 : memref<1638416xf32, #tpu.memory_space<vmem_shared>>)
      tpu.yield
    }) : () -> ()
    %run_scoped3A_63 = arith.constant 5 : i32
    "tpu.region"() ({
      %run_scoped3A_195 = tpu.sem_alloc : memref<!tpu.dma_semaphore, #tpu.memory_space<semaphore_mem>>
      %dma_start3A = arith.constant 0 : i32
      %dma_start3A_196 = tpu.memref_slice %arg5[%run_scoped3A_63, %dma_start3A] : memref<10x128xi32, #tpu.memory_space<vmem>> -> memref<1x128xi32, #tpu.memory_space<vmem>>
      %dma_start3A_197 = tpu.memref_squeeze %dma_start3A_196 : memref<1x128xi32, #tpu.memory_space<vmem>> -> memref<128xi32, #tpu.memory_space<vmem>>
      %dma_start3A_198 = arith.constant 0 : i32
      %dma_start3A_199 = tpu.memref_slice %arg8[%dma_start3A_198] : memref<1638416xf32, #tpu.memory_space<vmem_shared>> -> memref<1638416xf32, #tpu.memory_space<vmem_shared>>
      tpu.enqueue_indirect_dma source(%arg6 : memref<128xf32, #tpu.memory_space<vmem>>) target(%dma_start3A_199 : memref<1638416xf32, #tpu.memory_space<vmem_shared>>) offsets(%dma_start3A_197 : memref<128xi32, #tpu.memory_space<vmem>>) semaphore(%run_scoped3A_195 : memref<!tpu.dma_semaphore, #tpu.memory_space<semaphore_mem>>) {add = true}
      %dma_wait3A = arith.constant 0 : i32
      %dma_wait3A_200 = tpu.memref_slice %arg5[%run_scoped3A_63, %dma_wait3A] : memref<10x128xi32, #tpu.memory_space<vmem>> -> memref<1x128xi32, #tpu.memory_space<vmem>>
      %dma_wait3A_201 = tpu.memref_squeeze %dma_wait3A_200 : memref<1x128xi32, #tpu.memory_space<vmem>> -> memref<128xi32, #tpu.memory_space<vmem>>
      %dma_wait3A_202 = arith.constant 0 : i32
      %dma_wait3A_203 = tpu.memref_slice %arg8[%dma_wait3A_202] : memref<1638416xf32, #tpu.memory_space<vmem_shared>> -> memref<1638416xf32, #tpu.memory_space<vmem_shared>>
      tpu.wait_indirect_dma semaphore(%run_scoped3A_195 : memref<!tpu.dma_semaphore, #tpu.memory_space<semaphore_mem>>) src(%arg6 : memref<128xf32, #tpu.memory_space<vmem>>) dst(%dma_wait3A_203 : memref<1638416xf32, #tpu.memory_space<vmem_shared>>)
      tpu.yield
    }) : () -> ()
    %run_scoped3A_64 = arith.constant 6 : i32
    "tpu.region"() ({
      %run_scoped3A_195 = tpu.sem_alloc : memref<!tpu.dma_semaphore, #tpu.memory_space<semaphore_mem>>
      %dma_start3A = arith.constant 0 : i32
      %dma_start3A_196 = tpu.memref_slice %arg5[%run_scoped3A_64, %dma_start3A] : memref<10x128xi32, #tpu.memory_space<vmem>> -> memref<1x128xi32, #tpu.memory_space<vmem>>
      %dma_start3A_197 = tpu.memref_squeeze %dma_start3A_196 : memref<1x128xi32, #tpu.memory_space<vmem>> -> memref<128xi32, #tpu.memory_space<vmem>>
      %dma_start3A_198 = arith.constant 0 : i32
      %dma_start3A_199 = tpu.memref_slice %arg8[%dma_start3A_198] : memref<1638416xf32, #tpu.memory_space<vmem_shared>> -> memref<1638416xf32, #tpu.memory_space<vmem_shared>>
      tpu.enqueue_indirect_dma source(%arg6 : memref<128xf32, #tpu.memory_space<vmem>>) target(%dma_start3A_199 : memref<1638416xf32, #tpu.memory_space<vmem_shared>>) offsets(%dma_start3A_197 : memref<128xi32, #tpu.memory_space<vmem>>) semaphore(%run_scoped3A_195 : memref<!tpu.dma_semaphore, #tpu.memory_space<semaphore_mem>>) {add = true}
      %dma_wait3A = arith.constant 0 : i32
      %dma_wait3A_200 = tpu.memref_slice %arg5[%run_scoped3A_64, %dma_wait3A] : memref<10x128xi32, #tpu.memory_space<vmem>> -> memref<1x128xi32, #tpu.memory_space<vmem>>
      %dma_wait3A_201 = tpu.memref_squeeze %dma_wait3A_200 : memref<1x128xi32, #tpu.memory_space<vmem>> -> memref<128xi32, #tpu.memory_space<vmem>>
      %dma_wait3A_202 = arith.constant 0 : i32
      %dma_wait3A_203 = tpu.memref_slice %arg8[%dma_wait3A_202] : memref<1638416xf32, #tpu.memory_space<vmem_shared>> -> memref<1638416xf32, #tpu.memory_space<vmem_shared>>
      tpu.wait_indirect_dma semaphore(%run_scoped3A_195 : memref<!tpu.dma_semaphore, #tpu.memory_space<semaphore_mem>>) src(%arg6 : memref<128xf32, #tpu.memory_space<vmem>>) dst(%dma_wait3A_203 : memref<1638416xf32, #tpu.memory_space<vmem_shared>>)
      tpu.yield
    }) : () -> ()
    %run_scoped3A_65 = arith.constant 7 : i32
    "tpu.region"() ({
      %run_scoped3A_195 = tpu.sem_alloc : memref<!tpu.dma_semaphore, #tpu.memory_space<semaphore_mem>>
      %dma_start3A = arith.constant 0 : i32
      %dma_start3A_196 = tpu.memref_slice %arg5[%run_scoped3A_65, %dma_start3A] : memref<10x128xi32, #tpu.memory_space<vmem>> -> memref<1x128xi32, #tpu.memory_space<vmem>>
      %dma_start3A_197 = tpu.memref_squeeze %dma_start3A_196 : memref<1x128xi32, #tpu.memory_space<vmem>> -> memref<128xi32, #tpu.memory_space<vmem>>
      %dma_start3A_198 = arith.constant 0 : i32
      %dma_start3A_199 = tpu.memref_slice %arg8[%dma_start3A_198] : memref<1638416xf32, #tpu.memory_space<vmem_shared>> -> memref<1638416xf32, #tpu.memory_space<vmem_shared>>
      tpu.enqueue_indirect_dma source(%arg6 : memref<128xf32, #tpu.memory_space<vmem>>) target(%dma_start3A_199 : memref<1638416xf32, #tpu.memory_space<vmem_shared>>) offsets(%dma_start3A_197 : memref<128xi32, #tpu.memory_space<vmem>>) semaphore(%run_scoped3A_195 : memref<!tpu.dma_semaphore, #tpu.memory_space<semaphore_mem>>) {add = true}
      %dma_wait3A = arith.constant 0 : i32
      %dma_wait3A_200 = tpu.memref_slice %arg5[%run_scoped3A_65, %dma_wait3A] : memref<10x128xi32, #tpu.memory_space<vmem>> -> memref<1x128xi32, #tpu.memory_space<vmem>>
      %dma_wait3A_201 = tpu.memref_squeeze %dma_wait3A_200 : memref<1x128xi32, #tpu.memory_space<vmem>> -> memref<128xi32, #tpu.memory_space<vmem>>
      %dma_wait3A_202 = arith.constant 0 : i32
      %dma_wait3A_203 = tpu.memref_slice %arg8[%dma_wait3A_202] : memref<1638416xf32, #tpu.memory_space<vmem_shared>> -> memref<1638416xf32, #tpu.memory_space<vmem_shared>>
      tpu.wait_indirect_dma semaphore(%run_scoped3A_195 : memref<!tpu.dma_semaphore, #tpu.memory_space<semaphore_mem>>) src(%arg6 : memref<128xf32, #tpu.memory_space<vmem>>) dst(%dma_wait3A_203 : memref<1638416xf32, #tpu.memory_space<vmem_shared>>)
      tpu.yield
    }) : () -> ()
    %run_scoped3A_66 = arith.constant 8 : i32
    "tpu.region"() ({
      %run_scoped3A_195 = tpu.sem_alloc : memref<!tpu.dma_semaphore, #tpu.memory_space<semaphore_mem>>
      %dma_start3A = arith.constant 0 : i32
      %dma_start3A_196 = tpu.memref_slice %arg5[%run_scoped3A_66, %dma_start3A] : memref<10x128xi32, #tpu.memory_space<vmem>> -> memref<1x128xi32, #tpu.memory_space<vmem>>
      %dma_start3A_197 = tpu.memref_squeeze %dma_start3A_196 : memref<1x128xi32, #tpu.memory_space<vmem>> -> memref<128xi32, #tpu.memory_space<vmem>>
      %dma_start3A_198 = arith.constant 0 : i32
      %dma_start3A_199 = tpu.memref_slice %arg8[%dma_start3A_198] : memref<1638416xf32, #tpu.memory_space<vmem_shared>> -> memref<1638416xf32, #tpu.memory_space<vmem_shared>>
      tpu.enqueue_indirect_dma source(%arg6 : memref<128xf32, #tpu.memory_space<vmem>>) target(%dma_start3A_199 : memref<1638416xf32, #tpu.memory_space<vmem_shared>>) offsets(%dma_start3A_197 : memref<128xi32, #tpu.memory_space<vmem>>) semaphore(%run_scoped3A_195 : memref<!tpu.dma_semaphore, #tpu.memory_space<semaphore_mem>>) {add = true}
      %dma_wait3A = arith.constant 0 : i32
      %dma_wait3A_200 = tpu.memref_slice %arg5[%run_scoped3A_66, %dma_wait3A] : memref<10x128xi32, #tpu.memory_space<vmem>> -> memref<1x128xi32, #tpu.memory_space<vmem>>
      %dma_wait3A_201 = tpu.memref_squeeze %dma_wait3A_200 : memref<1x128xi32, #tpu.memory_space<vmem>> -> memref<128xi32, #tpu.memory_space<vmem>>
      %dma_wait3A_202 = arith.constant 0 : i32
      %dma_wait3A_203 = tpu.memref_slice %arg8[%dma_wait3A_202] : memref<1638416xf32, #tpu.memory_space<vmem_shared>> -> memref<1638416xf32, #tpu.memory_space<vmem_shared>>
      tpu.wait_indirect_dma semaphore(%run_scoped3A_195 : memref<!tpu.dma_semaphore, #tpu.memory_space<semaphore_mem>>) src(%arg6 : memref<128xf32, #tpu.memory_space<vmem>>) dst(%dma_wait3A_203 : memref<1638416xf32, #tpu.memory_space<vmem_shared>>)
      tpu.yield
    }) : () -> ()
    %run_scoped3A_67 = arith.constant 9 : i32
    "tpu.region"() ({
      %run_scoped3A_195 = tpu.sem_alloc : memref<!tpu.dma_semaphore, #tpu.memory_space<semaphore_mem>>
      %dma_start3A = arith.constant 0 : i32
      %dma_start3A_196 = tpu.memref_slice %arg5[%run_scoped3A_67, %dma_start3A] : memref<10x128xi32, #tpu.memory_space<vmem>> -> memref<1x128xi32, #tpu.memory_space<vmem>>
      %dma_start3A_197 = tpu.memref_squeeze %dma_start3A_196 : memref<1x128xi32, #tpu.memory_space<vmem>> -> memref<128xi32, #tpu.memory_space<vmem>>
      %dma_start3A_198 = arith.constant 0 : i32
      %dma_start3A_199 = tpu.memref_slice %arg8[%dma_start3A_198] : memref<1638416xf32, #tpu.memory_space<vmem_shared>> -> memref<1638416xf32, #tpu.memory_space<vmem_shared>>
      tpu.enqueue_indirect_dma source(%arg6 : memref<128xf32, #tpu.memory_space<vmem>>) target(%dma_start3A_199 : memref<1638416xf32, #tpu.memory_space<vmem_shared>>) offsets(%dma_start3A_197 : memref<128xi32, #tpu.memory_space<vmem>>) semaphore(%run_scoped3A_195 : memref<!tpu.dma_semaphore, #tpu.memory_space<semaphore_mem>>) {add = true}
      %dma_wait3A = arith.constant 0 : i32
      %dma_wait3A_200 = tpu.memref_slice %arg5[%run_scoped3A_67, %dma_wait3A] : memref<10x128xi32, #tpu.memory_space<vmem>> -> memref<1x128xi32, #tpu.memory_space<vmem>>
      %dma_wait3A_201 = tpu.memref_squeeze %dma_wait3A_200 : memref<1x128xi32, #tpu.memory_space<vmem>> -> memref<128xi32, #tpu.memory_space<vmem>>
      %dma_wait3A_202 = arith.constant 0 : i32
      %dma_wait3A_203 = tpu.memref_slice %arg8[%dma_wait3A_202] : memref<1638416xf32, #tpu.memory_space<vmem_shared>> -> memref<1638416xf32, #tpu.memory_space<vmem_shared>>
      tpu.wait_indirect_dma semaphore(%run_scoped3A_195 : memref<!tpu.dma_semaphore, #tpu.memory_space<semaphore_mem>>) src(%arg6 : memref<128xf32, #tpu.memory_space<vmem>>) dst(%dma_wait3A_203 : memref<1638416xf32, #tpu.memory_space<vmem_shared>>)
      tpu.yield
    }) : () -> ()
    %barrier3A_68 = arith.constant 0 : index
    tpu.barrier barrier_id(%barrier3A_68)
    %scan3A = arith.constant 0 : i32
    %scan3A_69 = arith.constant 0 : i32
    %scan3A_70 = arith.constant 16 : i32
    %scan3A_71 = arith.addi %scan3A_69, %scan3A_70 : i32
    %scan3A_72 = arith.constant 1 : i32
    scf.for %scan3A_195 = %scan3A_69 to %scan3A_71 step %scan3A_72  : i32 {
      %mul3A_196 = arith.constant 80 : i32
      %mul3A_197 = arith.muli %arg1, %mul3A_196 : i32
      %add3A_198 = arith.constant 0 : i32
      %add3A_199 = arith.addi %mul3A_197, %add3A_198 : i32
      %add3A_200 = arith.addi %add3A_199, %scan3A_195 : i32
      %mul3A_201 = arith.constant 1280 : i32
      %mul3A_202 = arith.muli %add3A_200, %mul3A_201 : i32
      "tpu.region"() ({
        %run_scoped3A_203 = tpu.sem_alloc : memref<!tpu.dma_semaphore, #tpu.memory_space<semaphore_mem>>
        %dma_start3A = arith.constant 0 : i32
        %dma_start3A_204 = tpu.memref_slice %arg7[%scan3A_195, %dma_start3A] : memref<16x1280xf32, #tpu.memory_space<vmem>> -> memref<1x1280xf32, #tpu.memory_space<vmem>>
        %dma_start3A_205 = tpu.memref_squeeze %dma_start3A_204 : memref<1x1280xf32, #tpu.memory_space<vmem>> -> memref<1280xf32, #tpu.memory_space<vmem>>
        %dma_start3A_206 = tpu.memref_slice %arg8[%mul3A_202] : memref<1638416xf32, #tpu.memory_space<vmem_shared>> -> memref<1280xf32, #tpu.memory_space<vmem_shared>>
        %dma_start3A_207 = arith.constant 0 : i32
        %dma_start3A_208 = tpu.memref_slice %arg7[%scan3A_195, %dma_start3A_207] : memref<16x1280xf32, #tpu.memory_space<vmem>> -> memref<1x1280xf32, #tpu.memory_space<vmem>>
        %dma_start3A_209 = tpu.memref_squeeze %dma_start3A_208 : memref<1x1280xf32, #tpu.memory_space<vmem>> -> memref<1280xf32, #tpu.memory_space<vmem>>
        %dma_start3A_210 = tpu.memref_slice %arg8[%mul3A_202] : memref<1638416xf32, #tpu.memory_space<vmem_shared>> -> memref<1280xf32, #tpu.memory_space<vmem_shared>>
        tpu.enqueue_dma source(%dma_start3A_210 : memref<1280xf32, #tpu.memory_space<vmem_shared>>) target(%dma_start3A_209 : memref<1280xf32, #tpu.memory_space<vmem>>) target_semaphore(%run_scoped3A_203 : memref<!tpu.dma_semaphore, #tpu.memory_space<semaphore_mem>>)
        %dma_wait3A = arith.constant 0 : i32
        %dma_wait3A_211 = tpu.memref_slice %arg7[%scan3A_195, %dma_wait3A] : memref<16x1280xf32, #tpu.memory_space<vmem>> -> memref<1x1280xf32, #tpu.memory_space<vmem>>
        %dma_wait3A_212 = tpu.memref_squeeze %dma_wait3A_211 : memref<1x1280xf32, #tpu.memory_space<vmem>> -> memref<1280xf32, #tpu.memory_space<vmem>>
        %dma_wait3A_213 = tpu.memref_slice %arg8[%mul3A_202] : memref<1638416xf32, #tpu.memory_space<vmem_shared>> -> memref<1280xf32, #tpu.memory_space<vmem_shared>>
        %dma_wait3A_214 = arith.constant 0 : i32
        %dma_wait3A_215 = tpu.memref_slice %arg7[%scan3A_195, %dma_wait3A_214] : memref<16x1280xf32, #tpu.memory_space<vmem>> -> memref<1x1280xf32, #tpu.memory_space<vmem>>
        %dma_wait3A_216 = tpu.memref_squeeze %dma_wait3A_215 : memref<1x1280xf32, #tpu.memory_space<vmem>> -> memref<1280xf32, #tpu.memory_space<vmem>>
        %dma_wait3A_217 = tpu.memref_slice %arg8[%mul3A_202] : memref<1638416xf32, #tpu.memory_space<vmem_shared>> -> memref<1280xf32, #tpu.memory_space<vmem_shared>>
        tpu.wait_dma2 semaphore(%run_scoped3A_203 : memref<!tpu.dma_semaphore, #tpu.memory_space<semaphore_mem>>) src(%dma_wait3A_217 : memref<1280xf32, #tpu.memory_space<vmem_shared>>) dst(%dma_wait3A_216 : memref<1280xf32, #tpu.memory_space<vmem>>)
        tpu.yield
      }) : () -> ()
    }
    %scan3A_73 = arith.constant 16 : i32
    %mul3A_74 = arith.constant 80 : i32
    %mul3A_75 = arith.muli %arg1, %mul3A_74 : i32
    %add3A_76 = arith.constant 0 : i32
    %add3A_77 = arith.addi %mul3A_75, %add3A_76 : i32
    "tpu.region"() ({
      %run_scoped3A_195 = tpu.sem_alloc : memref<!tpu.dma_semaphore, #tpu.memory_space<semaphore_mem>>
      %dma_start3A = arith.constant 0 : i32
      %dma_start3A_196 = arith.constant 0 : i32
      %dma_start3A_197 = tpu.memref_slice %arg4[%add3A_55, %dma_start3A, %dma_start3A_196] : memref<4x1280x1280xf32, #tpu.memory_space<hbm>> -> memref<1x1280x1280xf32, #tpu.memory_space<hbm>>
      %dma_start3A_198 = tpu.memref_squeeze %dma_start3A_197 : memref<1x1280x1280xf32, #tpu.memory_space<hbm>> -> memref<1280x1280xf32, #tpu.memory_space<hbm>>
      %dma_start3A_199 = arith.constant 0 : i32
      %dma_start3A_200 = tpu.memref_slice %dma_start3A_198[%add3A_77, %dma_start3A_199] : memref<1280x1280xf32, #tpu.memory_space<hbm>> -> memref<16x1280xf32, #tpu.memory_space<hbm>>
      %dma_start3A_201 = arith.constant 0 : i32
      %dma_start3A_202 = arith.constant 0 : i32
      %dma_start3A_203 = tpu.memref_slice %arg4[%add3A_55, %dma_start3A_201, %dma_start3A_202] : memref<4x1280x1280xf32, #tpu.memory_space<hbm>> -> memref<1x1280x1280xf32, #tpu.memory_space<hbm>>
      %dma_start3A_204 = tpu.memref_squeeze %dma_start3A_203 : memref<1x1280x1280xf32, #tpu.memory_space<hbm>> -> memref<1280x1280xf32, #tpu.memory_space<hbm>>
      %dma_start3A_205 = arith.constant 0 : i32
      %dma_start3A_206 = tpu.memref_slice %dma_start3A_204[%add3A_77, %dma_start3A_205] : memref<1280x1280xf32, #tpu.memory_space<hbm>> -> memref<16x1280xf32, #tpu.memory_space<hbm>>
      tpu.enqueue_dma source(%arg7 : memref<16x1280xf32, #tpu.memory_space<vmem>>) target(%dma_start3A_206 : memref<16x1280xf32, #tpu.memory_space<hbm>>) target_semaphore(%run_scoped3A_195 : memref<!tpu.dma_semaphore, #tpu.memory_space<semaphore_mem>>)
      %dma_wait3A = arith.constant 0 : i32
      %dma_wait3A_207 = arith.constant 0 : i32
      %dma_wait3A_208 = tpu.memref_slice %arg4[%add3A_55, %dma_wait3A, %dma_wait3A_207] : memref<4x1280x1280xf32, #tpu.memory_space<hbm>> -> memref<1x1280x1280xf32, #tpu.memory_space<hbm>>
      %dma_wait3A_209 = tpu.memref_squeeze %dma_wait3A_208 : memref<1x1280x1280xf32, #tpu.memory_space<hbm>> -> memref<1280x1280xf32, #tpu.memory_space<hbm>>
      %dma_wait3A_210 = arith.constant 0 : i32
      %dma_wait3A_211 = tpu.memref_slice %dma_wait3A_209[%add3A_77, %dma_wait3A_210] : memref<1280x1280xf32, #tpu.memory_space<hbm>> -> memref<16x1280xf32, #tpu.memory_space<hbm>>
      %dma_wait3A_212 = arith.constant 0 : i32
      %dma_wait3A_213 = arith.constant 0 : i32
      %dma_wait3A_214 = tpu.memref_slice %arg4[%add3A_55, %dma_wait3A_212, %dma_wait3A_213] : memref<4x1280x1280xf32, #tpu.memory_space<hbm>> -> memref<1x1280x1280xf32, #tpu.memory_space<hbm>>
      %dma_wait3A_215 = tpu.memref_squeeze %dma_wait3A_214 : memref<1x1280x1280xf32, #tpu.memory_space<hbm>> -> memref<1280x1280xf32, #tpu.memory_space<hbm>>
      %dma_wait3A_216 = arith.constant 0 : i32
      %dma_wait3A_217 = tpu.memref_slice %dma_wait3A_215[%add3A_77, %dma_wait3A_216] : memref<1280x1280xf32, #tpu.memory_space<hbm>> -> memref<16x1280xf32, #tpu.memory_space<hbm>>
      tpu.wait_dma2 semaphore(%run_scoped3A_195 : memref<!tpu.dma_semaphore, #tpu.memory_space<semaphore_mem>>) src(%arg7 : memref<16x1280xf32, #tpu.memory_space<vmem>>) dst(%dma_wait3A_217 : memref<16x1280xf32, #tpu.memory_space<hbm>>)
      tpu.yield
    }) : () -> ()
    %scan3A_78 = arith.constant 0 : i32
    %scan3A_79 = arith.constant 0 : i32
    %scan3A_80 = arith.constant 16 : i32
    %scan3A_81 = arith.addi %scan3A_79, %scan3A_80 : i32
    %scan3A_82 = arith.constant 1 : i32
    scf.for %scan3A_195 = %scan3A_79 to %scan3A_81 step %scan3A_82  : i32 {
      %mul3A_196 = arith.constant 80 : i32
      %mul3A_197 = arith.muli %arg1, %mul3A_196 : i32
      %add3A_198 = arith.constant 16 : i32
      %add3A_199 = arith.addi %mul3A_197, %add3A_198 : i32
      %add3A_200 = arith.addi %add3A_199, %scan3A_195 : i32
      %mul3A_201 = arith.constant 1280 : i32
      %mul3A_202 = arith.muli %add3A_200, %mul3A_201 : i32
      "tpu.region"() ({
        %run_scoped3A_203 = tpu.sem_alloc : memref<!tpu.dma_semaphore, #tpu.memory_space<semaphore_mem>>
        %dma_start3A = arith.constant 0 : i32
        %dma_start3A_204 = tpu.memref_slice %arg7[%scan3A_195, %dma_start3A] : memref<16x1280xf32, #tpu.memory_space<vmem>> -> memref<1x1280xf32, #tpu.memory_space<vmem>>
        %dma_start3A_205 = tpu.memref_squeeze %dma_start3A_204 : memref<1x1280xf32, #tpu.memory_space<vmem>> -> memref<1280xf32, #tpu.memory_space<vmem>>
        %dma_start3A_206 = tpu.memref_slice %arg8[%mul3A_202] : memref<1638416xf32, #tpu.memory_space<vmem_shared>> -> memref<1280xf32, #tpu.memory_space<vmem_shared>>
        %dma_start3A_207 = arith.constant 0 : i32
        %dma_start3A_208 = tpu.memref_slice %arg7[%scan3A_195, %dma_start3A_207] : memref<16x1280xf32, #tpu.memory_space<vmem>> -> memref<1x1280xf32, #tpu.memory_space<vmem>>
        %dma_start3A_209 = tpu.memref_squeeze %dma_start3A_208 : memref<1x1280xf32, #tpu.memory_space<vmem>> -> memref<1280xf32, #tpu.memory_space<vmem>>
        %dma_start3A_210 = tpu.memref_slice %arg8[%mul3A_202] : memref<1638416xf32, #tpu.memory_space<vmem_shared>> -> memref<1280xf32, #tpu.memory_space<vmem_shared>>
        tpu.enqueue_dma source(%dma_start3A_210 : memref<1280xf32, #tpu.memory_space<vmem_shared>>) target(%dma_start3A_209 : memref<1280xf32, #tpu.memory_space<vmem>>) target_semaphore(%run_scoped3A_203 : memref<!tpu.dma_semaphore, #tpu.memory_space<semaphore_mem>>)
        %dma_wait3A = arith.constant 0 : i32
        %dma_wait3A_211 = tpu.memref_slice %arg7[%scan3A_195, %dma_wait3A] : memref<16x1280xf32, #tpu.memory_space<vmem>> -> memref<1x1280xf32, #tpu.memory_space<vmem>>
        %dma_wait3A_212 = tpu.memref_squeeze %dma_wait3A_211 : memref<1x1280xf32, #tpu.memory_space<vmem>> -> memref<1280xf32, #tpu.memory_space<vmem>>
        %dma_wait3A_213 = tpu.memref_slice %arg8[%mul3A_202] : memref<1638416xf32, #tpu.memory_space<vmem_shared>> -> memref<1280xf32, #tpu.memory_space<vmem_shared>>
        %dma_wait3A_214 = arith.constant 0 : i32
        %dma_wait3A_215 = tpu.memref_slice %arg7[%scan3A_195, %dma_wait3A_214] : memref<16x1280xf32, #tpu.memory_space<vmem>> -> memref<1x1280xf32, #tpu.memory_space<vmem>>
        %dma_wait3A_216 = tpu.memref_squeeze %dma_wait3A_215 : memref<1x1280xf32, #tpu.memory_space<vmem>> -> memref<1280xf32, #tpu.memory_space<vmem>>
        %dma_wait3A_217 = tpu.memref_slice %arg8[%mul3A_202] : memref<1638416xf32, #tpu.memory_space<vmem_shared>> -> memref<1280xf32, #tpu.memory_space<vmem_shared>>
        tpu.wait_dma2 semaphore(%run_scoped3A_203 : memref<!tpu.dma_semaphore, #tpu.memory_space<semaphore_mem>>) src(%dma_wait3A_217 : memref<1280xf32, #tpu.memory_space<vmem_shared>>) dst(%dma_wait3A_216 : memref<1280xf32, #tpu.memory_space<vmem>>)
        tpu.yield
      }) : () -> ()
    }
    %scan3A_83 = arith.constant 16 : i32
    %mul3A_84 = arith.constant 80 : i32
    %mul3A_85 = arith.muli %arg1, %mul3A_84 : i32
    %add3A_86 = arith.constant 16 : i32
    %add3A_87 = arith.addi %mul3A_85, %add3A_86 : i32
    "tpu.region"() ({
      %run_scoped3A_195 = tpu.sem_alloc : memref<!tpu.dma_semaphore, #tpu.memory_space<semaphore_mem>>
      %dma_start3A = arith.constant 0 : i32
      %dma_start3A_196 = arith.constant 0 : i32
      %dma_start3A_197 = tpu.memref_slice %arg4[%add3A_55, %dma_start3A, %dma_start3A_196] : memref<4x1280x1280xf32, #tpu.memory_space<hbm>> -> memref<1x1280x1280xf32, #tpu.memory_space<hbm>>
      %dma_start3A_198 = tpu.memref_squeeze %dma_start3A_197 : memref<1x1280x1280xf32, #tpu.memory_space<hbm>> -> memref<1280x1280xf32, #tpu.memory_space<hbm>>
      %dma_start3A_199 = arith.constant 0 : i32
      %dma_start3A_200 = tpu.memref_slice %dma_start3A_198[%add3A_87, %dma_start3A_199] : memref<1280x1280xf32, #tpu.memory_space<hbm>> -> memref<16x1280xf32, #tpu.memory_space<hbm>>
      %dma_start3A_201 = arith.constant 0 : i32
      %dma_start3A_202 = arith.constant 0 : i32
      %dma_start3A_203 = tpu.memref_slice %arg4[%add3A_55, %dma_start3A_201, %dma_start3A_202] : memref<4x1280x1280xf32, #tpu.memory_space<hbm>> -> memref<1x1280x1280xf32, #tpu.memory_space<hbm>>
      %dma_start3A_204 = tpu.memref_squeeze %dma_start3A_203 : memref<1x1280x1280xf32, #tpu.memory_space<hbm>> -> memref<1280x1280xf32, #tpu.memory_space<hbm>>
      %dma_start3A_205 = arith.constant 0 : i32
      %dma_start3A_206 = tpu.memref_slice %dma_start3A_204[%add3A_87, %dma_start3A_205] : memref<1280x1280xf32, #tpu.memory_space<hbm>> -> memref<16x1280xf32, #tpu.memory_space<hbm>>
      tpu.enqueue_dma source(%arg7 : memref<16x1280xf32, #tpu.memory_space<vmem>>) target(%dma_start3A_206 : memref<16x1280xf32, #tpu.memory_space<hbm>>) target_semaphore(%run_scoped3A_195 : memref<!tpu.dma_semaphore, #tpu.memory_space<semaphore_mem>>)
      %dma_wait3A = arith.constant 0 : i32
      %dma_wait3A_207 = arith.constant 0 : i32
      %dma_wait3A_208 = tpu.memref_slice %arg4[%add3A_55, %dma_wait3A, %dma_wait3A_207] : memref<4x1280x1280xf32, #tpu.memory_space<hbm>> -> memref<1x1280x1280xf32, #tpu.memory_space<hbm>>
      %dma_wait3A_209 = tpu.memref_squeeze %dma_wait3A_208 : memref<1x1280x1280xf32, #tpu.memory_space<hbm>> -> memref<1280x1280xf32, #tpu.memory_space<hbm>>
      %dma_wait3A_210 = arith.constant 0 : i32
      %dma_wait3A_211 = tpu.memref_slice %dma_wait3A_209[%add3A_87, %dma_wait3A_210] : memref<1280x1280xf32, #tpu.memory_space<hbm>> -> memref<16x1280xf32, #tpu.memory_space<hbm>>
      %dma_wait3A_212 = arith.constant 0 : i32
      %dma_wait3A_213 = arith.constant 0 : i32
      %dma_wait3A_214 = tpu.memref_slice %arg4[%add3A_55, %dma_wait3A_212, %dma_wait3A_213] : memref<4x1280x1280xf32, #tpu.memory_space<hbm>> -> memref<1x1280x1280xf32, #tpu.memory_space<hbm>>
      %dma_wait3A_215 = tpu.memref_squeeze %dma_wait3A_214 : memref<1x1280x1280xf32, #tpu.memory_space<hbm>> -> memref<1280x1280xf32, #tpu.memory_space<hbm>>
      %dma_wait3A_216 = arith.constant 0 : i32
      %dma_wait3A_217 = tpu.memref_slice %dma_wait3A_215[%add3A_87, %dma_wait3A_216] : memref<1280x1280xf32, #tpu.memory_space<hbm>> -> memref<16x1280xf32, #tpu.memory_space<hbm>>
      tpu.wait_dma2 semaphore(%run_scoped3A_195 : memref<!tpu.dma_semaphore, #tpu.memory_space<semaphore_mem>>) src(%arg7 : memref<16x1280xf32, #tpu.memory_space<vmem>>) dst(%dma_wait3A_217 : memref<16x1280xf32, #tpu.memory_space<hbm>>)
      tpu.yield
    }) : () -> ()
    %scan3A_88 = arith.constant 0 : i32
    %scan3A_89 = arith.constant 0 : i32
    %scan3A_90 = arith.constant 16 : i32
    %scan3A_91 = arith.addi %scan3A_89, %scan3A_90 : i32
    %scan3A_92 = arith.constant 1 : i32
    scf.for %scan3A_195 = %scan3A_89 to %scan3A_91 step %scan3A_92  : i32 {
      %mul3A_196 = arith.constant 80 : i32
      %mul3A_197 = arith.muli %arg1, %mul3A_196 : i32
      %add3A_198 = arith.constant 32 : i32
      %add3A_199 = arith.addi %mul3A_197, %add3A_198 : i32
      %add3A_200 = arith.addi %add3A_199, %scan3A_195 : i32
      %mul3A_201 = arith.constant 1280 : i32
      %mul3A_202 = arith.muli %add3A_200, %mul3A_201 : i32
      "tpu.region"() ({
        %run_scoped3A_203 = tpu.sem_alloc : memref<!tpu.dma_semaphore, #tpu.memory_space<semaphore_mem>>
        %dma_start3A = arith.constant 0 : i32
        %dma_start3A_204 = tpu.memref_slice %arg7[%scan3A_195, %dma_start3A] : memref<16x1280xf32, #tpu.memory_space<vmem>> -> memref<1x1280xf32, #tpu.memory_space<vmem>>
        %dma_start3A_205 = tpu.memref_squeeze %dma_start3A_204 : memref<1x1280xf32, #tpu.memory_space<vmem>> -> memref<1280xf32, #tpu.memory_space<vmem>>
        %dma_start3A_206 = tpu.memref_slice %arg8[%mul3A_202] : memref<1638416xf32, #tpu.memory_space<vmem_shared>> -> memref<1280xf32, #tpu.memory_space<vmem_shared>>
        %dma_start3A_207 = arith.constant 0 : i32
        %dma_start3A_208 = tpu.memref_slice %arg7[%scan3A_195, %dma_start3A_207] : memref<16x1280xf32, #tpu.memory_space<vmem>> -> memref<1x1280xf32, #tpu.memory_space<vmem>>
        %dma_start3A_209 = tpu.memref_squeeze %dma_start3A_208 : memref<1x1280xf32, #tpu.memory_space<vmem>> -> memref<1280xf32, #tpu.memory_space<vmem>>
        %dma_start3A_210 = tpu.memref_slice %arg8[%mul3A_202] : memref<1638416xf32, #tpu.memory_space<vmem_shared>> -> memref<1280xf32, #tpu.memory_space<vmem_shared>>
        tpu.enqueue_dma source(%dma_start3A_210 : memref<1280xf32, #tpu.memory_space<vmem_shared>>) target(%dma_start3A_209 : memref<1280xf32, #tpu.memory_space<vmem>>) target_semaphore(%run_scoped3A_203 : memref<!tpu.dma_semaphore, #tpu.memory_space<semaphore_mem>>)
        %dma_wait3A = arith.constant 0 : i32
        %dma_wait3A_211 = tpu.memref_slice %arg7[%scan3A_195, %dma_wait3A] : memref<16x1280xf32, #tpu.memory_space<vmem>> -> memref<1x1280xf32, #tpu.memory_space<vmem>>
        %dma_wait3A_212 = tpu.memref_squeeze %dma_wait3A_211 : memref<1x1280xf32, #tpu.memory_space<vmem>> -> memref<1280xf32, #tpu.memory_space<vmem>>
        %dma_wait3A_213 = tpu.memref_slice %arg8[%mul3A_202] : memref<1638416xf32, #tpu.memory_space<vmem_shared>> -> memref<1280xf32, #tpu.memory_space<vmem_shared>>
        %dma_wait3A_214 = arith.constant 0 : i32
        %dma_wait3A_215 = tpu.memref_slice %arg7[%scan3A_195, %dma_wait3A_214] : memref<16x1280xf32, #tpu.memory_space<vmem>> -> memref<1x1280xf32, #tpu.memory_space<vmem>>
        %dma_wait3A_216 = tpu.memref_squeeze %dma_wait3A_215 : memref<1x1280xf32, #tpu.memory_space<vmem>> -> memref<1280xf32, #tpu.memory_space<vmem>>
        %dma_wait3A_217 = tpu.memref_slice %arg8[%mul3A_202] : memref<1638416xf32, #tpu.memory_space<vmem_shared>> -> memref<1280xf32, #tpu.memory_space<vmem_shared>>
        tpu.wait_dma2 semaphore(%run_scoped3A_203 : memref<!tpu.dma_semaphore, #tpu.memory_space<semaphore_mem>>) src(%dma_wait3A_217 : memref<1280xf32, #tpu.memory_space<vmem_shared>>) dst(%dma_wait3A_216 : memref<1280xf32, #tpu.memory_space<vmem>>)
        tpu.yield
      }) : () -> ()
    }
    %scan3A_93 = arith.constant 16 : i32
    %mul3A_94 = arith.constant 80 : i32
    %mul3A_95 = arith.muli %arg1, %mul3A_94 : i32
    %add3A_96 = arith.constant 32 : i32
    %add3A_97 = arith.addi %mul3A_95, %add3A_96 : i32
    "tpu.region"() ({
      %run_scoped3A_195 = tpu.sem_alloc : memref<!tpu.dma_semaphore, #tpu.memory_space<semaphore_mem>>
      %dma_start3A = arith.constant 0 : i32
      %dma_start3A_196 = arith.constant 0 : i32
      %dma_start3A_197 = tpu.memref_slice %arg4[%add3A_55, %dma_start3A, %dma_start3A_196] : memref<4x1280x1280xf32, #tpu.memory_space<hbm>> -> memref<1x1280x1280xf32, #tpu.memory_space<hbm>>
      %dma_start3A_198 = tpu.memref_squeeze %dma_start3A_197 : memref<1x1280x1280xf32, #tpu.memory_space<hbm>> -> memref<1280x1280xf32, #tpu.memory_space<hbm>>
      %dma_start3A_199 = arith.constant 0 : i32
      %dma_start3A_200 = tpu.memref_slice %dma_start3A_198[%add3A_97, %dma_start3A_199] : memref<1280x1280xf32, #tpu.memory_space<hbm>> -> memref<16x1280xf32, #tpu.memory_space<hbm>>
      %dma_start3A_201 = arith.constant 0 : i32
      %dma_start3A_202 = arith.constant 0 : i32
      %dma_start3A_203 = tpu.memref_slice %arg4[%add3A_55, %dma_start3A_201, %dma_start3A_202] : memref<4x1280x1280xf32, #tpu.memory_space<hbm>> -> memref<1x1280x1280xf32, #tpu.memory_space<hbm>>
      %dma_start3A_204 = tpu.memref_squeeze %dma_start3A_203 : memref<1x1280x1280xf32, #tpu.memory_space<hbm>> -> memref<1280x1280xf32, #tpu.memory_space<hbm>>
      %dma_start3A_205 = arith.constant 0 : i32
      %dma_start3A_206 = tpu.memref_slice %dma_start3A_204[%add3A_97, %dma_start3A_205] : memref<1280x1280xf32, #tpu.memory_space<hbm>> -> memref<16x1280xf32, #tpu.memory_space<hbm>>
      tpu.enqueue_dma source(%arg7 : memref<16x1280xf32, #tpu.memory_space<vmem>>) target(%dma_start3A_206 : memref<16x1280xf32, #tpu.memory_space<hbm>>) target_semaphore(%run_scoped3A_195 : memref<!tpu.dma_semaphore, #tpu.memory_space<semaphore_mem>>)
      %dma_wait3A = arith.constant 0 : i32
      %dma_wait3A_207 = arith.constant 0 : i32
      %dma_wait3A_208 = tpu.memref_slice %arg4[%add3A_55, %dma_wait3A, %dma_wait3A_207] : memref<4x1280x1280xf32, #tpu.memory_space<hbm>> -> memref<1x1280x1280xf32, #tpu.memory_space<hbm>>
      %dma_wait3A_209 = tpu.memref_squeeze %dma_wait3A_208 : memref<1x1280x1280xf32, #tpu.memory_space<hbm>> -> memref<1280x1280xf32, #tpu.memory_space<hbm>>
      %dma_wait3A_210 = arith.constant 0 : i32
      %dma_wait3A_211 = tpu.memref_slice %dma_wait3A_209[%add3A_97, %dma_wait3A_210] : memref<1280x1280xf32, #tpu.memory_space<hbm>> -> memref<16x1280xf32, #tpu.memory_space<hbm>>
      %dma_wait3A_212 = arith.constant 0 : i32
      %dma_wait3A_213 = arith.constant 0 : i32
      %dma_wait3A_214 = tpu.memref_slice %arg4[%add3A_55, %dma_wait3A_212, %dma_wait3A_213] : memref<4x1280x1280xf32, #tpu.memory_space<hbm>> -> memref<1x1280x1280xf32, #tpu.memory_space<hbm>>
      %dma_wait3A_215 = tpu.memref_squeeze %dma_wait3A_214 : memref<1x1280x1280xf32, #tpu.memory_space<hbm>> -> memref<1280x1280xf32, #tpu.memory_space<hbm>>
      %dma_wait3A_216 = arith.constant 0 : i32
      %dma_wait3A_217 = tpu.memref_slice %dma_wait3A_215[%add3A_97, %dma_wait3A_216] : memref<1280x1280xf32, #tpu.memory_space<hbm>> -> memref<16x1280xf32, #tpu.memory_space<hbm>>
      tpu.wait_dma2 semaphore(%run_scoped3A_195 : memref<!tpu.dma_semaphore, #tpu.memory_space<semaphore_mem>>) src(%arg7 : memref<16x1280xf32, #tpu.memory_space<vmem>>) dst(%dma_wait3A_217 : memref<16x1280xf32, #tpu.memory_space<hbm>>)
      tpu.yield
    }) : () -> ()
    %scan3A_98 = arith.constant 0 : i32
    %scan3A_99 = arith.constant 0 : i32
    %scan3A_100 = arith.constant 16 : i32
    %scan3A_101 = arith.addi %scan3A_99, %scan3A_100 : i32
    %scan3A_102 = arith.constant 1 : i32
    scf.for %scan3A_195 = %scan3A_99 to %scan3A_101 step %scan3A_102  : i32 {
      %mul3A_196 = arith.constant 80 : i32
      %mul3A_197 = arith.muli %arg1, %mul3A_196 : i32
      %add3A_198 = arith.constant 48 : i32
      %add3A_199 = arith.addi %mul3A_197, %add3A_198 : i32
      %add3A_200 = arith.addi %add3A_199, %scan3A_195 : i32
      %mul3A_201 = arith.constant 1280 : i32
      %mul3A_202 = arith.muli %add3A_200, %mul3A_201 : i32
      "tpu.region"() ({
        %run_scoped3A_203 = tpu.sem_alloc : memref<!tpu.dma_semaphore, #tpu.memory_space<semaphore_mem>>
        %dma_start3A = arith.constant 0 : i32
        %dma_start3A_204 = tpu.memref_slice %arg7[%scan3A_195, %dma_start3A] : memref<16x1280xf32, #tpu.memory_space<vmem>> -> memref<1x1280xf32, #tpu.memory_space<vmem>>
        %dma_start3A_205 = tpu.memref_squeeze %dma_start3A_204 : memref<1x1280xf32, #tpu.memory_space<vmem>> -> memref<1280xf32, #tpu.memory_space<vmem>>
        %dma_start3A_206 = tpu.memref_slice %arg8[%mul3A_202] : memref<1638416xf32, #tpu.memory_space<vmem_shared>> -> memref<1280xf32, #tpu.memory_space<vmem_shared>>
        %dma_start3A_207 = arith.constant 0 : i32
        %dma_start3A_208 = tpu.memref_slice %arg7[%scan3A_195, %dma_start3A_207] : memref<16x1280xf32, #tpu.memory_space<vmem>> -> memref<1x1280xf32, #tpu.memory_space<vmem>>
        %dma_start3A_209 = tpu.memref_squeeze %dma_start3A_208 : memref<1x1280xf32, #tpu.memory_space<vmem>> -> memref<1280xf32, #tpu.memory_space<vmem>>
        %dma_start3A_210 = tpu.memref_slice %arg8[%mul3A_202] : memref<1638416xf32, #tpu.memory_space<vmem_shared>> -> memref<1280xf32, #tpu.memory_space<vmem_shared>>
        tpu.enqueue_dma source(%dma_start3A_210 : memref<1280xf32, #tpu.memory_space<vmem_shared>>) target(%dma_start3A_209 : memref<1280xf32, #tpu.memory_space<vmem>>) target_semaphore(%run_scoped3A_203 : memref<!tpu.dma_semaphore, #tpu.memory_space<semaphore_mem>>)
        %dma_wait3A = arith.constant 0 : i32
        %dma_wait3A_211 = tpu.memref_slice %arg7[%scan3A_195, %dma_wait3A] : memref<16x1280xf32, #tpu.memory_space<vmem>> -> memref<1x1280xf32, #tpu.memory_space<vmem>>
        %dma_wait3A_212 = tpu.memref_squeeze %dma_wait3A_211 : memref<1x1280xf32, #tpu.memory_space<vmem>> -> memref<1280xf32, #tpu.memory_space<vmem>>
        %dma_wait3A_213 = tpu.memref_slice %arg8[%mul3A_202] : memref<1638416xf32, #tpu.memory_space<vmem_shared>> -> memref<1280xf32, #tpu.memory_space<vmem_shared>>
        %dma_wait3A_214 = arith.constant 0 : i32
        %dma_wait3A_215 = tpu.memref_slice %arg7[%scan3A_195, %dma_wait3A_214] : memref<16x1280xf32, #tpu.memory_space<vmem>> -> memref<1x1280xf32, #tpu.memory_space<vmem>>
        %dma_wait3A_216 = tpu.memref_squeeze %dma_wait3A_215 : memref<1x1280xf32, #tpu.memory_space<vmem>> -> memref<1280xf32, #tpu.memory_space<vmem>>
        %dma_wait3A_217 = tpu.memref_slice %arg8[%mul3A_202] : memref<1638416xf32, #tpu.memory_space<vmem_shared>> -> memref<1280xf32, #tpu.memory_space<vmem_shared>>
        tpu.wait_dma2 semaphore(%run_scoped3A_203 : memref<!tpu.dma_semaphore, #tpu.memory_space<semaphore_mem>>) src(%dma_wait3A_217 : memref<1280xf32, #tpu.memory_space<vmem_shared>>) dst(%dma_wait3A_216 : memref<1280xf32, #tpu.memory_space<vmem>>)
        tpu.yield
      }) : () -> ()
    }
    %scan3A_103 = arith.constant 16 : i32
    %mul3A_104 = arith.constant 80 : i32
    %mul3A_105 = arith.muli %arg1, %mul3A_104 : i32
    %add3A_106 = arith.constant 48 : i32
    %add3A_107 = arith.addi %mul3A_105, %add3A_106 : i32
    "tpu.region"() ({
      %run_scoped3A_195 = tpu.sem_alloc : memref<!tpu.dma_semaphore, #tpu.memory_space<semaphore_mem>>
      %dma_start3A = arith.constant 0 : i32
      %dma_start3A_196 = arith.constant 0 : i32
      %dma_start3A_197 = tpu.memref_slice %arg4[%add3A_55, %dma_start3A, %dma_start3A_196] : memref<4x1280x1280xf32, #tpu.memory_space<hbm>> -> memref<1x1280x1280xf32, #tpu.memory_space<hbm>>
      %dma_start3A_198 = tpu.memref_squeeze %dma_start3A_197 : memref<1x1280x1280xf32, #tpu.memory_space<hbm>> -> memref<1280x1280xf32, #tpu.memory_space<hbm>>
      %dma_start3A_199 = arith.constant 0 : i32
      %dma_start3A_200 = tpu.memref_slice %dma_start3A_198[%add3A_107, %dma_start3A_199] : memref<1280x1280xf32, #tpu.memory_space<hbm>> -> memref<16x1280xf32, #tpu.memory_space<hbm>>
      %dma_start3A_201 = arith.constant 0 : i32
      %dma_start3A_202 = arith.constant 0 : i32
      %dma_start3A_203 = tpu.memref_slice %arg4[%add3A_55, %dma_start3A_201, %dma_start3A_202] : memref<4x1280x1280xf32, #tpu.memory_space<hbm>> -> memref<1x1280x1280xf32, #tpu.memory_space<hbm>>
      %dma_start3A_204 = tpu.memref_squeeze %dma_start3A_203 : memref<1x1280x1280xf32, #tpu.memory_space<hbm>> -> memref<1280x1280xf32, #tpu.memory_space<hbm>>
      %dma_start3A_205 = arith.constant 0 : i32
      %dma_start3A_206 = tpu.memref_slice %dma_start3A_204[%add3A_107, %dma_start3A_205] : memref<1280x1280xf32, #tpu.memory_space<hbm>> -> memref<16x1280xf32, #tpu.memory_space<hbm>>
      tpu.enqueue_dma source(%arg7 : memref<16x1280xf32, #tpu.memory_space<vmem>>) target(%dma_start3A_206 : memref<16x1280xf32, #tpu.memory_space<hbm>>) target_semaphore(%run_scoped3A_195 : memref<!tpu.dma_semaphore, #tpu.memory_space<semaphore_mem>>)
      %dma_wait3A = arith.constant 0 : i32
      %dma_wait3A_207 = arith.constant 0 : i32
      %dma_wait3A_208 = tpu.memref_slice %arg4[%add3A_55, %dma_wait3A, %dma_wait3A_207] : memref<4x1280x1280xf32, #tpu.memory_space<hbm>> -> memref<1x1280x1280xf32, #tpu.memory_space<hbm>>
      %dma_wait3A_209 = tpu.memref_squeeze %dma_wait3A_208 : memref<1x1280x1280xf32, #tpu.memory_space<hbm>> -> memref<1280x1280xf32, #tpu.memory_space<hbm>>
      %dma_wait3A_210 = arith.constant 0 : i32
      %dma_wait3A_211 = tpu.memref_slice %dma_wait3A_209[%add3A_107, %dma_wait3A_210] : memref<1280x1280xf32, #tpu.memory_space<hbm>> -> memref<16x1280xf32, #tpu.memory_space<hbm>>
      %dma_wait3A_212 = arith.constant 0 : i32
      %dma_wait3A_213 = arith.constant 0 : i32
      %dma_wait3A_214 = tpu.memref_slice %arg4[%add3A_55, %dma_wait3A_212, %dma_wait3A_213] : memref<4x1280x1280xf32, #tpu.memory_space<hbm>> -> memref<1x1280x1280xf32, #tpu.memory_space<hbm>>
      %dma_wait3A_215 = tpu.memref_squeeze %dma_wait3A_214 : memref<1x1280x1280xf32, #tpu.memory_space<hbm>> -> memref<1280x1280xf32, #tpu.memory_space<hbm>>
      %dma_wait3A_216 = arith.constant 0 : i32
      %dma_wait3A_217 = tpu.memref_slice %dma_wait3A_215[%add3A_107, %dma_wait3A_216] : memref<1280x1280xf32, #tpu.memory_space<hbm>> -> memref<16x1280xf32, #tpu.memory_space<hbm>>
      tpu.wait_dma2 semaphore(%run_scoped3A_195 : memref<!tpu.dma_semaphore, #tpu.memory_space<semaphore_mem>>) src(%arg7 : memref<16x1280xf32, #tpu.memory_space<vmem>>) dst(%dma_wait3A_217 : memref<16x1280xf32, #tpu.memory_space<hbm>>)
      tpu.yield
    }) : () -> ()
    %scan3A_108 = arith.constant 0 : i32
    %scan3A_109 = arith.constant 0 : i32
    %scan3A_110 = arith.constant 16 : i32
    %scan3A_111 = arith.addi %scan3A_109, %scan3A_110 : i32
    %scan3A_112 = arith.constant 1 : i32
    scf.for %scan3A_195 = %scan3A_109 to %scan3A_111 step %scan3A_112  : i32 {
      %mul3A_196 = arith.constant 80 : i32
      %mul3A_197 = arith.muli %arg1, %mul3A_196 : i32
      %add3A_198 = arith.constant 64 : i32
      %add3A_199 = arith.addi %mul3A_197, %add3A_198 : i32
      %add3A_200 = arith.addi %add3A_199, %scan3A_195 : i32
      %mul3A_201 = arith.constant 1280 : i32
      %mul3A_202 = arith.muli %add3A_200, %mul3A_201 : i32
      "tpu.region"() ({
        %run_scoped3A_203 = tpu.sem_alloc : memref<!tpu.dma_semaphore, #tpu.memory_space<semaphore_mem>>
        %dma_start3A = arith.constant 0 : i32
        %dma_start3A_204 = tpu.memref_slice %arg7[%scan3A_195, %dma_start3A] : memref<16x1280xf32, #tpu.memory_space<vmem>> -> memref<1x1280xf32, #tpu.memory_space<vmem>>
        %dma_start3A_205 = tpu.memref_squeeze %dma_start3A_204 : memref<1x1280xf32, #tpu.memory_space<vmem>> -> memref<1280xf32, #tpu.memory_space<vmem>>
        %dma_start3A_206 = tpu.memref_slice %arg8[%mul3A_202] : memref<1638416xf32, #tpu.memory_space<vmem_shared>> -> memref<1280xf32, #tpu.memory_space<vmem_shared>>
        %dma_start3A_207 = arith.constant 0 : i32
        %dma_start3A_208 = tpu.memref_slice %arg7[%scan3A_195, %dma_start3A_207] : memref<16x1280xf32, #tpu.memory_space<vmem>> -> memref<1x1280xf32, #tpu.memory_space<vmem>>
        %dma_start3A_209 = tpu.memref_squeeze %dma_start3A_208 : memref<1x1280xf32, #tpu.memory_space<vmem>> -> memref<1280xf32, #tpu.memory_space<vmem>>
        %dma_start3A_210 = tpu.memref_slice %arg8[%mul3A_202] : memref<1638416xf32, #tpu.memory_space<vmem_shared>> -> memref<1280xf32, #tpu.memory_space<vmem_shared>>
        tpu.enqueue_dma source(%dma_start3A_210 : memref<1280xf32, #tpu.memory_space<vmem_shared>>) target(%dma_start3A_209 : memref<1280xf32, #tpu.memory_space<vmem>>) target_semaphore(%run_scoped3A_203 : memref<!tpu.dma_semaphore, #tpu.memory_space<semaphore_mem>>)
        %dma_wait3A = arith.constant 0 : i32
        %dma_wait3A_211 = tpu.memref_slice %arg7[%scan3A_195, %dma_wait3A] : memref<16x1280xf32, #tpu.memory_space<vmem>> -> memref<1x1280xf32, #tpu.memory_space<vmem>>
        %dma_wait3A_212 = tpu.memref_squeeze %dma_wait3A_211 : memref<1x1280xf32, #tpu.memory_space<vmem>> -> memref<1280xf32, #tpu.memory_space<vmem>>
        %dma_wait3A_213 = tpu.memref_slice %arg8[%mul3A_202] : memref<1638416xf32, #tpu.memory_space<vmem_shared>> -> memref<1280xf32, #tpu.memory_space<vmem_shared>>
        %dma_wait3A_214 = arith.constant 0 : i32
        %dma_wait3A_215 = tpu.memref_slice %arg7[%scan3A_195, %dma_wait3A_214] : memref<16x1280xf32, #tpu.memory_space<vmem>> -> memref<1x1280xf32, #tpu.memory_space<vmem>>
        %dma_wait3A_216 = tpu.memref_squeeze %dma_wait3A_215 : memref<1x1280xf32, #tpu.memory_space<vmem>> -> memref<1280xf32, #tpu.memory_space<vmem>>
        %dma_wait3A_217 = tpu.memref_slice %arg8[%mul3A_202] : memref<1638416xf32, #tpu.memory_space<vmem_shared>> -> memref<1280xf32, #tpu.memory_space<vmem_shared>>
        tpu.wait_dma2 semaphore(%run_scoped3A_203 : memref<!tpu.dma_semaphore, #tpu.memory_space<semaphore_mem>>) src(%dma_wait3A_217 : memref<1280xf32, #tpu.memory_space<vmem_shared>>) dst(%dma_wait3A_216 : memref<1280xf32, #tpu.memory_space<vmem>>)
        tpu.yield
      }) : () -> ()
    }
    %scan3A_113 = arith.constant 16 : i32
    %mul3A_114 = arith.constant 80 : i32
    %mul3A_115 = arith.muli %arg1, %mul3A_114 : i32
    %add3A_116 = arith.constant 64 : i32
    %add3A_117 = arith.addi %mul3A_115, %add3A_116 : i32
    "tpu.region"() ({
      %run_scoped3A_195 = tpu.sem_alloc : memref<!tpu.dma_semaphore, #tpu.memory_space<semaphore_mem>>
      %dma_start3A = arith.constant 0 : i32
      %dma_start3A_196 = arith.constant 0 : i32
      %dma_start3A_197 = tpu.memref_slice %arg4[%add3A_55, %dma_start3A, %dma_start3A_196] : memref<4x1280x1280xf32, #tpu.memory_space<hbm>> -> memref<1x1280x1280xf32, #tpu.memory_space<hbm>>
      %dma_start3A_198 = tpu.memref_squeeze %dma_start3A_197 : memref<1x1280x1280xf32, #tpu.memory_space<hbm>> -> memref<1280x1280xf32, #tpu.memory_space<hbm>>
      %dma_start3A_199 = arith.constant 0 : i32
      %dma_start3A_200 = tpu.memref_slice %dma_start3A_198[%add3A_117, %dma_start3A_199] : memref<1280x1280xf32, #tpu.memory_space<hbm>> -> memref<16x1280xf32, #tpu.memory_space<hbm>>
      %dma_start3A_201 = arith.constant 0 : i32
      %dma_start3A_202 = arith.constant 0 : i32
      %dma_start3A_203 = tpu.memref_slice %arg4[%add3A_55, %dma_start3A_201, %dma_start3A_202] : memref<4x1280x1280xf32, #tpu.memory_space<hbm>> -> memref<1x1280x1280xf32, #tpu.memory_space<hbm>>
      %dma_start3A_204 = tpu.memref_squeeze %dma_start3A_203 : memref<1x1280x1280xf32, #tpu.memory_space<hbm>> -> memref<1280x1280xf32, #tpu.memory_space<hbm>>
      %dma_start3A_205 = arith.constant 0 : i32
      %dma_start3A_206 = tpu.memref_slice %dma_start3A_204[%add3A_117, %dma_start3A_205] : memref<1280x1280xf32, #tpu.memory_space<hbm>> -> memref<16x1280xf32, #tpu.memory_space<hbm>>
      tpu.enqueue_dma source(%arg7 : memref<16x1280xf32, #tpu.memory_space<vmem>>) target(%dma_start3A_206 : memref<16x1280xf32, #tpu.memory_space<hbm>>) target_semaphore(%run_scoped3A_195 : memref<!tpu.dma_semaphore, #tpu.memory_space<semaphore_mem>>)
      %dma_wait3A = arith.constant 0 : i32
      %dma_wait3A_207 = arith.constant 0 : i32
      %dma_wait3A_208 = tpu.memref_slice %arg4[%add3A_55, %dma_wait3A, %dma_wait3A_207] : memref<4x1280x1280xf32, #tpu.memory_space<hbm>> -> memref<1x1280x1280xf32, #tpu.memory_space<hbm>>
      %dma_wait3A_209 = tpu.memref_squeeze %dma_wait3A_208 : memref<1x1280x1280xf32, #tpu.memory_space<hbm>> -> memref<1280x1280xf32, #tpu.memory_space<hbm>>
      %dma_wait3A_210 = arith.constant 0 : i32
      %dma_wait3A_211 = tpu.memref_slice %dma_wait3A_209[%add3A_117, %dma_wait3A_210] : memref<1280x1280xf32, #tpu.memory_space<hbm>> -> memref<16x1280xf32, #tpu.memory_space<hbm>>
      %dma_wait3A_212 = arith.constant 0 : i32
      %dma_wait3A_213 = arith.constant 0 : i32
      %dma_wait3A_214 = tpu.memref_slice %arg4[%add3A_55, %dma_wait3A_212, %dma_wait3A_213] : memref<4x1280x1280xf32, #tpu.memory_space<hbm>> -> memref<1x1280x1280xf32, #tpu.memory_space<hbm>>
      %dma_wait3A_215 = tpu.memref_squeeze %dma_wait3A_214 : memref<1x1280x1280xf32, #tpu.memory_space<hbm>> -> memref<1280x1280xf32, #tpu.memory_space<hbm>>
      %dma_wait3A_216 = arith.constant 0 : i32
      %dma_wait3A_217 = tpu.memref_slice %dma_wait3A_215[%add3A_117, %dma_wait3A_216] : memref<1280x1280xf32, #tpu.memory_space<hbm>> -> memref<16x1280xf32, #tpu.memory_space<hbm>>
      tpu.wait_dma2 semaphore(%run_scoped3A_195 : memref<!tpu.dma_semaphore, #tpu.memory_space<semaphore_mem>>) src(%arg7 : memref<16x1280xf32, #tpu.memory_space<vmem>>) dst(%dma_wait3A_217 : memref<16x1280xf32, #tpu.memory_space<hbm>>)
      tpu.yield
    }) : () -> ()
    %mul3A_118 = arith.constant 102400 : i32
    %mul3A_119 = arith.muli %arg1, %mul3A_118 : i32
    "tpu.region"() ({
      %run_scoped3A_195 = tpu.sem_alloc : memref<!tpu.dma_semaphore, #tpu.memory_space<semaphore_mem>>
      %dma_start3A = tpu.memref_slice %arg8[%mul3A_119] : memref<1638416xf32, #tpu.memory_space<vmem_shared>> -> memref<102400xf32, #tpu.memory_space<vmem_shared>>
      tpu.enqueue_dma source(%arg3 : memref<102400xf32, #tpu.memory_space<hbm>>) target(%dma_start3A : memref<102400xf32, #tpu.memory_space<vmem_shared>>) target_semaphore(%run_scoped3A_195 : memref<!tpu.dma_semaphore, #tpu.memory_space<semaphore_mem>>)
      %dma_wait3A = tpu.memref_slice %arg8[%mul3A_119] : memref<1638416xf32, #tpu.memory_space<vmem_shared>> -> memref<102400xf32, #tpu.memory_space<vmem_shared>>
      tpu.wait_dma2 semaphore(%run_scoped3A_195 : memref<!tpu.dma_semaphore, #tpu.memory_space<semaphore_mem>>) src(%arg3 : memref<102400xf32, #tpu.memory_space<hbm>>) dst(%dma_wait3A : memref<102400xf32, #tpu.memory_space<vmem_shared>>)
      tpu.yield
    }) : () -> ()
    %barrier3A_120 = arith.constant 0 : index
    tpu.barrier barrier_id(%barrier3A_120)
    %mul3A_121 = arith.constant 2 : i32
    %mul3A_122 = arith.muli %arg0, %mul3A_121 : i32
    %add3A_123 = arith.constant 4 : i32
    %add3A_124 = arith.addi %add3A_123, %mul3A_122 : i32
    %add3A_125 = arith.constant 1 : i32
    %add3A_126 = arith.addi %add3A_124, %add3A_125 : i32
    %mul3A_127 = arith.constant 2 : i32
    %mul3A_128 = arith.muli %arg0, %mul3A_127 : i32
    %add3A_129 = arith.constant 1 : i32
    %add3A_130 = arith.addi %mul3A_128, %add3A_129 : i32
    %mul3A_131 = arith.constant 16 : i32
    %mul3A_132 = arith.muli %add3A_126, %mul3A_131 : i32
    %add3A_133 = arith.addi %mul3A_132, %arg1 : i32
    "tpu.region"() ({
      %run_scoped3A_195 = tpu.sem_alloc : memref<!tpu.dma_semaphore, #tpu.memory_space<semaphore_mem>>
      %dma_start3A = arith.constant 0 : i32
      %dma_start3A_196 = arith.constant 0 : i32
      %dma_start3A_197 = tpu.memref_slice %arg2[%add3A_133, %dma_start3A, %dma_start3A_196] : memref<128x10x128xi32, #tpu.memory_space<hbm>> -> memref<1x10x128xi32, #tpu.memory_space<hbm>>
      %dma_start3A_198 = tpu.memref_squeeze %dma_start3A_197 : memref<1x10x128xi32, #tpu.memory_space<hbm>> -> memref<10x128xi32, #tpu.memory_space<hbm>>
      %dma_start3A_199 = arith.constant 0 : i32
      %dma_start3A_200 = arith.constant 0 : i32
      %dma_start3A_201 = tpu.memref_slice %arg2[%add3A_133, %dma_start3A_199, %dma_start3A_200] : memref<128x10x128xi32, #tpu.memory_space<hbm>> -> memref<1x10x128xi32, #tpu.memory_space<hbm>>
      %dma_start3A_202 = tpu.memref_squeeze %dma_start3A_201 : memref<1x10x128xi32, #tpu.memory_space<hbm>> -> memref<10x128xi32, #tpu.memory_space<hbm>>
      tpu.enqueue_dma source(%dma_start3A_202 : memref<10x128xi32, #tpu.memory_space<hbm>>) target(%arg5 : memref<10x128xi32, #tpu.memory_space<vmem>>) target_semaphore(%run_scoped3A_195 : memref<!tpu.dma_semaphore, #tpu.memory_space<semaphore_mem>>)
      %dma_wait3A = arith.constant 0 : i32
      %dma_wait3A_203 = arith.constant 0 : i32
      %dma_wait3A_204 = tpu.memref_slice %arg2[%add3A_133, %dma_wait3A, %dma_wait3A_203] : memref<128x10x128xi32, #tpu.memory_space<hbm>> -> memref<1x10x128xi32, #tpu.memory_space<hbm>>
      %dma_wait3A_205 = tpu.memref_squeeze %dma_wait3A_204 : memref<1x10x128xi32, #tpu.memory_space<hbm>> -> memref<10x128xi32, #tpu.memory_space<hbm>>
      %dma_wait3A_206 = arith.constant 0 : i32
      %dma_wait3A_207 = arith.constant 0 : i32
      %dma_wait3A_208 = tpu.memref_slice %arg2[%add3A_133, %dma_wait3A_206, %dma_wait3A_207] : memref<128x10x128xi32, #tpu.memory_space<hbm>> -> memref<1x10x128xi32, #tpu.memory_space<hbm>>
      %dma_wait3A_209 = tpu.memref_squeeze %dma_wait3A_208 : memref<1x10x128xi32, #tpu.memory_space<hbm>> -> memref<10x128xi32, #tpu.memory_space<hbm>>
      tpu.wait_dma2 semaphore(%run_scoped3A_195 : memref<!tpu.dma_semaphore, #tpu.memory_space<semaphore_mem>>) src(%dma_wait3A_209 : memref<10x128xi32, #tpu.memory_space<hbm>>) dst(%arg5 : memref<10x128xi32, #tpu.memory_space<vmem>>)
      tpu.yield
    }) : () -> ()
    %run_scoped3A_134 = arith.constant 0 : i32
    "tpu.region"() ({
      %run_scoped3A_195 = tpu.sem_alloc : memref<!tpu.dma_semaphore, #tpu.memory_space<semaphore_mem>>
      %dma_start3A = arith.constant 0 : i32
      %dma_start3A_196 = tpu.memref_slice %arg5[%run_scoped3A_134, %dma_start3A] : memref<10x128xi32, #tpu.memory_space<vmem>> -> memref<1x128xi32, #tpu.memory_space<vmem>>
      %dma_start3A_197 = tpu.memref_squeeze %dma_start3A_196 : memref<1x128xi32, #tpu.memory_space<vmem>> -> memref<128xi32, #tpu.memory_space<vmem>>
      %dma_start3A_198 = arith.constant 0 : i32
      %dma_start3A_199 = tpu.memref_slice %arg8[%dma_start3A_198] : memref<1638416xf32, #tpu.memory_space<vmem_shared>> -> memref<1638416xf32, #tpu.memory_space<vmem_shared>>
      tpu.enqueue_indirect_dma source(%arg6 : memref<128xf32, #tpu.memory_space<vmem>>) target(%dma_start3A_199 : memref<1638416xf32, #tpu.memory_space<vmem_shared>>) offsets(%dma_start3A_197 : memref<128xi32, #tpu.memory_space<vmem>>) semaphore(%run_scoped3A_195 : memref<!tpu.dma_semaphore, #tpu.memory_space<semaphore_mem>>) {add = true}
      %dma_wait3A = arith.constant 0 : i32
      %dma_wait3A_200 = tpu.memref_slice %arg5[%run_scoped3A_134, %dma_wait3A] : memref<10x128xi32, #tpu.memory_space<vmem>> -> memref<1x128xi32, #tpu.memory_space<vmem>>
      %dma_wait3A_201 = tpu.memref_squeeze %dma_wait3A_200 : memref<1x128xi32, #tpu.memory_space<vmem>> -> memref<128xi32, #tpu.memory_space<vmem>>
      %dma_wait3A_202 = arith.constant 0 : i32
      %dma_wait3A_203 = tpu.memref_slice %arg8[%dma_wait3A_202] : memref<1638416xf32, #tpu.memory_space<vmem_shared>> -> memref<1638416xf32, #tpu.memory_space<vmem_shared>>
      tpu.wait_indirect_dma semaphore(%run_scoped3A_195 : memref<!tpu.dma_semaphore, #tpu.memory_space<semaphore_mem>>) src(%arg6 : memref<128xf32, #tpu.memory_space<vmem>>) dst(%dma_wait3A_203 : memref<1638416xf32, #tpu.memory_space<vmem_shared>>)
      tpu.yield
    }) : () -> ()
    %run_scoped3A_135 = arith.constant 1 : i32
    "tpu.region"() ({
      %run_scoped3A_195 = tpu.sem_alloc : memref<!tpu.dma_semaphore, #tpu.memory_space<semaphore_mem>>
      %dma_start3A = arith.constant 0 : i32
      %dma_start3A_196 = tpu.memref_slice %arg5[%run_scoped3A_135, %dma_start3A] : memref<10x128xi32, #tpu.memory_space<vmem>> -> memref<1x128xi32, #tpu.memory_space<vmem>>
      %dma_start3A_197 = tpu.memref_squeeze %dma_start3A_196 : memref<1x128xi32, #tpu.memory_space<vmem>> -> memref<128xi32, #tpu.memory_space<vmem>>
      %dma_start3A_198 = arith.constant 0 : i32
      %dma_start3A_199 = tpu.memref_slice %arg8[%dma_start3A_198] : memref<1638416xf32, #tpu.memory_space<vmem_shared>> -> memref<1638416xf32, #tpu.memory_space<vmem_shared>>
      tpu.enqueue_indirect_dma source(%arg6 : memref<128xf32, #tpu.memory_space<vmem>>) target(%dma_start3A_199 : memref<1638416xf32, #tpu.memory_space<vmem_shared>>) offsets(%dma_start3A_197 : memref<128xi32, #tpu.memory_space<vmem>>) semaphore(%run_scoped3A_195 : memref<!tpu.dma_semaphore, #tpu.memory_space<semaphore_mem>>) {add = true}
      %dma_wait3A = arith.constant 0 : i32
      %dma_wait3A_200 = tpu.memref_slice %arg5[%run_scoped3A_135, %dma_wait3A] : memref<10x128xi32, #tpu.memory_space<vmem>> -> memref<1x128xi32, #tpu.memory_space<vmem>>
      %dma_wait3A_201 = tpu.memref_squeeze %dma_wait3A_200 : memref<1x128xi32, #tpu.memory_space<vmem>> -> memref<128xi32, #tpu.memory_space<vmem>>
      %dma_wait3A_202 = arith.constant 0 : i32
      %dma_wait3A_203 = tpu.memref_slice %arg8[%dma_wait3A_202] : memref<1638416xf32, #tpu.memory_space<vmem_shared>> -> memref<1638416xf32, #tpu.memory_space<vmem_shared>>
      tpu.wait_indirect_dma semaphore(%run_scoped3A_195 : memref<!tpu.dma_semaphore, #tpu.memory_space<semaphore_mem>>) src(%arg6 : memref<128xf32, #tpu.memory_space<vmem>>) dst(%dma_wait3A_203 : memref<1638416xf32, #tpu.memory_space<vmem_shared>>)
      tpu.yield
    }) : () -> ()
    %run_scoped3A_136 = arith.constant 2 : i32
    "tpu.region"() ({
      %run_scoped3A_195 = tpu.sem_alloc : memref<!tpu.dma_semaphore, #tpu.memory_space<semaphore_mem>>
      %dma_start3A = arith.constant 0 : i32
      %dma_start3A_196 = tpu.memref_slice %arg5[%run_scoped3A_136, %dma_start3A] : memref<10x128xi32, #tpu.memory_space<vmem>> -> memref<1x128xi32, #tpu.memory_space<vmem>>
      %dma_start3A_197 = tpu.memref_squeeze %dma_start3A_196 : memref<1x128xi32, #tpu.memory_space<vmem>> -> memref<128xi32, #tpu.memory_space<vmem>>
      %dma_start3A_198 = arith.constant 0 : i32
      %dma_start3A_199 = tpu.memref_slice %arg8[%dma_start3A_198] : memref<1638416xf32, #tpu.memory_space<vmem_shared>> -> memref<1638416xf32, #tpu.memory_space<vmem_shared>>
      tpu.enqueue_indirect_dma source(%arg6 : memref<128xf32, #tpu.memory_space<vmem>>) target(%dma_start3A_199 : memref<1638416xf32, #tpu.memory_space<vmem_shared>>) offsets(%dma_start3A_197 : memref<128xi32, #tpu.memory_space<vmem>>) semaphore(%run_scoped3A_195 : memref<!tpu.dma_semaphore, #tpu.memory_space<semaphore_mem>>) {add = true}
      %dma_wait3A = arith.constant 0 : i32
      %dma_wait3A_200 = tpu.memref_slice %arg5[%run_scoped3A_136, %dma_wait3A] : memref<10x128xi32, #tpu.memory_space<vmem>> -> memref<1x128xi32, #tpu.memory_space<vmem>>
      %dma_wait3A_201 = tpu.memref_squeeze %dma_wait3A_200 : memref<1x128xi32, #tpu.memory_space<vmem>> -> memref<128xi32, #tpu.memory_space<vmem>>
      %dma_wait3A_202 = arith.constant 0 : i32
      %dma_wait3A_203 = tpu.memref_slice %arg8[%dma_wait3A_202] : memref<1638416xf32, #tpu.memory_space<vmem_shared>> -> memref<1638416xf32, #tpu.memory_space<vmem_shared>>
      tpu.wait_indirect_dma semaphore(%run_scoped3A_195 : memref<!tpu.dma_semaphore, #tpu.memory_space<semaphore_mem>>) src(%arg6 : memref<128xf32, #tpu.memory_space<vmem>>) dst(%dma_wait3A_203 : memref<1638416xf32, #tpu.memory_space<vmem_shared>>)
      tpu.yield
    }) : () -> ()
    %run_scoped3A_137 = arith.constant 3 : i32
    "tpu.region"() ({
      %run_scoped3A_195 = tpu.sem_alloc : memref<!tpu.dma_semaphore, #tpu.memory_space<semaphore_mem>>
      %dma_start3A = arith.constant 0 : i32
      %dma_start3A_196 = tpu.memref_slice %arg5[%run_scoped3A_137, %dma_start3A] : memref<10x128xi32, #tpu.memory_space<vmem>> -> memref<1x128xi32, #tpu.memory_space<vmem>>
      %dma_start3A_197 = tpu.memref_squeeze %dma_start3A_196 : memref<1x128xi32, #tpu.memory_space<vmem>> -> memref<128xi32, #tpu.memory_space<vmem>>
      %dma_start3A_198 = arith.constant 0 : i32
      %dma_start3A_199 = tpu.memref_slice %arg8[%dma_start3A_198] : memref<1638416xf32, #tpu.memory_space<vmem_shared>> -> memref<1638416xf32, #tpu.memory_space<vmem_shared>>
      tpu.enqueue_indirect_dma source(%arg6 : memref<128xf32, #tpu.memory_space<vmem>>) target(%dma_start3A_199 : memref<1638416xf32, #tpu.memory_space<vmem_shared>>) offsets(%dma_start3A_197 : memref<128xi32, #tpu.memory_space<vmem>>) semaphore(%run_scoped3A_195 : memref<!tpu.dma_semaphore, #tpu.memory_space<semaphore_mem>>) {add = true}
      %dma_wait3A = arith.constant 0 : i32
      %dma_wait3A_200 = tpu.memref_slice %arg5[%run_scoped3A_137, %dma_wait3A] : memref<10x128xi32, #tpu.memory_space<vmem>> -> memref<1x128xi32, #tpu.memory_space<vmem>>
      %dma_wait3A_201 = tpu.memref_squeeze %dma_wait3A_200 : memref<1x128xi32, #tpu.memory_space<vmem>> -> memref<128xi32, #tpu.memory_space<vmem>>
      %dma_wait3A_202 = arith.constant 0 : i32
      %dma_wait3A_203 = tpu.memref_slice %arg8[%dma_wait3A_202] : memref<1638416xf32, #tpu.memory_space<vmem_shared>> -> memref<1638416xf32, #tpu.memory_space<vmem_shared>>
      tpu.wait_indirect_dma semaphore(%run_scoped3A_195 : memref<!tpu.dma_semaphore, #tpu.memory_space<semaphore_mem>>) src(%arg6 : memref<128xf32, #tpu.memory_space<vmem>>) dst(%dma_wait3A_203 : memref<1638416xf32, #tpu.memory_space<vmem_shared>>)
      tpu.yield
    }) : () -> ()
    %run_scoped3A_138 = arith.constant 4 : i32
    "tpu.region"() ({
      %run_scoped3A_195 = tpu.sem_alloc : memref<!tpu.dma_semaphore, #tpu.memory_space<semaphore_mem>>
      %dma_start3A = arith.constant 0 : i32
      %dma_start3A_196 = tpu.memref_slice %arg5[%run_scoped3A_138, %dma_start3A] : memref<10x128xi32, #tpu.memory_space<vmem>> -> memref<1x128xi32, #tpu.memory_space<vmem>>
      %dma_start3A_197 = tpu.memref_squeeze %dma_start3A_196 : memref<1x128xi32, #tpu.memory_space<vmem>> -> memref<128xi32, #tpu.memory_space<vmem>>
      %dma_start3A_198 = arith.constant 0 : i32
      %dma_start3A_199 = tpu.memref_slice %arg8[%dma_start3A_198] : memref<1638416xf32, #tpu.memory_space<vmem_shared>> -> memref<1638416xf32, #tpu.memory_space<vmem_shared>>
      tpu.enqueue_indirect_dma source(%arg6 : memref<128xf32, #tpu.memory_space<vmem>>) target(%dma_start3A_199 : memref<1638416xf32, #tpu.memory_space<vmem_shared>>) offsets(%dma_start3A_197 : memref<128xi32, #tpu.memory_space<vmem>>) semaphore(%run_scoped3A_195 : memref<!tpu.dma_semaphore, #tpu.memory_space<semaphore_mem>>) {add = true}
      %dma_wait3A = arith.constant 0 : i32
      %dma_wait3A_200 = tpu.memref_slice %arg5[%run_scoped3A_138, %dma_wait3A] : memref<10x128xi32, #tpu.memory_space<vmem>> -> memref<1x128xi32, #tpu.memory_space<vmem>>
      %dma_wait3A_201 = tpu.memref_squeeze %dma_wait3A_200 : memref<1x128xi32, #tpu.memory_space<vmem>> -> memref<128xi32, #tpu.memory_space<vmem>>
      %dma_wait3A_202 = arith.constant 0 : i32
      %dma_wait3A_203 = tpu.memref_slice %arg8[%dma_wait3A_202] : memref<1638416xf32, #tpu.memory_space<vmem_shared>> -> memref<1638416xf32, #tpu.memory_space<vmem_shared>>
      tpu.wait_indirect_dma semaphore(%run_scoped3A_195 : memref<!tpu.dma_semaphore, #tpu.memory_space<semaphore_mem>>) src(%arg6 : memref<128xf32, #tpu.memory_space<vmem>>) dst(%dma_wait3A_203 : memref<1638416xf32, #tpu.memory_space<vmem_shared>>)
      tpu.yield
    }) : () -> ()
    %run_scoped3A_139 = arith.constant 5 : i32
    "tpu.region"() ({
      %run_scoped3A_195 = tpu.sem_alloc : memref<!tpu.dma_semaphore, #tpu.memory_space<semaphore_mem>>
      %dma_start3A = arith.constant 0 : i32
      %dma_start3A_196 = tpu.memref_slice %arg5[%run_scoped3A_139, %dma_start3A] : memref<10x128xi32, #tpu.memory_space<vmem>> -> memref<1x128xi32, #tpu.memory_space<vmem>>
      %dma_start3A_197 = tpu.memref_squeeze %dma_start3A_196 : memref<1x128xi32, #tpu.memory_space<vmem>> -> memref<128xi32, #tpu.memory_space<vmem>>
      %dma_start3A_198 = arith.constant 0 : i32
      %dma_start3A_199 = tpu.memref_slice %arg8[%dma_start3A_198] : memref<1638416xf32, #tpu.memory_space<vmem_shared>> -> memref<1638416xf32, #tpu.memory_space<vmem_shared>>
      tpu.enqueue_indirect_dma source(%arg6 : memref<128xf32, #tpu.memory_space<vmem>>) target(%dma_start3A_199 : memref<1638416xf32, #tpu.memory_space<vmem_shared>>) offsets(%dma_start3A_197 : memref<128xi32, #tpu.memory_space<vmem>>) semaphore(%run_scoped3A_195 : memref<!tpu.dma_semaphore, #tpu.memory_space<semaphore_mem>>) {add = true}
      %dma_wait3A = arith.constant 0 : i32
      %dma_wait3A_200 = tpu.memref_slice %arg5[%run_scoped3A_139, %dma_wait3A] : memref<10x128xi32, #tpu.memory_space<vmem>> -> memref<1x128xi32, #tpu.memory_space<vmem>>
      %dma_wait3A_201 = tpu.memref_squeeze %dma_wait3A_200 : memref<1x128xi32, #tpu.memory_space<vmem>> -> memref<128xi32, #tpu.memory_space<vmem>>
      %dma_wait3A_202 = arith.constant 0 : i32
      %dma_wait3A_203 = tpu.memref_slice %arg8[%dma_wait3A_202] : memref<1638416xf32, #tpu.memory_space<vmem_shared>> -> memref<1638416xf32, #tpu.memory_space<vmem_shared>>
      tpu.wait_indirect_dma semaphore(%run_scoped3A_195 : memref<!tpu.dma_semaphore, #tpu.memory_space<semaphore_mem>>) src(%arg6 : memref<128xf32, #tpu.memory_space<vmem>>) dst(%dma_wait3A_203 : memref<1638416xf32, #tpu.memory_space<vmem_shared>>)
      tpu.yield
    }) : () -> ()
    %run_scoped3A_140 = arith.constant 6 : i32
    "tpu.region"() ({
      %run_scoped3A_195 = tpu.sem_alloc : memref<!tpu.dma_semaphore, #tpu.memory_space<semaphore_mem>>
      %dma_start3A = arith.constant 0 : i32
      %dma_start3A_196 = tpu.memref_slice %arg5[%run_scoped3A_140, %dma_start3A] : memref<10x128xi32, #tpu.memory_space<vmem>> -> memref<1x128xi32, #tpu.memory_space<vmem>>
      %dma_start3A_197 = tpu.memref_squeeze %dma_start3A_196 : memref<1x128xi32, #tpu.memory_space<vmem>> -> memref<128xi32, #tpu.memory_space<vmem>>
      %dma_start3A_198 = arith.constant 0 : i32
      %dma_start3A_199 = tpu.memref_slice %arg8[%dma_start3A_198] : memref<1638416xf32, #tpu.memory_space<vmem_shared>> -> memref<1638416xf32, #tpu.memory_space<vmem_shared>>
      tpu.enqueue_indirect_dma source(%arg6 : memref<128xf32, #tpu.memory_space<vmem>>) target(%dma_start3A_199 : memref<1638416xf32, #tpu.memory_space<vmem_shared>>) offsets(%dma_start3A_197 : memref<128xi32, #tpu.memory_space<vmem>>) semaphore(%run_scoped3A_195 : memref<!tpu.dma_semaphore, #tpu.memory_space<semaphore_mem>>) {add = true}
      %dma_wait3A = arith.constant 0 : i32
      %dma_wait3A_200 = tpu.memref_slice %arg5[%run_scoped3A_140, %dma_wait3A] : memref<10x128xi32, #tpu.memory_space<vmem>> -> memref<1x128xi32, #tpu.memory_space<vmem>>
      %dma_wait3A_201 = tpu.memref_squeeze %dma_wait3A_200 : memref<1x128xi32, #tpu.memory_space<vmem>> -> memref<128xi32, #tpu.memory_space<vmem>>
      %dma_wait3A_202 = arith.constant 0 : i32
      %dma_wait3A_203 = tpu.memref_slice %arg8[%dma_wait3A_202] : memref<1638416xf32, #tpu.memory_space<vmem_shared>> -> memref<1638416xf32, #tpu.memory_space<vmem_shared>>
      tpu.wait_indirect_dma semaphore(%run_scoped3A_195 : memref<!tpu.dma_semaphore, #tpu.memory_space<semaphore_mem>>) src(%arg6 : memref<128xf32, #tpu.memory_space<vmem>>) dst(%dma_wait3A_203 : memref<1638416xf32, #tpu.memory_space<vmem_shared>>)
      tpu.yield
    }) : () -> ()
    %run_scoped3A_141 = arith.constant 7 : i32
    "tpu.region"() ({
      %run_scoped3A_195 = tpu.sem_alloc : memref<!tpu.dma_semaphore, #tpu.memory_space<semaphore_mem>>
      %dma_start3A = arith.constant 0 : i32
      %dma_start3A_196 = tpu.memref_slice %arg5[%run_scoped3A_141, %dma_start3A] : memref<10x128xi32, #tpu.memory_space<vmem>> -> memref<1x128xi32, #tpu.memory_space<vmem>>
      %dma_start3A_197 = tpu.memref_squeeze %dma_start3A_196 : memref<1x128xi32, #tpu.memory_space<vmem>> -> memref<128xi32, #tpu.memory_space<vmem>>
      %dma_start3A_198 = arith.constant 0 : i32
      %dma_start3A_199 = tpu.memref_slice %arg8[%dma_start3A_198] : memref<1638416xf32, #tpu.memory_space<vmem_shared>> -> memref<1638416xf32, #tpu.memory_space<vmem_shared>>
      tpu.enqueue_indirect_dma source(%arg6 : memref<128xf32, #tpu.memory_space<vmem>>) target(%dma_start3A_199 : memref<1638416xf32, #tpu.memory_space<vmem_shared>>) offsets(%dma_start3A_197 : memref<128xi32, #tpu.memory_space<vmem>>) semaphore(%run_scoped3A_195 : memref<!tpu.dma_semaphore, #tpu.memory_space<semaphore_mem>>) {add = true}
      %dma_wait3A = arith.constant 0 : i32
      %dma_wait3A_200 = tpu.memref_slice %arg5[%run_scoped3A_141, %dma_wait3A] : memref<10x128xi32, #tpu.memory_space<vmem>> -> memref<1x128xi32, #tpu.memory_space<vmem>>
      %dma_wait3A_201 = tpu.memref_squeeze %dma_wait3A_200 : memref<1x128xi32, #tpu.memory_space<vmem>> -> memref<128xi32, #tpu.memory_space<vmem>>
      %dma_wait3A_202 = arith.constant 0 : i32
      %dma_wait3A_203 = tpu.memref_slice %arg8[%dma_wait3A_202] : memref<1638416xf32, #tpu.memory_space<vmem_shared>> -> memref<1638416xf32, #tpu.memory_space<vmem_shared>>
      tpu.wait_indirect_dma semaphore(%run_scoped3A_195 : memref<!tpu.dma_semaphore, #tpu.memory_space<semaphore_mem>>) src(%arg6 : memref<128xf32, #tpu.memory_space<vmem>>) dst(%dma_wait3A_203 : memref<1638416xf32, #tpu.memory_space<vmem_shared>>)
      tpu.yield
    }) : () -> ()
    %run_scoped3A_142 = arith.constant 8 : i32
    "tpu.region"() ({
      %run_scoped3A_195 = tpu.sem_alloc : memref<!tpu.dma_semaphore, #tpu.memory_space<semaphore_mem>>
      %dma_start3A = arith.constant 0 : i32
      %dma_start3A_196 = tpu.memref_slice %arg5[%run_scoped3A_142, %dma_start3A] : memref<10x128xi32, #tpu.memory_space<vmem>> -> memref<1x128xi32, #tpu.memory_space<vmem>>
      %dma_start3A_197 = tpu.memref_squeeze %dma_start3A_196 : memref<1x128xi32, #tpu.memory_space<vmem>> -> memref<128xi32, #tpu.memory_space<vmem>>
      %dma_start3A_198 = arith.constant 0 : i32
      %dma_start3A_199 = tpu.memref_slice %arg8[%dma_start3A_198] : memref<1638416xf32, #tpu.memory_space<vmem_shared>> -> memref<1638416xf32, #tpu.memory_space<vmem_shared>>
      tpu.enqueue_indirect_dma source(%arg6 : memref<128xf32, #tpu.memory_space<vmem>>) target(%dma_start3A_199 : memref<1638416xf32, #tpu.memory_space<vmem_shared>>) offsets(%dma_start3A_197 : memref<128xi32, #tpu.memory_space<vmem>>) semaphore(%run_scoped3A_195 : memref<!tpu.dma_semaphore, #tpu.memory_space<semaphore_mem>>) {add = true}
      %dma_wait3A = arith.constant 0 : i32
      %dma_wait3A_200 = tpu.memref_slice %arg5[%run_scoped3A_142, %dma_wait3A] : memref<10x128xi32, #tpu.memory_space<vmem>> -> memref<1x128xi32, #tpu.memory_space<vmem>>
      %dma_wait3A_201 = tpu.memref_squeeze %dma_wait3A_200 : memref<1x128xi32, #tpu.memory_space<vmem>> -> memref<128xi32, #tpu.memory_space<vmem>>
      %dma_wait3A_202 = arith.constant 0 : i32
      %dma_wait3A_203 = tpu.memref_slice %arg8[%dma_wait3A_202] : memref<1638416xf32, #tpu.memory_space<vmem_shared>> -> memref<1638416xf32, #tpu.memory_space<vmem_shared>>
      tpu.wait_indirect_dma semaphore(%run_scoped3A_195 : memref<!tpu.dma_semaphore, #tpu.memory_space<semaphore_mem>>) src(%arg6 : memref<128xf32, #tpu.memory_space<vmem>>) dst(%dma_wait3A_203 : memref<1638416xf32, #tpu.memory_space<vmem_shared>>)
      tpu.yield
    }) : () -> ()
    %run_scoped3A_143 = arith.constant 9 : i32
    "tpu.region"() ({
      %run_scoped3A_195 = tpu.sem_alloc : memref<!tpu.dma_semaphore, #tpu.memory_space<semaphore_mem>>
      %dma_start3A = arith.constant 0 : i32
      %dma_start3A_196 = tpu.memref_slice %arg5[%run_scoped3A_143, %dma_start3A] : memref<10x128xi32, #tpu.memory_space<vmem>> -> memref<1x128xi32, #tpu.memory_space<vmem>>
      %dma_start3A_197 = tpu.memref_squeeze %dma_start3A_196 : memref<1x128xi32, #tpu.memory_space<vmem>> -> memref<128xi32, #tpu.memory_space<vmem>>
      %dma_start3A_198 = arith.constant 0 : i32
      %dma_start3A_199 = tpu.memref_slice %arg8[%dma_start3A_198] : memref<1638416xf32, #tpu.memory_space<vmem_shared>> -> memref<1638416xf32, #tpu.memory_space<vmem_shared>>
      tpu.enqueue_indirect_dma source(%arg6 : memref<128xf32, #tpu.memory_space<vmem>>) target(%dma_start3A_199 : memref<1638416xf32, #tpu.memory_space<vmem_shared>>) offsets(%dma_start3A_197 : memref<128xi32, #tpu.memory_space<vmem>>) semaphore(%run_scoped3A_195 : memref<!tpu.dma_semaphore, #tpu.memory_space<semaphore_mem>>) {add = true}
      %dma_wait3A = arith.constant 0 : i32
      %dma_wait3A_200 = tpu.memref_slice %arg5[%run_scoped3A_143, %dma_wait3A] : memref<10x128xi32, #tpu.memory_space<vmem>> -> memref<1x128xi32, #tpu.memory_space<vmem>>
      %dma_wait3A_201 = tpu.memref_squeeze %dma_wait3A_200 : memref<1x128xi32, #tpu.memory_space<vmem>> -> memref<128xi32, #tpu.memory_space<vmem>>
      %dma_wait3A_202 = arith.constant 0 : i32
      %dma_wait3A_203 = tpu.memref_slice %arg8[%dma_wait3A_202] : memref<1638416xf32, #tpu.memory_space<vmem_shared>> -> memref<1638416xf32, #tpu.memory_space<vmem_shared>>
      tpu.wait_indirect_dma semaphore(%run_scoped3A_195 : memref<!tpu.dma_semaphore, #tpu.memory_space<semaphore_mem>>) src(%arg6 : memref<128xf32, #tpu.memory_space<vmem>>) dst(%dma_wait3A_203 : memref<1638416xf32, #tpu.memory_space<vmem_shared>>)
      tpu.yield
    }) : () -> ()
    %barrier3A_144 = arith.constant 0 : index
    tpu.barrier barrier_id(%barrier3A_144)
    %scan3A_145 = arith.constant 0 : i32
    %scan3A_146 = arith.constant 0 : i32
    %scan3A_147 = arith.constant 16 : i32
    %scan3A_148 = arith.addi %scan3A_146, %scan3A_147 : i32
    %scan3A_149 = arith.constant 1 : i32
    scf.for %scan3A_195 = %scan3A_146 to %scan3A_148 step %scan3A_149  : i32 {
      %mul3A_196 = arith.constant 80 : i32
      %mul3A_197 = arith.muli %arg1, %mul3A_196 : i32
      %add3A_198 = arith.constant 0 : i32
      %add3A_199 = arith.addi %mul3A_197, %add3A_198 : i32
      %add3A_200 = arith.addi %add3A_199, %scan3A_195 : i32
      %mul3A_201 = arith.constant 1280 : i32
      %mul3A_202 = arith.muli %add3A_200, %mul3A_201 : i32
      "tpu.region"() ({
        %run_scoped3A_203 = tpu.sem_alloc : memref<!tpu.dma_semaphore, #tpu.memory_space<semaphore_mem>>
        %dma_start3A = arith.constant 0 : i32
        %dma_start3A_204 = tpu.memref_slice %arg7[%scan3A_195, %dma_start3A] : memref<16x1280xf32, #tpu.memory_space<vmem>> -> memref<1x1280xf32, #tpu.memory_space<vmem>>
        %dma_start3A_205 = tpu.memref_squeeze %dma_start3A_204 : memref<1x1280xf32, #tpu.memory_space<vmem>> -> memref<1280xf32, #tpu.memory_space<vmem>>
        %dma_start3A_206 = tpu.memref_slice %arg8[%mul3A_202] : memref<1638416xf32, #tpu.memory_space<vmem_shared>> -> memref<1280xf32, #tpu.memory_space<vmem_shared>>
        %dma_start3A_207 = arith.constant 0 : i32
        %dma_start3A_208 = tpu.memref_slice %arg7[%scan3A_195, %dma_start3A_207] : memref<16x1280xf32, #tpu.memory_space<vmem>> -> memref<1x1280xf32, #tpu.memory_space<vmem>>
        %dma_start3A_209 = tpu.memref_squeeze %dma_start3A_208 : memref<1x1280xf32, #tpu.memory_space<vmem>> -> memref<1280xf32, #tpu.memory_space<vmem>>
        %dma_start3A_210 = tpu.memref_slice %arg8[%mul3A_202] : memref<1638416xf32, #tpu.memory_space<vmem_shared>> -> memref<1280xf32, #tpu.memory_space<vmem_shared>>
        tpu.enqueue_dma source(%dma_start3A_210 : memref<1280xf32, #tpu.memory_space<vmem_shared>>) target(%dma_start3A_209 : memref<1280xf32, #tpu.memory_space<vmem>>) target_semaphore(%run_scoped3A_203 : memref<!tpu.dma_semaphore, #tpu.memory_space<semaphore_mem>>)
        %dma_wait3A = arith.constant 0 : i32
        %dma_wait3A_211 = tpu.memref_slice %arg7[%scan3A_195, %dma_wait3A] : memref<16x1280xf32, #tpu.memory_space<vmem>> -> memref<1x1280xf32, #tpu.memory_space<vmem>>
        %dma_wait3A_212 = tpu.memref_squeeze %dma_wait3A_211 : memref<1x1280xf32, #tpu.memory_space<vmem>> -> memref<1280xf32, #tpu.memory_space<vmem>>
        %dma_wait3A_213 = tpu.memref_slice %arg8[%mul3A_202] : memref<1638416xf32, #tpu.memory_space<vmem_shared>> -> memref<1280xf32, #tpu.memory_space<vmem_shared>>
        %dma_wait3A_214 = arith.constant 0 : i32
        %dma_wait3A_215 = tpu.memref_slice %arg7[%scan3A_195, %dma_wait3A_214] : memref<16x1280xf32, #tpu.memory_space<vmem>> -> memref<1x1280xf32, #tpu.memory_space<vmem>>
        %dma_wait3A_216 = tpu.memref_squeeze %dma_wait3A_215 : memref<1x1280xf32, #tpu.memory_space<vmem>> -> memref<1280xf32, #tpu.memory_space<vmem>>
        %dma_wait3A_217 = tpu.memref_slice %arg8[%mul3A_202] : memref<1638416xf32, #tpu.memory_space<vmem_shared>> -> memref<1280xf32, #tpu.memory_space<vmem_shared>>
        tpu.wait_dma2 semaphore(%run_scoped3A_203 : memref<!tpu.dma_semaphore, #tpu.memory_space<semaphore_mem>>) src(%dma_wait3A_217 : memref<1280xf32, #tpu.memory_space<vmem_shared>>) dst(%dma_wait3A_216 : memref<1280xf32, #tpu.memory_space<vmem>>)
        tpu.yield
      }) : () -> ()
    }
    %scan3A_150 = arith.constant 16 : i32
    %mul3A_151 = arith.constant 80 : i32
    %mul3A_152 = arith.muli %arg1, %mul3A_151 : i32
    %add3A_153 = arith.constant 0 : i32
    %add3A_154 = arith.addi %mul3A_152, %add3A_153 : i32
    "tpu.region"() ({
      %run_scoped3A_195 = tpu.sem_alloc : memref<!tpu.dma_semaphore, #tpu.memory_space<semaphore_mem>>
      %dma_start3A = arith.constant 0 : i32
      %dma_start3A_196 = arith.constant 0 : i32
      %dma_start3A_197 = tpu.memref_slice %arg4[%add3A_130, %dma_start3A, %dma_start3A_196] : memref<4x1280x1280xf32, #tpu.memory_space<hbm>> -> memref<1x1280x1280xf32, #tpu.memory_space<hbm>>
      %dma_start3A_198 = tpu.memref_squeeze %dma_start3A_197 : memref<1x1280x1280xf32, #tpu.memory_space<hbm>> -> memref<1280x1280xf32, #tpu.memory_space<hbm>>
      %dma_start3A_199 = arith.constant 0 : i32
      %dma_start3A_200 = tpu.memref_slice %dma_start3A_198[%add3A_154, %dma_start3A_199] : memref<1280x1280xf32, #tpu.memory_space<hbm>> -> memref<16x1280xf32, #tpu.memory_space<hbm>>
      %dma_start3A_201 = arith.constant 0 : i32
      %dma_start3A_202 = arith.constant 0 : i32
      %dma_start3A_203 = tpu.memref_slice %arg4[%add3A_130, %dma_start3A_201, %dma_start3A_202] : memref<4x1280x1280xf32, #tpu.memory_space<hbm>> -> memref<1x1280x1280xf32, #tpu.memory_space<hbm>>
      %dma_start3A_204 = tpu.memref_squeeze %dma_start3A_203 : memref<1x1280x1280xf32, #tpu.memory_space<hbm>> -> memref<1280x1280xf32, #tpu.memory_space<hbm>>
      %dma_start3A_205 = arith.constant 0 : i32
      %dma_start3A_206 = tpu.memref_slice %dma_start3A_204[%add3A_154, %dma_start3A_205] : memref<1280x1280xf32, #tpu.memory_space<hbm>> -> memref<16x1280xf32, #tpu.memory_space<hbm>>
      tpu.enqueue_dma source(%arg7 : memref<16x1280xf32, #tpu.memory_space<vmem>>) target(%dma_start3A_206 : memref<16x1280xf32, #tpu.memory_space<hbm>>) target_semaphore(%run_scoped3A_195 : memref<!tpu.dma_semaphore, #tpu.memory_space<semaphore_mem>>)
      %dma_wait3A = arith.constant 0 : i32
      %dma_wait3A_207 = arith.constant 0 : i32
      %dma_wait3A_208 = tpu.memref_slice %arg4[%add3A_130, %dma_wait3A, %dma_wait3A_207] : memref<4x1280x1280xf32, #tpu.memory_space<hbm>> -> memref<1x1280x1280xf32, #tpu.memory_space<hbm>>
      %dma_wait3A_209 = tpu.memref_squeeze %dma_wait3A_208 : memref<1x1280x1280xf32, #tpu.memory_space<hbm>> -> memref<1280x1280xf32, #tpu.memory_space<hbm>>
      %dma_wait3A_210 = arith.constant 0 : i32
      %dma_wait3A_211 = tpu.memref_slice %dma_wait3A_209[%add3A_154, %dma_wait3A_210] : memref<1280x1280xf32, #tpu.memory_space<hbm>> -> memref<16x1280xf32, #tpu.memory_space<hbm>>
      %dma_wait3A_212 = arith.constant 0 : i32
      %dma_wait3A_213 = arith.constant 0 : i32
      %dma_wait3A_214 = tpu.memref_slice %arg4[%add3A_130, %dma_wait3A_212, %dma_wait3A_213] : memref<4x1280x1280xf32, #tpu.memory_space<hbm>> -> memref<1x1280x1280xf32, #tpu.memory_space<hbm>>
      %dma_wait3A_215 = tpu.memref_squeeze %dma_wait3A_214 : memref<1x1280x1280xf32, #tpu.memory_space<hbm>> -> memref<1280x1280xf32, #tpu.memory_space<hbm>>
      %dma_wait3A_216 = arith.constant 0 : i32
      %dma_wait3A_217 = tpu.memref_slice %dma_wait3A_215[%add3A_154, %dma_wait3A_216] : memref<1280x1280xf32, #tpu.memory_space<hbm>> -> memref<16x1280xf32, #tpu.memory_space<hbm>>
      tpu.wait_dma2 semaphore(%run_scoped3A_195 : memref<!tpu.dma_semaphore, #tpu.memory_space<semaphore_mem>>) src(%arg7 : memref<16x1280xf32, #tpu.memory_space<vmem>>) dst(%dma_wait3A_217 : memref<16x1280xf32, #tpu.memory_space<hbm>>)
      tpu.yield
    }) : () -> ()
    %scan3A_155 = arith.constant 0 : i32
    %scan3A_156 = arith.constant 0 : i32
    %scan3A_157 = arith.constant 16 : i32
    %scan3A_158 = arith.addi %scan3A_156, %scan3A_157 : i32
    %scan3A_159 = arith.constant 1 : i32
    scf.for %scan3A_195 = %scan3A_156 to %scan3A_158 step %scan3A_159  : i32 {
      %mul3A_196 = arith.constant 80 : i32
      %mul3A_197 = arith.muli %arg1, %mul3A_196 : i32
      %add3A_198 = arith.constant 16 : i32
      %add3A_199 = arith.addi %mul3A_197, %add3A_198 : i32
      %add3A_200 = arith.addi %add3A_199, %scan3A_195 : i32
      %mul3A_201 = arith.constant 1280 : i32
      %mul3A_202 = arith.muli %add3A_200, %mul3A_201 : i32
      "tpu.region"() ({
        %run_scoped3A_203 = tpu.sem_alloc : memref<!tpu.dma_semaphore, #tpu.memory_space<semaphore_mem>>
        %dma_start3A = arith.constant 0 : i32
        %dma_start3A_204 = tpu.memref_slice %arg7[%scan3A_195, %dma_start3A] : memref<16x1280xf32, #tpu.memory_space<vmem>> -> memref<1x1280xf32, #tpu.memory_space<vmem>>
        %dma_start3A_205 = tpu.memref_squeeze %dma_start3A_204 : memref<1x1280xf32, #tpu.memory_space<vmem>> -> memref<1280xf32, #tpu.memory_space<vmem>>
        %dma_start3A_206 = tpu.memref_slice %arg8[%mul3A_202] : memref<1638416xf32, #tpu.memory_space<vmem_shared>> -> memref<1280xf32, #tpu.memory_space<vmem_shared>>
        %dma_start3A_207 = arith.constant 0 : i32
        %dma_start3A_208 = tpu.memref_slice %arg7[%scan3A_195, %dma_start3A_207] : memref<16x1280xf32, #tpu.memory_space<vmem>> -> memref<1x1280xf32, #tpu.memory_space<vmem>>
        %dma_start3A_209 = tpu.memref_squeeze %dma_start3A_208 : memref<1x1280xf32, #tpu.memory_space<vmem>> -> memref<1280xf32, #tpu.memory_space<vmem>>
        %dma_start3A_210 = tpu.memref_slice %arg8[%mul3A_202] : memref<1638416xf32, #tpu.memory_space<vmem_shared>> -> memref<1280xf32, #tpu.memory_space<vmem_shared>>
        tpu.enqueue_dma source(%dma_start3A_210 : memref<1280xf32, #tpu.memory_space<vmem_shared>>) target(%dma_start3A_209 : memref<1280xf32, #tpu.memory_space<vmem>>) target_semaphore(%run_scoped3A_203 : memref<!tpu.dma_semaphore, #tpu.memory_space<semaphore_mem>>)
        %dma_wait3A = arith.constant 0 : i32
        %dma_wait3A_211 = tpu.memref_slice %arg7[%scan3A_195, %dma_wait3A] : memref<16x1280xf32, #tpu.memory_space<vmem>> -> memref<1x1280xf32, #tpu.memory_space<vmem>>
        %dma_wait3A_212 = tpu.memref_squeeze %dma_wait3A_211 : memref<1x1280xf32, #tpu.memory_space<vmem>> -> memref<1280xf32, #tpu.memory_space<vmem>>
        %dma_wait3A_213 = tpu.memref_slice %arg8[%mul3A_202] : memref<1638416xf32, #tpu.memory_space<vmem_shared>> -> memref<1280xf32, #tpu.memory_space<vmem_shared>>
        %dma_wait3A_214 = arith.constant 0 : i32
        %dma_wait3A_215 = tpu.memref_slice %arg7[%scan3A_195, %dma_wait3A_214] : memref<16x1280xf32, #tpu.memory_space<vmem>> -> memref<1x1280xf32, #tpu.memory_space<vmem>>
        %dma_wait3A_216 = tpu.memref_squeeze %dma_wait3A_215 : memref<1x1280xf32, #tpu.memory_space<vmem>> -> memref<1280xf32, #tpu.memory_space<vmem>>
        %dma_wait3A_217 = tpu.memref_slice %arg8[%mul3A_202] : memref<1638416xf32, #tpu.memory_space<vmem_shared>> -> memref<1280xf32, #tpu.memory_space<vmem_shared>>
        tpu.wait_dma2 semaphore(%run_scoped3A_203 : memref<!tpu.dma_semaphore, #tpu.memory_space<semaphore_mem>>) src(%dma_wait3A_217 : memref<1280xf32, #tpu.memory_space<vmem_shared>>) dst(%dma_wait3A_216 : memref<1280xf32, #tpu.memory_space<vmem>>)
        tpu.yield
      }) : () -> ()
    }
    %scan3A_160 = arith.constant 16 : i32
    %mul3A_161 = arith.constant 80 : i32
    %mul3A_162 = arith.muli %arg1, %mul3A_161 : i32
    %add3A_163 = arith.constant 16 : i32
    %add3A_164 = arith.addi %mul3A_162, %add3A_163 : i32
    "tpu.region"() ({
      %run_scoped3A_195 = tpu.sem_alloc : memref<!tpu.dma_semaphore, #tpu.memory_space<semaphore_mem>>
      %dma_start3A = arith.constant 0 : i32
      %dma_start3A_196 = arith.constant 0 : i32
      %dma_start3A_197 = tpu.memref_slice %arg4[%add3A_130, %dma_start3A, %dma_start3A_196] : memref<4x1280x1280xf32, #tpu.memory_space<hbm>> -> memref<1x1280x1280xf32, #tpu.memory_space<hbm>>
      %dma_start3A_198 = tpu.memref_squeeze %dma_start3A_197 : memref<1x1280x1280xf32, #tpu.memory_space<hbm>> -> memref<1280x1280xf32, #tpu.memory_space<hbm>>
      %dma_start3A_199 = arith.constant 0 : i32
      %dma_start3A_200 = tpu.memref_slice %dma_start3A_198[%add3A_164, %dma_start3A_199] : memref<1280x1280xf32, #tpu.memory_space<hbm>> -> memref<16x1280xf32, #tpu.memory_space<hbm>>
      %dma_start3A_201 = arith.constant 0 : i32
      %dma_start3A_202 = arith.constant 0 : i32
      %dma_start3A_203 = tpu.memref_slice %arg4[%add3A_130, %dma_start3A_201, %dma_start3A_202] : memref<4x1280x1280xf32, #tpu.memory_space<hbm>> -> memref<1x1280x1280xf32, #tpu.memory_space<hbm>>
      %dma_start3A_204 = tpu.memref_squeeze %dma_start3A_203 : memref<1x1280x1280xf32, #tpu.memory_space<hbm>> -> memref<1280x1280xf32, #tpu.memory_space<hbm>>
      %dma_start3A_205 = arith.constant 0 : i32
      %dma_start3A_206 = tpu.memref_slice %dma_start3A_204[%add3A_164, %dma_start3A_205] : memref<1280x1280xf32, #tpu.memory_space<hbm>> -> memref<16x1280xf32, #tpu.memory_space<hbm>>
      tpu.enqueue_dma source(%arg7 : memref<16x1280xf32, #tpu.memory_space<vmem>>) target(%dma_start3A_206 : memref<16x1280xf32, #tpu.memory_space<hbm>>) target_semaphore(%run_scoped3A_195 : memref<!tpu.dma_semaphore, #tpu.memory_space<semaphore_mem>>)
      %dma_wait3A = arith.constant 0 : i32
      %dma_wait3A_207 = arith.constant 0 : i32
      %dma_wait3A_208 = tpu.memref_slice %arg4[%add3A_130, %dma_wait3A, %dma_wait3A_207] : memref<4x1280x1280xf32, #tpu.memory_space<hbm>> -> memref<1x1280x1280xf32, #tpu.memory_space<hbm>>
      %dma_wait3A_209 = tpu.memref_squeeze %dma_wait3A_208 : memref<1x1280x1280xf32, #tpu.memory_space<hbm>> -> memref<1280x1280xf32, #tpu.memory_space<hbm>>
      %dma_wait3A_210 = arith.constant 0 : i32
      %dma_wait3A_211 = tpu.memref_slice %dma_wait3A_209[%add3A_164, %dma_wait3A_210] : memref<1280x1280xf32, #tpu.memory_space<hbm>> -> memref<16x1280xf32, #tpu.memory_space<hbm>>
      %dma_wait3A_212 = arith.constant 0 : i32
      %dma_wait3A_213 = arith.constant 0 : i32
      %dma_wait3A_214 = tpu.memref_slice %arg4[%add3A_130, %dma_wait3A_212, %dma_wait3A_213] : memref<4x1280x1280xf32, #tpu.memory_space<hbm>> -> memref<1x1280x1280xf32, #tpu.memory_space<hbm>>
      %dma_wait3A_215 = tpu.memref_squeeze %dma_wait3A_214 : memref<1x1280x1280xf32, #tpu.memory_space<hbm>> -> memref<1280x1280xf32, #tpu.memory_space<hbm>>
      %dma_wait3A_216 = arith.constant 0 : i32
      %dma_wait3A_217 = tpu.memref_slice %dma_wait3A_215[%add3A_164, %dma_wait3A_216] : memref<1280x1280xf32, #tpu.memory_space<hbm>> -> memref<16x1280xf32, #tpu.memory_space<hbm>>
      tpu.wait_dma2 semaphore(%run_scoped3A_195 : memref<!tpu.dma_semaphore, #tpu.memory_space<semaphore_mem>>) src(%arg7 : memref<16x1280xf32, #tpu.memory_space<vmem>>) dst(%dma_wait3A_217 : memref<16x1280xf32, #tpu.memory_space<hbm>>)
      tpu.yield
    }) : () -> ()
    %scan3A_165 = arith.constant 0 : i32
    %scan3A_166 = arith.constant 0 : i32
    %scan3A_167 = arith.constant 16 : i32
    %scan3A_168 = arith.addi %scan3A_166, %scan3A_167 : i32
    %scan3A_169 = arith.constant 1 : i32
    scf.for %scan3A_195 = %scan3A_166 to %scan3A_168 step %scan3A_169  : i32 {
      %mul3A_196 = arith.constant 80 : i32
      %mul3A_197 = arith.muli %arg1, %mul3A_196 : i32
      %add3A_198 = arith.constant 32 : i32
      %add3A_199 = arith.addi %mul3A_197, %add3A_198 : i32
      %add3A_200 = arith.addi %add3A_199, %scan3A_195 : i32
      %mul3A_201 = arith.constant 1280 : i32
      %mul3A_202 = arith.muli %add3A_200, %mul3A_201 : i32
      "tpu.region"() ({
        %run_scoped3A_203 = tpu.sem_alloc : memref<!tpu.dma_semaphore, #tpu.memory_space<semaphore_mem>>
        %dma_start3A = arith.constant 0 : i32
        %dma_start3A_204 = tpu.memref_slice %arg7[%scan3A_195, %dma_start3A] : memref<16x1280xf32, #tpu.memory_space<vmem>> -> memref<1x1280xf32, #tpu.memory_space<vmem>>
        %dma_start3A_205 = tpu.memref_squeeze %dma_start3A_204 : memref<1x1280xf32, #tpu.memory_space<vmem>> -> memref<1280xf32, #tpu.memory_space<vmem>>
        %dma_start3A_206 = tpu.memref_slice %arg8[%mul3A_202] : memref<1638416xf32, #tpu.memory_space<vmem_shared>> -> memref<1280xf32, #tpu.memory_space<vmem_shared>>
        %dma_start3A_207 = arith.constant 0 : i32
        %dma_start3A_208 = tpu.memref_slice %arg7[%scan3A_195, %dma_start3A_207] : memref<16x1280xf32, #tpu.memory_space<vmem>> -> memref<1x1280xf32, #tpu.memory_space<vmem>>
        %dma_start3A_209 = tpu.memref_squeeze %dma_start3A_208 : memref<1x1280xf32, #tpu.memory_space<vmem>> -> memref<1280xf32, #tpu.memory_space<vmem>>
        %dma_start3A_210 = tpu.memref_slice %arg8[%mul3A_202] : memref<1638416xf32, #tpu.memory_space<vmem_shared>> -> memref<1280xf32, #tpu.memory_space<vmem_shared>>
        tpu.enqueue_dma source(%dma_start3A_210 : memref<1280xf32, #tpu.memory_space<vmem_shared>>) target(%dma_start3A_209 : memref<1280xf32, #tpu.memory_space<vmem>>) target_semaphore(%run_scoped3A_203 : memref<!tpu.dma_semaphore, #tpu.memory_space<semaphore_mem>>)
        %dma_wait3A = arith.constant 0 : i32
        %dma_wait3A_211 = tpu.memref_slice %arg7[%scan3A_195, %dma_wait3A] : memref<16x1280xf32, #tpu.memory_space<vmem>> -> memref<1x1280xf32, #tpu.memory_space<vmem>>
        %dma_wait3A_212 = tpu.memref_squeeze %dma_wait3A_211 : memref<1x1280xf32, #tpu.memory_space<vmem>> -> memref<1280xf32, #tpu.memory_space<vmem>>
        %dma_wait3A_213 = tpu.memref_slice %arg8[%mul3A_202] : memref<1638416xf32, #tpu.memory_space<vmem_shared>> -> memref<1280xf32, #tpu.memory_space<vmem_shared>>
        %dma_wait3A_214 = arith.constant 0 : i32
        %dma_wait3A_215 = tpu.memref_slice %arg7[%scan3A_195, %dma_wait3A_214] : memref<16x1280xf32, #tpu.memory_space<vmem>> -> memref<1x1280xf32, #tpu.memory_space<vmem>>
        %dma_wait3A_216 = tpu.memref_squeeze %dma_wait3A_215 : memref<1x1280xf32, #tpu.memory_space<vmem>> -> memref<1280xf32, #tpu.memory_space<vmem>>
        %dma_wait3A_217 = tpu.memref_slice %arg8[%mul3A_202] : memref<1638416xf32, #tpu.memory_space<vmem_shared>> -> memref<1280xf32, #tpu.memory_space<vmem_shared>>
        tpu.wait_dma2 semaphore(%run_scoped3A_203 : memref<!tpu.dma_semaphore, #tpu.memory_space<semaphore_mem>>) src(%dma_wait3A_217 : memref<1280xf32, #tpu.memory_space<vmem_shared>>) dst(%dma_wait3A_216 : memref<1280xf32, #tpu.memory_space<vmem>>)
        tpu.yield
      }) : () -> ()
    }
    %scan3A_170 = arith.constant 16 : i32
    %mul3A_171 = arith.constant 80 : i32
    %mul3A_172 = arith.muli %arg1, %mul3A_171 : i32
    %add3A_173 = arith.constant 32 : i32
    %add3A_174 = arith.addi %mul3A_172, %add3A_173 : i32
    "tpu.region"() ({
      %run_scoped3A_195 = tpu.sem_alloc : memref<!tpu.dma_semaphore, #tpu.memory_space<semaphore_mem>>
      %dma_start3A = arith.constant 0 : i32
      %dma_start3A_196 = arith.constant 0 : i32
      %dma_start3A_197 = tpu.memref_slice %arg4[%add3A_130, %dma_start3A, %dma_start3A_196] : memref<4x1280x1280xf32, #tpu.memory_space<hbm>> -> memref<1x1280x1280xf32, #tpu.memory_space<hbm>>
      %dma_start3A_198 = tpu.memref_squeeze %dma_start3A_197 : memref<1x1280x1280xf32, #tpu.memory_space<hbm>> -> memref<1280x1280xf32, #tpu.memory_space<hbm>>
      %dma_start3A_199 = arith.constant 0 : i32
      %dma_start3A_200 = tpu.memref_slice %dma_start3A_198[%add3A_174, %dma_start3A_199] : memref<1280x1280xf32, #tpu.memory_space<hbm>> -> memref<16x1280xf32, #tpu.memory_space<hbm>>
      %dma_start3A_201 = arith.constant 0 : i32
      %dma_start3A_202 = arith.constant 0 : i32
      %dma_start3A_203 = tpu.memref_slice %arg4[%add3A_130, %dma_start3A_201, %dma_start3A_202] : memref<4x1280x1280xf32, #tpu.memory_space<hbm>> -> memref<1x1280x1280xf32, #tpu.memory_space<hbm>>
      %dma_start3A_204 = tpu.memref_squeeze %dma_start3A_203 : memref<1x1280x1280xf32, #tpu.memory_space<hbm>> -> memref<1280x1280xf32, #tpu.memory_space<hbm>>
      %dma_start3A_205 = arith.constant 0 : i32
      %dma_start3A_206 = tpu.memref_slice %dma_start3A_204[%add3A_174, %dma_start3A_205] : memref<1280x1280xf32, #tpu.memory_space<hbm>> -> memref<16x1280xf32, #tpu.memory_space<hbm>>
      tpu.enqueue_dma source(%arg7 : memref<16x1280xf32, #tpu.memory_space<vmem>>) target(%dma_start3A_206 : memref<16x1280xf32, #tpu.memory_space<hbm>>) target_semaphore(%run_scoped3A_195 : memref<!tpu.dma_semaphore, #tpu.memory_space<semaphore_mem>>)
      %dma_wait3A = arith.constant 0 : i32
      %dma_wait3A_207 = arith.constant 0 : i32
      %dma_wait3A_208 = tpu.memref_slice %arg4[%add3A_130, %dma_wait3A, %dma_wait3A_207] : memref<4x1280x1280xf32, #tpu.memory_space<hbm>> -> memref<1x1280x1280xf32, #tpu.memory_space<hbm>>
      %dma_wait3A_209 = tpu.memref_squeeze %dma_wait3A_208 : memref<1x1280x1280xf32, #tpu.memory_space<hbm>> -> memref<1280x1280xf32, #tpu.memory_space<hbm>>
      %dma_wait3A_210 = arith.constant 0 : i32
      %dma_wait3A_211 = tpu.memref_slice %dma_wait3A_209[%add3A_174, %dma_wait3A_210] : memref<1280x1280xf32, #tpu.memory_space<hbm>> -> memref<16x1280xf32, #tpu.memory_space<hbm>>
      %dma_wait3A_212 = arith.constant 0 : i32
      %dma_wait3A_213 = arith.constant 0 : i32
      %dma_wait3A_214 = tpu.memref_slice %arg4[%add3A_130, %dma_wait3A_212, %dma_wait3A_213] : memref<4x1280x1280xf32, #tpu.memory_space<hbm>> -> memref<1x1280x1280xf32, #tpu.memory_space<hbm>>
      %dma_wait3A_215 = tpu.memref_squeeze %dma_wait3A_214 : memref<1x1280x1280xf32, #tpu.memory_space<hbm>> -> memref<1280x1280xf32, #tpu.memory_space<hbm>>
      %dma_wait3A_216 = arith.constant 0 : i32
      %dma_wait3A_217 = tpu.memref_slice %dma_wait3A_215[%add3A_174, %dma_wait3A_216] : memref<1280x1280xf32, #tpu.memory_space<hbm>> -> memref<16x1280xf32, #tpu.memory_space<hbm>>
      tpu.wait_dma2 semaphore(%run_scoped3A_195 : memref<!tpu.dma_semaphore, #tpu.memory_space<semaphore_mem>>) src(%arg7 : memref<16x1280xf32, #tpu.memory_space<vmem>>) dst(%dma_wait3A_217 : memref<16x1280xf32, #tpu.memory_space<hbm>>)
      tpu.yield
    }) : () -> ()
    %scan3A_175 = arith.constant 0 : i32
    %scan3A_176 = arith.constant 0 : i32
    %scan3A_177 = arith.constant 16 : i32
    %scan3A_178 = arith.addi %scan3A_176, %scan3A_177 : i32
    %scan3A_179 = arith.constant 1 : i32
    scf.for %scan3A_195 = %scan3A_176 to %scan3A_178 step %scan3A_179  : i32 {
      %mul3A_196 = arith.constant 80 : i32
      %mul3A_197 = arith.muli %arg1, %mul3A_196 : i32
      %add3A_198 = arith.constant 48 : i32
      %add3A_199 = arith.addi %mul3A_197, %add3A_198 : i32
      %add3A_200 = arith.addi %add3A_199, %scan3A_195 : i32
      %mul3A_201 = arith.constant 1280 : i32
      %mul3A_202 = arith.muli %add3A_200, %mul3A_201 : i32
      "tpu.region"() ({
        %run_scoped3A_203 = tpu.sem_alloc : memref<!tpu.dma_semaphore, #tpu.memory_space<semaphore_mem>>
        %dma_start3A = arith.constant 0 : i32
        %dma_start3A_204 = tpu.memref_slice %arg7[%scan3A_195, %dma_start3A] : memref<16x1280xf32, #tpu.memory_space<vmem>> -> memref<1x1280xf32, #tpu.memory_space<vmem>>
        %dma_start3A_205 = tpu.memref_squeeze %dma_start3A_204 : memref<1x1280xf32, #tpu.memory_space<vmem>> -> memref<1280xf32, #tpu.memory_space<vmem>>
        %dma_start3A_206 = tpu.memref_slice %arg8[%mul3A_202] : memref<1638416xf32, #tpu.memory_space<vmem_shared>> -> memref<1280xf32, #tpu.memory_space<vmem_shared>>
        %dma_start3A_207 = arith.constant 0 : i32
        %dma_start3A_208 = tpu.memref_slice %arg7[%scan3A_195, %dma_start3A_207] : memref<16x1280xf32, #tpu.memory_space<vmem>> -> memref<1x1280xf32, #tpu.memory_space<vmem>>
        %dma_start3A_209 = tpu.memref_squeeze %dma_start3A_208 : memref<1x1280xf32, #tpu.memory_space<vmem>> -> memref<1280xf32, #tpu.memory_space<vmem>>
        %dma_start3A_210 = tpu.memref_slice %arg8[%mul3A_202] : memref<1638416xf32, #tpu.memory_space<vmem_shared>> -> memref<1280xf32, #tpu.memory_space<vmem_shared>>
        tpu.enqueue_dma source(%dma_start3A_210 : memref<1280xf32, #tpu.memory_space<vmem_shared>>) target(%dma_start3A_209 : memref<1280xf32, #tpu.memory_space<vmem>>) target_semaphore(%run_scoped3A_203 : memref<!tpu.dma_semaphore, #tpu.memory_space<semaphore_mem>>)
        %dma_wait3A = arith.constant 0 : i32
        %dma_wait3A_211 = tpu.memref_slice %arg7[%scan3A_195, %dma_wait3A] : memref<16x1280xf32, #tpu.memory_space<vmem>> -> memref<1x1280xf32, #tpu.memory_space<vmem>>
        %dma_wait3A_212 = tpu.memref_squeeze %dma_wait3A_211 : memref<1x1280xf32, #tpu.memory_space<vmem>> -> memref<1280xf32, #tpu.memory_space<vmem>>
        %dma_wait3A_213 = tpu.memref_slice %arg8[%mul3A_202] : memref<1638416xf32, #tpu.memory_space<vmem_shared>> -> memref<1280xf32, #tpu.memory_space<vmem_shared>>
        %dma_wait3A_214 = arith.constant 0 : i32
        %dma_wait3A_215 = tpu.memref_slice %arg7[%scan3A_195, %dma_wait3A_214] : memref<16x1280xf32, #tpu.memory_space<vmem>> -> memref<1x1280xf32, #tpu.memory_space<vmem>>
        %dma_wait3A_216 = tpu.memref_squeeze %dma_wait3A_215 : memref<1x1280xf32, #tpu.memory_space<vmem>> -> memref<1280xf32, #tpu.memory_space<vmem>>
        %dma_wait3A_217 = tpu.memref_slice %arg8[%mul3A_202] : memref<1638416xf32, #tpu.memory_space<vmem_shared>> -> memref<1280xf32, #tpu.memory_space<vmem_shared>>
        tpu.wait_dma2 semaphore(%run_scoped3A_203 : memref<!tpu.dma_semaphore, #tpu.memory_space<semaphore_mem>>) src(%dma_wait3A_217 : memref<1280xf32, #tpu.memory_space<vmem_shared>>) dst(%dma_wait3A_216 : memref<1280xf32, #tpu.memory_space<vmem>>)
        tpu.yield
      }) : () -> ()
    }
    %scan3A_180 = arith.constant 16 : i32
    %mul3A_181 = arith.constant 80 : i32
    %mul3A_182 = arith.muli %arg1, %mul3A_181 : i32
    %add3A_183 = arith.constant 48 : i32
    %add3A_184 = arith.addi %mul3A_182, %add3A_183 : i32
    "tpu.region"() ({
      %run_scoped3A_195 = tpu.sem_alloc : memref<!tpu.dma_semaphore, #tpu.memory_space<semaphore_mem>>
      %dma_start3A = arith.constant 0 : i32
      %dma_start3A_196 = arith.constant 0 : i32
      %dma_start3A_197 = tpu.memref_slice %arg4[%add3A_130, %dma_start3A, %dma_start3A_196] : memref<4x1280x1280xf32, #tpu.memory_space<hbm>> -> memref<1x1280x1280xf32, #tpu.memory_space<hbm>>
      %dma_start3A_198 = tpu.memref_squeeze %dma_start3A_197 : memref<1x1280x1280xf32, #tpu.memory_space<hbm>> -> memref<1280x1280xf32, #tpu.memory_space<hbm>>
      %dma_start3A_199 = arith.constant 0 : i32
      %dma_start3A_200 = tpu.memref_slice %dma_start3A_198[%add3A_184, %dma_start3A_199] : memref<1280x1280xf32, #tpu.memory_space<hbm>> -> memref<16x1280xf32, #tpu.memory_space<hbm>>
      %dma_start3A_201 = arith.constant 0 : i32
      %dma_start3A_202 = arith.constant 0 : i32
      %dma_start3A_203 = tpu.memref_slice %arg4[%add3A_130, %dma_start3A_201, %dma_start3A_202] : memref<4x1280x1280xf32, #tpu.memory_space<hbm>> -> memref<1x1280x1280xf32, #tpu.memory_space<hbm>>
      %dma_start3A_204 = tpu.memref_squeeze %dma_start3A_203 : memref<1x1280x1280xf32, #tpu.memory_space<hbm>> -> memref<1280x1280xf32, #tpu.memory_space<hbm>>
      %dma_start3A_205 = arith.constant 0 : i32
      %dma_start3A_206 = tpu.memref_slice %dma_start3A_204[%add3A_184, %dma_start3A_205] : memref<1280x1280xf32, #tpu.memory_space<hbm>> -> memref<16x1280xf32, #tpu.memory_space<hbm>>
      tpu.enqueue_dma source(%arg7 : memref<16x1280xf32, #tpu.memory_space<vmem>>) target(%dma_start3A_206 : memref<16x1280xf32, #tpu.memory_space<hbm>>) target_semaphore(%run_scoped3A_195 : memref<!tpu.dma_semaphore, #tpu.memory_space<semaphore_mem>>)
      %dma_wait3A = arith.constant 0 : i32
      %dma_wait3A_207 = arith.constant 0 : i32
      %dma_wait3A_208 = tpu.memref_slice %arg4[%add3A_130, %dma_wait3A, %dma_wait3A_207] : memref<4x1280x1280xf32, #tpu.memory_space<hbm>> -> memref<1x1280x1280xf32, #tpu.memory_space<hbm>>
      %dma_wait3A_209 = tpu.memref_squeeze %dma_wait3A_208 : memref<1x1280x1280xf32, #tpu.memory_space<hbm>> -> memref<1280x1280xf32, #tpu.memory_space<hbm>>
      %dma_wait3A_210 = arith.constant 0 : i32
      %dma_wait3A_211 = tpu.memref_slice %dma_wait3A_209[%add3A_184, %dma_wait3A_210] : memref<1280x1280xf32, #tpu.memory_space<hbm>> -> memref<16x1280xf32, #tpu.memory_space<hbm>>
      %dma_wait3A_212 = arith.constant 0 : i32
      %dma_wait3A_213 = arith.constant 0 : i32
      %dma_wait3A_214 = tpu.memref_slice %arg4[%add3A_130, %dma_wait3A_212, %dma_wait3A_213] : memref<4x1280x1280xf32, #tpu.memory_space<hbm>> -> memref<1x1280x1280xf32, #tpu.memory_space<hbm>>
      %dma_wait3A_215 = tpu.memref_squeeze %dma_wait3A_214 : memref<1x1280x1280xf32, #tpu.memory_space<hbm>> -> memref<1280x1280xf32, #tpu.memory_space<hbm>>
      %dma_wait3A_216 = arith.constant 0 : i32
      %dma_wait3A_217 = tpu.memref_slice %dma_wait3A_215[%add3A_184, %dma_wait3A_216] : memref<1280x1280xf32, #tpu.memory_space<hbm>> -> memref<16x1280xf32, #tpu.memory_space<hbm>>
      tpu.wait_dma2 semaphore(%run_scoped3A_195 : memref<!tpu.dma_semaphore, #tpu.memory_space<semaphore_mem>>) src(%arg7 : memref<16x1280xf32, #tpu.memory_space<vmem>>) dst(%dma_wait3A_217 : memref<16x1280xf32, #tpu.memory_space<hbm>>)
      tpu.yield
    }) : () -> ()
    %scan3A_185 = arith.constant 0 : i32
    %scan3A_186 = arith.constant 0 : i32
    %scan3A_187 = arith.constant 16 : i32
    %scan3A_188 = arith.addi %scan3A_186, %scan3A_187 : i32
    %scan3A_189 = arith.constant 1 : i32
    scf.for %scan3A_195 = %scan3A_186 to %scan3A_188 step %scan3A_189  : i32 {
      %mul3A_196 = arith.constant 80 : i32
      %mul3A_197 = arith.muli %arg1, %mul3A_196 : i32
      %add3A_198 = arith.constant 64 : i32
      %add3A_199 = arith.addi %mul3A_197, %add3A_198 : i32
      %add3A_200 = arith.addi %add3A_199, %scan3A_195 : i32
      %mul3A_201 = arith.constant 1280 : i32
      %mul3A_202 = arith.muli %add3A_200, %mul3A_201 : i32
      "tpu.region"() ({
        %run_scoped3A_203 = tpu.sem_alloc : memref<!tpu.dma_semaphore, #tpu.memory_space<semaphore_mem>>
        %dma_start3A = arith.constant 0 : i32
        %dma_start3A_204 = tpu.memref_slice %arg7[%scan3A_195, %dma_start3A] : memref<16x1280xf32, #tpu.memory_space<vmem>> -> memref<1x1280xf32, #tpu.memory_space<vmem>>
        %dma_start3A_205 = tpu.memref_squeeze %dma_start3A_204 : memref<1x1280xf32, #tpu.memory_space<vmem>> -> memref<1280xf32, #tpu.memory_space<vmem>>
        %dma_start3A_206 = tpu.memref_slice %arg8[%mul3A_202] : memref<1638416xf32, #tpu.memory_space<vmem_shared>> -> memref<1280xf32, #tpu.memory_space<vmem_shared>>
        %dma_start3A_207 = arith.constant 0 : i32
        %dma_start3A_208 = tpu.memref_slice %arg7[%scan3A_195, %dma_start3A_207] : memref<16x1280xf32, #tpu.memory_space<vmem>> -> memref<1x1280xf32, #tpu.memory_space<vmem>>
        %dma_start3A_209 = tpu.memref_squeeze %dma_start3A_208 : memref<1x1280xf32, #tpu.memory_space<vmem>> -> memref<1280xf32, #tpu.memory_space<vmem>>
        %dma_start3A_210 = tpu.memref_slice %arg8[%mul3A_202] : memref<1638416xf32, #tpu.memory_space<vmem_shared>> -> memref<1280xf32, #tpu.memory_space<vmem_shared>>
        tpu.enqueue_dma source(%dma_start3A_210 : memref<1280xf32, #tpu.memory_space<vmem_shared>>) target(%dma_start3A_209 : memref<1280xf32, #tpu.memory_space<vmem>>) target_semaphore(%run_scoped3A_203 : memref<!tpu.dma_semaphore, #tpu.memory_space<semaphore_mem>>)
        %dma_wait3A = arith.constant 0 : i32
        %dma_wait3A_211 = tpu.memref_slice %arg7[%scan3A_195, %dma_wait3A] : memref<16x1280xf32, #tpu.memory_space<vmem>> -> memref<1x1280xf32, #tpu.memory_space<vmem>>
        %dma_wait3A_212 = tpu.memref_squeeze %dma_wait3A_211 : memref<1x1280xf32, #tpu.memory_space<vmem>> -> memref<1280xf32, #tpu.memory_space<vmem>>
        %dma_wait3A_213 = tpu.memref_slice %arg8[%mul3A_202] : memref<1638416xf32, #tpu.memory_space<vmem_shared>> -> memref<1280xf32, #tpu.memory_space<vmem_shared>>
        %dma_wait3A_214 = arith.constant 0 : i32
        %dma_wait3A_215 = tpu.memref_slice %arg7[%scan3A_195, %dma_wait3A_214] : memref<16x1280xf32, #tpu.memory_space<vmem>> -> memref<1x1280xf32, #tpu.memory_space<vmem>>
        %dma_wait3A_216 = tpu.memref_squeeze %dma_wait3A_215 : memref<1x1280xf32, #tpu.memory_space<vmem>> -> memref<1280xf32, #tpu.memory_space<vmem>>
        %dma_wait3A_217 = tpu.memref_slice %arg8[%mul3A_202] : memref<1638416xf32, #tpu.memory_space<vmem_shared>> -> memref<1280xf32, #tpu.memory_space<vmem_shared>>
        tpu.wait_dma2 semaphore(%run_scoped3A_203 : memref<!tpu.dma_semaphore, #tpu.memory_space<semaphore_mem>>) src(%dma_wait3A_217 : memref<1280xf32, #tpu.memory_space<vmem_shared>>) dst(%dma_wait3A_216 : memref<1280xf32, #tpu.memory_space<vmem>>)
        tpu.yield
      }) : () -> ()
    }
    %scan3A_190 = arith.constant 16 : i32
    %mul3A_191 = arith.constant 80 : i32
    %mul3A_192 = arith.muli %arg1, %mul3A_191 : i32
    %add3A_193 = arith.constant 64 : i32
    %add3A_194 = arith.addi %mul3A_192, %add3A_193 : i32
    "tpu.region"() ({
      %run_scoped3A_195 = tpu.sem_alloc : memref<!tpu.dma_semaphore, #tpu.memory_space<semaphore_mem>>
      %dma_start3A = arith.constant 0 : i32
      %dma_start3A_196 = arith.constant 0 : i32
      %dma_start3A_197 = tpu.memref_slice %arg4[%add3A_130, %dma_start3A, %dma_start3A_196] : memref<4x1280x1280xf32, #tpu.memory_space<hbm>> -> memref<1x1280x1280xf32, #tpu.memory_space<hbm>>
      %dma_start3A_198 = tpu.memref_squeeze %dma_start3A_197 : memref<1x1280x1280xf32, #tpu.memory_space<hbm>> -> memref<1280x1280xf32, #tpu.memory_space<hbm>>
      %dma_start3A_199 = arith.constant 0 : i32
      %dma_start3A_200 = tpu.memref_slice %dma_start3A_198[%add3A_194, %dma_start3A_199] : memref<1280x1280xf32, #tpu.memory_space<hbm>> -> memref<16x1280xf32, #tpu.memory_space<hbm>>
      %dma_start3A_201 = arith.constant 0 : i32
      %dma_start3A_202 = arith.constant 0 : i32
      %dma_start3A_203 = tpu.memref_slice %arg4[%add3A_130, %dma_start3A_201, %dma_start3A_202] : memref<4x1280x1280xf32, #tpu.memory_space<hbm>> -> memref<1x1280x1280xf32, #tpu.memory_space<hbm>>
      %dma_start3A_204 = tpu.memref_squeeze %dma_start3A_203 : memref<1x1280x1280xf32, #tpu.memory_space<hbm>> -> memref<1280x1280xf32, #tpu.memory_space<hbm>>
      %dma_start3A_205 = arith.constant 0 : i32
      %dma_start3A_206 = tpu.memref_slice %dma_start3A_204[%add3A_194, %dma_start3A_205] : memref<1280x1280xf32, #tpu.memory_space<hbm>> -> memref<16x1280xf32, #tpu.memory_space<hbm>>
      tpu.enqueue_dma source(%arg7 : memref<16x1280xf32, #tpu.memory_space<vmem>>) target(%dma_start3A_206 : memref<16x1280xf32, #tpu.memory_space<hbm>>) target_semaphore(%run_scoped3A_195 : memref<!tpu.dma_semaphore, #tpu.memory_space<semaphore_mem>>)
      %dma_wait3A = arith.constant 0 : i32
      %dma_wait3A_207 = arith.constant 0 : i32
      %dma_wait3A_208 = tpu.memref_slice %arg4[%add3A_130, %dma_wait3A, %dma_wait3A_207] : memref<4x1280x1280xf32, #tpu.memory_space<hbm>> -> memref<1x1280x1280xf32, #tpu.memory_space<hbm>>
      %dma_wait3A_209 = tpu.memref_squeeze %dma_wait3A_208 : memref<1x1280x1280xf32, #tpu.memory_space<hbm>> -> memref<1280x1280xf32, #tpu.memory_space<hbm>>
      %dma_wait3A_210 = arith.constant 0 : i32
      %dma_wait3A_211 = tpu.memref_slice %dma_wait3A_209[%add3A_194, %dma_wait3A_210] : memref<1280x1280xf32, #tpu.memory_space<hbm>> -> memref<16x1280xf32, #tpu.memory_space<hbm>>
      %dma_wait3A_212 = arith.constant 0 : i32
      %dma_wait3A_213 = arith.constant 0 : i32
      %dma_wait3A_214 = tpu.memref_slice %arg4[%add3A_130, %dma_wait3A_212, %dma_wait3A_213] : memref<4x1280x1280xf32, #tpu.memory_space<hbm>> -> memref<1x1280x1280xf32, #tpu.memory_space<hbm>>
      %dma_wait3A_215 = tpu.memref_squeeze %dma_wait3A_214 : memref<1x1280x1280xf32, #tpu.memory_space<hbm>> -> memref<1280x1280xf32, #tpu.memory_space<hbm>>
      %dma_wait3A_216 = arith.constant 0 : i32
      %dma_wait3A_217 = tpu.memref_slice %dma_wait3A_215[%add3A_194, %dma_wait3A_216] : memref<1280x1280xf32, #tpu.memory_space<hbm>> -> memref<16x1280xf32, #tpu.memory_space<hbm>>
      tpu.wait_dma2 semaphore(%run_scoped3A_195 : memref<!tpu.dma_semaphore, #tpu.memory_space<semaphore_mem>>) src(%arg7 : memref<16x1280xf32, #tpu.memory_space<vmem>>) dst(%dma_wait3A_217 : memref<16x1280xf32, #tpu.memory_space<hbm>>)
      tpu.yield
    }) : () -> ()
    return
  }
}

module attributes {stable_mosaic.version = 14 : i64} {
  func.func @_conv_kernel_first(%arg0: i32, %arg1: memref<1x1280x1280xf32, #tpu.memory_space<vmem>>, %arg2: memref<1x1250x256xf32, #tpu.memory_space<vmem>>, %arg3: memref<256x512xf32, #tpu.memory_space<vmem>>, %arg4: memref<1x512xf32, #tpu.memory_space<vmem>>, %arg5: memref<512x512xf32, #tpu.memory_space<vmem>>, %arg6: memref<1x512xf32, #tpu.memory_space<vmem>>, %arg7: memref<1x128xf32, #tpu.memory_space<vmem>>, %arg8: memref<1x1280x512xf32, #tpu.memory_space<vmem>>) attributes {dimension_semantics = [#tpu.dimension_semantics<arbitrary>], iteration_bounds = array<i64: 4>, scalar_prefetch = 0 : i64, scratch_operands = 0 : i64, tpu.core_type = #tpu.core_type<tc>, window_params = [{transform_indices = @transform_0, window_bounds = array<i64: 1, 1280, 1280>}, {transform_indices = @transform_1, window_bounds = array<i64: 1, 1250, 256>}, {pipeline_mode = #tpu.pipeline_mode<synchronous>, transform_indices = @transform_2, window_bounds = array<i64: 256, 512>}, {pipeline_mode = #tpu.pipeline_mode<synchronous>, transform_indices = @transform_3, window_bounds = array<i64: 1, 512>}, {pipeline_mode = #tpu.pipeline_mode<synchronous>, transform_indices = @transform_4, window_bounds = array<i64: 512, 512>}, {pipeline_mode = #tpu.pipeline_mode<synchronous>, transform_indices = @transform_5, window_bounds = array<i64: 1, 512>}, {pipeline_mode = #tpu.pipeline_mode<synchronous>, transform_indices = @transform_6, window_bounds = array<i64: 1, 128>}, {transform_indices = @transform_7, window_bounds = array<i64: 1, 1280, 512>}]} {
    %get3A = arith.constant 0 : index
    %get3A_0 = arith.constant 0 : index
    %get3A_1 = arith.constant 0 : index
    %get3A_2 = vector.load %arg2[%get3A, %get3A_0, %get3A_1] : memref<1x1250x256xf32, #tpu.memory_space<vmem>>, vector<1x1250x256xf32>
    %get3A_3 = vector.shape_cast %get3A_2 : vector<1x1250x256xf32> to vector<1250x256xf32>
    %get3A_4 = arith.constant 0 : index
    %get3A_5 = arith.constant 0 : index
    %get3A_6 = arith.constant 0 : index
    %get3A_7 = vector.load %arg1[%get3A_4, %get3A_5, %get3A_6] : memref<1x1280x1280xf32, #tpu.memory_space<vmem>>, vector<1x1280x1280xf32>
    %get3A_8 = vector.shape_cast %get3A_7 : vector<1x1280x1280xf32> to vector<1280x1280xf32>
    %slice3A = vector.extract_strided_slice %get3A_8 {offsets = [0, 0], sizes = [1250, 1250], strides = [1, 1]} : vector<1280x1280xf32> to vector<1250x1250xf32>
    %dot_general3A = arith.constant dense<0.000000e+00> : vector<1250x256xf32>
    %dot_general3A_9 = tpu.matmul %slice3A, %get3A_3, %dot_general3A {dimension_numbers = #tpu.dot_dimension_numbers<[1], [0], [0], [1], [0, 0, 1, 1], [], []>, transpose_lhs_hint = false} : vector<1250x1250xf32>, vector<1250x256xf32>, vector<1250x256xf32> -> vector<1250x256xf32>
    %get3A_10 = arith.constant 0 : index
    %get3A_11 = arith.constant 0 : index
    %get3A_12 = vector.load %arg7[%get3A_10, %get3A_11] : memref<1x128xf32, #tpu.memory_space<vmem>>, vector<1x1xf32>
    %get3A_13 = vector.extract %get3A_12[0, 0] : f32 from vector<1x1xf32>
    %add3A = arith.constant 1.000000e+00 : f32
    %add3A_14 = arith.addf %add3A, %get3A_13 : f32
    %mul3A = vector.broadcast %add3A_14 : f32 to vector<1250x256xf32>
    %mul3A_15 = arith.mulf %mul3A, %get3A_3 : vector<1250x256xf32>
    %add3A_16 = arith.addf %dot_general3A_9, %mul3A_15 : vector<1250x256xf32>
    %get3A_17 = arith.constant 0 : index
    %get3A_18 = arith.constant 0 : index
    %get3A_19 = vector.load %arg3[%get3A_17, %get3A_18] : memref<256x512xf32, #tpu.memory_space<vmem>>, vector<256x512xf32>
    %dot_general3A_20 = arith.constant dense<0.000000e+00> : vector<1250x512xf32>
    %dot_general3A_21 = tpu.matmul %add3A_16, %get3A_19, %dot_general3A_20 {dimension_numbers = #tpu.dot_dimension_numbers<[1], [0], [0], [1], [0, 0, 1, 1], [], []>, transpose_lhs_hint = false} : vector<1250x256xf32>, vector<256x512xf32>, vector<1250x512xf32> -> vector<1250x512xf32>
    %get3A_22 = arith.constant 0 : index
    %get3A_23 = arith.constant 0 : index
    %get3A_24 = vector.load %arg4[%get3A_22, %get3A_23] : memref<1x512xf32, #tpu.memory_space<vmem>>, vector<1x512xf32>
    %add3A_25 = vector.broadcast %get3A_24 : vector<1x512xf32> to vector<1250x512xf32>
    %add3A_26 = arith.addf %dot_general3A_21, %add3A_25 : vector<1250x512xf32>
    %gt3A = arith.constant 0.000000e+00 : f32
    %gt3A_27 = vector.broadcast %gt3A : f32 to vector<1250x512xf32>
    %gt3A_28 = arith.cmpf ogt, %add3A_26, %gt3A_27 : vector<1250x512xf32>
    %mul3A_29 = arith.constant 0.00999999977 : f32
    %mul3A_30 = vector.broadcast %mul3A_29 : f32 to vector<1250x512xf32>
    %mul3A_31 = arith.mulf %mul3A_30, %add3A_26 : vector<1250x512xf32>
    %select_n3A = arith.select %gt3A_28, %add3A_26, %mul3A_31 : vector<1250x512xi1>, vector<1250x512xf32>
    %get3A_32 = arith.constant 0 : index
    %get3A_33 = arith.constant 0 : index
    %get3A_34 = vector.load %arg5[%get3A_32, %get3A_33] : memref<512x512xf32, #tpu.memory_space<vmem>>, vector<512x512xf32>
    %dot_general3A_35 = arith.constant dense<0.000000e+00> : vector<1250x512xf32>
    %dot_general3A_36 = tpu.matmul %select_n3A, %get3A_34, %dot_general3A_35 {dimension_numbers = #tpu.dot_dimension_numbers<[1], [0], [0], [1], [0, 0, 1, 1], [], []>, transpose_lhs_hint = false} : vector<1250x512xf32>, vector<512x512xf32>, vector<1250x512xf32> -> vector<1250x512xf32>
    %get3A_37 = arith.constant 0 : index
    %get3A_38 = arith.constant 0 : index
    %get3A_39 = vector.load %arg6[%get3A_37, %get3A_38] : memref<1x512xf32, #tpu.memory_space<vmem>>, vector<1x512xf32>
    %add3A_40 = vector.broadcast %get3A_39 : vector<1x512xf32> to vector<1250x512xf32>
    %add3A_41 = arith.addf %dot_general3A_36, %add3A_40 : vector<1250x512xf32>
    %gt3A_42 = arith.constant 0.000000e+00 : f32
    %gt3A_43 = vector.broadcast %gt3A_42 : f32 to vector<1250x512xf32>
    %gt3A_44 = arith.cmpf ogt, %add3A_41, %gt3A_43 : vector<1250x512xf32>
    %mul3A_45 = arith.constant 0.00999999977 : f32
    %mul3A_46 = vector.broadcast %mul3A_45 : f32 to vector<1250x512xf32>
    %mul3A_47 = arith.mulf %mul3A_46, %add3A_41 : vector<1250x512xf32>
    %select_n3A_48 = arith.select %gt3A_44, %add3A_41, %mul3A_47 : vector<1250x512xi1>, vector<1250x512xf32>
    %broadcast_in_dim3A = arith.constant 0.000000e+00 : f32
    %broadcast_in_dim3A_49 = vector.broadcast %broadcast_in_dim3A : f32 to vector<30x512xf32>
    %concatenate3A = tpu.concatenate %select_n3A_48, %broadcast_in_dim3A_49 in 0 : vector<1250x512xf32>, vector<30x512xf32> -> vector<1280x512xf32>
    %swap3A = arith.constant 0 : index
    %swap3A_50 = arith.constant 0 : index
    %swap3A_51 = arith.constant 0 : index
    %swap3A_52 = vector.load %arg8[%swap3A, %swap3A_50, %swap3A_51] : memref<1x1280x512xf32, #tpu.memory_space<vmem>>, vector<1x1280x512xf32>
    %swap3A_53 = vector.shape_cast %swap3A_52 : vector<1x1280x512xf32> to vector<1280x512xf32>
    %swap3A_54 = vector.shape_cast %concatenate3A : vector<1280x512xf32> to vector<1x1280x512xf32>
    tpu.vector_store %arg8[%swap3A, %swap3A_50, %swap3A_51], %swap3A_54 {strides = array<i32>} : memref<1x1280x512xf32, #tpu.memory_space<vmem>>, vector<1x1280x512xf32>,
    return
  }
  func.func @transform_0(%arg0: i32) -> (i32, i32, i32) {
    %c0_i32 = arith.constant 0 : i32
    %c0_i32_0 = arith.constant 0 : i32
    %c0_i32_1 = arith.constant 0 : i32
    return %arg0, %c0_i32, %c0_i32_0 : i32, i32, i32
  }
  func.func @transform_1(%arg0: i32) -> (i32, i32, i32) {
    %add3A = arith.constant 0 : i32
    %add3A_0 = arith.addi %add3A, %arg0 : i32
    %c0_i32 = arith.constant 0 : i32
    %c0_i32_1 = arith.constant 0 : i32
    %c0_i32_2 = arith.constant 0 : i32
    return %add3A_0, %c0_i32, %c0_i32_1 : i32, i32, i32
  }
  func.func @transform_2(%arg0: i32) -> (i32, i32) {
    %c0_i32 = arith.constant 0 : i32
    %c0_i32_0 = arith.constant 0 : i32
    %c0_i32_1 = arith.constant 0 : i32
    return %c0_i32, %c0_i32_0 : i32, i32
  }
  func.func @transform_3(%arg0: i32) -> (i32, i32) {
    %c0_i32 = arith.constant 0 : i32
    %c0_i32_0 = arith.constant 0 : i32
    %c0_i32_1 = arith.constant 0 : i32
    return %c0_i32, %c0_i32_0 : i32, i32
  }
  func.func @transform_4(%arg0: i32) -> (i32, i32) {
    %c0_i32 = arith.constant 0 : i32
    %c0_i32_0 = arith.constant 0 : i32
    %c0_i32_1 = arith.constant 0 : i32
    return %c0_i32, %c0_i32_0 : i32, i32
  }
  func.func @transform_5(%arg0: i32) -> (i32, i32) {
    %c0_i32 = arith.constant 0 : i32
    %c0_i32_0 = arith.constant 0 : i32
    %c0_i32_1 = arith.constant 0 : i32
    return %c0_i32, %c0_i32_0 : i32, i32
  }
  func.func @transform_6(%arg0: i32) -> (i32, i32) {
    %c0_i32 = arith.constant 0 : i32
    %c0_i32_0 = arith.constant 0 : i32
    %c0_i32_1 = arith.constant 0 : i32
    return %c0_i32, %c0_i32_0 : i32, i32
  }
  func.func @transform_7(%arg0: i32) -> (i32, i32, i32) {
    %c0_i32 = arith.constant 0 : i32
    %c0_i32_0 = arith.constant 0 : i32
    %c0_i32_1 = arith.constant 0 : i32
    return %arg0, %c0_i32, %c0_i32_0 : i32, i32, i32
  }
}

module attributes {stable_mosaic.version = 14 : i64} {
  func.func @_conv_kernel(%arg0: i32, %arg1: i32, %arg2: memref<1x640x1280xf32, #tpu.memory_space<vmem>>, %arg3: memref<1x1280x512xf32, #tpu.memory_space<vmem>>, %arg4: memref<512x512xf32, #tpu.memory_space<vmem>>, %arg5: memref<1x512xf32, #tpu.memory_space<vmem>>, %arg6: memref<512x512xf32, #tpu.memory_space<vmem>>, %arg7: memref<1x512xf32, #tpu.memory_space<vmem>>, %arg8: memref<1x128xf32, #tpu.memory_space<vmem>>, %arg9: memref<1x640x512xf32, #tpu.memory_space<vmem>>) attributes {dimension_semantics = [#tpu.dimension_semantics<arbitrary>, #tpu.dimension_semantics<arbitrary>], iteration_bounds = array<i64: 4, 2>, scalar_prefetch = 0 : i64, scratch_operands = 0 : i64, tpu.core_type = #tpu.core_type<tc>, window_params = [{transform_indices = @transform_0, window_bounds = array<i64: 1, 640, 1280>}, {transform_indices = @transform_1, window_bounds = array<i64: 1, 1280, 512>}, {pipeline_mode = #tpu.pipeline_mode<synchronous>, transform_indices = @transform_2, window_bounds = array<i64: 512, 512>}, {pipeline_mode = #tpu.pipeline_mode<synchronous>, transform_indices = @transform_3, window_bounds = array<i64: 1, 512>}, {pipeline_mode = #tpu.pipeline_mode<synchronous>, transform_indices = @transform_4, window_bounds = array<i64: 512, 512>}, {pipeline_mode = #tpu.pipeline_mode<synchronous>, transform_indices = @transform_5, window_bounds = array<i64: 1, 512>}, {pipeline_mode = #tpu.pipeline_mode<synchronous>, transform_indices = @transform_6, window_bounds = array<i64: 1, 128>}, {transform_indices = @transform_7, window_bounds = array<i64: 1, 640, 512>}]} {
    %get3A = arith.constant 0 : index
    %get3A_0 = arith.constant 0 : index
    %get3A_1 = arith.constant 0 : index
    %get3A_2 = vector.load %arg3[%get3A, %get3A_0, %get3A_1] : memref<1x1280x512xf32, #tpu.memory_space<vmem>>, vector<1x1280x512xf32>
    %get3A_3 = vector.shape_cast %get3A_2 : vector<1x1280x512xf32> to vector<1280x512xf32>
    %get3A_4 = arith.constant 0 : index
    %get3A_5 = arith.constant 0 : index
    %get3A_6 = arith.constant 0 : index
    %get3A_7 = vector.load %arg2[%get3A_4, %get3A_5, %get3A_6] : memref<1x640x1280xf32, #tpu.memory_space<vmem>>, vector<1x640x1280xf32>
    %get3A_8 = vector.shape_cast %get3A_7 : vector<1x640x1280xf32> to vector<640x1280xf32>
    %dot_general3A = arith.constant dense<0.000000e+00> : vector<640x512xf32>
    %dot_general3A_9 = tpu.matmul %get3A_8, %get3A_3, %dot_general3A {dimension_numbers = #tpu.dot_dimension_numbers<[1], [0], [0], [1], [0, 0, 1, 1], [], []>, transpose_lhs_hint = false} : vector<640x1280xf32>, vector<1280x512xf32>, vector<640x512xf32> -> vector<640x512xf32>
    %mul3A = arith.constant 640 : i32
    %mul3A_10 = arith.muli %arg1, %mul3A : i32
    %get3A_11 = arith.constant 0 : index
    %get3A_12 = arith.index_cast %mul3A_10 : i32 to index
    %get3A_13 = arith.constant 0 : index
    %get3A_14 = vector.load %arg3[%get3A_11, %get3A_12, %get3A_13] : memref<1x1280x512xf32, #tpu.memory_space<vmem>>, vector<1x640x512xf32>
    %get3A_15 = vector.shape_cast %get3A_14 : vector<1x640x512xf32> to vector<640x512xf32>
    %get3A_16 = arith.constant 0 : index
    %get3A_17 = arith.constant 0 : index
    %get3A_18 = vector.load %arg8[%get3A_16, %get3A_17] : memref<1x128xf32, #tpu.memory_space<vmem>>, vector<1x1xf32>
    %get3A_19 = vector.extract %get3A_18[0, 0] : f32 from vector<1x1xf32>
    %add3A = arith.constant 1.000000e+00 : f32
    %add3A_20 = arith.addf %add3A, %get3A_19 : f32
    %mul3A_21 = vector.broadcast %add3A_20 : f32 to vector<640x512xf32>
    %mul3A_22 = arith.mulf %mul3A_21, %get3A_15 : vector<640x512xf32>
    %add3A_23 = arith.addf %dot_general3A_9, %mul3A_22 : vector<640x512xf32>
    %get3A_24 = arith.constant 0 : index
    %get3A_25 = arith.constant 0 : index
    %get3A_26 = vector.load %arg4[%get3A_24, %get3A_25] : memref<512x512xf32, #tpu.memory_space<vmem>>, vector<512x512xf32>
    %dot_general3A_27 = arith.constant dense<0.000000e+00> : vector<640x512xf32>
    %dot_general3A_28 = tpu.matmul %add3A_23, %get3A_26, %dot_general3A_27 {dimension_numbers = #tpu.dot_dimension_numbers<[1], [0], [0], [1], [0, 0, 1, 1], [], []>, transpose_lhs_hint = false} : vector<640x512xf32>, vector<512x512xf32>, vector<640x512xf32> -> vector<640x512xf32>
    %get3A_29 = arith.constant 0 : index
    %get3A_30 = arith.constant 0 : index
    %get3A_31 = vector.load %arg5[%get3A_29, %get3A_30] : memref<1x512xf32, #tpu.memory_space<vmem>>, vector<1x512xf32>
    %add3A_32 = vector.broadcast %get3A_31 : vector<1x512xf32> to vector<640x512xf32>
    %add3A_33 = arith.addf %dot_general3A_28, %add3A_32 : vector<640x512xf32>
    %gt3A = arith.constant 0.000000e+00 : f32
    %gt3A_34 = vector.broadcast %gt3A : f32 to vector<640x512xf32>
    %gt3A_35 = arith.cmpf ogt, %add3A_33, %gt3A_34 : vector<640x512xf32>
    %mul3A_36 = arith.constant 0.00999999977 : f32
    %mul3A_37 = vector.broadcast %mul3A_36 : f32 to vector<640x512xf32>
    %mul3A_38 = arith.mulf %mul3A_37, %add3A_33 : vector<640x512xf32>
    %select_n3A = arith.select %gt3A_35, %add3A_33, %mul3A_38 : vector<640x512xi1>, vector<640x512xf32>
    %get3A_39 = arith.constant 0 : index
    %get3A_40 = arith.constant 0 : index
    %get3A_41 = vector.load %arg6[%get3A_39, %get3A_40] : memref<512x512xf32, #tpu.memory_space<vmem>>, vector<512x512xf32>
    %dot_general3A_42 = arith.constant dense<0.000000e+00> : vector<640x512xf32>
    %dot_general3A_43 = tpu.matmul %select_n3A, %get3A_41, %dot_general3A_42 {dimension_numbers = #tpu.dot_dimension_numbers<[1], [0], [0], [1], [0, 0, 1, 1], [], []>, transpose_lhs_hint = false} : vector<640x512xf32>, vector<512x512xf32>, vector<640x512xf32> -> vector<640x512xf32>
    %get3A_44 = arith.constant 0 : index
    %get3A_45 = arith.constant 0 : index
    %get3A_46 = vector.load %arg7[%get3A_44, %get3A_45] : memref<1x512xf32, #tpu.memory_space<vmem>>, vector<1x512xf32>
    %add3A_47 = vector.broadcast %get3A_46 : vector<1x512xf32> to vector<640x512xf32>
    %add3A_48 = arith.addf %dot_general3A_43, %add3A_47 : vector<640x512xf32>
    %gt3A_49 = arith.constant 0.000000e+00 : f32
    %gt3A_50 = vector.broadcast %gt3A_49 : f32 to vector<640x512xf32>
    %gt3A_51 = arith.cmpf ogt, %add3A_48, %gt3A_50 : vector<640x512xf32>
    %mul3A_52 = arith.constant 0.00999999977 : f32
    %mul3A_53 = vector.broadcast %mul3A_52 : f32 to vector<640x512xf32>
    %mul3A_54 = arith.mulf %mul3A_53, %add3A_48 : vector<640x512xf32>
    %select_n3A_55 = arith.select %gt3A_51, %add3A_48, %mul3A_54 : vector<640x512xi1>, vector<640x512xf32>
    %mul3A_56 = arith.constant 640 : i32
    %mul3A_57 = arith.muli %arg1, %mul3A_56 : i32
    %iota3A = tpu.iota {dimensions = array<i32: 0>} : vector<640x512xi32>
    %add3A_58 = vector.broadcast %mul3A_57 : i32 to vector<640x512xi32>
    %add3A_59 = arith.addi %add3A_58, %iota3A : vector<640x512xi32>
    %lt3A = arith.constant 1250 : i32
    %lt3A_60 = vector.broadcast %lt3A : i32 to vector<640x512xi32>
    %lt3A_61 = arith.cmpi slt, %add3A_59, %lt3A_60 : vector<640x512xi32>
    %jit3A = arith.constant 0.000000e+00 : f32
    %broadcast_in_dim3A = vector.broadcast %jit3A : f32 to vector<640x512xf32>
    %select_n3A_62 = arith.select %lt3A_61, %select_n3A_55, %broadcast_in_dim3A : vector<640x512xi1>, vector<640x512xf32>
    %swap3A = arith.constant 0 : index
    %swap3A_63 = arith.constant 0 : index
    %swap3A_64 = arith.constant 0 : index
    %swap3A_65 = vector.load %arg9[%swap3A, %swap3A_63, %swap3A_64] : memref<1x640x512xf32, #tpu.memory_space<vmem>>, vector<1x640x512xf32>
    %swap3A_66 = vector.shape_cast %swap3A_65 : vector<1x640x512xf32> to vector<640x512xf32>
    %swap3A_67 = vector.shape_cast %select_n3A_62 : vector<640x512xf32> to vector<1x640x512xf32>
    tpu.vector_store %arg9[%swap3A, %swap3A_63, %swap3A_64], %swap3A_67 {strides = array<i32>} : memref<1x640x512xf32, #tpu.memory_space<vmem>>, vector<1x640x512xf32>,
    return
  }
  func.func @transform_0(%arg0: i32, %arg1: i32) -> (i32, i32, i32) {
    %c0_i32 = arith.constant 0 : i32
    %c0_i32_0 = arith.constant 0 : i32
    return %arg0, %arg1, %c0_i32 : i32, i32, i32
  }
  func.func @transform_1(%arg0: i32, %arg1: i32) -> (i32, i32, i32) {
    %c0_i32 = arith.constant 0 : i32
    %c0_i32_0 = arith.constant 0 : i32
    %c0_i32_1 = arith.constant 0 : i32
    return %arg0, %c0_i32, %c0_i32_0 : i32, i32, i32
  }
  func.func @transform_2(%arg0: i32, %arg1: i32) -> (i32, i32) {
    %c0_i32 = arith.constant 0 : i32
    %c0_i32_0 = arith.constant 0 : i32
    %c0_i32_1 = arith.constant 0 : i32
    return %c0_i32, %c0_i32_0 : i32, i32
  }
  func.func @transform_3(%arg0: i32, %arg1: i32) -> (i32, i32) {
    %c0_i32 = arith.constant 0 : i32
    %c0_i32_0 = arith.constant 0 : i32
    %c0_i32_1 = arith.constant 0 : i32
    return %c0_i32, %c0_i32_0 : i32, i32
  }
  func.func @transform_4(%arg0: i32, %arg1: i32) -> (i32, i32) {
    %c0_i32 = arith.constant 0 : i32
    %c0_i32_0 = arith.constant 0 : i32
    %c0_i32_1 = arith.constant 0 : i32
    return %c0_i32, %c0_i32_0 : i32, i32
  }
  func.func @transform_5(%arg0: i32, %arg1: i32) -> (i32, i32) {
    %c0_i32 = arith.constant 0 : i32
    %c0_i32_0 = arith.constant 0 : i32
    %c0_i32_1 = arith.constant 0 : i32
    return %c0_i32, %c0_i32_0 : i32, i32
  }
  func.func @transform_6(%arg0: i32, %arg1: i32) -> (i32, i32) {
    %c0_i32 = arith.constant 0 : i32
    %c0_i32_0 = arith.constant 0 : i32
    %c0_i32_1 = arith.constant 0 : i32
    return %c0_i32, %c0_i32_0 : i32, i32
  }
  func.func @transform_7(%arg0: i32, %arg1: i32) -> (i32, i32, i32) {
    %c0_i32 = arith.constant 0 : i32
    %c0_i32_0 = arith.constant 0 : i32
    return %arg0, %arg1, %c0_i32 : i32, i32, i32
  }
}

module attributes {stable_mosaic.version = 14 : i64} {
  func.func @_final_kernel(%arg0: i32, %arg1: memref<1x1280x512xf32, #tpu.memory_space<vmem>>, %arg2: memref<512x512xf32, #tpu.memory_space<vmem>>, %arg3: memref<1x512xf32, #tpu.memory_space<vmem>>, %arg4: memref<512x256xf32, #tpu.memory_space<vmem>>, %arg5: memref<1x256xf32, #tpu.memory_space<vmem>>, %arg6: memref<1x256xf32, #tpu.memory_space<vmem>>, %arg7: memref<1x128xf32, #tpu.memory_space<vmem>>, %arg8: memref<1x8x128xf32, #tpu.memory_space<vmem>>) attributes {dimension_semantics = [#tpu.dimension_semantics<arbitrary>], iteration_bounds = array<i64: 4>, scalar_prefetch = 0 : i64, scratch_operands = 0 : i64, tpu.core_type = #tpu.core_type<tc>, window_params = [{transform_indices = @transform_0, window_bounds = array<i64: 1, 1280, 512>}, {pipeline_mode = #tpu.pipeline_mode<synchronous>, transform_indices = @transform_1, window_bounds = array<i64: 512, 512>}, {pipeline_mode = #tpu.pipeline_mode<synchronous>, transform_indices = @transform_2, window_bounds = array<i64: 1, 512>}, {pipeline_mode = #tpu.pipeline_mode<synchronous>, transform_indices = @transform_3, window_bounds = array<i64: 512, 256>}, {pipeline_mode = #tpu.pipeline_mode<synchronous>, transform_indices = @transform_4, window_bounds = array<i64: 1, 256>}, {pipeline_mode = #tpu.pipeline_mode<synchronous>, transform_indices = @transform_5, window_bounds = array<i64: 1, 256>}, {pipeline_mode = #tpu.pipeline_mode<synchronous>, transform_indices = @transform_6, window_bounds = array<i64: 1, 128>}, {transform_indices = @transform_7, window_bounds = array<i64: 1, 8, 128>}]} {
    %get3A = arith.constant 0 : index
    %get3A_0 = arith.constant 0 : index
    %get3A_1 = arith.constant 0 : index
    %get3A_2 = vector.load %arg1[%get3A, %get3A_0, %get3A_1] : memref<1x1280x512xf32, #tpu.memory_space<vmem>>, vector<1x1280x512xf32>
    %get3A_3 = vector.shape_cast %get3A_2 : vector<1x1280x512xf32> to vector<1280x512xf32>
    %get3A_4 = arith.constant 0 : index
    %get3A_5 = arith.constant 0 : index
    %get3A_6 = vector.load %arg2[%get3A_4, %get3A_5] : memref<512x512xf32, #tpu.memory_space<vmem>>, vector<512x512xf32>
    %dot_general3A = arith.constant dense<0.000000e+00> : vector<1280x512xf32>
    %dot_general3A_7 = tpu.matmul %get3A_3, %get3A_6, %dot_general3A {dimension_numbers = #tpu.dot_dimension_numbers<[1], [0], [0], [1], [0, 0, 1, 1], [], []>, transpose_lhs_hint = false} : vector<1280x512xf32>, vector<512x512xf32>, vector<1280x512xf32> -> vector<1280x512xf32>
    %get3A_8 = arith.constant 0 : index
    %get3A_9 = arith.constant 0 : index
    %get3A_10 = vector.load %arg3[%get3A_8, %get3A_9] : memref<1x512xf32, #tpu.memory_space<vmem>>, vector<1x512xf32>
    %add3A = vector.broadcast %get3A_10 : vector<1x512xf32> to vector<1280x512xf32>
    %add3A_11 = arith.addf %dot_general3A_7, %add3A : vector<1280x512xf32>
    %gt3A = arith.constant 0.000000e+00 : f32
    %gt3A_12 = vector.broadcast %gt3A : f32 to vector<1280x512xf32>
    %gt3A_13 = arith.cmpf ogt, %add3A_11, %gt3A_12 : vector<1280x512xf32>
    %mul3A = arith.constant 0.00999999977 : f32
    %mul3A_14 = vector.broadcast %mul3A : f32 to vector<1280x512xf32>
    %mul3A_15 = arith.mulf %mul3A_14, %add3A_11 : vector<1280x512xf32>
    %select_n3A = arith.select %gt3A_13, %add3A_11, %mul3A_15 : vector<1280x512xi1>, vector<1280x512xf32>
    %get3A_16 = arith.constant 0 : index
    %get3A_17 = arith.constant 0 : index
    %get3A_18 = vector.load %arg4[%get3A_16, %get3A_17] : memref<512x256xf32, #tpu.memory_space<vmem>>, vector<512x256xf32>
    %dot_general3A_19 = arith.constant dense<0.000000e+00> : vector<1280x256xf32>
    %dot_general3A_20 = tpu.matmul %select_n3A, %get3A_18, %dot_general3A_19 {dimension_numbers = #tpu.dot_dimension_numbers<[1], [0], [0], [1], [0, 0, 1, 1], [], []>, transpose_lhs_hint = false} : vector<1280x512xf32>, vector<512x256xf32>, vector<1280x256xf32> -> vector<1280x256xf32>
    %get3A_21 = arith.constant 0 : index
    %get3A_22 = arith.constant 0 : index
    %get3A_23 = vector.load %arg5[%get3A_21, %get3A_22] : memref<1x256xf32, #tpu.memory_space<vmem>>, vector<1x256xf32>
    %add3A_24 = vector.broadcast %get3A_23 : vector<1x256xf32> to vector<1280x256xf32>
    %add3A_25 = arith.addf %dot_general3A_20, %add3A_24 : vector<1280x256xf32>
    %iota3A = tpu.iota {dimensions = array<i32: 0>} : vector<1280x256xi32>
    %lt3A = arith.constant 1250 : i32
    %lt3A_26 = vector.broadcast %lt3A : i32 to vector<1280x256xi32>
    %lt3A_27 = arith.cmpi slt, %iota3A, %lt3A_26 : vector<1280x256xi32>
    %jit3A = arith.constant 0.000000e+00 : f32
    %broadcast_in_dim3A = vector.broadcast %jit3A : f32 to vector<1280x256xf32>
    %select_n3A_28 = arith.select %lt3A_27, %add3A_25, %broadcast_in_dim3A : vector<1280x256xi1>, vector<1280x256xf32>
    %reduce_sum3A = arith.constant dense<0.000000e+00> : vector<256xf32>
    %reduce_sum3A_29 = vector.multi_reduction <add>, %select_n3A_28, %reduce_sum3A [0] : vector<1280x256xf32> to vector<256xf32>
    %get3A_30 = arith.constant 0 : index
    %get3A_31 = arith.constant 0 : index
    %get3A_32 = vector.load %arg6[%get3A_30, %get3A_31] : memref<1x256xf32, #tpu.memory_space<vmem>>, vector<1x256xf32>
    %get3A_33 = vector.shape_cast %get3A_32 : vector<1x256xf32> to vector<256xf32>
    %mul3A_34 = arith.mulf %reduce_sum3A_29, %get3A_33 : vector<256xf32>
    %reduce_sum3A_35 = vector.shape_cast %mul3A_34 : vector<256xf32> to vector<1x256xf32>
    %reduce_sum3A_36 = arith.constant dense<0.000000e+00> : vector<1xf32>
    %reduce_sum3A_37 = vector.multi_reduction <add>, %reduce_sum3A_35, %reduce_sum3A_36 [1] : vector<1x256xf32> to vector<1xf32>
    %reduce_sum3A_38 = vector.shape_cast %reduce_sum3A_37 : vector<1xf32> to vector<1x1xf32>
    %reduce_sum3A_39 = vector.extract %reduce_sum3A_38[0, 0] : f32 from vector<1x1xf32>
    %get3A_40 = arith.constant 0 : index
    %get3A_41 = arith.constant 0 : index
    %get3A_42 = vector.load %arg7[%get3A_40, %get3A_41] : memref<1x128xf32, #tpu.memory_space<vmem>>, vector<1x1xf32>
    %get3A_43 = vector.extract %get3A_42[0, 0] : f32 from vector<1x1xf32>
    %add3A_44 = arith.addf %reduce_sum3A_39, %get3A_43 : f32
    %broadcast_in_dim3A_45 = vector.broadcast %add3A_44 : f32 to vector<8x128xf32>
    %swap3A = arith.constant 0 : index
    %swap3A_46 = arith.constant 0 : index
    %swap3A_47 = arith.constant 0 : index
    %swap3A_48 = vector.load %arg8[%swap3A, %swap3A_46, %swap3A_47] : memref<1x8x128xf32, #tpu.memory_space<vmem>>, vector<1x8x128xf32>
    %swap3A_49 = vector.shape_cast %swap3A_48 : vector<1x8x128xf32> to vector<8x128xf32>
    %swap3A_50 = vector.shape_cast %broadcast_in_dim3A_45 : vector<8x128xf32> to vector<1x8x128xf32>
    tpu.vector_store %arg8[%swap3A, %swap3A_46, %swap3A_47], %swap3A_50 {strides = array<i32>} : memref<1x8x128xf32, #tpu.memory_space<vmem>>, vector<1x8x128xf32>,
    return
  }
  func.func @transform_0(%arg0: i32) -> (i32, i32, i32) {
    %c0_i32 = arith.constant 0 : i32
    %c0_i32_0 = arith.constant 0 : i32
    %c0_i32_1 = arith.constant 0 : i32
    return %arg0, %c0_i32, %c0_i32_0 : i32, i32, i32
  }
  func.func @transform_1(%arg0: i32) -> (i32, i32) {
    %c0_i32 = arith.constant 0 : i32
    %c0_i32_0 = arith.constant 0 : i32
    %c0_i32_1 = arith.constant 0 : i32
    return %c0_i32, %c0_i32_0 : i32, i32
  }
  func.func @transform_2(%arg0: i32) -> (i32, i32) {
    %c0_i32 = arith.constant 0 : i32
    %c0_i32_0 = arith.constant 0 : i32
    %c0_i32_1 = arith.constant 0 : i32
    return %c0_i32, %c0_i32_0 : i32, i32
  }
  func.func @transform_3(%arg0: i32) -> (i32, i32) {
    %c0_i32 = arith.constant 0 : i32
    %c0_i32_0 = arith.constant 0 : i32
    %c0_i32_1 = arith.constant 0 : i32
    return %c0_i32, %c0_i32_0 : i32, i32
  }
  func.func @transform_4(%arg0: i32) -> (i32, i32) {
    %c0_i32 = arith.constant 0 : i32
    %c0_i32_0 = arith.constant 0 : i32
    %c0_i32_1 = arith.constant 0 : i32
    return %c0_i32, %c0_i32_0 : i32, i32
  }
  func.func @transform_5(%arg0: i32) -> (i32, i32) {
    %c0_i32 = arith.constant 0 : i32
    %c0_i32_0 = arith.constant 0 : i32
    %c0_i32_1 = arith.constant 0 : i32
    return %c0_i32, %c0_i32_0 : i32, i32
  }
  func.func @transform_6(%arg0: i32) -> (i32, i32) {
    %c0_i32 = arith.constant 0 : i32
    %c0_i32_0 = arith.constant 0 : i32
    %c0_i32_1 = arith.constant 0 : i32
    return %c0_i32, %c0_i32_0 : i32, i32
  }
  func.func @transform_7(%arg0: i32) -> (i32, i32, i32) {
    %c0_i32 = arith.constant 0 : i32
    %c0_i32_0 = arith.constant 0 : i32
    %c0_i32_1 = arith.constant 0 : i32
    return %arg0, %c0_i32, %c0_i32_0 : i32, i32, i32
  }
}

module attributes {stable_mosaic.version = 14 : i64} {
  func.func @_conv_kernel_first(%arg0: i32, %arg1: memref<1x1280x1280xf32, #tpu.memory_space<vmem>>, %arg2: memref<1x1250x256xf32, #tpu.memory_space<vmem>>, %arg3: memref<256x512xf32, #tpu.memory_space<vmem>>, %arg4: memref<1x512xf32, #tpu.memory_space<vmem>>, %arg5: memref<512x512xf32, #tpu.memory_space<vmem>>, %arg6: memref<1x512xf32, #tpu.memory_space<vmem>>, %arg7: memref<1x128xf32, #tpu.memory_space<vmem>>, %arg8: memref<1x1280x512xf32, #tpu.memory_space<vmem>>) attributes {dimension_semantics = [#tpu.dimension_semantics<arbitrary>], iteration_bounds = array<i64: 4>, scalar_prefetch = 0 : i64, scratch_operands = 0 : i64, tpu.core_type = #tpu.core_type<tc>, window_params = [{transform_indices = @transform_0, window_bounds = array<i64: 1, 1280, 1280>}, {transform_indices = @transform_1, window_bounds = array<i64: 1, 1250, 256>}, {pipeline_mode = #tpu.pipeline_mode<synchronous>, transform_indices = @transform_2, window_bounds = array<i64: 256, 512>}, {pipeline_mode = #tpu.pipeline_mode<synchronous>, transform_indices = @transform_3, window_bounds = array<i64: 1, 512>}, {pipeline_mode = #tpu.pipeline_mode<synchronous>, transform_indices = @transform_4, window_bounds = array<i64: 512, 512>}, {pipeline_mode = #tpu.pipeline_mode<synchronous>, transform_indices = @transform_5, window_bounds = array<i64: 1, 512>}, {pipeline_mode = #tpu.pipeline_mode<synchronous>, transform_indices = @transform_6, window_bounds = array<i64: 1, 128>}, {transform_indices = @transform_7, window_bounds = array<i64: 1, 1280, 512>}]} {
    %get3A = arith.constant 0 : index
    %get3A_0 = arith.constant 0 : index
    %get3A_1 = arith.constant 0 : index
    %get3A_2 = vector.load %arg2[%get3A, %get3A_0, %get3A_1] : memref<1x1250x256xf32, #tpu.memory_space<vmem>>, vector<1x1250x256xf32>
    %get3A_3 = vector.shape_cast %get3A_2 : vector<1x1250x256xf32> to vector<1250x256xf32>
    %get3A_4 = arith.constant 0 : index
    %get3A_5 = arith.constant 0 : index
    %get3A_6 = arith.constant 0 : index
    %get3A_7 = vector.load %arg1[%get3A_4, %get3A_5, %get3A_6] : memref<1x1280x1280xf32, #tpu.memory_space<vmem>>, vector<1x1280x1280xf32>
    %get3A_8 = vector.shape_cast %get3A_7 : vector<1x1280x1280xf32> to vector<1280x1280xf32>
    %slice3A = vector.extract_strided_slice %get3A_8 {offsets = [0, 0], sizes = [1250, 1250], strides = [1, 1]} : vector<1280x1280xf32> to vector<1250x1250xf32>
    %dot_general3A = arith.constant dense<0.000000e+00> : vector<1250x256xf32>
    %dot_general3A_9 = tpu.matmul %slice3A, %get3A_3, %dot_general3A {dimension_numbers = #tpu.dot_dimension_numbers<[1], [0], [0], [1], [0, 0, 1, 1], [], []>, transpose_lhs_hint = false} : vector<1250x1250xf32>, vector<1250x256xf32>, vector<1250x256xf32> -> vector<1250x256xf32>
    %get3A_10 = arith.constant 0 : index
    %get3A_11 = arith.constant 0 : index
    %get3A_12 = vector.load %arg7[%get3A_10, %get3A_11] : memref<1x128xf32, #tpu.memory_space<vmem>>, vector<1x1xf32>
    %get3A_13 = vector.extract %get3A_12[0, 0] : f32 from vector<1x1xf32>
    %add3A = arith.constant 1.000000e+00 : f32
    %add3A_14 = arith.addf %add3A, %get3A_13 : f32
    %mul3A = vector.broadcast %add3A_14 : f32 to vector<1250x256xf32>
    %mul3A_15 = arith.mulf %mul3A, %get3A_3 : vector<1250x256xf32>
    %add3A_16 = arith.addf %dot_general3A_9, %mul3A_15 : vector<1250x256xf32>
    %get3A_17 = arith.constant 0 : index
    %get3A_18 = arith.constant 0 : index
    %get3A_19 = vector.load %arg3[%get3A_17, %get3A_18] : memref<256x512xf32, #tpu.memory_space<vmem>>, vector<256x512xf32>
    %dot_general3A_20 = arith.constant dense<0.000000e+00> : vector<1250x512xf32>
    %dot_general3A_21 = tpu.matmul %add3A_16, %get3A_19, %dot_general3A_20 {dimension_numbers = #tpu.dot_dimension_numbers<[1], [0], [0], [1], [0, 0, 1, 1], [], []>, transpose_lhs_hint = false} : vector<1250x256xf32>, vector<256x512xf32>, vector<1250x512xf32> -> vector<1250x512xf32>
    %get3A_22 = arith.constant 0 : index
    %get3A_23 = arith.constant 0 : index
    %get3A_24 = vector.load %arg4[%get3A_22, %get3A_23] : memref<1x512xf32, #tpu.memory_space<vmem>>, vector<1x512xf32>
    %add3A_25 = vector.broadcast %get3A_24 : vector<1x512xf32> to vector<1250x512xf32>
    %add3A_26 = arith.addf %dot_general3A_21, %add3A_25 : vector<1250x512xf32>
    %gt3A = arith.constant 0.000000e+00 : f32
    %gt3A_27 = vector.broadcast %gt3A : f32 to vector<1250x512xf32>
    %gt3A_28 = arith.cmpf ogt, %add3A_26, %gt3A_27 : vector<1250x512xf32>
    %mul3A_29 = arith.constant 0.00999999977 : f32
    %mul3A_30 = vector.broadcast %mul3A_29 : f32 to vector<1250x512xf32>
    %mul3A_31 = arith.mulf %mul3A_30, %add3A_26 : vector<1250x512xf32>
    %select_n3A = arith.select %gt3A_28, %add3A_26, %mul3A_31 : vector<1250x512xi1>, vector<1250x512xf32>
    %get3A_32 = arith.constant 0 : index
    %get3A_33 = arith.constant 0 : index
    %get3A_34 = vector.load %arg5[%get3A_32, %get3A_33] : memref<512x512xf32, #tpu.memory_space<vmem>>, vector<512x512xf32>
    %dot_general3A_35 = arith.constant dense<0.000000e+00> : vector<1250x512xf32>
    %dot_general3A_36 = tpu.matmul %select_n3A, %get3A_34, %dot_general3A_35 {dimension_numbers = #tpu.dot_dimension_numbers<[1], [0], [0], [1], [0, 0, 1, 1], [], []>, transpose_lhs_hint = false} : vector<1250x512xf32>, vector<512x512xf32>, vector<1250x512xf32> -> vector<1250x512xf32>
    %get3A_37 = arith.constant 0 : index
    %get3A_38 = arith.constant 0 : index
    %get3A_39 = vector.load %arg6[%get3A_37, %get3A_38] : memref<1x512xf32, #tpu.memory_space<vmem>>, vector<1x512xf32>
    %add3A_40 = vector.broadcast %get3A_39 : vector<1x512xf32> to vector<1250x512xf32>
    %add3A_41 = arith.addf %dot_general3A_36, %add3A_40 : vector<1250x512xf32>
    %gt3A_42 = arith.constant 0.000000e+00 : f32
    %gt3A_43 = vector.broadcast %gt3A_42 : f32 to vector<1250x512xf32>
    %gt3A_44 = arith.cmpf ogt, %add3A_41, %gt3A_43 : vector<1250x512xf32>
    %mul3A_45 = arith.constant 0.00999999977 : f32
    %mul3A_46 = vector.broadcast %mul3A_45 : f32 to vector<1250x512xf32>
    %mul3A_47 = arith.mulf %mul3A_46, %add3A_41 : vector<1250x512xf32>
    %select_n3A_48 = arith.select %gt3A_44, %add3A_41, %mul3A_47 : vector<1250x512xi1>, vector<1250x512xf32>
    %broadcast_in_dim3A = arith.constant 0.000000e+00 : f32
    %broadcast_in_dim3A_49 = vector.broadcast %broadcast_in_dim3A : f32 to vector<30x512xf32>
    %concatenate3A = tpu.concatenate %select_n3A_48, %broadcast_in_dim3A_49 in 0 : vector<1250x512xf32>, vector<30x512xf32> -> vector<1280x512xf32>
    %swap3A = arith.constant 0 : index
    %swap3A_50 = arith.constant 0 : index
    %swap3A_51 = arith.constant 0 : index
    %swap3A_52 = vector.load %arg8[%swap3A, %swap3A_50, %swap3A_51] : memref<1x1280x512xf32, #tpu.memory_space<vmem>>, vector<1x1280x512xf32>
    %swap3A_53 = vector.shape_cast %swap3A_52 : vector<1x1280x512xf32> to vector<1280x512xf32>
    %swap3A_54 = vector.shape_cast %concatenate3A : vector<1280x512xf32> to vector<1x1280x512xf32>
    tpu.vector_store %arg8[%swap3A, %swap3A_50, %swap3A_51], %swap3A_54 {strides = array<i32>} : memref<1x1280x512xf32, #tpu.memory_space<vmem>>, vector<1x1280x512xf32>,
    return
  }
  func.func @transform_0(%arg0: i32) -> (i32, i32, i32) {
    %c0_i32 = arith.constant 0 : i32
    %c0_i32_0 = arith.constant 0 : i32
    %c0_i32_1 = arith.constant 0 : i32
    return %arg0, %c0_i32, %c0_i32_0 : i32, i32, i32
  }
  func.func @transform_1(%arg0: i32) -> (i32, i32, i32) {
    %add3A = arith.constant 4 : i32
    %add3A_0 = arith.addi %add3A, %arg0 : i32
    %c0_i32 = arith.constant 0 : i32
    %c0_i32_1 = arith.constant 0 : i32
    %c0_i32_2 = arith.constant 0 : i32
    return %add3A_0, %c0_i32, %c0_i32_1 : i32, i32, i32
  }
  func.func @transform_2(%arg0: i32) -> (i32, i32) {
    %c0_i32 = arith.constant 0 : i32
    %c0_i32_0 = arith.constant 0 : i32
    %c0_i32_1 = arith.constant 0 : i32
    return %c0_i32, %c0_i32_0 : i32, i32
  }
  func.func @transform_3(%arg0: i32) -> (i32, i32) {
    %c0_i32 = arith.constant 0 : i32
    %c0_i32_0 = arith.constant 0 : i32
    %c0_i32_1 = arith.constant 0 : i32
    return %c0_i32, %c0_i32_0 : i32, i32
  }
  func.func @transform_4(%arg0: i32) -> (i32, i32) {
    %c0_i32 = arith.constant 0 : i32
    %c0_i32_0 = arith.constant 0 : i32
    %c0_i32_1 = arith.constant 0 : i32
    return %c0_i32, %c0_i32_0 : i32, i32
  }
  func.func @transform_5(%arg0: i32) -> (i32, i32) {
    %c0_i32 = arith.constant 0 : i32
    %c0_i32_0 = arith.constant 0 : i32
    %c0_i32_1 = arith.constant 0 : i32
    return %c0_i32, %c0_i32_0 : i32, i32
  }
  func.func @transform_6(%arg0: i32) -> (i32, i32) {
    %c0_i32 = arith.constant 0 : i32
    %c0_i32_0 = arith.constant 0 : i32
    %c0_i32_1 = arith.constant 0 : i32
    return %c0_i32, %c0_i32_0 : i32, i32
  }
  func.func @transform_7(%arg0: i32) -> (i32, i32, i32) {
    %c0_i32 = arith.constant 0 : i32
    %c0_i32_0 = arith.constant 0 : i32
    %c0_i32_1 = arith.constant 0 : i32
    return %arg0, %c0_i32, %c0_i32_0 : i32, i32, i32
  }
}

</mosaic_0001>

<sc_bundles>
// kernel: kernel.14.cloned.1.call-start
scs
__scs_entry_jumppad:
0x0: {  	(pc) =	sbr.rel $0x88, $3  }
0x1: {  	(tag) =	ssettag $0x0;
	lr =	simm.s32 $0x1  }
0x2: {  	[smem:$0x3F85] =	sst lr;
	_ =	strace $0xD0000000  }
0x3: {  	_ = 	snop  }
0x4: {  	_ = 	snop  }
0x5: {  	_ = 	snop  }
0x6: {  	_ = 	snop  }
0x7: {  	_ = 	snop  }
__scs_overlays_trampoline_lowered:
0x8: {  	[smem:$0x3F94] =	sst s0  }
0x9: {  	[smem:$0x3F95] =	sst s1  }
0xa: {  	[smem:$0x3F96] =	sst s2  }
0xb: {  	[smem:$0x3F97] =	sst s3  }
0xc: {  	[smem:$0x3F98] =	sst s4  }
0xd: {  	[smem:$0x3F99] =	sst s5  }
0xe: {  	[smem:$0x3F9A] =	sst s6  }
0xf: {  	[smem:$0x3F9B] =	sst s7  }
0x10: {  	[smem:$0x3F9C] =	sst s8  }
0x11: {  	[smem:$0x3F9D] =	sst s9;
	s0 =	simm.s32 @!p0 $0x0  }
0x12: {  	s1 =	sld [smem:$0x3F83];
	s0 =	simm.s32 @p0 $0x1  }
0x13: {  	[smem:$0x3F9E] =	sst s0;
	s0 =	simm.s32 @!p1 $0x0  }
0x14: {  	s2 =	sld [smem:$0x3F82];
	s0 =	simm.s32 @p1 $0x1  }
0x15: {  	[smem:$0x3F9F] =	sst s0;
	s0 =	simm.s32 @!p2 $0x0  }
0x16: {  	s3 =	sld [smem:$0x3FDB];
	s0 =	simm.s32 @p2 $0x1  }
0x17: {  	s4 =	simm.s32 $0x1BF5;
	[smem:$0x3FA1] =	sst s0  }
0x18: {  	s0 =	sld [smem:$0x3F84];
	_ =	swait.ge [sflag:s4], $0x0  }
0x19: {  	s7 =	sld [smem:$0x3F85]  }
0x1a: {  	s8 =	sadd.s32 $0xFFFFE003, lr  }
0x1b: {  	s9 =	sadd.s32 $0xFFFFFEF7, lr;
	s5 =	simm.s32 $0xFFFFFFFF;
	p2 =	slt.u32 s8, $0xFFFFF086  }
0x1c: {  	p1 =	slt.u32 s9, $0xF7A;
	s5 =	simm.s32 @!p2 $0x0  }
0x1d: {  	s5 =	simm.s32 @p1 $0x1;
	p0 =	seq.s32 s7, s2  }
0x1e: {  	s7 =	smul.u32 @!p0 $0xF7A, s2;
	p2 =	seq.s32 @!p0 s5, $0x0  }
0x1f: {  	s9 =	smul.u32 $0xF7A, s1;
	s8 =	simm.s32 @!p0 $0x1BF5;
	p2 =	por !p2, p0  }
0x20: {  	[sflag:s8] =	ssyncset.s32 @!p0 $0xFFFFF086;
	s6 =	sadd.s32 @!p0 s3, s7;
	s7 =	simm.s32 @!p0 $0x108  }
0x21: {  	s3 =	sadd.s32 s3, s9;
	s6 =	sadd.s32 @!p0 $0x88, s6;
	s7 =	simm.s32 @p2 $0x1082  }
0x22: {  	[simem:s7], [sflag:s8] =	dma.local @!p0 [hbm:s6], $0xF7A  }
0x23: {  	s9 =	sor.u32 $0xD0000000, s2;
	s6 =	simm.s32 $0x108;
	_ =	swait.ge @!p0 [sflag:s8], $0x0  }
0x24: {  	s3 =	sadd.s32 $0x88, s3;
	s6 =	simm.s32 @!p1 $0x1082;
	[sflag:s4] =	ssyncset.s32 $0xFFFFF086  }
0x25: {  	[simem:s6], [sflag:s4] =	dma.local [hbm:s3], $0xF7A  }
0x26: {  	[smem:$0x3F85] =	sst s1;
	(tag) =	ssettag s2;
	_ =	strace s9  }
0x27: {  	s1 =	sld [smem:$0x3F95]  }
0x28: {  	s2 =	sld [smem:$0x3F96]  }
0x29: {  	s4 =	sld [smem:$0x3F98]  }
0x2a: {  	p0 =	seq.s32 s5, $0x0;
	s5 =	sld [smem:$0x3F99]  }
0x2b: {  	s6 =	sld [smem:$0x3F9A]  }
0x2c: {  	s7 =	sld [smem:$0x3F9B]  }
0x2d: {  	s3 =	simm.s32 $0x108;
	s8 =	sld [smem:$0x3F9C]  }
0x2e: {  	s3 =	simm.s32 @!p0 $0x1082;
	s9 =	sld [smem:$0x3F9D]  }
0x2f: {  	lr =	sadd.s32 s0, s3;
	s0 =	sld [smem:$0x3F94]  }
0x30: {  	s3 =	sld [smem:$0x3F97]  }
0x31: {  	[smem:$0x3FA0] =	sst s10  }
0x32: {  	s10 =	sld [smem:$0x3F9E];
	_ =	sdelay $0x3  }
0x33: {  	p0 =	seq.s32 s10, $0x1;
	s10 =	sld [smem:$0x3FA0];
	_ =	sdelay $0x3  }
0x34: {  	[smem:$0x3FA0] =	sst s10  }
0x35: {  	s10 =	sld [smem:$0x3F9F];
	_ =	sdelay $0x3  }
0x36: {  	p1 =	seq.s32 s10, $0x1;
	s10 =	sld [smem:$0x3FA0];
	_ =	sdelay $0x3  }
0x37: {  	[smem:$0x3FA0] =	sst s10  }
0x38: {  	s10 =	sld [smem:$0x3FA1]  }
0x39: {  	_ = 	snop;
	(pc) =	sbr.ind lr, $3  }
0x3a: {  	_ = 	snop  }
0x3b: {  	_ = 	snop  }
0x3c: {  	p2 =	seq.s32 s10, $0x1;
	s10 =	sld [smem:$0x3FA0]  }
0x3d: {  	_ =	shalt  }
0x3e: {  	_ =	shalt  }
0x3f: {  	_ =	shalt  }
0x40: {  	_ =	shalt  }
0x41: {  	_ =	shalt  }
0x42: {  	_ =	shalt  }
0x43: {  	_ =	shalt  }
0x44: {  	_ =	shalt  }
0x45: {  	_ =	shalt  }
0x46: {  	_ =	shalt  }
0x47: {  	_ =	shalt  }
0x48: {  	_ =	shalt  }
0x49: {  	_ =	shalt  }
0x4a: {  	_ =	shalt  }
0x4b: {  	_ =	shalt  }
0x4c: {  	_ =	shalt  }
0x4d: {  	_ =	shalt  }
0x4e: {  	_ =	shalt  }
0x4f: {  	_ =	shalt  }
0x50: {  	_ =	shalt  }
0x51: {  	_ =	shalt  }
0x52: {  	_ =	shalt  }
0x53: {  	_ =	shalt  }
0x54: {  	_ =	shalt  }
0x55: {  	_ =	shalt  }
0x56: {  	_ =	shalt  }
0x57: {  	_ =	shalt  }
0x58: {  	_ =	shalt  }
0x59: {  	_ =	shalt  }
0x5a: {  	_ =	shalt  }
0x5b: {  	_ =	shalt  }
0x5c: {  	_ =	shalt  }
0x5d: {  	_ =	shalt  }
0x5e: {  	_ =	shalt  }
0x5f: {  	_ =	shalt  }
0x60: {  	_ =	shalt  }
0x61: {  	_ =	shalt  }
0x62: {  	_ =	shalt  }
0x63: {  	_ =	shalt  }
0x64: {  	_ =	shalt  }
0x65: {  	_ =	shalt  }
0x66: {  	_ =	shalt  }
0x67: {  	_ =	shalt  }
0x68: {  	_ =	shalt  }
0x69: {  	_ =	shalt  }
0x6a: {  	_ =	shalt  }
0x6b: {  	_ =	shalt  }
0x6c: {  	_ =	shalt  }
0x6d: {  	_ =	shalt  }
0x6e: {  	_ =	shalt  }
0x6f: {  	_ =	shalt  }
0x70: {  	_ =	shalt  }
0x71: {  	_ =	shalt  }
0x72: {  	_ =	shalt  }
0x73: {  	_ =	shalt  }
0x74: {  	_ =	shalt  }
0x75: {  	_ =	shalt  }
0x76: {  	_ =	shalt  }
0x77: {  	_ =	shalt  }
0x78: {  	_ =	shalt  }
0x79: {  	_ =	shalt  }
0x7a: {  	_ =	shalt  }
0x7b: {  	_ =	shalt  }
0x7c: {  	_ =	shalt  }
0x7d: {  	_ =	shalt  }
0x7e: {  	_ =	shalt  }
0x7f: {  	_ =	shalt  }
0x80: {  	_ =	shalt  }
0x81: {  	_ =	shalt  }
0x82: {  	_ =	shalt  }
0x83: {  	_ =	shalt  }
0x84: {  	_ =	shalt  }
0x85: {  	_ =	shalt  }
0x86: {  	_ =	shalt  }
0x87: {  	_ =	shalt  }
.Lfunc_end0:
.L_simem_size_0:
called_computation_lowered:
.L_overlay_start_0:
0x88: {  	s2 =	sld [smem:$0x3FD9]  }
0x89: {  	s3 =	sld [smem:$0x3FFE];
	_ =	sdelay $0x1  }
0x8a: {  	s1 =	srdreg.scid  }
0x8b: {  	s0 =	sand.u32 $0x1, s1  }
0x8c: {  	s16 =	sshll.u32 s0, $0xA;
	s2 =	sadd.s32 s3, s2  }
0x8d: {  	s2 =	sadd.s32 s2, s16  }
0x8e: {  	[smem:$0x3FAC] =	sst s2  }
0x8f: {  	_ = 	snop  }
0x90: {  	(tm) =	ssettm $0x1  }
0x91: {  	s17 =	sld [smem:$0x3FFB];
	_ =	sdelay $0x3  }
0x92: {  	_ =	strace s17  }
0x93: {  	s2 =	sld [smem:$0x3FFC];
	_ =	sdelay $0x3  }
0x94: {  	_ =	strace s2  }
0x95: {  	s2 =	sld [smem:$0x3FFD];
	_ =	sdelay $0x3  }
0x96: {  	_ =	strace s2  }
0x97: {  	_ =	strace $0x8FFFFFFF  }
0x98: {  	s18 =	sld [smem:$0x3FDB];
	_ =	sdelay $0x1  }
0x99: {  	s19 =	simm.s32 $_scs_section_size  }
0x9a: {  	s4 =	simm.s32 $_size__tile_overlayer_lowered;
	s5 =	simm.s32 $_tile_overlayer_lowered  }
0x9b: {  	s22 =	simm.s32 $0x1BFF;
	s21 =	sshll.u32 s5, $0x1;
	s2 =	sadd.s32 s19, s18  }
0x9c: {  	s6 =	simm.s32 $0x0;
	s20 =	sshll.u32 s4, $0x1;
	s4 =	sadd.s32 s21, s2  }
0x9d: {  	[timem:s6], [sflag:s22] =	dma.local [hbm:s4], s20  }
0x9e: {  	_ =	swait.ge [sflag:s22], s20  }
0x9f: {  	s3 =	ssub.s32 $0x0, s20;
	[sflag:s22] =	ssyncset.done $0x0  }
0xa0: {  	[sflag:s22] =	ssyncadd.s32 s3;
	_ =	sdelay $0x1  }
0xa1: {  	s23 =	simm.s32 $0x1B8B  }
0xa2: {  	_ =	swait.ge [sflag:s23], $0x1  }
0xa3: {  	[sflag:s23] =	ssyncset.done $0x0  }
0xa4: {  	s25 =	simm.s32 $0x1B8E;
	s24 =	sld [smem:$0x3FFE];
	[sflag:s23] =	ssyncadd.s32 $0xFFFFFFFF  }
0xa5: {  	s26 =	simm.s32 $execute0_lowered;
	[smem:$0x3FD2] =	sst s25  }
0xa6: {  	s4 =	sshll.u32 s26, $0x1;
	_ =	strace $0x80000046;
	[dreg:$0x1] =	wrdreg $0xFFFFFFFF  }
0xa7: {  	s28 =	simm.s32 $_size_execute0_lowered;
	s2 =	sadd.s32 s2, s4;
	[dreg:$0x0] =	wrdreg $0x0  }
0xa8: {  	s4 =	sshll.u32 s28, $0x1;
	[dreg:$0x2] =	wrdreg s2  }
0xa9: {  	[dreg:$0x3] =	wrdreg s4  }
0xaa: {  	[dreg:$0x4] =	wrdreg $0xC0  }
0xab: {  	_ =	task [dreg:s6], $0x5FFFF  }
0xac: {  	[dreg:$0x1] =	wrdreg $0xFFFFFFFF  }
0xad: {  	[dreg:$0x0] =	wrdreg $0x60  }
0xae: {  	[dreg:$0x2] =	wrdreg s24  }
0xaf: {  	[dreg:$0x3] =	wrdreg $0x58800  }
0xb0: {  	[dreg:$0x4] =	wrdreg $0x9  }
0xb1: {  	_ =	task.clear_ibuf [dreg:s6], $0x5FFFF;
	_ =	strace $0x90000046  }
0xb2: {  	s29 =	simm.s32 $0x9;
	_ =	strace $0x80000048  }
0xb3: {  	_ =	swait.ge [sflag:s29], $0x1  }
0xb4: {  	[sflag:s29] =	ssyncadd.s32 $0xFFFFFFFF  }
0xb5: {  	_ =	strace $0x90000048  }
0xb6: {  	_ =	sfence  }
0xb7: {  	s30 =	sld [smem:$0x0];
	_ =	sdelay $0x2  }
0xb8: {  	s31 =	sshll.u32 s1, $0xD;
	s1 =	sshrl.u32 s1, $0x2  }
0xb9: {  	s3 =	sand.u32 $0x4000, s31;
	s1 =	sadd.s32 s1, s30  }
0xba: {  	s0 =	sor.u32 s3, s0;
	s1 =	sshll.u32 s1, $0x11  }
0xbb: {  	s0 =	sor.u32 s1, s0  }
0xbc: {  	s0 =	sadd.s32 $0x8F2B, s0  }
0xbd: {  	[sflag:s0] =	ssyncadd.remote.s32 $0x1  }
0xbe: {  	_ =	sfence.sel $0xFFFF  }
0xbf: {  	[dreg:$0x0] =	wrdreg $0xFFFFFFFF;
	(pc) =	sbr.abs _section_cstart, $3  }
0xc0: {  	[dreg:$0x1] =	wrdreg $0xFFFFFFFF  }
0xc1: {  	_ =	task.clear_ibuf [dreg:s6], $0x2FFFF;
	_ =	strace $0x9FFFFFFF  }
0xc2: {  	(tm) =	ssettm $0x7FFFFFFF  }
0xc3: {  	_ =	shalt  }
tec
execute0_lowered:
.L_overlay_start_1:
0x0: {  	(tag) =	ssettag $0x1  }
0x1: {  	s0 =	rddreg [dreg:$0x0]  }
0x2: {  	s1 =	rddreg [dreg:$0x1];
	s3 =	simm.s32 $0x0  }
0x3: {  	s2 =	srdreg.scid;
	s9 =	stileid.u32;
	s18 =	simm.s32 $0x1  }
0x4: {  	s19 =	simm.s32 $0x80;
	s20 =	simm.s32 $0x800;
	s29 =	simm.s32 $0x480  }
0x5: {  	s30 =	simm.s32 $0x880;
	s31 =	simm.s32 $0x0;
	[smem:$0x7FF] =	sst s3  }
0x6: {  	s2 =	sand.u32 $0x1, s2;
	s6 =	smul.u32 $0x64000, s9;
	s14 =	sadd.s32 $0x5800, s0  }
0x7: {  	s4 =	sadd.s32 $0xD800, s0;
	s0 =	sadd.s32 $0x10A00, s0;
	s25 =	sshll.u32 s9, $0x6  }
0x8: {  	s26 =	smul.u32 $0x50, s9;
	s11 =	sshll.u32 s9, $0xB;
	_ =	strace $0x80000047  }
0x9: {  	s5 =	ssub.s32 $0x2, s2;
	s8 =	sshll.u32 s2, $0x10;
	s28 =	smul.u32 $0x64000, s2  }
0xa: {  	s2 =	sshllo.u32 s2, $0x1;
	s7 =	sshrl.u32 s5, $0x1;
	s24 =	sshrl.u32 s6, $0x2  }
0xb: {  	s6 =	sor.u32 $0x1C01, s25;
	s8 =	sor.u32 s11, s8;
	s12 =	sshll.u32 s2, $0xF  }
0xc: {  	s2 =	smul.u32 $0x32000, s2;
	s16 =	ssub.s32 s5, s7;
	s5 =	sadd.s32 s24, s1  }
0xd: {  	s7 =	sshrl.u32 s26, $0x3;
	s8 =	sshrl.u32 s8, $0x3;
	s9 =	sadd.s32 s0, s28  }
0xe: {  	s13 =	sor.u32 s11, s12;
	s7 =	smul.u32 $0x500, s7;
	s8 =	sadd.s32 s14, s8  }
0xf: {  	s15 =	sshrl.u32 s13, $0x3;
	s16 =	smax.u32 s16, $0x1;
	s17 =	sshrl.u32 s5, $0x3  }
0x10: {  	s14 =	sadd.s32 s14, s15;
	s15 =	sadd.s32 s0, s2;
	s10 =	sadd.s32 $0xA00, s7  }
0x11: {  	v0 =	vimm.f32 $1.000000000e+00;
	s11 =	sadd.s32 $0x1400, s7;
	s12 =	sadd.s32 $0x1E00, s7;
	s13 =	sadd.s32 $0x2800, s7  }
.LBB2_1:
0x12: {  	[tilespmem:$0x800] =	vst v0  }
0x13: {  	[tilespmem:$0x810] =	vst v0  }
0x14: {  	[tilespmem:$0x820] =	vst v0  }
0x15: {  	[tilespmem:$0x830] =	vst v0  }
0x16: {  	[tilespmem:$0x840] =	vst v0  }
0x17: {  	[tilespmem:$0x850] =	vst v0  }
0x18: {  	[tilespmem:$0x860] =	vst v0  }
0x19: {  	[tilespmem:$0x870] =	vst v0  }
0x1a: {  	[spmem:s17], [sflag:s6] =	dma.local [hbm:s4], $0x3200  }
0x1b: {  	_ =	swait.ge [sflag:s18], $0x3200  }
0x1c: {  	[sflag:s18] =	ssyncset.done $0x0  }
0x1d: {  	[sflag:s18] =	ssyncadd.s32 $0xFFFFCE00  }
0x1e: {  	[bflag:$0x0] =	sbarrier.arrive $0xFFFF  }
0x1f: {  	[tilespmem:s3], [sflag:$0x1] =	stream.linear.gather [hbm4b:s8+s3], $0x500, $0x38;
	[tilespmem:$0x1E888] =	vst v63  }
0x20: {  	_ =	swait.ge [sflag:s18], $0x500  }
0x21: {  	[sflag:s18] =	ssyncset.done $0x0  }
0x22: {  	[sflag:s18] =	ssyncadd.s32 $0xFFFFFB00  }
0x23: {  	[spmem:s1] =	stream.indirect.scatter.add.f32 [tilespmem:s20], [sflag:$0x1], $0x1, s3, s19, $0xb8;
	[tilespmem:$0x1E888] =	vst v63  }
0x24: {  	_ =	swait.ge [sflag:s18], $0x80  }
0x25: {  	[sflag:s18] =	ssyncset.done $0x0  }
0x26: {  	[sflag:s18] =	ssyncadd.s32 $0xFFFFFF80  }
0x27: {  	[spmem:s1] =	stream.indirect.scatter.add.f32 [tilespmem:s20], [sflag:$0x1], $0x1, s19, s19, $0xb8;
	[tilespmem:$0x1E888] =	vst v63  }
0x28: {  	_ =	swait.ge [sflag:s18], $0x80  }
0x29: {  	[sflag:s18] =	ssyncset.done $0x0  }
0x2a: {  	s0 =	simm.s32 $0x100;
	[sflag:s18] =	ssyncadd.s32 $0xFFFFFF80  }
0x2b: {  	[spmem:s1] =	stream.indirect.scatter.add.f32 [tilespmem:s20], [sflag:$0x1], $0x1, s0, s19, $0xb8;
	[tilespmem:$0x1E888] =	vst v63  }
0x2c: {  	_ =	swait.ge [sflag:s18], $0x80  }
0x2d: {  	[sflag:s18] =	ssyncset.done $0x0  }
0x2e: {  	s24 =	simm.s32 $0x180;
	[sflag:s18] =	ssyncadd.s32 $0xFFFFFF80  }
0x2f: {  	[spmem:s1] =	stream.indirect.scatter.add.f32 [tilespmem:s20], [sflag:$0x1], $0x1, s24, s19, $0xb8;
	[tilespmem:$0x1E888] =	vst v63  }
0x30: {  	_ =	swait.ge [sflag:s18], $0x80  }
0x31: {  	[sflag:s18] =	ssyncset.done $0x0  }
0x32: {  	s25 =	simm.s32 $0x200;
	[sflag:s18] =	ssyncadd.s32 $0xFFFFFF80  }
0x33: {  	[spmem:s1] =	stream.indirect.scatter.add.f32 [tilespmem:s20], [sflag:$0x1], $0x1, s25, s19, $0xb8;
	[tilespmem:$0x1E888] =	vst v63  }
0x34: {  	_ =	swait.ge [sflag:s18], $0x80  }
0x35: {  	[sflag:s18] =	ssyncset.done $0x0  }
0x36: {  	s26 =	simm.s32 $0x280;
	[sflag:s18] =	ssyncadd.s32 $0xFFFFFF80  }
0x37: {  	[spmem:s1] =	stream.indirect.scatter.add.f32 [tilespmem:s20], [sflag:$0x1], $0x1, s26, s19, $0xb8;
	[tilespmem:$0x1E888] =	vst v63  }
0x38: {  	_ =	swait.ge [sflag:s18], $0x80  }
0x39: {  	[sflag:s18] =	ssyncset.done $0x0  }
0x3a: {  	s28 =	simm.s32 $0x300;
	[sflag:s18] =	ssyncadd.s32 $0xFFFFFF80  }
0x3b: {  	[spmem:s1] =	stream.indirect.scatter.add.f32 [tilespmem:s20], [sflag:$0x1], $0x1, s28, s19, $0xb8;
	[tilespmem:$0x1E888] =	vst v63  }
0x3c: {  	_ =	swait.ge [sflag:s18], $0x80  }
0x3d: {  	[sflag:s18] =	ssyncset.done $0x0  }
0x3e: {  	s2 =	simm.s32 $0x380;
	[sflag:s18] =	ssyncadd.s32 $0xFFFFFF80  }
0x3f: {  	[spmem:s1] =	stream.indirect.scatter.add.f32 [tilespmem:s20], [sflag:$0x1], $0x1, s2, s19, $0xb8;
	[tilespmem:$0x1E888] =	vst v63  }
0x40: {  	_ =	swait.ge [sflag:s18], $0x80  }
0x41: {  	[sflag:s18] =	ssyncset.done $0x0  }
0x42: {  	s21 =	simm.s32 $0x400;
	[sflag:s18] =	ssyncadd.s32 $0xFFFFFF80  }
0x43: {  	[spmem:s1] =	stream.indirect.scatter.add.f32 [tilespmem:s20], [sflag:$0x1], $0x1, s21, s19, $0xb8;
	[tilespmem:$0x1E888] =	vst v63  }
0x44: {  	_ =	swait.ge [sflag:s18], $0x80  }
0x45: {  	s22 =	simm.s32 $0x0;
	[sflag:s18] =	ssyncset.done $0x0  }
0x46: {  	s0 =	smul.u32 $0xA000, s22;
	[sflag:s18] =	ssyncadd.s32 $0xFFFFFF80  }
0x47: {  	[spmem:s1] =	stream.indirect.scatter.add.f32 [tilespmem:s20], [sflag:$0x1], $0x1, s29, s19, $0xb8;
	[tilespmem:$0x1E888] =	vst v63  }
0x48: {  	_ =	swait.ge [sflag:s18], $0x80  }
0x49: {  	s0 =	sshra.s32 s0, $0x2;
	s2 =	sand.u32 $0x380, s3;
	[sflag:s18] =	ssyncset.done $0x0  }
0x4a: {  	s2 =	sor.u32 s2, s0;
	[sflag:s18] =	ssyncadd.s32 $0xFFFFFF80  }
0x4b: {  	s0 =	sadd.s32 $0x880, s2;
	s21 =	sadd.s32 $0x0, s5;
	[bflag:$0x0] =	sbarrier.arrive $0xFFFF  }
0x4c: {  	[tilespmem:s0], [sflag:$0x1] =	stream.linear.gather [spmem:s21], $0x80, $0x38;
	[tilespmem:$0x1E888] =	vst v63  }
0x4d: {  	s22 =	sadd.s32 $0xC80, s2;
	s23 =	sadd.s32 $0x80, s21  }
0x4e: {  	[tilespmem:s22], [sflag:$0x1] =	stream.linear.gather [spmem:s23], $0x80, $0x38;
	[tilespmem:$0x1E888] =	vst v63  }
0x4f: {  	s25 =	sadd.s32 $0x1080, s2;
	s24 =	sadd.s32 $0x100, s21  }
0x50: {  	[tilespmem:s25], [sflag:$0x1] =	stream.linear.gather [spmem:s24], $0x80, $0x38;
	[tilespmem:$0x1E888] =	vst v63  }
0x51: {  	s28 =	sadd.s32 $0x1480, s2;
	s26 =	sadd.s32 $0x180, s21  }
0x52: {  	[tilespmem:s28], [sflag:$0x1] =	stream.linear.gather [spmem:s26], $0x80, $0x38;
	[tilespmem:$0x1E888] =	vst v63  }
0x53: {  	s22 =	sadd.s32 $0x200, s21;
	s23 =	sadd.s32 $0x1880, s2  }
0x54: {  	[tilespmem:s23], [sflag:$0x1] =	stream.linear.gather [spmem:s22], $0x80, $0x38;
	[tilespmem:$0x1E888] =	vst v63  }
0x55: {  	s24 =	sadd.s32 $0x280, s21;
	s25 =	sadd.s32 $0x1C80, s2  }
0x56: {  	[tilespmem:s25], [sflag:$0x1] =	stream.linear.gather [spmem:s24], $0x80, $0x38;
	[tilespmem:$0x1E888] =	vst v63  }
0x57: {  	s26 =	sadd.s32 $0x300, s21;
	s28 =	sadd.s32 $0x2080, s2  }
0x58: {  	[tilespmem:s28], [sflag:$0x1] =	stream.linear.gather [spmem:s26], $0x80, $0x38;
	[tilespmem:$0x1E888] =	vst v63  }
0x59: {  	s0 =	simm.s32 $0x1400;
	s23 =	sadd.s32 $0x380, s21;
	s24 =	sadd.s32 $0x2480, s2  }
0x5a: {  	[tilespmem:s24], [sflag:$0x1] =	stream.linear.gather [spmem:s23], $0x80, $0x38;
	[tilespmem:$0x1E888] =	vst v63  }
0x5b: {  	s25 =	sadd.s32 $0x400, s21;
	s26 =	sadd.s32 $0x2880, s2;
	s28 =	simm.s32 $0x0  }
0x5c: {  	[tilespmem:s26], [sflag:$0x1] =	stream.linear.gather [spmem:s25], $0x80, $0x38;
	[tilespmem:$0x1E888] =	vst v63  }
0x5d: {  	s21 =	sadd.s32 $0x480, s21;
	s2 =	sadd.s32 $0x2C80, s2;
	s24 =	smul.u32 $0xA000, s28  }
0x5e: {  	[tilespmem:s2], [sflag:$0x1] =	stream.linear.gather [spmem:s21], $0x80, $0x38;
	[tilespmem:$0x1E888] =	vst v63  }
0x5f: {  	s22 =	simm.s32 $0x2800;
	s24 =	sshra.s32 s24, $0x2;
	s21 =	simm.s32 $0x80  }
0x60: {  	s2 =	simm.s32 $0x1;
	s23 =	sand.u32 $0x380, s21;
	_ =	swait.ge [sflag:s18], $0x500  }
.LBB2_2:
0x61: {  	s23 =	sor.u32 s23, s24  }
0x62: {  	s24 =	sshra.s32 s0, $0x2;
	[sflag:s18] =	ssyncset.done $0x0;
	s0 =	smov.u32 s22  }
0x63: {  	s25 =	sadd.s32 $0x880, s23;
	s24 =	sadd.s32 s24, s5;
	[sflag:s18] =	ssyncadd.s32 $0xFFFFFB00  }
0x64: {  	[tilespmem:s25], [sflag:$0x1] =	stream.linear.gather [spmem:s24], $0x80, $0x38;
	[tilespmem:$0x1E888] =	vst v63  }
0x65: {  	s28 =	sadd.s32 $0xC80, s23;
	s25 =	sadd.s32 $0x1400, s22;
	s26 =	sadd.s32 $0x80, s24  }
0x66: {  	[tilespmem:s28], [sflag:$0x1] =	stream.linear.gather [spmem:s26], $0x80, $0x38;
	[tilespmem:$0x1E888] =	vst v63  }
0x67: {  	p0 =	sne.s32 s22, $0x12C00;
	s22 =	sadd.s32 $0x100, s24;
	s26 =	sadd.s32 $0x1080, s23  }
0x68: {  	[tilespmem:s26], [sflag:$0x1] =	stream.linear.gather [spmem:s22], $0x80, $0x38;
	[tilespmem:$0x1E888] =	vst v63  }
0x69: {  	s22 =	sadd.s32 $0x180, s24;
	s26 =	sadd.s32 $0x1480, s23  }
0x6a: {  	[tilespmem:s26], [sflag:$0x1] =	stream.linear.gather [spmem:s22], $0x80, $0x38;
	[tilespmem:$0x1E888] =	vst v63  }
0x6b: {  	s22 =	sadd.s32 $0x200, s24;
	s26 =	sadd.s32 $0x1880, s23  }
0x6c: {  	[tilespmem:s26], [sflag:$0x1] =	stream.linear.gather [spmem:s22], $0x80, $0x38;
	[tilespmem:$0x1E888] =	vst v63  }
0x6d: {  	s22 =	sadd.s32 $0x280, s24;
	s26 =	sadd.s32 $0x1C80, s23  }
0x6e: {  	[tilespmem:s26], [sflag:$0x1] =	stream.linear.gather [spmem:s22], $0x80, $0x38;
	[tilespmem:$0x1E888] =	vst v63  }
0x6f: {  	s22 =	sadd.s32 $0x300, s24;
	s26 =	sadd.s32 $0x2080, s23  }
0x70: {  	[tilespmem:s26], [sflag:$0x1] =	stream.linear.gather [spmem:s22], $0x80, $0x38;
	[tilespmem:$0x1E888] =	vst v63  }
0x71: {  	s2 =	sadd.s32 $0x1, s2;
	s22 =	sadd.s32 $0x380, s24;
	s26 =	sadd.s32 $0x2480, s23  }
0x72: {  	[tilespmem:s26], [sflag:$0x1] =	stream.linear.gather [spmem:s22], $0x80, $0x38;
	[tilespmem:$0x1E888] =	vst v63  }
0x73: {  	s22 =	sadd.s32 $0x400, s24;
	s26 =	sadd.s32 $0x2880, s23;
	s24 =	sadd.s32 $0x480, s24  }
0x74: {  	[tilespmem:s26], [sflag:$0x1] =	stream.linear.gather [spmem:s22], $0x80, $0x38;
	[tilespmem:$0x1E888] =	vst v63  }
.Ltmp0:
0x75: {  	s23 =	sadd.s32 $0x2C80, s23;
	s22 =	sshrl.u32 s2, $0x3;
	(pc) =	sbr.rel @p0 .LBB2_2-.Ltmp0, $4  }
0x76: {  	s21 =	sadd.s32 $0x80, s21;
	s22 =	smul.u32 $0xA000, s22  }
0x77: {  	[tilespmem:s23], [sflag:$0x1] =	stream.linear.gather [spmem:s24], $0x80, $0x38;
	[tilespmem:$0x1E888] =	vst v63  }
0x78: {  	s23 =	sand.u32 $0x380, s21  }
0x79: {  	s24 =	sshra.s32 s22, $0x2;
	s22 =	smov.u32 s25;
	_ =	swait.ge [sflag:s18], $0x500  }
0x7a: {  	s2 =	sor.u32 s23, s24;
	s0 =	sshra.s32 s0, $0x2;
	[sflag:s18] =	ssyncset.done $0x0  }
0x7b: {  	s21 =	sadd.s32 $0x880, s2;
	s0 =	sadd.s32 s0, s5;
	[sflag:s18] =	ssyncadd.s32 $0xFFFFFB00  }
0x7c: {  	[tilespmem:s21], [sflag:$0x1] =	stream.linear.gather [spmem:s0], $0x80, $0x38;
	[tilespmem:$0x1E888] =	vst v63  }
0x7d: {  	s22 =	sadd.s32 $0xC80, s2;
	s25 =	sadd.s32 $0x80, s0  }
0x7e: {  	[tilespmem:s22], [sflag:$0x1] =	stream.linear.gather [spmem:s25], $0x80, $0x38;
	[tilespmem:$0x1E888] =	vst v63  }
0x7f: {  	s28 =	sadd.s32 $0x1080, s2;
	s26 =	sadd.s32 $0x100, s0  }
0x80: {  	[tilespmem:s28], [sflag:$0x1] =	stream.linear.gather [spmem:s26], $0x80, $0x38;
	[tilespmem:$0x1E888] =	vst v63  }
0x81: {  	s23 =	sadd.s32 $0x1480, s2;
	s22 =	sadd.s32 $0x180, s0  }
0x82: {  	[tilespmem:s23], [sflag:$0x1] =	stream.linear.gather [spmem:s22], $0x80, $0x38;
	[tilespmem:$0x1E888] =	vst v63  }
0x83: {  	s24 =	sadd.s32 $0x200, s0;
	s25 =	sadd.s32 $0x1880, s2  }
0x84: {  	[tilespmem:s25], [sflag:$0x1] =	stream.linear.gather [spmem:s24], $0x80, $0x38;
	[tilespmem:$0x1E888] =	vst v63  }
0x85: {  	s26 =	sadd.s32 $0x280, s0;
	s28 =	sadd.s32 $0x1C80, s2  }
0x86: {  	[tilespmem:s28], [sflag:$0x1] =	stream.linear.gather [spmem:s26], $0x80, $0x38;
	[tilespmem:$0x1E888] =	vst v63  }
0x87: {  	s22 =	sadd.s32 $0x300, s0;
	s23 =	sadd.s32 $0x2080, s2  }
0x88: {  	[tilespmem:s23], [sflag:$0x1] =	stream.linear.gather [spmem:s22], $0x80, $0x38;
	[tilespmem:$0x1E888] =	vst v63  }
0x89: {  	s24 =	sadd.s32 $0x380, s0;
	s25 =	sadd.s32 $0x2480, s2  }
0x8a: {  	[tilespmem:s25], [sflag:$0x1] =	stream.linear.gather [spmem:s24], $0x80, $0x38;
	[tilespmem:$0x1E888] =	vst v63  }
0x8b: {  	s26 =	sadd.s32 $0x400, s0;
	s28 =	sadd.s32 $0x2880, s2  }
0x8c: {  	[tilespmem:s28], [sflag:$0x1] =	stream.linear.gather [spmem:s26], $0x80, $0x38;
	[tilespmem:$0x1E888] =	vst v63  }
0x8d: {  	s0 =	sadd.s32 $0x480, s0;
	s2 =	sadd.s32 $0x2C80, s2  }
0x8e: {  	[tilespmem:s2], [sflag:$0x1] =	stream.linear.gather [spmem:s0], $0x80, $0x38;
	[tilespmem:$0x1E888] =	vst v63  }
0x8f: {  	_ =	swait.ge [sflag:s18], $0x500  }
0x90: {  	s22 =	simm.s32 $0x0;
	s23 =	sadd.s32 s7, s9;
	[sflag:s18] =	ssyncset.done $0x0  }
0x91: {  	s24 =	simm.s32 $0x0;
	s0 =	smul.u32 $0xA000, s22;
	[sflag:s18] =	ssyncadd.s32 $0xFFFFFB00  }
0x92: {  	[hbm4b:s23+s24] =	stream.linear.scatter [tilespmem:s30], [sflag:$0x1], $0x5000, $0x38;
	[tilespmem:$0x1E888] =	vst v63  }
0x93: {  	s25 =	sand.u32 $0x380, s24;
	s0 =	sshra.s32 s0, $0x2;
	_ =	swait.ge [sflag:s18], $0x5000  }
0x94: {  	s2 =	sadd.s32 $0x0, s5;
	s0 =	sor.u32 s25, s0;
	[sflag:s18] =	ssyncset.done $0x0  }
0x95: {  	s28 =	sadd.s32 $0x5000, s2;
	s26 =	sadd.s32 $0x880, s0;
	[sflag:s18] =	ssyncadd.s32 $0xFFFFB000  }
0x96: {  	[tilespmem:s26], [sflag:$0x1] =	stream.linear.gather [spmem:s28], $0x80, $0x38;
	[tilespmem:$0x1E888] =	vst v63  }
0x97: {  	s22 =	sadd.s32 $0x5080, s2;
	s23 =	sadd.s32 $0xC80, s0  }
0x98: {  	[tilespmem:s23], [sflag:$0x1] =	stream.linear.gather [spmem:s22], $0x80, $0x38;
	[tilespmem:$0x1E888] =	vst v63  }
0x99: {  	s24 =	sadd.s32 $0x5100, s2;
	s25 =	sadd.s32 $0x1080, s0  }
0x9a: {  	[tilespmem:s25], [sflag:$0x1] =	stream.linear.gather [spmem:s24], $0x80, $0x38;
	[tilespmem:$0x1E888] =	vst v63  }
0x9b: {  	s26 =	sadd.s32 $0x5180, s2;
	s28 =	sadd.s32 $0x1480, s0  }
0x9c: {  	[tilespmem:s28], [sflag:$0x1] =	stream.linear.gather [spmem:s26], $0x80, $0x38;
	[tilespmem:$0x1E888] =	vst v63  }
0x9d: {  	s22 =	sadd.s32 $0x5200, s2;
	s23 =	sadd.s32 $0x1880, s0  }
0x9e: {  	[tilespmem:s23], [sflag:$0x1] =	stream.linear.gather [spmem:s22], $0x80, $0x38;
	[tilespmem:$0x1E888] =	vst v63  }
0x9f: {  	s24 =	sadd.s32 $0x5280, s2;
	s25 =	sadd.s32 $0x1C80, s0  }
0xa0: {  	[tilespmem:s25], [sflag:$0x1] =	stream.linear.gather [spmem:s24], $0x80, $0x38;
	[tilespmem:$0x1E888] =	vst v63  }
0xa1: {  	s26 =	sadd.s32 $0x5300, s2;
	s28 =	sadd.s32 $0x2080, s0  }
0xa2: {  	[tilespmem:s28], [sflag:$0x1] =	stream.linear.gather [spmem:s26], $0x80, $0x38;
	[tilespmem:$0x1E888] =	vst v63  }
0xa3: {  	s21 =	simm.s32 $0x2800;
	s22 =	sadd.s32 $0x5380, s2;
	s23 =	sadd.s32 $0x2480, s0  }
0xa4: {  	[tilespmem:s23], [sflag:$0x1] =	stream.linear.gather [spmem:s22], $0x80, $0x38;
	[tilespmem:$0x1E888] =	vst v63  }
0xa5: {  	s24 =	sadd.s32 $0x5400, s2;
	s25 =	sadd.s32 $0x2880, s0;
	s26 =	simm.s32 $0x0  }
0xa6: {  	[tilespmem:s25], [sflag:$0x1] =	stream.linear.gather [spmem:s24], $0x80, $0x38;
	[tilespmem:$0x1E888] =	vst v63  }
0xa7: {  	s2 =	sadd.s32 $0x5480, s2;
	s0 =	sadd.s32 $0x2C80, s0;
	s28 =	smul.u32 $0xA000, s26  }
0xa8: {  	[tilespmem:s0], [sflag:$0x1] =	stream.linear.gather [spmem:s2], $0x80, $0x38;
	[tilespmem:$0x1E888] =	vst v63  }
0xa9: {  	s22 =	simm.s32 $0x500;
	s24 =	sshra.s32 s28, $0x2;
	s2 =	simm.s32 $0x80  }
0xaa: {  	s0 =	simm.s32 $0x1;
	s23 =	sand.u32 $0x380, s2;
	_ =	swait.ge [sflag:s18], $0x500  }
.LBB2_4:
0xab: {  	s23 =	sor.u32 s23, s24  }
0xac: {  	s22 =	sadd.s32 s22, s5;
	[sflag:s18] =	ssyncset.done $0x0;
	s24 =	smov.u32 s21  }
0xad: {  	s25 =	sadd.s32 $0x880, s23;
	s26 =	sadd.s32 $0x5000, s22;
	[sflag:s18] =	ssyncadd.s32 $0xFFFFFB00  }
0xae: {  	[tilespmem:s25], [sflag:$0x1] =	stream.linear.gather [spmem:s26], $0x80, $0x38;
	[tilespmem:$0x1E888] =	vst v63  }
0xaf: {  	s28 =	sadd.s32 $0xC80, s23;
	s25 =	sadd.s32 $0x1400, s21;
	s26 =	sadd.s32 $0x5080, s22  }
0xb0: {  	[tilespmem:s28], [sflag:$0x1] =	stream.linear.gather [spmem:s26], $0x80, $0x38;
	[tilespmem:$0x1E888] =	vst v63  }
0xb1: {  	p0 =	sne.s32 s21, $0x12C00;
	s21 =	sadd.s32 $0x5100, s22;
	s26 =	sadd.s32 $0x1080, s23  }
0xb2: {  	[tilespmem:s26], [sflag:$0x1] =	stream.linear.gather [spmem:s21], $0x80, $0x38;
	[tilespmem:$0x1E888] =	vst v63  }
0xb3: {  	s21 =	sadd.s32 $0x5180, s22;
	s26 =	sadd.s32 $0x1480, s23  }
0xb4: {  	[tilespmem:s26], [sflag:$0x1] =	stream.linear.gather [spmem:s21], $0x80, $0x38;
	[tilespmem:$0x1E888] =	vst v63  }
0xb5: {  	s21 =	sadd.s32 $0x5200, s22;
	s26 =	sadd.s32 $0x1880, s23  }
0xb6: {  	[tilespmem:s26], [sflag:$0x1] =	stream.linear.gather [spmem:s21], $0x80, $0x38;
	[tilespmem:$0x1E888] =	vst v63  }
0xb7: {  	s21 =	sadd.s32 $0x5280, s22;
	s26 =	sadd.s32 $0x1C80, s23  }
0xb8: {  	[tilespmem:s26], [sflag:$0x1] =	stream.linear.gather [spmem:s21], $0x80, $0x38;
	[tilespmem:$0x1E888] =	vst v63  }
0xb9: {  	s21 =	sadd.s32 $0x5300, s22;
	s26 =	sadd.s32 $0x2080, s23  }
0xba: {  	[tilespmem:s26], [sflag:$0x1] =	stream.linear.gather [spmem:s21], $0x80, $0x38;
	[tilespmem:$0x1E888] =	vst v63  }
0xbb: {  	s0 =	sadd.s32 $0x1, s0;
	s21 =	sadd.s32 $0x5380, s22;
	s26 =	sadd.s32 $0x2480, s23  }
0xbc: {  	[tilespmem:s26], [sflag:$0x1] =	stream.linear.gather [spmem:s21], $0x80, $0x38;
	[tilespmem:$0x1E888] =	vst v63  }
0xbd: {  	s21 =	sadd.s32 $0x5400, s22;
	s26 =	sadd.s32 $0x2880, s23;
	s23 =	sadd.s32 $0x2C80, s23  }
0xbe: {  	[tilespmem:s26], [sflag:$0x1] =	stream.linear.gather [spmem:s21], $0x80, $0x38;
	[tilespmem:$0x1E888] =	vst v63  }
.Ltmp1:
0xbf: {  	s21 =	sshrl.u32 s0, $0x3;
	s26 =	sadd.s32 $0x5480, s22;
	(pc) =	sbr.rel @p0 .LBB2_4-.Ltmp1, $4  }
0xc0: {  	s2 =	sadd.s32 $0x80, s2;
	s22 =	sshra.s32 s24, $0x2;
	s21 =	smul.u32 $0xA000, s21  }
0xc1: {  	[tilespmem:s23], [sflag:$0x1] =	stream.linear.gather [spmem:s26], $0x80, $0x38;
	[tilespmem:$0x1E888] =	vst v63  }
0xc2: {  	s23 =	sand.u32 $0x380, s2  }
0xc3: {  	s24 =	sshra.s32 s21, $0x2;
	s21 =	smov.u32 s25;
	_ =	swait.ge [sflag:s18], $0x500  }
0xc4: {  	s0 =	sor.u32 s23, s24;
	s2 =	sadd.s32 s22, s5;
	[sflag:s18] =	ssyncset.done $0x0  }
0xc5: {  	s21 =	sadd.s32 $0x880, s0;
	s22 =	sadd.s32 $0x5000, s2;
	[sflag:s18] =	ssyncadd.s32 $0xFFFFFB00  }
0xc6: {  	[tilespmem:s21], [sflag:$0x1] =	stream.linear.gather [spmem:s22], $0x80, $0x38;
	[tilespmem:$0x1E888] =	vst v63  }
0xc7: {  	s24 =	sadd.s32 $0x5080, s2;
	s25 =	sadd.s32 $0xC80, s0  }
0xc8: {  	[tilespmem:s25], [sflag:$0x1] =	stream.linear.gather [spmem:s24], $0x80, $0x38;
	[tilespmem:$0x1E888] =	vst v63  }
0xc9: {  	s26 =	sadd.s32 $0x5100, s2;
	s28 =	sadd.s32 $0x1080, s0  }
0xca: {  	[tilespmem:s28], [sflag:$0x1] =	stream.linear.gather [spmem:s26], $0x80, $0x38;
	[tilespmem:$0x1E888] =	vst v63  }
0xcb: {  	s23 =	sadd.s32 $0x1480, s0;
	s22 =	sadd.s32 $0x5180, s2  }
0xcc: {  	[tilespmem:s23], [sflag:$0x1] =	stream.linear.gather [spmem:s22], $0x80, $0x38;
	[tilespmem:$0x1E888] =	vst v63  }
0xcd: {  	s24 =	sadd.s32 $0x5200, s2;
	s25 =	sadd.s32 $0x1880, s0  }
0xce: {  	[tilespmem:s25], [sflag:$0x1] =	stream.linear.gather [spmem:s24], $0x80, $0x38;
	[tilespmem:$0x1E888] =	vst v63  }
0xcf: {  	s26 =	sadd.s32 $0x5280, s2;
	s28 =	sadd.s32 $0x1C80, s0  }
0xd0: {  	[tilespmem:s28], [sflag:$0x1] =	stream.linear.gather [spmem:s26], $0x80, $0x38;
	[tilespmem:$0x1E888] =	vst v63  }
0xd1: {  	s22 =	sadd.s32 $0x5300, s2;
	s23 =	sadd.s32 $0x2080, s0  }
0xd2: {  	[tilespmem:s23], [sflag:$0x1] =	stream.linear.gather [spmem:s22], $0x80, $0x38;
	[tilespmem:$0x1E888] =	vst v63  }
0xd3: {  	s24 =	sadd.s32 $0x5380, s2;
	s25 =	sadd.s32 $0x2480, s0  }
0xd4: {  	[tilespmem:s25], [sflag:$0x1] =	stream.linear.gather [spmem:s24], $0x80, $0x38;
	[tilespmem:$0x1E888] =	vst v63  }
0xd5: {  	s26 =	sadd.s32 $0x5400, s2;
	s28 =	sadd.s32 $0x2880, s0  }
0xd6: {  	[tilespmem:s28], [sflag:$0x1] =	stream.linear.gather [spmem:s26], $0x80, $0x38;
	[tilespmem:$0x1E888] =	vst v63  }
0xd7: {  	s2 =	sadd.s32 $0x5480, s2;
	s0 =	sadd.s32 $0x2C80, s0  }
0xd8: {  	[tilespmem:s0], [sflag:$0x1] =	stream.linear.gather [spmem:s2], $0x80, $0x38;
	[tilespmem:$0x1E888] =	vst v63  }
0xd9: {  	_ =	swait.ge [sflag:s18], $0x500  }
0xda: {  	s22 =	simm.s32 $0x0;
	s23 =	sadd.s32 s10, s9;
	[sflag:s18] =	ssyncset.done $0x0  }
0xdb: {  	s24 =	simm.s32 $0x0;
	s0 =	smul.u32 $0xA000, s22;
	[sflag:s18] =	ssyncadd.s32 $0xFFFFFB00  }
0xdc: {  	[hbm4b:s23+s24] =	stream.linear.scatter [tilespmem:s30], [sflag:$0x1], $0x5000, $0x38;
	[tilespmem:$0x1E888] =	vst v63  }
0xdd: {  	s25 =	sand.u32 $0x380, s24;
	s0 =	sshra.s32 s0, $0x2;
	_ =	swait.ge [sflag:s18], $0x5000  }
0xde: {  	s2 =	sadd.s32 $0x0, s5;
	s0 =	sor.u32 s25, s0;
	[sflag:s18] =	ssyncset.done $0x0  }
0xdf: {  	s28 =	sadd.s32 $0xA000, s2;
	s26 =	sadd.s32 $0x880, s0;
	[sflag:s18] =	ssyncadd.s32 $0xFFFFB000  }
0xe0: {  	[tilespmem:s26], [sflag:$0x1] =	stream.linear.gather [spmem:s28], $0x80, $0x38;
	[tilespmem:$0x1E888] =	vst v63  }
0xe1: {  	s22 =	sadd.s32 $0xA080, s2;
	s23 =	sadd.s32 $0xC80, s0  }
0xe2: {  	[tilespmem:s23], [sflag:$0x1] =	stream.linear.gather [spmem:s22], $0x80, $0x38;
	[tilespmem:$0x1E888] =	vst v63  }
0xe3: {  	s24 =	sadd.s32 $0xA100, s2;
	s25 =	sadd.s32 $0x1080, s0  }
0xe4: {  	[tilespmem:s25], [sflag:$0x1] =	stream.linear.gather [spmem:s24], $0x80, $0x38;
	[tilespmem:$0x1E888] =	vst v63  }
0xe5: {  	s26 =	sadd.s32 $0xA180, s2;
	s28 =	sadd.s32 $0x1480, s0  }
0xe6: {  	[tilespmem:s28], [sflag:$0x1] =	stream.linear.gather [spmem:s26], $0x80, $0x38;
	[tilespmem:$0x1E888] =	vst v63  }
0xe7: {  	s22 =	sadd.s32 $0xA200, s2;
	s23 =	sadd.s32 $0x1880, s0  }
0xe8: {  	[tilespmem:s23], [sflag:$0x1] =	stream.linear.gather [spmem:s22], $0x80, $0x38;
	[tilespmem:$0x1E888] =	vst v63  }
0xe9: {  	s24 =	sadd.s32 $0xA280, s2;
	s25 =	sadd.s32 $0x1C80, s0  }
0xea: {  	[tilespmem:s25], [sflag:$0x1] =	stream.linear.gather [spmem:s24], $0x80, $0x38;
	[tilespmem:$0x1E888] =	vst v63  }
0xeb: {  	s26 =	sadd.s32 $0xA300, s2;
	s28 =	sadd.s32 $0x2080, s0  }
0xec: {  	[tilespmem:s28], [sflag:$0x1] =	stream.linear.gather [spmem:s26], $0x80, $0x38;
	[tilespmem:$0x1E888] =	vst v63  }
0xed: {  	s21 =	simm.s32 $0x2800;
	s22 =	sadd.s32 $0xA380, s2;
	s23 =	sadd.s32 $0x2480, s0  }
0xee: {  	[tilespmem:s23], [sflag:$0x1] =	stream.linear.gather [spmem:s22], $0x80, $0x38;
	[tilespmem:$0x1E888] =	vst v63  }
0xef: {  	s24 =	sadd.s32 $0xA400, s2;
	s25 =	sadd.s32 $0x2880, s0;
	s26 =	simm.s32 $0x0  }
0xf0: {  	[tilespmem:s25], [sflag:$0x1] =	stream.linear.gather [spmem:s24], $0x80, $0x38;
	[tilespmem:$0x1E888] =	vst v63  }
0xf1: {  	s2 =	sadd.s32 $0xA480, s2;
	s0 =	sadd.s32 $0x2C80, s0;
	s28 =	smul.u32 $0xA000, s26  }
0xf2: {  	[tilespmem:s0], [sflag:$0x1] =	stream.linear.gather [spmem:s2], $0x80, $0x38;
	[tilespmem:$0x1E888] =	vst v63  }
0xf3: {  	s22 =	simm.s32 $0x500;
	s24 =	sshra.s32 s28, $0x2;
	s2 =	simm.s32 $0x80  }
0xf4: {  	s0 =	simm.s32 $0x1;
	s23 =	sand.u32 $0x380, s2;
	_ =	swait.ge [sflag:s18], $0x500  }
.LBB2_6:
0xf5: {  	s23 =	sor.u32 s23, s24  }
0xf6: {  	s22 =	sadd.s32 s22, s5;
	[sflag:s18] =	ssyncset.done $0x0;
	s24 =	smov.u32 s21  }
0xf7: {  	s25 =	sadd.s32 $0x880, s23;
	s26 =	sadd.s32 $0xA000, s22;
	[sflag:s18] =	ssyncadd.s32 $0xFFFFFB00  }
0xf8: {  	[tilespmem:s25], [sflag:$0x1] =	stream.linear.gather [spmem:s26], $0x80, $0x38;
	[tilespmem:$0x1E888] =	vst v63  }
0xf9: {  	s28 =	sadd.s32 $0xC80, s23;
	s25 =	sadd.s32 $0x1400, s21;
	s26 =	sadd.s32 $0xA080, s22  }
0xfa: {  	[tilespmem:s28], [sflag:$0x1] =	stream.linear.gather [spmem:s26], $0x80, $0x38;
	[tilespmem:$0x1E888] =	vst v63  }
0xfb: {  	p0 =	sne.s32 s21, $0x12C00;
	s21 =	sadd.s32 $0xA100, s22;
	s26 =	sadd.s32 $0x1080, s23  }
0xfc: {  	[tilespmem:s26], [sflag:$0x1] =	stream.linear.gather [spmem:s21], $0x80, $0x38;
	[tilespmem:$0x1E888] =	vst v63  }
0xfd: {  	s21 =	sadd.s32 $0xA180, s22;
	s26 =	sadd.s32 $0x1480, s23  }
0xfe: {  	[tilespmem:s26], [sflag:$0x1] =	stream.linear.gather [spmem:s21], $0x80, $0x38;
	[tilespmem:$0x1E888] =	vst v63  }
0xff: {  	s21 =	sadd.s32 $0xA200, s22;
	s26 =	sadd.s32 $0x1880, s23  }
0x100: {  	[tilespmem:s26], [sflag:$0x1] =	stream.linear.gather [spmem:s21], $0x80, $0x38;
	[tilespmem:$0x1E888] =	vst v63  }
0x101: {  	s21 =	sadd.s32 $0xA280, s22;
	s26 =	sadd.s32 $0x1C80, s23  }
0x102: {  	[tilespmem:s26], [sflag:$0x1] =	stream.linear.gather [spmem:s21], $0x80, $0x38;
	[tilespmem:$0x1E888] =	vst v63  }
0x103: {  	s21 =	sadd.s32 $0xA300, s22;
	s26 =	sadd.s32 $0x2080, s23  }
0x104: {  	[tilespmem:s26], [sflag:$0x1] =	stream.linear.gather [spmem:s21], $0x80, $0x38;
	[tilespmem:$0x1E888] =	vst v63  }
0x105: {  	s0 =	sadd.s32 $0x1, s0;
	s21 =	sadd.s32 $0xA380, s22;
	s26 =	sadd.s32 $0x2480, s23  }
0x106: {  	[tilespmem:s26], [sflag:$0x1] =	stream.linear.gather [spmem:s21], $0x80, $0x38;
	[tilespmem:$0x1E888] =	vst v63  }
0x107: {  	s21 =	sadd.s32 $0xA400, s22;
	s26 =	sadd.s32 $0x2880, s23;
	s23 =	sadd.s32 $0x2C80, s23  }
0x108: {  	[tilespmem:s26], [sflag:$0x1] =	stream.linear.gather [spmem:s21], $0x80, $0x38;
	[tilespmem:$0x1E888] =	vst v63  }
.Ltmp2:
0x109: {  	s21 =	sshrl.u32 s0, $0x3;
	s26 =	sadd.s32 $0xA480, s22;
	(pc) =	sbr.rel @p0 .LBB2_6-.Ltmp2, $4  }
0x10a: {  	s2 =	sadd.s32 $0x80, s2;
	s22 =	sshra.s32 s24, $0x2;
	s21 =	smul.u32 $0xA000, s21  }
0x10b: {  	[tilespmem:s23], [sflag:$0x1] =	stream.linear.gather [spmem:s26], $0x80, $0x38;
	[tilespmem:$0x1E888] =	vst v63  }
0x10c: {  	s23 =	sand.u32 $0x380, s2  }
0x10d: {  	s24 =	sshra.s32 s21, $0x2;
	s21 =	smov.u32 s25;
	_ =	swait.ge [sflag:s18], $0x500  }
0x10e: {  	s0 =	sor.u32 s23, s24;
	s2 =	sadd.s32 s22, s5;
	[sflag:s18] =	ssyncset.done $0x0  }
0x10f: {  	s21 =	sadd.s32 $0x880, s0;
	s22 =	sadd.s32 $0xA000, s2;
	[sflag:s18] =	ssyncadd.s32 $0xFFFFFB00  }
0x110: {  	[tilespmem:s21], [sflag:$0x1] =	stream.linear.gather [spmem:s22], $0x80, $0x38;
	[tilespmem:$0x1E888] =	vst v63  }
0x111: {  	s24 =	sadd.s32 $0xA080, s2;
	s25 =	sadd.s32 $0xC80, s0  }
0x112: {  	[tilespmem:s25], [sflag:$0x1] =	stream.linear.gather [spmem:s24], $0x80, $0x38;
	[tilespmem:$0x1E888] =	vst v63  }
0x113: {  	s26 =	sadd.s32 $0xA100, s2;
	s28 =	sadd.s32 $0x1080, s0  }
0x114: {  	[tilespmem:s28], [sflag:$0x1] =	stream.linear.gather [spmem:s26], $0x80, $0x38;
	[tilespmem:$0x1E888] =	vst v63  }
0x115: {  	s23 =	sadd.s32 $0x1480, s0;
	s22 =	sadd.s32 $0xA180, s2  }
0x116: {  	[tilespmem:s23], [sflag:$0x1] =	stream.linear.gather [spmem:s22], $0x80, $0x38;
	[tilespmem:$0x1E888] =	vst v63  }
0x117: {  	s24 =	sadd.s32 $0xA200, s2;
	s25 =	sadd.s32 $0x1880, s0  }
0x118: {  	[tilespmem:s25], [sflag:$0x1] =	stream.linear.gather [spmem:s24], $0x80, $0x38;
	[tilespmem:$0x1E888] =	vst v63  }
0x119: {  	s26 =	sadd.s32 $0xA280, s2;
	s28 =	sadd.s32 $0x1C80, s0  }
0x11a: {  	[tilespmem:s28], [sflag:$0x1] =	stream.linear.gather [spmem:s26], $0x80, $0x38;
	[tilespmem:$0x1E888] =	vst v63  }
0x11b: {  	s22 =	sadd.s32 $0xA300, s2;
	s23 =	sadd.s32 $0x2080, s0  }
0x11c: {  	[tilespmem:s23], [sflag:$0x1] =	stream.linear.gather [spmem:s22], $0x80, $0x38;
	[tilespmem:$0x1E888] =	vst v63  }
0x11d: {  	s24 =	sadd.s32 $0xA380, s2;
	s25 =	sadd.s32 $0x2480, s0  }
0x11e: {  	[tilespmem:s25], [sflag:$0x1] =	stream.linear.gather [spmem:s24], $0x80, $0x38;
	[tilespmem:$0x1E888] =	vst v63  }
0x11f: {  	s26 =	sadd.s32 $0xA400, s2;
	s28 =	sadd.s32 $0x2880, s0  }
0x120: {  	[tilespmem:s28], [sflag:$0x1] =	stream.linear.gather [spmem:s26], $0x80, $0x38;
	[tilespmem:$0x1E888] =	vst v63  }
0x121: {  	s2 =	sadd.s32 $0xA480, s2;
	s0 =	sadd.s32 $0x2C80, s0  }
0x122: {  	[tilespmem:s0], [sflag:$0x1] =	stream.linear.gather [spmem:s2], $0x80, $0x38;
	[tilespmem:$0x1E888] =	vst v63  }
0x123: {  	_ =	swait.ge [sflag:s18], $0x500  }
0x124: {  	s22 =	simm.s32 $0x0;
	s23 =	sadd.s32 s11, s9;
	[sflag:s18] =	ssyncset.done $0x0  }
0x125: {  	s24 =	simm.s32 $0x0;
	s0 =	smul.u32 $0xA000, s22;
	[sflag:s18] =	ssyncadd.s32 $0xFFFFFB00  }
0x126: {  	[hbm4b:s23+s24] =	stream.linear.scatter [tilespmem:s30], [sflag:$0x1], $0x5000, $0x38;
	[tilespmem:$0x1E888] =	vst v63  }
0x127: {  	s25 =	sand.u32 $0x380, s24;
	s0 =	sshra.s32 s0, $0x2;
	_ =	swait.ge [sflag:s18], $0x5000  }
0x128: {  	s2 =	sadd.s32 $0x0, s5;
	s0 =	sor.u32 s25, s0;
	[sflag:s18] =	ssyncset.done $0x0  }
0x129: {  	s28 =	sadd.s32 $0xF000, s2;
	s26 =	sadd.s32 $0x880, s0;
	[sflag:s18] =	ssyncadd.s32 $0xFFFFB000  }
0x12a: {  	[tilespmem:s26], [sflag:$0x1] =	stream.linear.gather [spmem:s28], $0x80, $0x38;
	[tilespmem:$0x1E888] =	vst v63  }
0x12b: {  	s22 =	sadd.s32 $0xF080, s2;
	s23 =	sadd.s32 $0xC80, s0  }
0x12c: {  	[tilespmem:s23], [sflag:$0x1] =	stream.linear.gather [spmem:s22], $0x80, $0x38;
	[tilespmem:$0x1E888] =	vst v63  }
0x12d: {  	s24 =	sadd.s32 $0xF100, s2;
	s25 =	sadd.s32 $0x1080, s0  }
0x12e: {  	[tilespmem:s25], [sflag:$0x1] =	stream.linear.gather [spmem:s24], $0x80, $0x38;
	[tilespmem:$0x1E888] =	vst v63  }
0x12f: {  	s26 =	sadd.s32 $0xF180, s2;
	s28 =	sadd.s32 $0x1480, s0  }
0x130: {  	[tilespmem:s28], [sflag:$0x1] =	stream.linear.gather [spmem:s26], $0x80, $0x38;
	[tilespmem:$0x1E888] =	vst v63  }
0x131: {  	s22 =	sadd.s32 $0xF200, s2;
	s23 =	sadd.s32 $0x1880, s0  }
0x132: {  	[tilespmem:s23], [sflag:$0x1] =	stream.linear.gather [spmem:s22], $0x80, $0x38;
	[tilespmem:$0x1E888] =	vst v63  }
0x133: {  	s24 =	sadd.s32 $0xF280, s2;
	s25 =	sadd.s32 $0x1C80, s0  }
0x134: {  	[tilespmem:s25], [sflag:$0x1] =	stream.linear.gather [spmem:s24], $0x80, $0x38;
	[tilespmem:$0x1E888] =	vst v63  }
0x135: {  	s26 =	sadd.s32 $0xF300, s2;
	s28 =	sadd.s32 $0x2080, s0  }
0x136: {  	[tilespmem:s28], [sflag:$0x1] =	stream.linear.gather [spmem:s26], $0x80, $0x38;
	[tilespmem:$0x1E888] =	vst v63  }
0x137: {  	s21 =	simm.s32 $0x2800;
	s22 =	sadd.s32 $0xF380, s2;
	s23 =	sadd.s32 $0x2480, s0  }
0x138: {  	[tilespmem:s23], [sflag:$0x1] =	stream.linear.gather [spmem:s22], $0x80, $0x38;
	[tilespmem:$0x1E888] =	vst v63  }
0x139: {  	s24 =	sadd.s32 $0xF400, s2;
	s25 =	sadd.s32 $0x2880, s0;
	s26 =	simm.s32 $0x0  }
0x13a: {  	[tilespmem:s25], [sflag:$0x1] =	stream.linear.gather [spmem:s24], $0x80, $0x38;
	[tilespmem:$0x1E888] =	vst v63  }
0x13b: {  	s2 =	sadd.s32 $0xF480, s2;
	s0 =	sadd.s32 $0x2C80, s0;
	s28 =	smul.u32 $0xA000, s26  }
0x13c: {  	[tilespmem:s0], [sflag:$0x1] =	stream.linear.gather [spmem:s2], $0x80, $0x38;
	[tilespmem:$0x1E888] =	vst v63  }
0x13d: {  	s22 =	simm.s32 $0x500;
	s24 =	sshra.s32 s28, $0x2;
	s2 =	simm.s32 $0x80  }
0x13e: {  	s0 =	simm.s32 $0x1;
	s23 =	sand.u32 $0x380, s2;
	_ =	swait.ge [sflag:s18], $0x500  }
.LBB2_8:
0x13f: {  	s23 =	sor.u32 s23, s24  }
0x140: {  	s22 =	sadd.s32 s22, s5;
	[sflag:s18] =	ssyncset.done $0x0;
	s24 =	smov.u32 s21  }
0x141: {  	s25 =	sadd.s32 $0x880, s23;
	s26 =	sadd.s32 $0xF000, s22;
	[sflag:s18] =	ssyncadd.s32 $0xFFFFFB00  }
0x142: {  	[tilespmem:s25], [sflag:$0x1] =	stream.linear.gather [spmem:s26], $0x80, $0x38;
	[tilespmem:$0x1E888] =	vst v63  }
0x143: {  	s28 =	sadd.s32 $0xC80, s23;
	s25 =	sadd.s32 $0x1400, s21;
	s26 =	sadd.s32 $0xF080, s22  }
0x144: {  	[tilespmem:s28], [sflag:$0x1] =	stream.linear.gather [spmem:s26], $0x80, $0x38;
	[tilespmem:$0x1E888] =	vst v63  }
0x145: {  	p0 =	sne.s32 s21, $0x12C00;
	s21 =	sadd.s32 $0xF100, s22;
	s26 =	sadd.s32 $0x1080, s23  }
0x146: {  	[tilespmem:s26], [sflag:$0x1] =	stream.linear.gather [spmem:s21], $0x80, $0x38;
	[tilespmem:$0x1E888] =	vst v63  }
0x147: {  	s21 =	sadd.s32 $0xF180, s22;
	s26 =	sadd.s32 $0x1480, s23  }
0x148: {  	[tilespmem:s26], [sflag:$0x1] =	stream.linear.gather [spmem:s21], $0x80, $0x38;
	[tilespmem:$0x1E888] =	vst v63  }
0x149: {  	s21 =	sadd.s32 $0xF200, s22;
	s26 =	sadd.s32 $0x1880, s23  }
0x14a: {  	[tilespmem:s26], [sflag:$0x1] =	stream.linear.gather [spmem:s21], $0x80, $0x38;
	[tilespmem:$0x1E888] =	vst v63  }
0x14b: {  	s21 =	sadd.s32 $0xF280, s22;
	s26 =	sadd.s32 $0x1C80, s23  }
0x14c: {  	[tilespmem:s26], [sflag:$0x1] =	stream.linear.gather [spmem:s21], $0x80, $0x38;
	[tilespmem:$0x1E888] =	vst v63  }
0x14d: {  	s21 =	sadd.s32 $0xF300, s22;
	s26 =	sadd.s32 $0x2080, s23  }
0x14e: {  	[tilespmem:s26], [sflag:$0x1] =	stream.linear.gather [spmem:s21], $0x80, $0x38;
	[tilespmem:$0x1E888] =	vst v63  }
0x14f: {  	s0 =	sadd.s32 $0x1, s0;
	s21 =	sadd.s32 $0xF380, s22;
	s26 =	sadd.s32 $0x2480, s23  }
0x150: {  	[tilespmem:s26], [sflag:$0x1] =	stream.linear.gather [spmem:s21], $0x80, $0x38;
	[tilespmem:$0x1E888] =	vst v63  }
0x151: {  	s21 =	sadd.s32 $0xF400, s22;
	s26 =	sadd.s32 $0x2880, s23;
	s23 =	sadd.s32 $0x2C80, s23  }
0x152: {  	[tilespmem:s26], [sflag:$0x1] =	stream.linear.gather [spmem:s21], $0x80, $0x38;
	[tilespmem:$0x1E888] =	vst v63  }
.Ltmp3:
0x153: {  	s21 =	sshrl.u32 s0, $0x3;
	s26 =	sadd.s32 $0xF480, s22;
	(pc) =	sbr.rel @p0 .LBB2_8-.Ltmp3, $4  }
0x154: {  	s2 =	sadd.s32 $0x80, s2;
	s22 =	sshra.s32 s24, $0x2;
	s21 =	smul.u32 $0xA000, s21  }
0x155: {  	[tilespmem:s23], [sflag:$0x1] =	stream.linear.gather [spmem:s26], $0x80, $0x38;
	[tilespmem:$0x1E888] =	vst v63  }
0x156: {  	s23 =	sand.u32 $0x380, s2  }
0x157: {  	s24 =	sshra.s32 s21, $0x2;
	s21 =	smov.u32 s25;
	_ =	swait.ge [sflag:s18], $0x500  }
0x158: {  	s0 =	sor.u32 s23, s24;
	s2 =	sadd.s32 s22, s5;
	[sflag:s18] =	ssyncset.done $0x0  }
0x159: {  	s21 =	sadd.s32 $0x880, s0;
	s22 =	sadd.s32 $0xF000, s2;
	[sflag:s18] =	ssyncadd.s32 $0xFFFFFB00  }
0x15a: {  	[tilespmem:s21], [sflag:$0x1] =	stream.linear.gather [spmem:s22], $0x80, $0x38;
	[tilespmem:$0x1E888] =	vst v63  }
0x15b: {  	s24 =	sadd.s32 $0xF080, s2;
	s25 =	sadd.s32 $0xC80, s0  }
0x15c: {  	[tilespmem:s25], [sflag:$0x1] =	stream.linear.gather [spmem:s24], $0x80, $0x38;
	[tilespmem:$0x1E888] =	vst v63  }
0x15d: {  	s26 =	sadd.s32 $0xF100, s2;
	s28 =	sadd.s32 $0x1080, s0  }
0x15e: {  	[tilespmem:s28], [sflag:$0x1] =	stream.linear.gather [spmem:s26], $0x80, $0x38;
	[tilespmem:$0x1E888] =	vst v63  }
0x15f: {  	s23 =	sadd.s32 $0x1480, s0;
	s22 =	sadd.s32 $0xF180, s2  }
0x160: {  	[tilespmem:s23], [sflag:$0x1] =	stream.linear.gather [spmem:s22], $0x80, $0x38;
	[tilespmem:$0x1E888] =	vst v63  }
0x161: {  	s24 =	sadd.s32 $0xF200, s2;
	s25 =	sadd.s32 $0x1880, s0  }
0x162: {  	[tilespmem:s25], [sflag:$0x1] =	stream.linear.gather [spmem:s24], $0x80, $0x38;
	[tilespmem:$0x1E888] =	vst v63  }
0x163: {  	s26 =	sadd.s32 $0xF280, s2;
	s28 =	sadd.s32 $0x1C80, s0  }
0x164: {  	[tilespmem:s28], [sflag:$0x1] =	stream.linear.gather [spmem:s26], $0x80, $0x38;
	[tilespmem:$0x1E888] =	vst v63  }
0x165: {  	s22 =	sadd.s32 $0xF300, s2;
	s23 =	sadd.s32 $0x2080, s0  }
0x166: {  	[tilespmem:s23], [sflag:$0x1] =	stream.linear.gather [spmem:s22], $0x80, $0x38;
	[tilespmem:$0x1E888] =	vst v63  }
0x167: {  	s24 =	sadd.s32 $0xF380, s2;
	s25 =	sadd.s32 $0x2480, s0  }
0x168: {  	[tilespmem:s25], [sflag:$0x1] =	stream.linear.gather [spmem:s24], $0x80, $0x38;
	[tilespmem:$0x1E888] =	vst v63  }
0x169: {  	s26 =	sadd.s32 $0xF400, s2;
	s28 =	sadd.s32 $0x2880, s0  }
0x16a: {  	[tilespmem:s28], [sflag:$0x1] =	stream.linear.gather [spmem:s26], $0x80, $0x38;
	[tilespmem:$0x1E888] =	vst v63  }
0x16b: {  	s2 =	sadd.s32 $0xF480, s2;
	s0 =	sadd.s32 $0x2C80, s0  }
0x16c: {  	[tilespmem:s0], [sflag:$0x1] =	stream.linear.gather [spmem:s2], $0x80, $0x38;
	[tilespmem:$0x1E888] =	vst v63  }
0x16d: {  	_ =	swait.ge [sflag:s18], $0x500  }
0x16e: {  	s22 =	simm.s32 $0x0;
	s23 =	sadd.s32 s12, s9;
	[sflag:s18] =	ssyncset.done $0x0  }
0x16f: {  	s24 =	simm.s32 $0x0;
	s0 =	smul.u32 $0xA000, s22;
	[sflag:s18] =	ssyncadd.s32 $0xFFFFFB00  }
0x170: {  	[hbm4b:s23+s24] =	stream.linear.scatter [tilespmem:s30], [sflag:$0x1], $0x5000, $0x38;
	[tilespmem:$0x1E888] =	vst v63  }
0x171: {  	s25 =	sand.u32 $0x380, s24;
	s0 =	sshra.s32 s0, $0x2;
	_ =	swait.ge [sflag:s18], $0x5000  }
0x172: {  	s2 =	sadd.s32 $0x0, s5;
	s0 =	sor.u32 s25, s0;
	[sflag:s18] =	ssyncset.done $0x0  }
0x173: {  	s28 =	sadd.s32 $0x14000, s2;
	s26 =	sadd.s32 $0x880, s0;
	[sflag:s18] =	ssyncadd.s32 $0xFFFFB000  }
0x174: {  	[tilespmem:s26], [sflag:$0x1] =	stream.linear.gather [spmem:s28], $0x80, $0x38;
	[tilespmem:$0x1E888] =	vst v63  }
0x175: {  	s22 =	sadd.s32 $0x14080, s2;
	s23 =	sadd.s32 $0xC80, s0  }
0x176: {  	[tilespmem:s23], [sflag:$0x1] =	stream.linear.gather [spmem:s22], $0x80, $0x38;
	[tilespmem:$0x1E888] =	vst v63  }
0x177: {  	s24 =	sadd.s32 $0x14100, s2;
	s25 =	sadd.s32 $0x1080, s0  }
0x178: {  	[tilespmem:s25], [sflag:$0x1] =	stream.linear.gather [spmem:s24], $0x80, $0x38;
	[tilespmem:$0x1E888] =	vst v63  }
0x179: {  	s26 =	sadd.s32 $0x14180, s2;
	s28 =	sadd.s32 $0x1480, s0  }
0x17a: {  	[tilespmem:s28], [sflag:$0x1] =	stream.linear.gather [spmem:s26], $0x80, $0x38;
	[tilespmem:$0x1E888] =	vst v63  }
0x17b: {  	s22 =	sadd.s32 $0x14200, s2;
	s23 =	sadd.s32 $0x1880, s0  }
0x17c: {  	[tilespmem:s23], [sflag:$0x1] =	stream.linear.gather [spmem:s22], $0x80, $0x38;
	[tilespmem:$0x1E888] =	vst v63  }
0x17d: {  	s24 =	sadd.s32 $0x14280, s2;
	s25 =	sadd.s32 $0x1C80, s0  }
0x17e: {  	[tilespmem:s25], [sflag:$0x1] =	stream.linear.gather [spmem:s24], $0x80, $0x38;
	[tilespmem:$0x1E888] =	vst v63  }
0x17f: {  	s26 =	sadd.s32 $0x14300, s2;
	s28 =	sadd.s32 $0x2080, s0  }
0x180: {  	[tilespmem:s28], [sflag:$0x1] =	stream.linear.gather [spmem:s26], $0x80, $0x38;
	[tilespmem:$0x1E888] =	vst v63  }
0x181: {  	s21 =	simm.s32 $0x2800;
	s22 =	sadd.s32 $0x14380, s2;
	s23 =	sadd.s32 $0x2480, s0  }
0x182: {  	[tilespmem:s23], [sflag:$0x1] =	stream.linear.gather [spmem:s22], $0x80, $0x38;
	[tilespmem:$0x1E888] =	vst v63  }
0x183: {  	s24 =	sadd.s32 $0x14400, s2;
	s25 =	sadd.s32 $0x2880, s0;
	s26 =	simm.s32 $0x0  }
0x184: {  	[tilespmem:s25], [sflag:$0x1] =	stream.linear.gather [spmem:s24], $0x80, $0x38;
	[tilespmem:$0x1E888] =	vst v63  }
0x185: {  	s2 =	sadd.s32 $0x14480, s2;
	s0 =	sadd.s32 $0x2C80, s0;
	s28 =	smul.u32 $0xA000, s26  }
0x186: {  	[tilespmem:s0], [sflag:$0x1] =	stream.linear.gather [spmem:s2], $0x80, $0x38;
	[tilespmem:$0x1E888] =	vst v63  }
0x187: {  	s22 =	simm.s32 $0x500;
	s24 =	sshra.s32 s28, $0x2;
	s2 =	simm.s32 $0x80  }
0x188: {  	s0 =	simm.s32 $0x1;
	s23 =	sand.u32 $0x380, s2;
	_ =	swait.ge [sflag:s18], $0x500  }
.LBB2_10:
0x189: {  	s23 =	sor.u32 s23, s24  }
0x18a: {  	s22 =	sadd.s32 s22, s5;
	[sflag:s18] =	ssyncset.done $0x0;
	s24 =	smov.u32 s21  }
0x18b: {  	s25 =	sadd.s32 $0x880, s23;
	s26 =	sadd.s32 $0x14000, s22;
	[sflag:s18] =	ssyncadd.s32 $0xFFFFFB00  }
0x18c: {  	[tilespmem:s25], [sflag:$0x1] =	stream.linear.gather [spmem:s26], $0x80, $0x38;
	[tilespmem:$0x1E888] =	vst v63  }
0x18d: {  	s28 =	sadd.s32 $0xC80, s23;
	s25 =	sadd.s32 $0x1400, s21;
	s26 =	sadd.s32 $0x14080, s22  }
0x18e: {  	[tilespmem:s28], [sflag:$0x1] =	stream.linear.gather [spmem:s26], $0x80, $0x38;
	[tilespmem:$0x1E888] =	vst v63  }
0x18f: {  	p0 =	sne.s32 s21, $0x12C00;
	s21 =	sadd.s32 $0x14100, s22;
	s26 =	sadd.s32 $0x1080, s23  }
0x190: {  	[tilespmem:s26], [sflag:$0x1] =	stream.linear.gather [spmem:s21], $0x80, $0x38;
	[tilespmem:$0x1E888] =	vst v63  }
0x191: {  	s21 =	sadd.s32 $0x14180, s22;
	s26 =	sadd.s32 $0x1480, s23  }
0x192: {  	[tilespmem:s26], [sflag:$0x1] =	stream.linear.gather [spmem:s21], $0x80, $0x38;
	[tilespmem:$0x1E888] =	vst v63  }
0x193: {  	s21 =	sadd.s32 $0x14200, s22;
	s26 =	sadd.s32 $0x1880, s23  }
0x194: {  	[tilespmem:s26], [sflag:$0x1] =	stream.linear.gather [spmem:s21], $0x80, $0x38;
	[tilespmem:$0x1E888] =	vst v63  }
0x195: {  	s21 =	sadd.s32 $0x14280, s22;
	s26 =	sadd.s32 $0x1C80, s23  }
0x196: {  	[tilespmem:s26], [sflag:$0x1] =	stream.linear.gather [spmem:s21], $0x80, $0x38;
	[tilespmem:$0x1E888] =	vst v63  }
0x197: {  	s21 =	sadd.s32 $0x14300, s22;
	s26 =	sadd.s32 $0x2080, s23  }
0x198: {  	[tilespmem:s26], [sflag:$0x1] =	stream.linear.gather [spmem:s21], $0x80, $0x38;
	[tilespmem:$0x1E888] =	vst v63  }
0x199: {  	s0 =	sadd.s32 $0x1, s0;
	s21 =	sadd.s32 $0x14380, s22;
	s26 =	sadd.s32 $0x2480, s23  }
0x19a: {  	[tilespmem:s26], [sflag:$0x1] =	stream.linear.gather [spmem:s21], $0x80, $0x38;
	[tilespmem:$0x1E888] =	vst v63  }
0x19b: {  	s21 =	sadd.s32 $0x14400, s22;
	s26 =	sadd.s32 $0x2880, s23;
	s23 =	sadd.s32 $0x2C80, s23  }
0x19c: {  	[tilespmem:s26], [sflag:$0x1] =	stream.linear.gather [spmem:s21], $0x80, $0x38;
	[tilespmem:$0x1E888] =	vst v63  }
.Ltmp4:
0x19d: {  	s21 =	sshrl.u32 s0, $0x3;
	s26 =	sadd.s32 $0x14480, s22;
	(pc) =	sbr.rel @p0 .LBB2_10-.Ltmp4, $4  }
0x19e: {  	s2 =	sadd.s32 $0x80, s2;
	s22 =	sshra.s32 s24, $0x2;
	s21 =	smul.u32 $0xA000, s21  }
0x19f: {  	[tilespmem:s23], [sflag:$0x1] =	stream.linear.gather [spmem:s26], $0x80, $0x38;
	[tilespmem:$0x1E888] =	vst v63  }
0x1a0: {  	s23 =	sand.u32 $0x380, s2  }
0x1a1: {  	s24 =	sshra.s32 s21, $0x2;
	s21 =	smov.u32 s25;
	_ =	swait.ge [sflag:s18], $0x500  }
0x1a2: {  	s0 =	sor.u32 s23, s24;
	s2 =	sadd.s32 s22, s5;
	[sflag:s18] =	ssyncset.done $0x0  }
0x1a3: {  	s21 =	sadd.s32 $0x880, s0;
	s22 =	sadd.s32 $0x14000, s2;
	[sflag:s18] =	ssyncadd.s32 $0xFFFFFB00  }
0x1a4: {  	[tilespmem:s21], [sflag:$0x1] =	stream.linear.gather [spmem:s22], $0x80, $0x38;
	[tilespmem:$0x1E888] =	vst v63  }
0x1a5: {  	s23 =	sadd.s32 $0xC80, s0;
	s22 =	sadd.s32 $0x14080, s2  }
0x1a6: {  	[tilespmem:s23], [sflag:$0x1] =	stream.linear.gather [spmem:s22], $0x80, $0x38;
	[tilespmem:$0x1E888] =	vst v63  }
0x1a7: {  	s24 =	sadd.s32 $0x14100, s2;
	s25 =	sadd.s32 $0x1080, s0  }
0x1a8: {  	[tilespmem:s25], [sflag:$0x1] =	stream.linear.gather [spmem:s24], $0x80, $0x38;
	[tilespmem:$0x1E888] =	vst v63  }
0x1a9: {  	s26 =	sadd.s32 $0x14180, s2;
	s28 =	sadd.s32 $0x1480, s0  }
0x1aa: {  	[tilespmem:s28], [sflag:$0x1] =	stream.linear.gather [spmem:s26], $0x80, $0x38;
	[tilespmem:$0x1E888] =	vst v63  }
0x1ab: {  	s22 =	sadd.s32 $0x14200, s2;
	s23 =	sadd.s32 $0x1880, s0  }
0x1ac: {  	[tilespmem:s23], [sflag:$0x1] =	stream.linear.gather [spmem:s22], $0x80, $0x38;
	[tilespmem:$0x1E888] =	vst v63  }
0x1ad: {  	s24 =	sadd.s32 $0x14280, s2;
	s25 =	sadd.s32 $0x1C80, s0  }
0x1ae: {  	[tilespmem:s25], [sflag:$0x1] =	stream.linear.gather [spmem:s24], $0x80, $0x38;
	[tilespmem:$0x1E888] =	vst v63  }
0x1af: {  	s26 =	sadd.s32 $0x14300, s2;
	s28 =	sadd.s32 $0x2080, s0  }
0x1b0: {  	[tilespmem:s28], [sflag:$0x1] =	stream.linear.gather [spmem:s26], $0x80, $0x38;
	[tilespmem:$0x1E888] =	vst v63  }
0x1b1: {  	s23 =	sadd.s32 $0x14380, s2;
	s24 =	sadd.s32 $0x2480, s0  }
0x1b2: {  	[tilespmem:s24], [sflag:$0x1] =	stream.linear.gather [spmem:s23], $0x80, $0x38;
	[tilespmem:$0x1E888] =	vst v63  }
0x1b3: {  	s25 =	sadd.s32 $0x14400, s2;
	s26 =	sadd.s32 $0x2880, s0  }
0x1b4: {  	[tilespmem:s26], [sflag:$0x1] =	stream.linear.gather [spmem:s25], $0x80, $0x38;
	[tilespmem:$0x1E888] =	vst v63  }
0x1b5: {  	s2 =	sadd.s32 $0x14480, s2;
	s0 =	sadd.s32 $0x2C80, s0  }
0x1b6: {  	[tilespmem:s0], [sflag:$0x1] =	stream.linear.gather [spmem:s2], $0x80, $0x38;
	[tilespmem:$0x1E888] =	vst v63  }
0x1b7: {  	_ =	swait.ge [sflag:s18], $0x500  }
0x1b8: {  	[sflag:s18] =	ssyncset.done $0x0  }
0x1b9: {  	s28 =	sadd.s32 s13, s9;
	s2 =	simm.s32 $0x0;
	[sflag:s18] =	ssyncadd.s32 $0xFFFFFB00  }
0x1ba: {  	[hbm4b:s28+s2] =	stream.linear.scatter [tilespmem:s30], [sflag:$0x1], $0x5000, $0x38;
	[tilespmem:$0x1E888] =	vst v63  }
0x1bb: {  	_ =	swait.ge [sflag:s18], $0x5000  }
0x1bc: {  	[sflag:s18] =	ssyncset.done $0x0  }
0x1bd: {  	[sflag:s18] =	ssyncadd.s32 $0xFFFFB000  }
0x1be: {  	[spmem:s17], [sflag:s6] =	dma.local [hbm:s4], $0x3200  }
0x1bf: {  	_ =	swait.ge [sflag:s18], $0x3200  }
0x1c0: {  	[sflag:s18] =	ssyncset.done $0x0  }
0x1c1: {  	[sflag:s18] =	ssyncadd.s32 $0xFFFFCE00  }
0x1c2: {  	[bflag:$0x0] =	sbarrier.arrive $0xFFFF  }
0x1c3: {  	[tilespmem:s2], [sflag:$0x1] =	stream.linear.gather [hbm4b:s14+s2], $0x500, $0x38;
	[tilespmem:$0x1E888] =	vst v63  }
0x1c4: {  	_ =	swait.ge [sflag:s18], $0x500  }
0x1c5: {  	[sflag:s18] =	ssyncset.done $0x0  }
0x1c6: {  	[sflag:s18] =	ssyncadd.s32 $0xFFFFFB00  }
0x1c7: {  	[spmem:s1] =	stream.indirect.scatter.add.f32 [tilespmem:s20], [sflag:$0x1], $0x1, s2, s19, $0xb8;
	[tilespmem:$0x1E888] =	vst v63  }
0x1c8: {  	_ =	swait.ge [sflag:s18], $0x80  }
0x1c9: {  	[sflag:s18] =	ssyncset.done $0x0  }
0x1ca: {  	[sflag:s18] =	ssyncadd.s32 $0xFFFFFF80  }
0x1cb: {  	[spmem:s1] =	stream.indirect.scatter.add.f32 [tilespmem:s20], [sflag:$0x1], $0x1, s19, s19, $0xb8;
	[tilespmem:$0x1E888] =	vst v63  }
0x1cc: {  	_ =	swait.ge [sflag:s18], $0x80  }
0x1cd: {  	[sflag:s18] =	ssyncset.done $0x0  }
0x1ce: {  	s21 =	simm.s32 $0x100;
	[sflag:s18] =	ssyncadd.s32 $0xFFFFFF80  }
0x1cf: {  	[spmem:s1] =	stream.indirect.scatter.add.f32 [tilespmem:s20], [sflag:$0x1], $0x1, s21, s19, $0xb8;
	[tilespmem:$0x1E888] =	vst v63  }
0x1d0: {  	_ =	swait.ge [sflag:s18], $0x80  }
0x1d1: {  	[sflag:s18] =	ssyncset.done $0x0  }
0x1d2: {  	s22 =	simm.s32 $0x180;
	[sflag:s18] =	ssyncadd.s32 $0xFFFFFF80  }
0x1d3: {  	[spmem:s1] =	stream.indirect.scatter.add.f32 [tilespmem:s20], [sflag:$0x1], $0x1, s22, s19, $0xb8;
	[tilespmem:$0x1E888] =	vst v63  }
0x1d4: {  	_ =	swait.ge [sflag:s18], $0x80  }
0x1d5: {  	[sflag:s18] =	ssyncset.done $0x0  }
0x1d6: {  	s23 =	simm.s32 $0x200;
	[sflag:s18] =	ssyncadd.s32 $0xFFFFFF80  }
0x1d7: {  	[spmem:s1] =	stream.indirect.scatter.add.f32 [tilespmem:s20], [sflag:$0x1], $0x1, s23, s19, $0xb8;
	[tilespmem:$0x1E888] =	vst v63  }
0x1d8: {  	_ =	swait.ge [sflag:s18], $0x80  }
0x1d9: {  	[sflag:s18] =	ssyncset.done $0x0  }
0x1da: {  	s24 =	simm.s32 $0x280;
	[sflag:s18] =	ssyncadd.s32 $0xFFFFFF80  }
0x1db: {  	[spmem:s1] =	stream.indirect.scatter.add.f32 [tilespmem:s20], [sflag:$0x1], $0x1, s24, s19, $0xb8;
	[tilespmem:$0x1E888] =	vst v63  }
0x1dc: {  	_ =	swait.ge [sflag:s18], $0x80  }
0x1dd: {  	[sflag:s18] =	ssyncset.done $0x0  }
0x1de: {  	s25 =	simm.s32 $0x300;
	[sflag:s18] =	ssyncadd.s32 $0xFFFFFF80  }
0x1df: {  	[spmem:s1] =	stream.indirect.scatter.add.f32 [tilespmem:s20], [sflag:$0x1], $0x1, s25, s19, $0xb8;
	[tilespmem:$0x1E888] =	vst v63  }
0x1e0: {  	_ =	swait.ge [sflag:s18], $0x80  }
0x1e1: {  	[sflag:s18] =	ssyncset.done $0x0  }
0x1e2: {  	s26 =	simm.s32 $0x380;
	[sflag:s18] =	ssyncadd.s32 $0xFFFFFF80  }
0x1e3: {  	[spmem:s1] =	stream.indirect.scatter.add.f32 [tilespmem:s20], [sflag:$0x1], $0x1, s26, s19, $0xb8;
	[tilespmem:$0x1E888] =	vst v63  }
0x1e4: {  	_ =	swait.ge [sflag:s18], $0x80  }
0x1e5: {  	[sflag:s18] =	ssyncset.done $0x0  }
0x1e6: {  	s28 =	simm.s32 $0x400;
	[sflag:s18] =	ssyncadd.s32 $0xFFFFFF80  }
0x1e7: {  	[spmem:s1] =	stream.indirect.scatter.add.f32 [tilespmem:s20], [sflag:$0x1], $0x1, s28, s19, $0xb8;
	[tilespmem:$0x1E888] =	vst v63  }
0x1e8: {  	_ =	swait.ge [sflag:s18], $0x80  }
0x1e9: {  	s21 =	simm.s32 $0x0;
	[sflag:s18] =	ssyncset.done $0x0  }
0x1ea: {  	s0 =	smul.u32 $0xA000, s21;
	[sflag:s18] =	ssyncadd.s32 $0xFFFFFF80  }
0x1eb: {  	[spmem:s1] =	stream.indirect.scatter.add.f32 [tilespmem:s20], [sflag:$0x1], $0x1, s29, s19, $0xb8;
	[tilespmem:$0x1E888] =	vst v63  }
0x1ec: {  	_ =	swait.ge [sflag:s18], $0x80  }
0x1ed: {  	s2 =	sand.u32 $0x380, s2;
	s0 =	sshra.s32 s0, $0x2;
	[sflag:s18] =	ssyncset.done $0x0  }
0x1ee: {  	s2 =	sor.u32 s2, s0;
	[sflag:s18] =	ssyncadd.s32 $0xFFFFFF80  }
0x1ef: {  	s21 =	sadd.s32 $0x0, s5;
	s0 =	sadd.s32 $0x880, s2;
	[bflag:$0x0] =	sbarrier.arrive $0xFFFF  }
0x1f0: {  	[tilespmem:s0], [sflag:$0x1] =	stream.linear.gather [spmem:s21], $0x80, $0x38;
	[tilespmem:$0x1E888] =	vst v63  }
0x1f1: {  	s22 =	sadd.s32 $0x80, s21;
	s23 =	sadd.s32 $0xC80, s2  }
0x1f2: {  	[tilespmem:s23], [sflag:$0x1] =	stream.linear.gather [spmem:s22], $0x80, $0x38;
	[tilespmem:$0x1E888] =	vst v63  }
0x1f3: {  	s24 =	sadd.s32 $0x100, s21;
	s25 =	sadd.s32 $0x1080, s2  }
0x1f4: {  	[tilespmem:s25], [sflag:$0x1] =	stream.linear.gather [spmem:s24], $0x80, $0x38;
	[tilespmem:$0x1E888] =	vst v63  }
0x1f5: {  	s26 =	sadd.s32 $0x180, s21;
	s28 =	sadd.s32 $0x1480, s2  }
0x1f6: {  	[tilespmem:s28], [sflag:$0x1] =	stream.linear.gather [spmem:s26], $0x80, $0x38;
	[tilespmem:$0x1E888] =	vst v63  }
0x1f7: {  	s22 =	sadd.s32 $0x200, s21;
	s23 =	sadd.s32 $0x1880, s2  }
0x1f8: {  	[tilespmem:s23], [sflag:$0x1] =	stream.linear.gather [spmem:s22], $0x80, $0x38;
	[tilespmem:$0x1E888] =	vst v63  }
0x1f9: {  	s24 =	sadd.s32 $0x280, s21;
	s25 =	sadd.s32 $0x1C80, s2  }
0x1fa: {  	[tilespmem:s25], [sflag:$0x1] =	stream.linear.gather [spmem:s24], $0x80, $0x38;
	[tilespmem:$0x1E888] =	vst v63  }
0x1fb: {  	s26 =	sadd.s32 $0x300, s21;
	s28 =	sadd.s32 $0x2080, s2  }
0x1fc: {  	[tilespmem:s28], [sflag:$0x1] =	stream.linear.gather [spmem:s26], $0x80, $0x38;
	[tilespmem:$0x1E888] =	vst v63  }
0x1fd: {  	s0 =	simm.s32 $0x1400;
	s22 =	sadd.s32 $0x380, s21;
	s23 =	sadd.s32 $0x2480, s2  }
0x1fe: {  	[tilespmem:s23], [sflag:$0x1] =	stream.linear.gather [spmem:s22], $0x80, $0x38;
	[tilespmem:$0x1E888] =	vst v63  }
0x1ff: {  	s24 =	sadd.s32 $0x400, s21;
	s25 =	sadd.s32 $0x2880, s2;
	s26 =	simm.s32 $0x0  }
0x200: {  	[tilespmem:s25], [sflag:$0x1] =	stream.linear.gather [spmem:s24], $0x80, $0x38;
	[tilespmem:$0x1E888] =	vst v63  }
0x201: {  	s21 =	sadd.s32 $0x480, s21;
	s2 =	sadd.s32 $0x2C80, s2;
	s28 =	smul.u32 $0xA000, s26  }
0x202: {  	[tilespmem:s2], [sflag:$0x1] =	stream.linear.gather [spmem:s21], $0x80, $0x38;
	[tilespmem:$0x1E888] =	vst v63  }
0x203: {  	s22 =	simm.s32 $0x2800;
	s24 =	sshra.s32 s28, $0x2;
	s21 =	simm.s32 $0x80  }
0x204: {  	s2 =	simm.s32 $0x1;
	s23 =	sand.u32 $0x380, s21;
	_ =	swait.ge [sflag:s18], $0x500  }
.LBB2_12:
0x205: {  	s23 =	sor.u32 s23, s24  }
0x206: {  	s24 =	sshra.s32 s0, $0x2;
	[sflag:s18] =	ssyncset.done $0x0;
	s0 =	smov.u32 s22  }
0x207: {  	s25 =	sadd.s32 $0x880, s23;
	s24 =	sadd.s32 s24, s5;
	[sflag:s18] =	ssyncadd.s32 $0xFFFFFB00  }
0x208: {  	[tilespmem:s25], [sflag:$0x1] =	stream.linear.gather [spmem:s24], $0x80, $0x38;
	[tilespmem:$0x1E888] =	vst v63  }
0x209: {  	s28 =	sadd.s32 $0xC80, s23;
	s25 =	sadd.s32 $0x1400, s22;
	s26 =	sadd.s32 $0x80, s24  }
0x20a: {  	[tilespmem:s28], [sflag:$0x1] =	stream.linear.gather [spmem:s26], $0x80, $0x38;
	[tilespmem:$0x1E888] =	vst v63  }
0x20b: {  	p0 =	sne.s32 s22, $0x12C00;
	s22 =	sadd.s32 $0x100, s24;
	s26 =	sadd.s32 $0x1080, s23  }
0x20c: {  	[tilespmem:s26], [sflag:$0x1] =	stream.linear.gather [spmem:s22], $0x80, $0x38;
	[tilespmem:$0x1E888] =	vst v63  }
0x20d: {  	s22 =	sadd.s32 $0x180, s24;
	s26 =	sadd.s32 $0x1480, s23  }
0x20e: {  	[tilespmem:s26], [sflag:$0x1] =	stream.linear.gather [spmem:s22], $0x80, $0x38;
	[tilespmem:$0x1E888] =	vst v63  }
0x20f: {  	s22 =	sadd.s32 $0x200, s24;
	s26 =	sadd.s32 $0x1880, s23  }
0x210: {  	[tilespmem:s26], [sflag:$0x1] =	stream.linear.gather [spmem:s22], $0x80, $0x38;
	[tilespmem:$0x1E888] =	vst v63  }
0x211: {  	s22 =	sadd.s32 $0x280, s24;
	s26 =	sadd.s32 $0x1C80, s23  }
0x212: {  	[tilespmem:s26], [sflag:$0x1] =	stream.linear.gather [spmem:s22], $0x80, $0x38;
	[tilespmem:$0x1E888] =	vst v63  }
0x213: {  	s22 =	sadd.s32 $0x300, s24;
	s26 =	sadd.s32 $0x2080, s23  }
0x214: {  	[tilespmem:s26], [sflag:$0x1] =	stream.linear.gather [spmem:s22], $0x80, $0x38;
	[tilespmem:$0x1E888] =	vst v63  }
0x215: {  	s2 =	sadd.s32 $0x1, s2;
	s22 =	sadd.s32 $0x380, s24;
	s26 =	sadd.s32 $0x2480, s23  }
0x216: {  	[tilespmem:s26], [sflag:$0x1] =	stream.linear.gather [spmem:s22], $0x80, $0x38;
	[tilespmem:$0x1E888] =	vst v63  }
0x217: {  	s22 =	sadd.s32 $0x400, s24;
	s26 =	sadd.s32 $0x2880, s23;
	s24 =	sadd.s32 $0x480, s24  }
0x218: {  	[tilespmem:s26], [sflag:$0x1] =	stream.linear.gather [spmem:s22], $0x80, $0x38;
	[tilespmem:$0x1E888] =	vst v63  }
.Ltmp5:
0x219: {  	s23 =	sadd.s32 $0x2C80, s23;
	s22 =	sshrl.u32 s2, $0x3;
	(pc) =	sbr.rel @p0 .LBB2_12-.Ltmp5, $4  }
0x21a: {  	s21 =	sadd.s32 $0x80, s21;
	s22 =	smul.u32 $0xA000, s22  }
0x21b: {  	[tilespmem:s23], [sflag:$0x1] =	stream.linear.gather [spmem:s24], $0x80, $0x38;
	[tilespmem:$0x1E888] =	vst v63  }
0x21c: {  	s23 =	sand.u32 $0x380, s21  }
0x21d: {  	s24 =	sshra.s32 s22, $0x2;
	s22 =	smov.u32 s25;
	_ =	swait.ge [sflag:s18], $0x500  }
0x21e: {  	s2 =	sor.u32 s23, s24;
	s0 =	sshra.s32 s0, $0x2;
	[sflag:s18] =	ssyncset.done $0x0  }
0x21f: {  	s21 =	sadd.s32 $0x880, s2;
	s0 =	sadd.s32 s0, s5;
	[sflag:s18] =	ssyncadd.s32 $0xFFFFFB00  }
0x220: {  	[tilespmem:s21], [sflag:$0x1] =	stream.linear.gather [spmem:s0], $0x80, $0x38;
	[tilespmem:$0x1E888] =	vst v63  }
0x221: {  	s22 =	sadd.s32 $0xC80, s2;
	s25 =	sadd.s32 $0x80, s0  }
0x222: {  	[tilespmem:s22], [sflag:$0x1] =	stream.linear.gather [spmem:s25], $0x80, $0x38;
	[tilespmem:$0x1E888] =	vst v63  }
0x223: {  	s28 =	sadd.s32 $0x1080, s2;
	s26 =	sadd.s32 $0x100, s0  }
0x224: {  	[tilespmem:s28], [sflag:$0x1] =	stream.linear.gather [spmem:s26], $0x80, $0x38;
	[tilespmem:$0x1E888] =	vst v63  }
0x225: {  	s23 =	sadd.s32 $0x1480, s2;
	s22 =	sadd.s32 $0x180, s0  }
0x226: {  	[tilespmem:s23], [sflag:$0x1] =	stream.linear.gather [spmem:s22], $0x80, $0x38;
	[tilespmem:$0x1E888] =	vst v63  }
0x227: {  	s24 =	sadd.s32 $0x200, s0;
	s25 =	sadd.s32 $0x1880, s2  }
0x228: {  	[tilespmem:s25], [sflag:$0x1] =	stream.linear.gather [spmem:s24], $0x80, $0x38;
	[tilespmem:$0x1E888] =	vst v63  }
0x229: {  	s26 =	sadd.s32 $0x280, s0;
	s28 =	sadd.s32 $0x1C80, s2  }
0x22a: {  	[tilespmem:s28], [sflag:$0x1] =	stream.linear.gather [spmem:s26], $0x80, $0x38;
	[tilespmem:$0x1E888] =	vst v63  }
0x22b: {  	s22 =	sadd.s32 $0x300, s0;
	s23 =	sadd.s32 $0x2080, s2  }
0x22c: {  	[tilespmem:s23], [sflag:$0x1] =	stream.linear.gather [spmem:s22], $0x80, $0x38;
	[tilespmem:$0x1E888] =	vst v63  }
0x22d: {  	s24 =	sadd.s32 $0x380, s0;
	s25 =	sadd.s32 $0x2480, s2  }
0x22e: {  	[tilespmem:s25], [sflag:$0x1] =	stream.linear.gather [spmem:s24], $0x80, $0x38;
	[tilespmem:$0x1E888] =	vst v63  }
0x22f: {  	s26 =	sadd.s32 $0x400, s0;
	s28 =	sadd.s32 $0x2880, s2  }
0x230: {  	[tilespmem:s28], [sflag:$0x1] =	stream.linear.gather [spmem:s26], $0x80, $0x38;
	[tilespmem:$0x1E888] =	vst v63  }
0x231: {  	s0 =	sadd.s32 $0x480, s0;
	s2 =	sadd.s32 $0x2C80, s2  }
0x232: {  	[tilespmem:s2], [sflag:$0x1] =	stream.linear.gather [spmem:s0], $0x80, $0x38;
	[tilespmem:$0x1E888] =	vst v63  }
0x233: {  	_ =	swait.ge [sflag:s18], $0x500  }
0x234: {  	s22 =	simm.s32 $0x0;
	s23 =	sadd.s32 s7, s15;
	[sflag:s18] =	ssyncset.done $0x0  }
0x235: {  	s24 =	simm.s32 $0x0;
	s0 =	smul.u32 $0xA000, s22;
	[sflag:s18] =	ssyncadd.s32 $0xFFFFFB00  }
0x236: {  	[hbm4b:s23+s24] =	stream.linear.scatter [tilespmem:s30], [sflag:$0x1], $0x5000, $0x38;
	[tilespmem:$0x1E888] =	vst v63  }
0x237: {  	s25 =	sand.u32 $0x380, s24;
	s0 =	sshra.s32 s0, $0x2;
	_ =	swait.ge [sflag:s18], $0x5000  }
0x238: {  	s2 =	sadd.s32 $0x0, s5;
	s0 =	sor.u32 s25, s0;
	[sflag:s18] =	ssyncset.done $0x0  }
0x239: {  	s28 =	sadd.s32 $0x5000, s2;
	s26 =	sadd.s32 $0x880, s0;
	[sflag:s18] =	ssyncadd.s32 $0xFFFFB000  }
0x23a: {  	[tilespmem:s26], [sflag:$0x1] =	stream.linear.gather [spmem:s28], $0x80, $0x38;
	[tilespmem:$0x1E888] =	vst v63  }
0x23b: {  	s22 =	sadd.s32 $0x5080, s2;
	s23 =	sadd.s32 $0xC80, s0  }
0x23c: {  	[tilespmem:s23], [sflag:$0x1] =	stream.linear.gather [spmem:s22], $0x80, $0x38;
	[tilespmem:$0x1E888] =	vst v63  }
0x23d: {  	s24 =	sadd.s32 $0x5100, s2;
	s25 =	sadd.s32 $0x1080, s0  }
0x23e: {  	[tilespmem:s25], [sflag:$0x1] =	stream.linear.gather [spmem:s24], $0x80, $0x38;
	[tilespmem:$0x1E888] =	vst v63  }
0x23f: {  	s26 =	sadd.s32 $0x5180, s2;
	s28 =	sadd.s32 $0x1480, s0  }
0x240: {  	[tilespmem:s28], [sflag:$0x1] =	stream.linear.gather [spmem:s26], $0x80, $0x38;
	[tilespmem:$0x1E888] =	vst v63  }
0x241: {  	s22 =	sadd.s32 $0x5200, s2;
	s23 =	sadd.s32 $0x1880, s0  }
0x242: {  	[tilespmem:s23], [sflag:$0x1] =	stream.linear.gather [spmem:s22], $0x80, $0x38;
	[tilespmem:$0x1E888] =	vst v63  }
0x243: {  	s24 =	sadd.s32 $0x5280, s2;
	s25 =	sadd.s32 $0x1C80, s0  }
0x244: {  	[tilespmem:s25], [sflag:$0x1] =	stream.linear.gather [spmem:s24], $0x80, $0x38;
	[tilespmem:$0x1E888] =	vst v63  }
0x245: {  	s26 =	sadd.s32 $0x5300, s2;
	s28 =	sadd.s32 $0x2080, s0  }
0x246: {  	[tilespmem:s28], [sflag:$0x1] =	stream.linear.gather [spmem:s26], $0x80, $0x38;
	[tilespmem:$0x1E888] =	vst v63  }
0x247: {  	s21 =	simm.s32 $0x2800;
	s22 =	sadd.s32 $0x5380, s2;
	s23 =	sadd.s32 $0x2480, s0  }
0x248: {  	[tilespmem:s23], [sflag:$0x1] =	stream.linear.gather [spmem:s22], $0x80, $0x38;
	[tilespmem:$0x1E888] =	vst v63  }
0x249: {  	s24 =	sadd.s32 $0x5400, s2;
	s25 =	sadd.s32 $0x2880, s0;
	s26 =	simm.s32 $0x0  }
0x24a: {  	[tilespmem:s25], [sflag:$0x1] =	stream.linear.gather [spmem:s24], $0x80, $0x38;
	[tilespmem:$0x1E888] =	vst v63  }
0x24b: {  	s2 =	sadd.s32 $0x5480, s2;
	s0 =	sadd.s32 $0x2C80, s0;
	s28 =	smul.u32 $0xA000, s26  }
0x24c: {  	[tilespmem:s0], [sflag:$0x1] =	stream.linear.gather [spmem:s2], $0x80, $0x38;
	[tilespmem:$0x1E888] =	vst v63  }
0x24d: {  	s22 =	simm.s32 $0x500;
	s24 =	sshra.s32 s28, $0x2;
	s2 =	simm.s32 $0x80  }
0x24e: {  	s0 =	simm.s32 $0x1;
	s23 =	sand.u32 $0x380, s2;
	_ =	swait.ge [sflag:s18], $0x500  }
.LBB2_14:
0x24f: {  	s23 =	sor.u32 s23, s24  }
0x250: {  	s22 =	sadd.s32 s22, s5;
	[sflag:s18] =	ssyncset.done $0x0;
	s24 =	smov.u32 s21  }
0x251: {  	s25 =	sadd.s32 $0x880, s23;
	s26 =	sadd.s32 $0x5000, s22;
	[sflag:s18] =	ssyncadd.s32 $0xFFFFFB00  }
0x252: {  	[tilespmem:s25], [sflag:$0x1] =	stream.linear.gather [spmem:s26], $0x80, $0x38;
	[tilespmem:$0x1E888] =	vst v63  }
0x253: {  	s28 =	sadd.s32 $0xC80, s23;
	s25 =	sadd.s32 $0x1400, s21;
	s26 =	sadd.s32 $0x5080, s22  }
0x254: {  	[tilespmem:s28], [sflag:$0x1] =	stream.linear.gather [spmem:s26], $0x80, $0x38;
	[tilespmem:$0x1E888] =	vst v63  }
0x255: {  	p0 =	sne.s32 s21, $0x12C00;
	s21 =	sadd.s32 $0x5100, s22;
	s26 =	sadd.s32 $0x1080, s23  }
0x256: {  	[tilespmem:s26], [sflag:$0x1] =	stream.linear.gather [spmem:s21], $0x80, $0x38;
	[tilespmem:$0x1E888] =	vst v63  }
0x257: {  	s21 =	sadd.s32 $0x5180, s22;
	s26 =	sadd.s32 $0x1480, s23  }
0x258: {  	[tilespmem:s26], [sflag:$0x1] =	stream.linear.gather [spmem:s21], $0x80, $0x38;
	[tilespmem:$0x1E888] =	vst v63  }
0x259: {  	s21 =	sadd.s32 $0x5200, s22;
	s26 =	sadd.s32 $0x1880, s23  }
0x25a: {  	[tilespmem:s26], [sflag:$0x1] =	stream.linear.gather [spmem:s21], $0x80, $0x38;
	[tilespmem:$0x1E888] =	vst v63  }
0x25b: {  	s21 =	sadd.s32 $0x5280, s22;
	s26 =	sadd.s32 $0x1C80, s23  }
0x25c: {  	[tilespmem:s26], [sflag:$0x1] =	stream.linear.gather [spmem:s21], $0x80, $0x38;
	[tilespmem:$0x1E888] =	vst v63  }
0x25d: {  	s21 =	sadd.s32 $0x5300, s22;
	s26 =	sadd.s32 $0x2080, s23  }
0x25e: {  	[tilespmem:s26], [sflag:$0x1] =	stream.linear.gather [spmem:s21], $0x80, $0x38;
	[tilespmem:$0x1E888] =	vst v63  }
0x25f: {  	s0 =	sadd.s32 $0x1, s0;
	s21 =	sadd.s32 $0x5380, s22;
	s26 =	sadd.s32 $0x2480, s23  }
0x260: {  	[tilespmem:s26], [sflag:$0x1] =	stream.linear.gather [spmem:s21], $0x80, $0x38;
	[tilespmem:$0x1E888] =	vst v63  }
0x261: {  	s21 =	sadd.s32 $0x5400, s22;
	s26 =	sadd.s32 $0x2880, s23;
	s23 =	sadd.s32 $0x2C80, s23  }
0x262: {  	[tilespmem:s26], [sflag:$0x1] =	stream.linear.gather [spmem:s21], $0x80, $0x38;
	[tilespmem:$0x1E888] =	vst v63  }
.Ltmp6:
0x263: {  	s21 =	sshrl.u32 s0, $0x3;
	s26 =	sadd.s32 $0x5480, s22;
	(pc) =	sbr.rel @p0 .LBB2_14-.Ltmp6, $4  }
0x264: {  	s2 =	sadd.s32 $0x80, s2;
	s22 =	sshra.s32 s24, $0x2;
	s21 =	smul.u32 $0xA000, s21  }
0x265: {  	[tilespmem:s23], [sflag:$0x1] =	stream.linear.gather [spmem:s26], $0x80, $0x38;
	[tilespmem:$0x1E888] =	vst v63  }
0x266: {  	s23 =	sand.u32 $0x380, s2  }
0x267: {  	s24 =	sshra.s32 s21, $0x2;
	s21 =	smov.u32 s25;
	_ =	swait.ge [sflag:s18], $0x500  }
0x268: {  	s0 =	sor.u32 s23, s24;
	s2 =	sadd.s32 s22, s5;
	[sflag:s18] =	ssyncset.done $0x0  }
0x269: {  	s21 =	sadd.s32 $0x880, s0;
	s22 =	sadd.s32 $0x5000, s2;
	[sflag:s18] =	ssyncadd.s32 $0xFFFFFB00  }
0x26a: {  	[tilespmem:s21], [sflag:$0x1] =	stream.linear.gather [spmem:s22], $0x80, $0x38;
	[tilespmem:$0x1E888] =	vst v63  }
0x26b: {  	s24 =	sadd.s32 $0x5080, s2;
	s25 =	sadd.s32 $0xC80, s0  }
0x26c: {  	[tilespmem:s25], [sflag:$0x1] =	stream.linear.gather [spmem:s24], $0x80, $0x38;
	[tilespmem:$0x1E888] =	vst v63  }
0x26d: {  	s26 =	sadd.s32 $0x5100, s2;
	s28 =	sadd.s32 $0x1080, s0  }
0x26e: {  	[tilespmem:s28], [sflag:$0x1] =	stream.linear.gather [spmem:s26], $0x80, $0x38;
	[tilespmem:$0x1E888] =	vst v63  }
0x26f: {  	s23 =	sadd.s32 $0x1480, s0;
	s22 =	sadd.s32 $0x5180, s2  }
0x270: {  	[tilespmem:s23], [sflag:$0x1] =	stream.linear.gather [spmem:s22], $0x80, $0x38;
	[tilespmem:$0x1E888] =	vst v63  }
0x271: {  	s24 =	sadd.s32 $0x5200, s2;
	s25 =	sadd.s32 $0x1880, s0  }
0x272: {  	[tilespmem:s25], [sflag:$0x1] =	stream.linear.gather [spmem:s24], $0x80, $0x38;
	[tilespmem:$0x1E888] =	vst v63  }
0x273: {  	s26 =	sadd.s32 $0x5280, s2;
	s28 =	sadd.s32 $0x1C80, s0  }
0x274: {  	[tilespmem:s28], [sflag:$0x1] =	stream.linear.gather [spmem:s26], $0x80, $0x38;
	[tilespmem:$0x1E888] =	vst v63  }
0x275: {  	s22 =	sadd.s32 $0x5300, s2;
	s23 =	sadd.s32 $0x2080, s0  }
0x276: {  	[tilespmem:s23], [sflag:$0x1] =	stream.linear.gather [spmem:s22], $0x80, $0x38;
	[tilespmem:$0x1E888] =	vst v63  }
0x277: {  	s24 =	sadd.s32 $0x5380, s2;
	s25 =	sadd.s32 $0x2480, s0  }
0x278: {  	[tilespmem:s25], [sflag:$0x1] =	stream.linear.gather [spmem:s24], $0x80, $0x38;
	[tilespmem:$0x1E888] =	vst v63  }
0x279: {  	s26 =	sadd.s32 $0x5400, s2;
	s28 =	sadd.s32 $0x2880, s0  }
0x27a: {  	[tilespmem:s28], [sflag:$0x1] =	stream.linear.gather [spmem:s26], $0x80, $0x38;
	[tilespmem:$0x1E888] =	vst v63  }
0x27b: {  	s2 =	sadd.s32 $0x5480, s2;
	s0 =	sadd.s32 $0x2C80, s0  }
0x27c: {  	[tilespmem:s0], [sflag:$0x1] =	stream.linear.gather [spmem:s2], $0x80, $0x38;
	[tilespmem:$0x1E888] =	vst v63  }
0x27d: {  	_ =	swait.ge [sflag:s18], $0x500  }
0x27e: {  	s22 =	simm.s32 $0x0;
	s23 =	sadd.s32 s10, s15;
	[sflag:s18] =	ssyncset.done $0x0  }
0x27f: {  	s24 =	simm.s32 $0x0;
	s0 =	smul.u32 $0xA000, s22;
	[sflag:s18] =	ssyncadd.s32 $0xFFFFFB00  }
0x280: {  	[hbm4b:s23+s24] =	stream.linear.scatter [tilespmem:s30], [sflag:$0x1], $0x5000, $0x38;
	[tilespmem:$0x1E888] =	vst v63  }
0x281: {  	s25 =	sand.u32 $0x380, s24;
	s0 =	sshra.s32 s0, $0x2;
	_ =	swait.ge [sflag:s18], $0x5000  }
0x282: {  	s2 =	sadd.s32 $0x0, s5;
	s0 =	sor.u32 s25, s0;
	[sflag:s18] =	ssyncset.done $0x0  }
0x283: {  	s28 =	sadd.s32 $0xA000, s2;
	s26 =	sadd.s32 $0x880, s0;
	[sflag:s18] =	ssyncadd.s32 $0xFFFFB000  }
0x284: {  	[tilespmem:s26], [sflag:$0x1] =	stream.linear.gather [spmem:s28], $0x80, $0x38;
	[tilespmem:$0x1E888] =	vst v63  }
0x285: {  	s22 =	sadd.s32 $0xA080, s2;
	s23 =	sadd.s32 $0xC80, s0  }
0x286: {  	[tilespmem:s23], [sflag:$0x1] =	stream.linear.gather [spmem:s22], $0x80, $0x38;
	[tilespmem:$0x1E888] =	vst v63  }
0x287: {  	s24 =	sadd.s32 $0xA100, s2;
	s25 =	sadd.s32 $0x1080, s0  }
0x288: {  	[tilespmem:s25], [sflag:$0x1] =	stream.linear.gather [spmem:s24], $0x80, $0x38;
	[tilespmem:$0x1E888] =	vst v63  }
0x289: {  	s26 =	sadd.s32 $0xA180, s2;
	s28 =	sadd.s32 $0x1480, s0  }
0x28a: {  	[tilespmem:s28], [sflag:$0x1] =	stream.linear.gather [spmem:s26], $0x80, $0x38;
	[tilespmem:$0x1E888] =	vst v63  }
0x28b: {  	s22 =	sadd.s32 $0xA200, s2;
	s23 =	sadd.s32 $0x1880, s0  }
0x28c: {  	[tilespmem:s23], [sflag:$0x1] =	stream.linear.gather [spmem:s22], $0x80, $0x38;
	[tilespmem:$0x1E888] =	vst v63  }
0x28d: {  	s24 =	sadd.s32 $0xA280, s2;
	s25 =	sadd.s32 $0x1C80, s0  }
0x28e: {  	[tilespmem:s25], [sflag:$0x1] =	stream.linear.gather [spmem:s24], $0x80, $0x38;
	[tilespmem:$0x1E888] =	vst v63  }
0x28f: {  	s26 =	sadd.s32 $0xA300, s2;
	s28 =	sadd.s32 $0x2080, s0  }
0x290: {  	[tilespmem:s28], [sflag:$0x1] =	stream.linear.gather [spmem:s26], $0x80, $0x38;
	[tilespmem:$0x1E888] =	vst v63  }
0x291: {  	s21 =	simm.s32 $0x2800;
	s22 =	sadd.s32 $0xA380, s2;
	s23 =	sadd.s32 $0x2480, s0  }
0x292: {  	[tilespmem:s23], [sflag:$0x1] =	stream.linear.gather [spmem:s22], $0x80, $0x38;
	[tilespmem:$0x1E888] =	vst v63  }
0x293: {  	s24 =	sadd.s32 $0xA400, s2;
	s25 =	sadd.s32 $0x2880, s0;
	s26 =	simm.s32 $0x0  }
0x294: {  	[tilespmem:s25], [sflag:$0x1] =	stream.linear.gather [spmem:s24], $0x80, $0x38;
	[tilespmem:$0x1E888] =	vst v63  }
0x295: {  	s2 =	sadd.s32 $0xA480, s2;
	s0 =	sadd.s32 $0x2C80, s0;
	s28 =	smul.u32 $0xA000, s26  }
0x296: {  	[tilespmem:s0], [sflag:$0x1] =	stream.linear.gather [spmem:s2], $0x80, $0x38;
	[tilespmem:$0x1E888] =	vst v63  }
0x297: {  	s22 =	simm.s32 $0x500;
	s24 =	sshra.s32 s28, $0x2;
	s2 =	simm.s32 $0x80  }
0x298: {  	s0 =	simm.s32 $0x1;
	s23 =	sand.u32 $0x380, s2;
	_ =	swait.ge [sflag:s18], $0x500  }
.LBB2_16:
0x299: {  	s23 =	sor.u32 s23, s24  }
0x29a: {  	s22 =	sadd.s32 s22, s5;
	[sflag:s18] =	ssyncset.done $0x0;
	s24 =	smov.u32 s21  }
0x29b: {  	s25 =	sadd.s32 $0x880, s23;
	s26 =	sadd.s32 $0xA000, s22;
	[sflag:s18] =	ssyncadd.s32 $0xFFFFFB00  }
0x29c: {  	[tilespmem:s25], [sflag:$0x1] =	stream.linear.gather [spmem:s26], $0x80, $0x38;
	[tilespmem:$0x1E888] =	vst v63  }
0x29d: {  	s28 =	sadd.s32 $0xC80, s23;
	s25 =	sadd.s32 $0x1400, s21;
	s26 =	sadd.s32 $0xA080, s22  }
0x29e: {  	[tilespmem:s28], [sflag:$0x1] =	stream.linear.gather [spmem:s26], $0x80, $0x38;
	[tilespmem:$0x1E888] =	vst v63  }
0x29f: {  	p0 =	sne.s32 s21, $0x12C00;
	s21 =	sadd.s32 $0xA100, s22;
	s26 =	sadd.s32 $0x1080, s23  }
0x2a0: {  	[tilespmem:s26], [sflag:$0x1] =	stream.linear.gather [spmem:s21], $0x80, $0x38;
	[tilespmem:$0x1E888] =	vst v63  }
0x2a1: {  	s21 =	sadd.s32 $0xA180, s22;
	s26 =	sadd.s32 $0x1480, s23  }
0x2a2: {  	[tilespmem:s26], [sflag:$0x1] =	stream.linear.gather [spmem:s21], $0x80, $0x38;
	[tilespmem:$0x1E888] =	vst v63  }
0x2a3: {  	s21 =	sadd.s32 $0xA200, s22;
	s26 =	sadd.s32 $0x1880, s23  }
0x2a4: {  	[tilespmem:s26], [sflag:$0x1] =	stream.linear.gather [spmem:s21], $0x80, $0x38;
	[tilespmem:$0x1E888] =	vst v63  }
0x2a5: {  	s21 =	sadd.s32 $0xA280, s22;
	s26 =	sadd.s32 $0x1C80, s23  }
0x2a6: {  	[tilespmem:s26], [sflag:$0x1] =	stream.linear.gather [spmem:s21], $0x80, $0x38;
	[tilespmem:$0x1E888] =	vst v63  }
0x2a7: {  	s21 =	sadd.s32 $0xA300, s22;
	s26 =	sadd.s32 $0x2080, s23  }
0x2a8: {  	[tilespmem:s26], [sflag:$0x1] =	stream.linear.gather [spmem:s21], $0x80, $0x38;
	[tilespmem:$0x1E888] =	vst v63  }
0x2a9: {  	s0 =	sadd.s32 $0x1, s0;
	s21 =	sadd.s32 $0xA380, s22;
	s26 =	sadd.s32 $0x2480, s23  }
0x2aa: {  	[tilespmem:s26], [sflag:$0x1] =	stream.linear.gather [spmem:s21], $0x80, $0x38;
	[tilespmem:$0x1E888] =	vst v63  }
0x2ab: {  	s21 =	sadd.s32 $0xA400, s22;
	s26 =	sadd.s32 $0x2880, s23;
	s23 =	sadd.s32 $0x2C80, s23  }
0x2ac: {  	[tilespmem:s26], [sflag:$0x1] =	stream.linear.gather [spmem:s21], $0x80, $0x38;
	[tilespmem:$0x1E888] =	vst v63  }
.Ltmp7:
0x2ad: {  	s21 =	sshrl.u32 s0, $0x3;
	s26 =	sadd.s32 $0xA480, s22;
	(pc) =	sbr.rel @p0 .LBB2_16-.Ltmp7, $4  }
0x2ae: {  	s2 =	sadd.s32 $0x80, s2;
	s22 =	sshra.s32 s24, $0x2;
	s21 =	smul.u32 $0xA000, s21  }
0x2af: {  	[tilespmem:s23], [sflag:$0x1] =	stream.linear.gather [spmem:s26], $0x80, $0x38;
	[tilespmem:$0x1E888] =	vst v63  }
0x2b0: {  	s23 =	sand.u32 $0x380, s2  }
0x2b1: {  	s24 =	sshra.s32 s21, $0x2;
	s21 =	smov.u32 s25;
	_ =	swait.ge [sflag:s18], $0x500  }
0x2b2: {  	s0 =	sor.u32 s23, s24;
	s2 =	sadd.s32 s22, s5;
	[sflag:s18] =	ssyncset.done $0x0  }
0x2b3: {  	s21 =	sadd.s32 $0x880, s0;
	s22 =	sadd.s32 $0xA000, s2;
	[sflag:s18] =	ssyncadd.s32 $0xFFFFFB00  }
0x2b4: {  	[tilespmem:s21], [sflag:$0x1] =	stream.linear.gather [spmem:s22], $0x80, $0x38;
	[tilespmem:$0x1E888] =	vst v63  }
0x2b5: {  	s24 =	sadd.s32 $0xA080, s2;
	s25 =	sadd.s32 $0xC80, s0  }
0x2b6: {  	[tilespmem:s25], [sflag:$0x1] =	stream.linear.gather [spmem:s24], $0x80, $0x38;
	[tilespmem:$0x1E888] =	vst v63  }
0x2b7: {  	s26 =	sadd.s32 $0xA100, s2;
	s28 =	sadd.s32 $0x1080, s0  }
0x2b8: {  	[tilespmem:s28], [sflag:$0x1] =	stream.linear.gather [spmem:s26], $0x80, $0x38;
	[tilespmem:$0x1E888] =	vst v63  }
0x2b9: {  	s23 =	sadd.s32 $0x1480, s0;
	s22 =	sadd.s32 $0xA180, s2  }
0x2ba: {  	[tilespmem:s23], [sflag:$0x1] =	stream.linear.gather [spmem:s22], $0x80, $0x38;
	[tilespmem:$0x1E888] =	vst v63  }
0x2bb: {  	s24 =	sadd.s32 $0xA200, s2;
	s25 =	sadd.s32 $0x1880, s0  }
0x2bc: {  	[tilespmem:s25], [sflag:$0x1] =	stream.linear.gather [spmem:s24], $0x80, $0x38;
	[tilespmem:$0x1E888] =	vst v63  }
0x2bd: {  	s26 =	sadd.s32 $0xA280, s2;
	s28 =	sadd.s32 $0x1C80, s0  }
0x2be: {  	[tilespmem:s28], [sflag:$0x1] =	stream.linear.gather [spmem:s26], $0x80, $0x38;
	[tilespmem:$0x1E888] =	vst v63  }
0x2bf: {  	s22 =	sadd.s32 $0xA300, s2;
	s23 =	sadd.s32 $0x2080, s0  }
0x2c0: {  	[tilespmem:s23], [sflag:$0x1] =	stream.linear.gather [spmem:s22], $0x80, $0x38;
	[tilespmem:$0x1E888] =	vst v63  }
0x2c1: {  	s24 =	sadd.s32 $0xA380, s2;
	s25 =	sadd.s32 $0x2480, s0  }
0x2c2: {  	[tilespmem:s25], [sflag:$0x1] =	stream.linear.gather [spmem:s24], $0x80, $0x38;
	[tilespmem:$0x1E888] =	vst v63  }
0x2c3: {  	s26 =	sadd.s32 $0xA400, s2;
	s28 =	sadd.s32 $0x2880, s0  }
0x2c4: {  	[tilespmem:s28], [sflag:$0x1] =	stream.linear.gather [spmem:s26], $0x80, $0x38;
	[tilespmem:$0x1E888] =	vst v63  }
0x2c5: {  	s2 =	sadd.s32 $0xA480, s2;
	s0 =	sadd.s32 $0x2C80, s0  }
0x2c6: {  	[tilespmem:s0], [sflag:$0x1] =	stream.linear.gather [spmem:s2], $0x80, $0x38;
	[tilespmem:$0x1E888] =	vst v63  }
0x2c7: {  	_ =	swait.ge [sflag:s18], $0x500  }
0x2c8: {  	s22 =	simm.s32 $0x0;
	s23 =	sadd.s32 s11, s15;
	[sflag:s18] =	ssyncset.done $0x0  }
0x2c9: {  	s24 =	simm.s32 $0x0;
	s0 =	smul.u32 $0xA000, s22;
	[sflag:s18] =	ssyncadd.s32 $0xFFFFFB00  }
0x2ca: {  	[hbm4b:s23+s24] =	stream.linear.scatter [tilespmem:s30], [sflag:$0x1], $0x5000, $0x38;
	[tilespmem:$0x1E888] =	vst v63  }
0x2cb: {  	s25 =	sand.u32 $0x380, s24;
	s0 =	sshra.s32 s0, $0x2;
	_ =	swait.ge [sflag:s18], $0x5000  }
0x2cc: {  	s2 =	sadd.s32 $0x0, s5;
	s0 =	sor.u32 s25, s0;
	[sflag:s18] =	ssyncset.done $0x0  }
0x2cd: {  	s28 =	sadd.s32 $0xF000, s2;
	s26 =	sadd.s32 $0x880, s0;
	[sflag:s18] =	ssyncadd.s32 $0xFFFFB000  }
0x2ce: {  	[tilespmem:s26], [sflag:$0x1] =	stream.linear.gather [spmem:s28], $0x80, $0x38;
	[tilespmem:$0x1E888] =	vst v63  }
0x2cf: {  	s22 =	sadd.s32 $0xF080, s2;
	s23 =	sadd.s32 $0xC80, s0  }
0x2d0: {  	[tilespmem:s23], [sflag:$0x1] =	stream.linear.gather [spmem:s22], $0x80, $0x38;
	[tilespmem:$0x1E888] =	vst v63  }
0x2d1: {  	s24 =	sadd.s32 $0xF100, s2;
	s25 =	sadd.s32 $0x1080, s0  }
0x2d2: {  	[tilespmem:s25], [sflag:$0x1] =	stream.linear.gather [spmem:s24], $0x80, $0x38;
	[tilespmem:$0x1E888] =	vst v63  }
0x2d3: {  	s26 =	sadd.s32 $0xF180, s2;
	s28 =	sadd.s32 $0x1480, s0  }
0x2d4: {  	[tilespmem:s28], [sflag:$0x1] =	stream.linear.gather [spmem:s26], $0x80, $0x38;
	[tilespmem:$0x1E888] =	vst v63  }
0x2d5: {  	s22 =	sadd.s32 $0xF200, s2;
	s23 =	sadd.s32 $0x1880, s0  }
0x2d6: {  	[tilespmem:s23], [sflag:$0x1] =	stream.linear.gather [spmem:s22], $0x80, $0x38;
	[tilespmem:$0x1E888] =	vst v63  }
0x2d7: {  	s24 =	sadd.s32 $0xF280, s2;
	s25 =	sadd.s32 $0x1C80, s0  }
0x2d8: {  	[tilespmem:s25], [sflag:$0x1] =	stream.linear.gather [spmem:s24], $0x80, $0x38;
	[tilespmem:$0x1E888] =	vst v63  }
0x2d9: {  	s26 =	sadd.s32 $0xF300, s2;
	s28 =	sadd.s32 $0x2080, s0  }
0x2da: {  	[tilespmem:s28], [sflag:$0x1] =	stream.linear.gather [spmem:s26], $0x80, $0x38;
	[tilespmem:$0x1E888] =	vst v63  }
0x2db: {  	s21 =	simm.s32 $0x2800;
	s22 =	sadd.s32 $0xF380, s2;
	s23 =	sadd.s32 $0x2480, s0  }
0x2dc: {  	[tilespmem:s23], [sflag:$0x1] =	stream.linear.gather [spmem:s22], $0x80, $0x38;
	[tilespmem:$0x1E888] =	vst v63  }
0x2dd: {  	s24 =	sadd.s32 $0xF400, s2;
	s25 =	sadd.s32 $0x2880, s0;
	s26 =	simm.s32 $0x0  }
0x2de: {  	[tilespmem:s25], [sflag:$0x1] =	stream.linear.gather [spmem:s24], $0x80, $0x38;
	[tilespmem:$0x1E888] =	vst v63  }
0x2df: {  	s2 =	sadd.s32 $0xF480, s2;
	s0 =	sadd.s32 $0x2C80, s0;
	s28 =	smul.u32 $0xA000, s26  }
0x2e0: {  	[tilespmem:s0], [sflag:$0x1] =	stream.linear.gather [spmem:s2], $0x80, $0x38;
	[tilespmem:$0x1E888] =	vst v63  }
0x2e1: {  	s22 =	simm.s32 $0x500;
	s24 =	sshra.s32 s28, $0x2;
	s2 =	simm.s32 $0x80  }
0x2e2: {  	s0 =	simm.s32 $0x1;
	s23 =	sand.u32 $0x380, s2;
	_ =	swait.ge [sflag:s18], $0x500  }
.LBB2_18:
0x2e3: {  	s23 =	sor.u32 s23, s24  }
0x2e4: {  	s22 =	sadd.s32 s22, s5;
	[sflag:s18] =	ssyncset.done $0x0;
	s24 =	smov.u32 s21  }
0x2e5: {  	s25 =	sadd.s32 $0x880, s23;
	s26 =	sadd.s32 $0xF000, s22;
	[sflag:s18] =	ssyncadd.s32 $0xFFFFFB00  }
0x2e6: {  	[tilespmem:s25], [sflag:$0x1] =	stream.linear.gather [spmem:s26], $0x80, $0x38;
	[tilespmem:$0x1E888] =	vst v63  }
0x2e7: {  	s28 =	sadd.s32 $0xC80, s23;
	s25 =	sadd.s32 $0x1400, s21;
	s26 =	sadd.s32 $0xF080, s22  }
0x2e8: {  	[tilespmem:s28], [sflag:$0x1] =	stream.linear.gather [spmem:s26], $0x80, $0x38;
	[tilespmem:$0x1E888] =	vst v63  }
0x2e9: {  	p0 =	sne.s32 s21, $0x12C00;
	s21 =	sadd.s32 $0xF100, s22;
	s26 =	sadd.s32 $0x1080, s23  }
0x2ea: {  	[tilespmem:s26], [sflag:$0x1] =	stream.linear.gather [spmem:s21], $0x80, $0x38;
	[tilespmem:$0x1E888] =	vst v63  }
0x2eb: {  	s21 =	sadd.s32 $0xF180, s22;
	s26 =	sadd.s32 $0x1480, s23  }
0x2ec: {  	[tilespmem:s26], [sflag:$0x1] =	stream.linear.gather [spmem:s21], $0x80, $0x38;
	[tilespmem:$0x1E888] =	vst v63  }
0x2ed: {  	s21 =	sadd.s32 $0xF200, s22;
	s26 =	sadd.s32 $0x1880, s23  }
0x2ee: {  	[tilespmem:s26], [sflag:$0x1] =	stream.linear.gather [spmem:s21], $0x80, $0x38;
	[tilespmem:$0x1E888] =	vst v63  }
0x2ef: {  	s21 =	sadd.s32 $0xF280, s22;
	s26 =	sadd.s32 $0x1C80, s23  }
0x2f0: {  	[tilespmem:s26], [sflag:$0x1] =	stream.linear.gather [spmem:s21], $0x80, $0x38;
	[tilespmem:$0x1E888] =	vst v63  }
0x2f1: {  	s21 =	sadd.s32 $0xF300, s22;
	s26 =	sadd.s32 $0x2080, s23  }
0x2f2: {  	[tilespmem:s26], [sflag:$0x1] =	stream.linear.gather [spmem:s21], $0x80, $0x38;
	[tilespmem:$0x1E888] =	vst v63  }
0x2f3: {  	s0 =	sadd.s32 $0x1, s0;
	s21 =	sadd.s32 $0xF380, s22;
	s26 =	sadd.s32 $0x2480, s23  }
0x2f4: {  	[tilespmem:s26], [sflag:$0x1] =	stream.linear.gather [spmem:s21], $0x80, $0x38;
	[tilespmem:$0x1E888] =	vst v63  }
0x2f5: {  	s21 =	sadd.s32 $0xF400, s22;
	s26 =	sadd.s32 $0x2880, s23;
	s23 =	sadd.s32 $0x2C80, s23  }
0x2f6: {  	[tilespmem:s26], [sflag:$0x1] =	stream.linear.gather [spmem:s21], $0x80, $0x38;
	[tilespmem:$0x1E888] =	vst v63  }
.Ltmp8:
0x2f7: {  	s21 =	sshrl.u32 s0, $0x3;
	s26 =	sadd.s32 $0xF480, s22;
	(pc) =	sbr.rel @p0 .LBB2_18-.Ltmp8, $4  }
0x2f8: {  	s2 =	sadd.s32 $0x80, s2;
	s22 =	sshra.s32 s24, $0x2;
	s21 =	smul.u32 $0xA000, s21  }
0x2f9: {  	[tilespmem:s23], [sflag:$0x1] =	stream.linear.gather [spmem:s26], $0x80, $0x38;
	[tilespmem:$0x1E888] =	vst v63  }
0x2fa: {  	s23 =	sand.u32 $0x380, s2  }
0x2fb: {  	s24 =	sshra.s32 s21, $0x2;
	s21 =	smov.u32 s25;
	_ =	swait.ge [sflag:s18], $0x500  }
0x2fc: {  	s0 =	sor.u32 s23, s24;
	s2 =	sadd.s32 s22, s5;
	[sflag:s18] =	ssyncset.done $0x0  }
0x2fd: {  	s21 =	sadd.s32 $0x880, s0;
	s22 =	sadd.s32 $0xF000, s2;
	[sflag:s18] =	ssyncadd.s32 $0xFFFFFB00  }
0x2fe: {  	[tilespmem:s21], [sflag:$0x1] =	stream.linear.gather [spmem:s22], $0x80, $0x38;
	[tilespmem:$0x1E888] =	vst v63  }
0x2ff: {  	s24 =	sadd.s32 $0xF080, s2;
	s25 =	sadd.s32 $0xC80, s0  }
0x300: {  	[tilespmem:s25], [sflag:$0x1] =	stream.linear.gather [spmem:s24], $0x80, $0x38;
	[tilespmem:$0x1E888] =	vst v63  }
0x301: {  	s26 =	sadd.s32 $0xF100, s2;
	s28 =	sadd.s32 $0x1080, s0  }
0x302: {  	[tilespmem:s28], [sflag:$0x1] =	stream.linear.gather [spmem:s26], $0x80, $0x38;
	[tilespmem:$0x1E888] =	vst v63  }
0x303: {  	s23 =	sadd.s32 $0x1480, s0;
	s22 =	sadd.s32 $0xF180, s2  }
0x304: {  	[tilespmem:s23], [sflag:$0x1] =	stream.linear.gather [spmem:s22], $0x80, $0x38;
	[tilespmem:$0x1E888] =	vst v63  }
0x305: {  	s24 =	sadd.s32 $0xF200, s2;
	s25 =	sadd.s32 $0x1880, s0  }
0x306: {  	[tilespmem:s25], [sflag:$0x1] =	stream.linear.gather [spmem:s24], $0x80, $0x38;
	[tilespmem:$0x1E888] =	vst v63  }
0x307: {  	s26 =	sadd.s32 $0xF280, s2;
	s28 =	sadd.s32 $0x1C80, s0  }
0x308: {  	[tilespmem:s28], [sflag:$0x1] =	stream.linear.gather [spmem:s26], $0x80, $0x38;
	[tilespmem:$0x1E888] =	vst v63  }
0x309: {  	s22 =	sadd.s32 $0xF300, s2;
	s23 =	sadd.s32 $0x2080, s0  }
0x30a: {  	[tilespmem:s23], [sflag:$0x1] =	stream.linear.gather [spmem:s22], $0x80, $0x38;
	[tilespmem:$0x1E888] =	vst v63  }
0x30b: {  	s24 =	sadd.s32 $0xF380, s2;
	s25 =	sadd.s32 $0x2480, s0  }
0x30c: {  	[tilespmem:s25], [sflag:$0x1] =	stream.linear.gather [spmem:s24], $0x80, $0x38;
	[tilespmem:$0x1E888] =	vst v63  }
0x30d: {  	s26 =	sadd.s32 $0xF400, s2;
	s28 =	sadd.s32 $0x2880, s0  }
0x30e: {  	[tilespmem:s28], [sflag:$0x1] =	stream.linear.gather [spmem:s26], $0x80, $0x38;
	[tilespmem:$0x1E888] =	vst v63  }
0x30f: {  	s2 =	sadd.s32 $0xF480, s2;
	s0 =	sadd.s32 $0x2C80, s0  }
0x310: {  	[tilespmem:s0], [sflag:$0x1] =	stream.linear.gather [spmem:s2], $0x80, $0x38;
	[tilespmem:$0x1E888] =	vst v63  }
0x311: {  	_ =	swait.ge [sflag:s18], $0x500  }
0x312: {  	s22 =	simm.s32 $0x0;
	s23 =	sadd.s32 s12, s15;
	[sflag:s18] =	ssyncset.done $0x0  }
0x313: {  	s24 =	simm.s32 $0x0;
	s0 =	smul.u32 $0xA000, s22;
	[sflag:s18] =	ssyncadd.s32 $0xFFFFFB00  }
0x314: {  	[hbm4b:s23+s24] =	stream.linear.scatter [tilespmem:s30], [sflag:$0x1], $0x5000, $0x38;
	[tilespmem:$0x1E888] =	vst v63  }
0x315: {  	s25 =	sand.u32 $0x380, s24;
	s0 =	sshra.s32 s0, $0x2;
	_ =	swait.ge [sflag:s18], $0x5000  }
0x316: {  	s2 =	sadd.s32 $0x0, s5;
	s0 =	sor.u32 s25, s0;
	[sflag:s18] =	ssyncset.done $0x0  }
0x317: {  	s28 =	sadd.s32 $0x14000, s2;
	s26 =	sadd.s32 $0x880, s0;
	[sflag:s18] =	ssyncadd.s32 $0xFFFFB000  }
0x318: {  	[tilespmem:s26], [sflag:$0x1] =	stream.linear.gather [spmem:s28], $0x80, $0x38;
	[tilespmem:$0x1E888] =	vst v63  }
0x319: {  	s22 =	sadd.s32 $0x14080, s2;
	s23 =	sadd.s32 $0xC80, s0  }
0x31a: {  	[tilespmem:s23], [sflag:$0x1] =	stream.linear.gather [spmem:s22], $0x80, $0x38;
	[tilespmem:$0x1E888] =	vst v63  }
0x31b: {  	s24 =	sadd.s32 $0x14100, s2;
	s25 =	sadd.s32 $0x1080, s0  }
0x31c: {  	[tilespmem:s25], [sflag:$0x1] =	stream.linear.gather [spmem:s24], $0x80, $0x38;
	[tilespmem:$0x1E888] =	vst v63  }
0x31d: {  	s26 =	sadd.s32 $0x14180, s2;
	s28 =	sadd.s32 $0x1480, s0  }
0x31e: {  	[tilespmem:s28], [sflag:$0x1] =	stream.linear.gather [spmem:s26], $0x80, $0x38;
	[tilespmem:$0x1E888] =	vst v63  }
0x31f: {  	s22 =	sadd.s32 $0x14200, s2;
	s23 =	sadd.s32 $0x1880, s0  }
0x320: {  	[tilespmem:s23], [sflag:$0x1] =	stream.linear.gather [spmem:s22], $0x80, $0x38;
	[tilespmem:$0x1E888] =	vst v63  }
0x321: {  	s24 =	sadd.s32 $0x14280, s2;
	s25 =	sadd.s32 $0x1C80, s0  }
0x322: {  	[tilespmem:s25], [sflag:$0x1] =	stream.linear.gather [spmem:s24], $0x80, $0x38;
	[tilespmem:$0x1E888] =	vst v63  }
0x323: {  	s26 =	sadd.s32 $0x14300, s2;
	s28 =	sadd.s32 $0x2080, s0  }
0x324: {  	[tilespmem:s28], [sflag:$0x1] =	stream.linear.gather [spmem:s26], $0x80, $0x38;
	[tilespmem:$0x1E888] =	vst v63  }
0x325: {  	s21 =	simm.s32 $0x2800;
	s22 =	sadd.s32 $0x14380, s2;
	s23 =	sadd.s32 $0x2480, s0  }
0x326: {  	[tilespmem:s23], [sflag:$0x1] =	stream.linear.gather [spmem:s22], $0x80, $0x38;
	[tilespmem:$0x1E888] =	vst v63  }
0x327: {  	s24 =	sadd.s32 $0x14400, s2;
	s25 =	sadd.s32 $0x2880, s0;
	s26 =	simm.s32 $0x0  }
0x328: {  	[tilespmem:s25], [sflag:$0x1] =	stream.linear.gather [spmem:s24], $0x80, $0x38;
	[tilespmem:$0x1E888] =	vst v63  }
0x329: {  	s2 =	sadd.s32 $0x14480, s2;
	s0 =	sadd.s32 $0x2C80, s0;
	s28 =	smul.u32 $0xA000, s26  }
0x32a: {  	[tilespmem:s0], [sflag:$0x1] =	stream.linear.gather [spmem:s2], $0x80, $0x38;
	[tilespmem:$0x1E888] =	vst v63  }
0x32b: {  	s22 =	simm.s32 $0x500;
	s24 =	sshra.s32 s28, $0x2;
	s2 =	simm.s32 $0x80  }
0x32c: {  	s0 =	simm.s32 $0x1;
	s23 =	sand.u32 $0x380, s2;
	_ =	swait.ge [sflag:s18], $0x500  }
.LBB2_20:
0x32d: {  	s23 =	sor.u32 s23, s24  }
0x32e: {  	s22 =	sadd.s32 s22, s5;
	[sflag:s18] =	ssyncset.done $0x0;
	s24 =	smov.u32 s21  }
0x32f: {  	s25 =	sadd.s32 $0x880, s23;
	s26 =	sadd.s32 $0x14000, s22;
	[sflag:s18] =	ssyncadd.s32 $0xFFFFFB00  }
0x330: {  	[tilespmem:s25], [sflag:$0x1] =	stream.linear.gather [spmem:s26], $0x80, $0x38;
	[tilespmem:$0x1E888] =	vst v63  }
0x331: {  	s28 =	sadd.s32 $0xC80, s23;
	s25 =	sadd.s32 $0x1400, s21;
	s26 =	sadd.s32 $0x14080, s22  }
0x332: {  	[tilespmem:s28], [sflag:$0x1] =	stream.linear.gather [spmem:s26], $0x80, $0x38;
	[tilespmem:$0x1E888] =	vst v63  }
0x333: {  	p0 =	sne.s32 s21, $0x12C00;
	s21 =	sadd.s32 $0x14100, s22;
	s26 =	sadd.s32 $0x1080, s23  }
0x334: {  	[tilespmem:s26], [sflag:$0x1] =	stream.linear.gather [spmem:s21], $0x80, $0x38;
	[tilespmem:$0x1E888] =	vst v63  }
0x335: {  	s21 =	sadd.s32 $0x14180, s22;
	s26 =	sadd.s32 $0x1480, s23  }
0x336: {  	[tilespmem:s26], [sflag:$0x1] =	stream.linear.gather [spmem:s21], $0x80, $0x38;
	[tilespmem:$0x1E888] =	vst v63  }
0x337: {  	s21 =	sadd.s32 $0x14200, s22;
	s26 =	sadd.s32 $0x1880, s23  }
0x338: {  	[tilespmem:s26], [sflag:$0x1] =	stream.linear.gather [spmem:s21], $0x80, $0x38;
	[tilespmem:$0x1E888] =	vst v63  }
0x339: {  	s21 =	sadd.s32 $0x14280, s22;
	s26 =	sadd.s32 $0x1C80, s23  }
0x33a: {  	[tilespmem:s26], [sflag:$0x1] =	stream.linear.gather [spmem:s21], $0x80, $0x38;
	[tilespmem:$0x1E888] =	vst v63  }
0x33b: {  	s21 =	sadd.s32 $0x14300, s22;
	s26 =	sadd.s32 $0x2080, s23  }
0x33c: {  	[tilespmem:s26], [sflag:$0x1] =	stream.linear.gather [spmem:s21], $0x80, $0x38;
	[tilespmem:$0x1E888] =	vst v63  }
0x33d: {  	s0 =	sadd.s32 $0x1, s0;
	s21 =	sadd.s32 $0x14380, s22;
	s26 =	sadd.s32 $0x2480, s23  }
0x33e: {  	[tilespmem:s26], [sflag:$0x1] =	stream.linear.gather [spmem:s21], $0x80, $0x38;
	[tilespmem:$0x1E888] =	vst v63  }
0x33f: {  	s21 =	sadd.s32 $0x14400, s22;
	s26 =	sadd.s32 $0x2880, s23;
	s23 =	sadd.s32 $0x2C80, s23  }
0x340: {  	[tilespmem:s26], [sflag:$0x1] =	stream.linear.gather [spmem:s21], $0x80, $0x38;
	[tilespmem:$0x1E888] =	vst v63  }
.Ltmp9:
0x341: {  	s21 =	sshrl.u32 s0, $0x3;
	s26 =	sadd.s32 $0x14480, s22;
	(pc) =	sbr.rel @p0 .LBB2_20-.Ltmp9, $4  }
0x342: {  	s2 =	sadd.s32 $0x80, s2;
	s22 =	sshra.s32 s24, $0x2;
	s21 =	smul.u32 $0xA000, s21  }
0x343: {  	[tilespmem:s23], [sflag:$0x1] =	stream.linear.gather [spmem:s26], $0x80, $0x38;
	[tilespmem:$0x1E888] =	vst v63  }
0x344: {  	s23 =	sand.u32 $0x380, s2  }
0x345: {  	s24 =	sshra.s32 s21, $0x2;
	s21 =	smov.u32 s25;
	_ =	swait.ge [sflag:s18], $0x500  }
0x346: {  	s0 =	sor.u32 s23, s24;
	s2 =	sadd.s32 s22, s5;
	[sflag:s18] =	ssyncset.done $0x0  }
0x347: {  	s21 =	sadd.s32 $0x880, s0;
	s22 =	sadd.s32 $0x14000, s2;
	[sflag:s18] =	ssyncadd.s32 $0xFFFFFB00  }
0x348: {  	[tilespmem:s21], [sflag:$0x1] =	stream.linear.gather [spmem:s22], $0x80, $0x38;
	[tilespmem:$0x1E888] =	vst v63  }
0x349: {  	s23 =	sadd.s32 $0xC80, s0;
	s22 =	sadd.s32 $0x14080, s2  }
0x34a: {  	[tilespmem:s23], [sflag:$0x1] =	stream.linear.gather [spmem:s22], $0x80, $0x38;
	[tilespmem:$0x1E888] =	vst v63  }
0x34b: {  	s24 =	sadd.s32 $0x14100, s2;
	s25 =	sadd.s32 $0x1080, s0  }
0x34c: {  	[tilespmem:s25], [sflag:$0x1] =	stream.linear.gather [spmem:s24], $0x80, $0x38;
	[tilespmem:$0x1E888] =	vst v63  }
0x34d: {  	s26 =	sadd.s32 $0x14180, s2;
	s28 =	sadd.s32 $0x1480, s0  }
0x34e: {  	[tilespmem:s28], [sflag:$0x1] =	stream.linear.gather [spmem:s26], $0x80, $0x38;
	[tilespmem:$0x1E888] =	vst v63  }
0x34f: {  	s22 =	sadd.s32 $0x14200, s2;
	s23 =	sadd.s32 $0x1880, s0  }
0x350: {  	[tilespmem:s23], [sflag:$0x1] =	stream.linear.gather [spmem:s22], $0x80, $0x38;
	[tilespmem:$0x1E888] =	vst v63  }
0x351: {  	s24 =	sadd.s32 $0x14280, s2;
	s25 =	sadd.s32 $0x1C80, s0  }
0x352: {  	[tilespmem:s25], [sflag:$0x1] =	stream.linear.gather [spmem:s24], $0x80, $0x38;
	[tilespmem:$0x1E888] =	vst v63  }
0x353: {  	s26 =	sadd.s32 $0x14300, s2;
	s28 =	sadd.s32 $0x2080, s0  }
0x354: {  	[tilespmem:s28], [sflag:$0x1] =	stream.linear.gather [spmem:s26], $0x80, $0x38;
	[tilespmem:$0x1E888] =	vst v63  }
0x355: {  	s23 =	sadd.s32 $0x14380, s2;
	s24 =	sadd.s32 $0x2480, s0  }
0x356: {  	[tilespmem:s24], [sflag:$0x1] =	stream.linear.gather [spmem:s23], $0x80, $0x38;
	[tilespmem:$0x1E888] =	vst v63  }
0x357: {  	s25 =	sadd.s32 $0x14400, s2;
	s26 =	sadd.s32 $0x2880, s0  }
0x358: {  	[tilespmem:s26], [sflag:$0x1] =	stream.linear.gather [spmem:s25], $0x80, $0x38;
	[tilespmem:$0x1E888] =	vst v63  }
0x359: {  	s2 =	sadd.s32 $0x14480, s2;
	s0 =	sadd.s32 $0x2C80, s0  }
0x35a: {  	[tilespmem:s0], [sflag:$0x1] =	stream.linear.gather [spmem:s2], $0x80, $0x38;
	[tilespmem:$0x1E888] =	vst v63  }
0x35b: {  	s31 =	sadd.s32 $0x1, s31;
	_ =	swait.ge [sflag:s18], $0x500  }
0x35c: {  	p0 =	sne.s32 s31, s16;
	[sflag:s18] =	ssyncset.done $0x0  }
.Ltmp10:
0x35d: {  	s28 =	sadd.s32 s13, s15;
	[sflag:s18] =	ssyncadd.s32 $0xFFFFFB00;
	(pc) =	sbr.rel @p0 .LBB2_1-.Ltmp10, $4  }
0x35e: {  	[hbm4b:s28+s3] =	stream.linear.scatter [tilespmem:s30], [sflag:$0x1], $0x5000, $0x38;
	[tilespmem:$0x1E888] =	vst v63  }
0x35f: {  	_ =	swait.ge [sflag:s18], $0x5000  }
0x360: {  	[sflag:s18] =	ssyncset.done $0x0  }
0x361: {  	[sflag:s18] =	ssyncadd.s32 $0xFFFFB000  }
0x362: {  	_ =	sfence.sel $0x180000  }
0x363: {  	[bflag:$0x0] =	sbarrier.arrive $0xFFFF  }
0x364: {  	_ =	strace $0x90000047  }
0x365: {  	s0 =	stileid.u32;
	[bflag:$0x2] =	sbarrier.arrive $0xFFFF  }
0x366: {  	p0 =	sne.s32 s0, $0x0;
	s0 =	rddreg [dreg:$0x2]  }
0x367: {  	s0 =	sadd.s32 @!p0 $0x100000, s0  }
0x368: {  	[sflag:s0] =	ssyncadd.tile.s32 @!p0 $0x1;
	_ =	shalt  }
.Lfunc_end2:
_tile_overlayer_lowered:
.L_overlay_start_2:
0x369: {  	(tag) =	ssettag $0x2  }
0x36a: {  	s0 =	rddreg [dreg:$0x0];
	s2 =	stileid.u32  }
0x36b: {  	s1 =	rddreg [dreg:$0x1];
	p0 =	sne.s32 s2, $0x0  }
0x36c: {  	s3 =	rddreg [dreg:$0x2];
	[bflag:$0x3] =	sbarrier.arrive $0xFFFF;
	s2 =	simm.s32 @!p0 $0x1C01  }
0x36d: {  	[timem:s3], [sflag:s2] =	dma.local @!p0 [hbm:s0], s1  }
0x36e: {  	s0 =	simm.s32 @!p0 $0x1  }
0x36f: {  	_ =	swait.ge @!p0 [sflag:s0], s1  }
0x370: {  	s1 =	ssub.s32 @!p0 $0x0, s1;
	[sflag:s0] =	ssyncset.done @!p0 $0x0  }
0x371: {  	[sflag:s0] =	ssyncadd.s32 @!p0 s1  }
0x372: {  	[bflag:$0x3] =	sbarrier.arrive $0xFFFF  }
0x373: {  	_ =	shalt  }

// kernel: kernel.17.cloned.1.call-start
scs
__scs_entry_jumppad:
0x0: {  	(pc) =	sbr.rel $0x88, $3  }
0x1: {  	(tag) =	ssettag $0x0;
	lr =	simm.s32 $0x1  }
0x2: {  	[smem:$0x3F85] =	sst lr;
	_ =	strace $0xD0000000  }
0x3: {  	_ = 	snop  }
0x4: {  	_ = 	snop  }
0x5: {  	_ = 	snop  }
0x6: {  	_ = 	snop  }
0x7: {  	_ = 	snop  }
__scs_overlays_trampoline_lowered:
0x8: {  	[smem:$0x3F94] =	sst s0  }
0x9: {  	[smem:$0x3F95] =	sst s1  }
0xa: {  	[smem:$0x3F96] =	sst s2  }
0xb: {  	[smem:$0x3F97] =	sst s3  }
0xc: {  	[smem:$0x3F98] =	sst s4  }
0xd: {  	[smem:$0x3F99] =	sst s5  }
0xe: {  	[smem:$0x3F9A] =	sst s6  }
0xf: {  	[smem:$0x3F9B] =	sst s7  }
0x10: {  	[smem:$0x3F9C] =	sst s8  }
0x11: {  	[smem:$0x3F9D] =	sst s9;
	s0 =	simm.s32 @!p0 $0x0  }
0x12: {  	s1 =	sld [smem:$0x3F83];
	s0 =	simm.s32 @p0 $0x1  }
0x13: {  	[smem:$0x3F9E] =	sst s0;
	s0 =	simm.s32 @!p1 $0x0  }
0x14: {  	s2 =	sld [smem:$0x3F82];
	s0 =	simm.s32 @p1 $0x1  }
0x15: {  	[smem:$0x3F9F] =	sst s0;
	s0 =	simm.s32 @!p2 $0x0  }
0x16: {  	s3 =	sld [smem:$0x3FDB];
	s0 =	simm.s32 @p2 $0x1  }
0x17: {  	s4 =	simm.s32 $0x1BF5;
	[smem:$0x3FA1] =	sst s0  }
0x18: {  	s0 =	sld [smem:$0x3F84];
	_ =	swait.ge [sflag:s4], $0x0  }
0x19: {  	s7 =	sld [smem:$0x3F85]  }
0x1a: {  	s8 =	sadd.s32 $0xFFFFE003, lr  }
0x1b: {  	s9 =	sadd.s32 $0xFFFFFEF7, lr;
	s5 =	simm.s32 $0xFFFFFFFF;
	p2 =	slt.u32 s8, $0xFFFFF086  }
0x1c: {  	p1 =	slt.u32 s9, $0xF7A;
	s5 =	simm.s32 @!p2 $0x0  }
0x1d: {  	s5 =	simm.s32 @p1 $0x1;
	p0 =	seq.s32 s7, s2  }
0x1e: {  	s7 =	smul.u32 @!p0 $0xF7A, s2;
	p2 =	seq.s32 @!p0 s5, $0x0  }
0x1f: {  	s9 =	smul.u32 $0xF7A, s1;
	s8 =	simm.s32 @!p0 $0x1BF5;
	p2 =	por !p2, p0  }
0x20: {  	[sflag:s8] =	ssyncset.s32 @!p0 $0xFFFFF086;
	s6 =	sadd.s32 @!p0 s3, s7;
	s7 =	simm.s32 @!p0 $0x108  }
0x21: {  	s3 =	sadd.s32 s3, s9;
	s6 =	sadd.s32 @!p0 $0x88, s6;
	s7 =	simm.s32 @p2 $0x1082  }
0x22: {  	[simem:s7], [sflag:s8] =	dma.local @!p0 [hbm:s6], $0xF7A  }
0x23: {  	s9 =	sor.u32 $0xD0000000, s2;
	s6 =	simm.s32 $0x108;
	_ =	swait.ge @!p0 [sflag:s8], $0x0  }
0x24: {  	s3 =	sadd.s32 $0x88, s3;
	s6 =	simm.s32 @!p1 $0x1082;
	[sflag:s4] =	ssyncset.s32 $0xFFFFF086  }
0x25: {  	[simem:s6], [sflag:s4] =	dma.local [hbm:s3], $0xF7A  }
0x26: {  	[smem:$0x3F85] =	sst s1;
	(tag) =	ssettag s2;
	_ =	strace s9  }
0x27: {  	s1 =	sld [smem:$0x3F95]  }
0x28: {  	s2 =	sld [smem:$0x3F96]  }
0x29: {  	s4 =	sld [smem:$0x3F98]  }
0x2a: {  	p0 =	seq.s32 s5, $0x0;
	s5 =	sld [smem:$0x3F99]  }
0x2b: {  	s6 =	sld [smem:$0x3F9A]  }
0x2c: {  	s7 =	sld [smem:$0x3F9B]  }
0x2d: {  	s3 =	simm.s32 $0x108;
	s8 =	sld [smem:$0x3F9C]  }
0x2e: {  	s3 =	simm.s32 @!p0 $0x1082;
	s9 =	sld [smem:$0x3F9D]  }
0x2f: {  	lr =	sadd.s32 s0, s3;
	s0 =	sld [smem:$0x3F94]  }
0x30: {  	s3 =	sld [smem:$0x3F97]  }
0x31: {  	[smem:$0x3FA0] =	sst s10  }
0x32: {  	s10 =	sld [smem:$0x3F9E];
	_ =	sdelay $0x3  }
0x33: {  	p0 =	seq.s32 s10, $0x1;
	s10 =	sld [smem:$0x3FA0];
	_ =	sdelay $0x3  }
0x34: {  	[smem:$0x3FA0] =	sst s10  }
0x35: {  	s10 =	sld [smem:$0x3F9F];
	_ =	sdelay $0x3  }
0x36: {  	p1 =	seq.s32 s10, $0x1;
	s10 =	sld [smem:$0x3FA0];
	_ =	sdelay $0x3  }
0x37: {  	[smem:$0x3FA0] =	sst s10  }
0x38: {  	s10 =	sld [smem:$0x3FA1]  }
0x39: {  	_ = 	snop;
	(pc) =	sbr.ind lr, $3  }
0x3a: {  	_ = 	snop  }
0x3b: {  	_ = 	snop  }
0x3c: {  	p2 =	seq.s32 s10, $0x1;
	s10 =	sld [smem:$0x3FA0]  }
0x3d: {  	_ =	shalt  }
0x3e: {  	_ =	shalt  }
0x3f: {  	_ =	shalt  }
0x40: {  	_ =	shalt  }
0x41: {  	_ =	shalt  }
0x42: {  	_ =	shalt  }
0x43: {  	_ =	shalt  }
0x44: {  	_ =	shalt  }
0x45: {  	_ =	shalt  }
0x46: {  	_ =	shalt  }
0x47: {  	_ =	shalt  }
0x48: {  	_ =	shalt  }
0x49: {  	_ =	shalt  }
0x4a: {  	_ =	shalt  }
0x4b: {  	_ =	shalt  }
0x4c: {  	_ =	shalt  }
0x4d: {  	_ =	shalt  }
0x4e: {  	_ =	shalt  }
0x4f: {  	_ =	shalt  }
0x50: {  	_ =	shalt  }
0x51: {  	_ =	shalt  }
0x52: {  	_ =	shalt  }
0x53: {  	_ =	shalt  }
0x54: {  	_ =	shalt  }
0x55: {  	_ =	shalt  }
0x56: {  	_ =	shalt  }
0x57: {  	_ =	shalt  }
0x58: {  	_ =	shalt  }
0x59: {  	_ =	shalt  }
0x5a: {  	_ =	shalt  }
0x5b: {  	_ =	shalt  }
0x5c: {  	_ =	shalt  }
0x5d: {  	_ =	shalt  }
0x5e: {  	_ =	shalt  }
0x5f: {  	_ =	shalt  }
0x60: {  	_ =	shalt  }
0x61: {  	_ =	shalt  }
0x62: {  	_ =	shalt  }
0x63: {  	_ =	shalt  }
0x64: {  	_ =	shalt  }
0x65: {  	_ =	shalt  }
0x66: {  	_ =	shalt  }
0x67: {  	_ =	shalt  }
0x68: {  	_ =	shalt  }
0x69: {  	_ =	shalt  }
0x6a: {  	_ =	shalt  }
0x6b: {  	_ =	shalt  }
0x6c: {  	_ =	shalt  }
0x6d: {  	_ =	shalt  }
0x6e: {  	_ =	shalt  }
0x6f: {  	_ =	shalt  }
0x70: {  	_ =	shalt  }
0x71: {  	_ =	shalt  }
0x72: {  	_ =	shalt  }
0x73: {  	_ =	shalt  }
0x74: {  	_ =	shalt  }
0x75: {  	_ =	shalt  }
0x76: {  	_ =	shalt  }
0x77: {  	_ =	shalt  }
0x78: {  	_ =	shalt  }
0x79: {  	_ =	shalt  }
0x7a: {  	_ =	shalt  }
0x7b: {  	_ =	shalt  }
0x7c: {  	_ =	shalt  }
0x7d: {  	_ =	shalt  }
0x7e: {  	_ =	shalt  }
0x7f: {  	_ =	shalt  }
0x80: {  	_ =	shalt  }
0x81: {  	_ =	shalt  }
0x82: {  	_ =	shalt  }
0x83: {  	_ =	shalt  }
0x84: {  	_ =	shalt  }
0x85: {  	_ =	shalt  }
0x86: {  	_ =	shalt  }
0x87: {  	_ =	shalt  }
.Lfunc_end0:
.L_simem_size_0:
called_computation.1_lowered:
.L_overlay_start_0:
0x88: {  	s2 =	sld [smem:$0x3FD9]  }
0x89: {  	s3 =	sld [smem:$0x3FFE];
	_ =	sdelay $0x1  }
0x8a: {  	s1 =	srdreg.scid  }
0x8b: {  	s0 =	sand.u32 $0x1, s1  }
0x8c: {  	s17 =	sshll.u32 s0, $0xA;
	s2 =	sadd.s32 s3, s2  }
0x8d: {  	s2 =	sadd.s32 s2, s17  }
0x8e: {  	[smem:$0x3FAC] =	sst s2  }
0x8f: {  	_ = 	snop  }
0x90: {  	(tm) =	ssettm $0x1  }
0x91: {  	s18 =	sld [smem:$0x3FFB];
	_ =	sdelay $0x3  }
0x92: {  	_ =	strace s18  }
0x93: {  	s2 =	sld [smem:$0x3FFC];
	_ =	sdelay $0x3  }
0x94: {  	_ =	strace s2  }
0x95: {  	s2 =	sld [smem:$0x3FFD];
	_ =	sdelay $0x3  }
0x96: {  	_ =	strace s2  }
0x97: {  	_ =	strace $0x8FFFFFFF  }
0x98: {  	s19 =	sld [smem:$0x3FDB];
	_ =	sdelay $0x1  }
0x99: {  	s20 =	simm.s32 $_scs_section_size  }
0x9a: {  	s4 =	simm.s32 $_size__tile_overlayer_lowered;
	s5 =	simm.s32 $_tile_overlayer_lowered  }
0x9b: {  	s6 =	simm.s32 $0x1BFF;
	s21 =	sshll.u32 s5, $0x1;
	s3 =	sadd.s32 s20, s19  }
0x9c: {  	s22 =	simm.s32 $0x0;
	s4 =	sshll.u32 s4, $0x1;
	s5 =	sadd.s32 s21, s3  }
0x9d: {  	[timem:s22], [sflag:s6] =	dma.local [hbm:s5], s4  }
0x9e: {  	_ =	swait.ge [sflag:s6], s4  }
0x9f: {  	s4 =	ssub.s32 $0x0, s4;
	[sflag:s6] =	ssyncset.done $0x0  }
0xa0: {  	[sflag:s6] =	ssyncadd.s32 s4;
	_ =	sdelay $0x1  }
0xa1: {  	s23 =	simm.s32 $0x1B8B  }
0xa2: {  	_ =	swait.ge [sflag:s23], $0x1  }
0xa3: {  	[sflag:s23] =	ssyncset.done $0x0  }
0xa4: {  	[sflag:s23] =	ssyncadd.s32 $0xFFFFFFFF  }
0xa5: {  	s4 =	sld [smem:$0x0]  }
0xa6: {  	s5 =	sand.u32 $0xFFFFFFFE, s1  }
0xa7: {  	p0 =	sne.s32 s1, s5  }
0xa8: {  	s5 =	sshll.u32 @p0 s5, $0xE  }
0xa9: {  	s5 =	sadd.s32 @p0 $0x11B8D, s5;
	s6 =	sshll.u32 @p0 s4, $0x11  }
0xaa: {  	s5 =	sor.u32 @p0 s6, s5  }
0xab: {  	[sflag:s5] =	ssyncadd.remote.s32 @p0 $0x1;
	_ =	sdelay $0x1  }
0xac: {  	s5 =	simm.s32 @p0 $0x1B8D  }
0xad: {  	_ =	swait.eq @p0 [sflag:s5], $0x1  }
0xae: {  	[sflag:s5] =	ssyncadd.s32 @p0 $0xFFFFFFFF  }
0xaf: {  	s6 =	sshll.u32 @!p0 s1, $0xE  }
0xb0: {  	s6 =	sor.u32 @!p0 $0x4000, s6;
	s5 =	simm.s32 @!p0 $0x1B8D  }
0xb1: {  	s4 =	sshll.u32 @!p0 s4, $0x11;
	s6 =	sadd.s32 @!p0 $0x11B8D, s6;
	_ =	swait.eq @!p0 [sflag:s5], $0x1  }
0xb2: {  	s4 =	sor.u32 @!p0 s4, s6;
	[sflag:s5] =	ssyncadd.s32 @!p0 $0xFFFFFFFF  }
0xb3: {  	s25 =	simm.s32 $0x1B8E;
	s24 =	sld [smem:$0x3FFE];
	[sflag:s4] =	ssyncadd.remote.s32 @!p0 $0x1  }
0xb4: {  	s26 =	simm.s32 $execute0_lowered;
	[smem:$0x3FD2] =	sst s25  }
0xb5: {  	s5 =	sshll.u32 s26, $0x1;
	_ =	strace $0x80000049;
	[dreg:$0x1] =	wrdreg $0xFFFFFFFF  }
0xb6: {  	s28 =	simm.s32 $_size_execute0_lowered;
	s3 =	sadd.s32 s3, s5;
	[dreg:$0x0] =	wrdreg $0x0  }
0xb7: {  	s5 =	sshll.u32 s28, $0x1;
	[dreg:$0x2] =	wrdreg s3  }
0xb8: {  	[dreg:$0x3] =	wrdreg s5  }
0xb9: {  	[dreg:$0x4] =	wrdreg $0xC0  }
0xba: {  	_ =	task [dreg:s22], $0x5FFFF  }
0xbb: {  	[dreg:$0x1] =	wrdreg $0xFFFFFFFF  }
0xbc: {  	[dreg:$0x0] =	wrdreg $0x60  }
0xbd: {  	[dreg:$0x2] =	wrdreg s24  }
0xbe: {  	[dreg:$0x3] =	wrdreg $0x58800  }
0xbf: {  	[dreg:$0x4] =	wrdreg $0xA  }
0xc0: {  	_ =	task.clear_ibuf [dreg:s22], $0x5FFFF;
	_ =	strace $0x90000049  }
0xc1: {  	s29 =	simm.s32 $0xA;
	_ =	strace $0x8000004B  }
0xc2: {  	_ =	swait.ge [sflag:s29], $0x1  }
0xc3: {  	[sflag:s29] =	ssyncadd.s32 $0xFFFFFFFF  }
0xc4: {  	_ =	strace $0x9000004B  }
0xc5: {  	_ =	sfence  }
0xc6: {  	s30 =	sld [smem:$0x0];
	_ =	sdelay $0x2  }
0xc7: {  	s31 =	sshll.u32 s1, $0xD;
	s1 =	sshrl.u32 s1, $0x2  }
0xc8: {  	s4 =	sand.u32 $0x4000, s31;
	s1 =	sadd.s32 s1, s30  }
0xc9: {  	s0 =	sor.u32 s4, s0;
	s1 =	sshll.u32 s1, $0x11  }
0xca: {  	s0 =	sor.u32 s1, s0  }
0xcb: {  	s0 =	sadd.s32 $0x8F2B, s0  }
0xcc: {  	[sflag:s0] =	ssyncadd.remote.s32 $0x1  }
0xcd: {  	_ =	sfence.sel $0xFFFF  }
0xce: {  	[dreg:$0x0] =	wrdreg $0xFFFFFFFF;
	(pc) =	sbr.abs _section_cstart, $3  }
0xcf: {  	[dreg:$0x1] =	wrdreg $0xFFFFFFFF  }
0xd0: {  	_ =	task.clear_ibuf [dreg:s22], $0x2FFFF;
	_ =	strace $0x9FFFFFFF  }
0xd1: {  	(tm) =	ssettm $0x7FFFFFFF  }
tec
execute0_lowered:
.L_overlay_start_1:
0x0: {  	(tag) =	ssettag $0x1  }
0x1: {  	s0 =	rddreg [dreg:$0x0]  }
0x2: {  	s2 =	rddreg [dreg:$0x1];
	s1 =	srdreg.scid  }
0x3: {  	s10 =	stileid.u32;
	s3 =	simm.s32 $0x0;
	s18 =	simm.s32 $0x1  }
0x4: {  	s19 =	simm.s32 $0x80;
	s20 =	simm.s32 $0x800;
	s29 =	simm.s32 $0x480  }
0x5: {  	s30 =	simm.s32 $0x880;
	s31 =	simm.s32 $0x0;
	s1 =	sand.u32 $0x1, s1  }
0x6: {  	s5 =	sshll.u32 s10, $0x8;
	[smem:$0x7FF] =	sst s3;
	s25 =	smul.u32 $0x50, s10  }
0x7: {  	s7 =	smul.u32 $0x64000, s10;
	s28 =	sshll.u32 s10, $0x6;
	s4 =	sshll.u32 s1, $0xD  }
0x8: {  	_ =	strace $0x8000004A;
	s6 =	ssub.s32 $0x2, s1;
	s9 =	smul.u32 $0x64000, s1  }
0x9: {  	s1 =	smul.u32 $0x320000, s1;
	s4 =	sor.u32 s5, s4;
	s8 =	sshrl.u32 s6, $0x1  }
0xa: {  	s5 =	sshrl.u32 s25, $0x3;
	s26 =	sshrl.u32 s7, $0x2;
	s7 =	sor.u32 $0x1C01, s28  }
0xb: {  	s14 =	sadd.s32 s4, s0;
	s4 =	sadd.s32 $0xD800, s0;
	s0 =	sadd.s32 $0xD8A00, s0  }
0xc: {  	s16 =	ssub.s32 s6, s8;
	s5 =	smul.u32 $0x500, s5;
	s6 =	sadd.s32 s26, s2  }
0xd: {  	s1 =	sshrl.u32 s1, $0x3;
	s8 =	sadd.s32 $0x9800, s14;
	s9 =	sadd.s32 s0, s9  }
0xe: {  	s0 =	sadd.s32 s0, s1;
	s14 =	sadd.s32 $0xA800, s14;
	s16 =	smax.u32 s16, $0x1  }
0xf: {  	s17 =	sshrl.u32 s6, $0x3;
	s10 =	sadd.s32 $0xA00, s5;
	s11 =	sadd.s32 $0x1400, s5  }
0x10: {  	v0 =	vimm.f32 $1.000000000e+00;
	s12 =	sadd.s32 $0x1E00, s5;
	s13 =	sadd.s32 $0x2800, s5;
	s15 =	sadd.s32 $0x32000, s0  }
.LBB2_1:
0x11: {  	[tilespmem:$0x800] =	vst v0  }
0x12: {  	[tilespmem:$0x810] =	vst v0  }
0x13: {  	[tilespmem:$0x820] =	vst v0  }
0x14: {  	[tilespmem:$0x830] =	vst v0  }
0x15: {  	[tilespmem:$0x840] =	vst v0  }
0x16: {  	[tilespmem:$0x850] =	vst v0  }
0x17: {  	[tilespmem:$0x860] =	vst v0  }
0x18: {  	[tilespmem:$0x870] =	vst v0  }
0x19: {  	[spmem:s17], [sflag:s7] =	dma.local [hbm:s4], $0x3200  }
0x1a: {  	_ =	swait.ge [sflag:s18], $0x3200  }
0x1b: {  	[sflag:s18] =	ssyncset.done $0x0  }
0x1c: {  	[sflag:s18] =	ssyncadd.s32 $0xFFFFCE00  }
0x1d: {  	[bflag:$0x0] =	sbarrier.arrive $0xFFFF  }
0x1e: {  	[tilespmem:s3], [sflag:$0x1] =	stream.linear.gather [hbm4b:s8+s3], $0x500, $0x38;
	[tilespmem:$0x1E888] =	vst v63  }
0x1f: {  	_ =	swait.ge [sflag:s18], $0x500  }
0x20: {  	[sflag:s18] =	ssyncset.done $0x0  }
0x21: {  	[sflag:s18] =	ssyncadd.s32 $0xFFFFFB00  }
0x22: {  	[spmem:s2] =	stream.indirect.scatter.add.f32 [tilespmem:s20], [sflag:$0x1], $0x1, s3, s19, $0xb8;
	[tilespmem:$0x1E888] =	vst v63  }
0x23: {  	_ =	swait.ge [sflag:s18], $0x80  }
0x24: {  	[sflag:s18] =	ssyncset.done $0x0  }
0x25: {  	[sflag:s18] =	ssyncadd.s32 $0xFFFFFF80  }
0x26: {  	[spmem:s2] =	stream.indirect.scatter.add.f32 [tilespmem:s20], [sflag:$0x1], $0x1, s19, s19, $0xb8;
	[tilespmem:$0x1E888] =	vst v63  }
0x27: {  	_ =	swait.ge [sflag:s18], $0x80  }
0x28: {  	[sflag:s18] =	ssyncset.done $0x0  }
0x29: {  	s0 =	simm.s32 $0x100;
	[sflag:s18] =	ssyncadd.s32 $0xFFFFFF80  }
0x2a: {  	[spmem:s2] =	stream.indirect.scatter.add.f32 [tilespmem:s20], [sflag:$0x1], $0x1, s0, s19, $0xb8;
	[tilespmem:$0x1E888] =	vst v63  }
0x2b: {  	_ =	swait.ge [sflag:s18], $0x80  }
0x2c: {  	[sflag:s18] =	ssyncset.done $0x0  }
0x2d: {  	s24 =	simm.s32 $0x180;
	[sflag:s18] =	ssyncadd.s32 $0xFFFFFF80  }
0x2e: {  	[spmem:s2] =	stream.indirect.scatter.add.f32 [tilespmem:s20], [sflag:$0x1], $0x1, s24, s19, $0xb8;
	[tilespmem:$0x1E888] =	vst v63  }
0x2f: {  	_ =	swait.ge [sflag:s18], $0x80  }
0x30: {  	[sflag:s18] =	ssyncset.done $0x0  }
0x31: {  	s25 =	simm.s32 $0x200;
	[sflag:s18] =	ssyncadd.s32 $0xFFFFFF80  }
0x32: {  	[spmem:s2] =	stream.indirect.scatter.add.f32 [tilespmem:s20], [sflag:$0x1], $0x1, s25, s19, $0xb8;
	[tilespmem:$0x1E888] =	vst v63  }
0x33: {  	_ =	swait.ge [sflag:s18], $0x80  }
0x34: {  	[sflag:s18] =	ssyncset.done $0x0  }
0x35: {  	s26 =	simm.s32 $0x280;
	[sflag:s18] =	ssyncadd.s32 $0xFFFFFF80  }
0x36: {  	[spmem:s2] =	stream.indirect.scatter.add.f32 [tilespmem:s20], [sflag:$0x1], $0x1, s26, s19, $0xb8;
	[tilespmem:$0x1E888] =	vst v63  }
0x37: {  	_ =	swait.ge [sflag:s18], $0x80  }
0x38: {  	[sflag:s18] =	ssyncset.done $0x0  }
0x39: {  	s28 =	simm.s32 $0x300;
	[sflag:s18] =	ssyncadd.s32 $0xFFFFFF80  }
0x3a: {  	[spmem:s2] =	stream.indirect.scatter.add.f32 [tilespmem:s20], [sflag:$0x1], $0x1, s28, s19, $0xb8;
	[tilespmem:$0x1E888] =	vst v63  }
0x3b: {  	_ =	swait.ge [sflag:s18], $0x80  }
0x3c: {  	[sflag:s18] =	ssyncset.done $0x0  }
0x3d: {  	s1 =	simm.s32 $0x380;
	[sflag:s18] =	ssyncadd.s32 $0xFFFFFF80  }
0x3e: {  	[spmem:s2] =	stream.indirect.scatter.add.f32 [tilespmem:s20], [sflag:$0x1], $0x1, s1, s19, $0xb8;
	[tilespmem:$0x1E888] =	vst v63  }
0x3f: {  	_ =	swait.ge [sflag:s18], $0x80  }
0x40: {  	[sflag:s18] =	ssyncset.done $0x0  }
0x41: {  	s21 =	simm.s32 $0x400;
	[sflag:s18] =	ssyncadd.s32 $0xFFFFFF80  }
0x42: {  	[spmem:s2] =	stream.indirect.scatter.add.f32 [tilespmem:s20], [sflag:$0x1], $0x1, s21, s19, $0xb8;
	[tilespmem:$0x1E888] =	vst v63  }
0x43: {  	_ =	swait.ge [sflag:s18], $0x80  }
0x44: {  	s22 =	simm.s32 $0x0;
	[sflag:s18] =	ssyncset.done $0x0  }
0x45: {  	s0 =	smul.u32 $0xA000, s22;
	[sflag:s18] =	ssyncadd.s32 $0xFFFFFF80  }
0x46: {  	[spmem:s2] =	stream.indirect.scatter.add.f32 [tilespmem:s20], [sflag:$0x1], $0x1, s29, s19, $0xb8;
	[tilespmem:$0x1E888] =	vst v63  }
0x47: {  	_ =	swait.ge [sflag:s18], $0x80  }
0x48: {  	s0 =	sshra.s32 s0, $0x2;
	s1 =	sand.u32 $0x380, s3;
	[sflag:s18] =	ssyncset.done $0x0  }
0x49: {  	s1 =	sor.u32 s1, s0;
	[sflag:s18] =	ssyncadd.s32 $0xFFFFFF80  }
0x4a: {  	s0 =	sadd.s32 $0x880, s1;
	s21 =	sadd.s32 $0x0, s6;
	[bflag:$0x0] =	sbarrier.arrive $0xFFFF  }
0x4b: {  	[tilespmem:s0], [sflag:$0x1] =	stream.linear.gather [spmem:s21], $0x80, $0x38;
	[tilespmem:$0x1E888] =	vst v63  }
0x4c: {  	s22 =	sadd.s32 $0xC80, s1;
	s23 =	sadd.s32 $0x80, s21  }
0x4d: {  	[tilespmem:s22], [sflag:$0x1] =	stream.linear.gather [spmem:s23], $0x80, $0x38;
	[tilespmem:$0x1E888] =	vst v63  }
0x4e: {  	s25 =	sadd.s32 $0x1080, s1;
	s24 =	sadd.s32 $0x100, s21  }
0x4f: {  	[tilespmem:s25], [sflag:$0x1] =	stream.linear.gather [spmem:s24], $0x80, $0x38;
	[tilespmem:$0x1E888] =	vst v63  }
0x50: {  	s28 =	sadd.s32 $0x1480, s1;
	s26 =	sadd.s32 $0x180, s21  }
0x51: {  	[tilespmem:s28], [sflag:$0x1] =	stream.linear.gather [spmem:s26], $0x80, $0x38;
	[tilespmem:$0x1E888] =	vst v63  }
0x52: {  	s22 =	sadd.s32 $0x200, s21;
	s23 =	sadd.s32 $0x1880, s1  }
0x53: {  	[tilespmem:s23], [sflag:$0x1] =	stream.linear.gather [spmem:s22], $0x80, $0x38;
	[tilespmem:$0x1E888] =	vst v63  }
0x54: {  	s24 =	sadd.s32 $0x280, s21;
	s25 =	sadd.s32 $0x1C80, s1  }
0x55: {  	[tilespmem:s25], [sflag:$0x1] =	stream.linear.gather [spmem:s24], $0x80, $0x38;
	[tilespmem:$0x1E888] =	vst v63  }
0x56: {  	s26 =	sadd.s32 $0x300, s21;
	s28 =	sadd.s32 $0x2080, s1  }
0x57: {  	[tilespmem:s28], [sflag:$0x1] =	stream.linear.gather [spmem:s26], $0x80, $0x38;
	[tilespmem:$0x1E888] =	vst v63  }
0x58: {  	s0 =	simm.s32 $0x1400;
	s23 =	sadd.s32 $0x380, s21;
	s24 =	sadd.s32 $0x2480, s1  }
0x59: {  	[tilespmem:s24], [sflag:$0x1] =	stream.linear.gather [spmem:s23], $0x80, $0x38;
	[tilespmem:$0x1E888] =	vst v63  }
0x5a: {  	s25 =	sadd.s32 $0x400, s21;
	s26 =	sadd.s32 $0x2880, s1;
	s28 =	simm.s32 $0x0  }
0x5b: {  	[tilespmem:s26], [sflag:$0x1] =	stream.linear.gather [spmem:s25], $0x80, $0x38;
	[tilespmem:$0x1E888] =	vst v63  }
0x5c: {  	s21 =	sadd.s32 $0x480, s21;
	s1 =	sadd.s32 $0x2C80, s1;
	s24 =	smul.u32 $0xA000, s28  }
0x5d: {  	[tilespmem:s1], [sflag:$0x1] =	stream.linear.gather [spmem:s21], $0x80, $0x38;
	[tilespmem:$0x1E888] =	vst v63  }
0x5e: {  	s22 =	simm.s32 $0x2800;
	s24 =	sshra.s32 s24, $0x2;
	s21 =	simm.s32 $0x80  }
0x5f: {  	s1 =	simm.s32 $0x1;
	s23 =	sand.u32 $0x380, s21;
	_ =	swait.ge [sflag:s18], $0x500  }
.LBB2_2:
0x60: {  	s23 =	sor.u32 s23, s24  }
0x61: {  	s24 =	sshra.s32 s0, $0x2;
	[sflag:s18] =	ssyncset.done $0x0;
	s0 =	smov.u32 s22  }
0x62: {  	s25 =	sadd.s32 $0x880, s23;
	s24 =	sadd.s32 s24, s6;
	[sflag:s18] =	ssyncadd.s32 $0xFFFFFB00  }
0x63: {  	[tilespmem:s25], [sflag:$0x1] =	stream.linear.gather [spmem:s24], $0x80, $0x38;
	[tilespmem:$0x1E888] =	vst v63  }
0x64: {  	s28 =	sadd.s32 $0xC80, s23;
	s25 =	sadd.s32 $0x1400, s22;
	s26 =	sadd.s32 $0x80, s24  }
0x65: {  	[tilespmem:s28], [sflag:$0x1] =	stream.linear.gather [spmem:s26], $0x80, $0x38;
	[tilespmem:$0x1E888] =	vst v63  }
0x66: {  	p0 =	sne.s32 s22, $0x12C00;
	s22 =	sadd.s32 $0x100, s24;
	s26 =	sadd.s32 $0x1080, s23  }
0x67: {  	[tilespmem:s26], [sflag:$0x1] =	stream.linear.gather [spmem:s22], $0x80, $0x38;
	[tilespmem:$0x1E888] =	vst v63  }
0x68: {  	s22 =	sadd.s32 $0x180, s24;
	s26 =	sadd.s32 $0x1480, s23  }
0x69: {  	[tilespmem:s26], [sflag:$0x1] =	stream.linear.gather [spmem:s22], $0x80, $0x38;
	[tilespmem:$0x1E888] =	vst v63  }
0x6a: {  	s22 =	sadd.s32 $0x200, s24;
	s26 =	sadd.s32 $0x1880, s23  }
0x6b: {  	[tilespmem:s26], [sflag:$0x1] =	stream.linear.gather [spmem:s22], $0x80, $0x38;
	[tilespmem:$0x1E888] =	vst v63  }
0x6c: {  	s22 =	sadd.s32 $0x280, s24;
	s26 =	sadd.s32 $0x1C80, s23  }
0x6d: {  	[tilespmem:s26], [sflag:$0x1] =	stream.linear.gather [spmem:s22], $0x80, $0x38;
	[tilespmem:$0x1E888] =	vst v63  }
0x6e: {  	s22 =	sadd.s32 $0x300, s24;
	s26 =	sadd.s32 $0x2080, s23  }
0x6f: {  	[tilespmem:s26], [sflag:$0x1] =	stream.linear.gather [spmem:s22], $0x80, $0x38;
	[tilespmem:$0x1E888] =	vst v63  }
0x70: {  	s1 =	sadd.s32 $0x1, s1;
	s22 =	sadd.s32 $0x380, s24;
	s26 =	sadd.s32 $0x2480, s23  }
0x71: {  	[tilespmem:s26], [sflag:$0x1] =	stream.linear.gather [spmem:s22], $0x80, $0x38;
	[tilespmem:$0x1E888] =	vst v63  }
0x72: {  	s22 =	sadd.s32 $0x400, s24;
	s26 =	sadd.s32 $0x2880, s23;
	s24 =	sadd.s32 $0x480, s24  }
0x73: {  	[tilespmem:s26], [sflag:$0x1] =	stream.linear.gather [spmem:s22], $0x80, $0x38;
	[tilespmem:$0x1E888] =	vst v63  }
.Ltmp0:
0x74: {  	s23 =	sadd.s32 $0x2C80, s23;
	s22 =	sshrl.u32 s1, $0x3;
	(pc) =	sbr.rel @p0 .LBB2_2-.Ltmp0, $4  }
0x75: {  	s21 =	sadd.s32 $0x80, s21;
	s22 =	smul.u32 $0xA000, s22  }
0x76: {  	[tilespmem:s23], [sflag:$0x1] =	stream.linear.gather [spmem:s24], $0x80, $0x38;
	[tilespmem:$0x1E888] =	vst v63  }
0x77: {  	s23 =	sand.u32 $0x380, s21  }
0x78: {  	s24 =	sshra.s32 s22, $0x2;
	s22 =	smov.u32 s25;
	_ =	swait.ge [sflag:s18], $0x500  }
0x79: {  	s1 =	sor.u32 s23, s24;
	s0 =	sshra.s32 s0, $0x2;
	[sflag:s18] =	ssyncset.done $0x0  }
0x7a: {  	s21 =	sadd.s32 $0x880, s1;
	s0 =	sadd.s32 s0, s6;
	[sflag:s18] =	ssyncadd.s32 $0xFFFFFB00  }
0x7b: {  	[tilespmem:s21], [sflag:$0x1] =	stream.linear.gather [spmem:s0], $0x80, $0x38;
	[tilespmem:$0x1E888] =	vst v63  }
0x7c: {  	s22 =	sadd.s32 $0xC80, s1;
	s25 =	sadd.s32 $0x80, s0  }
0x7d: {  	[tilespmem:s22], [sflag:$0x1] =	stream.linear.gather [spmem:s25], $0x80, $0x38;
	[tilespmem:$0x1E888] =	vst v63  }
0x7e: {  	s28 =	sadd.s32 $0x1080, s1;
	s26 =	sadd.s32 $0x100, s0  }
0x7f: {  	[tilespmem:s28], [sflag:$0x1] =	stream.linear.gather [spmem:s26], $0x80, $0x38;
	[tilespmem:$0x1E888] =	vst v63  }
0x80: {  	s23 =	sadd.s32 $0x1480, s1;
	s22 =	sadd.s32 $0x180, s0  }
0x81: {  	[tilespmem:s23], [sflag:$0x1] =	stream.linear.gather [spmem:s22], $0x80, $0x38;
	[tilespmem:$0x1E888] =	vst v63  }
0x82: {  	s24 =	sadd.s32 $0x200, s0;
	s25 =	sadd.s32 $0x1880, s1  }
0x83: {  	[tilespmem:s25], [sflag:$0x1] =	stream.linear.gather [spmem:s24], $0x80, $0x38;
	[tilespmem:$0x1E888] =	vst v63  }
0x84: {  	s26 =	sadd.s32 $0x280, s0;
	s28 =	sadd.s32 $0x1C80, s1  }
0x85: {  	[tilespmem:s28], [sflag:$0x1] =	stream.linear.gather [spmem:s26], $0x80, $0x38;
	[tilespmem:$0x1E888] =	vst v63  }
0x86: {  	s22 =	sadd.s32 $0x300, s0;
	s23 =	sadd.s32 $0x2080, s1  }
0x87: {  	[tilespmem:s23], [sflag:$0x1] =	stream.linear.gather [spmem:s22], $0x80, $0x38;
	[tilespmem:$0x1E888] =	vst v63  }
0x88: {  	s24 =	sadd.s32 $0x380, s0;
	s25 =	sadd.s32 $0x2480, s1  }
0x89: {  	[tilespmem:s25], [sflag:$0x1] =	stream.linear.gather [spmem:s24], $0x80, $0x38;
	[tilespmem:$0x1E888] =	vst v63  }
0x8a: {  	s26 =	sadd.s32 $0x400, s0;
	s28 =	sadd.s32 $0x2880, s1  }
0x8b: {  	[tilespmem:s28], [sflag:$0x1] =	stream.linear.gather [spmem:s26], $0x80, $0x38;
	[tilespmem:$0x1E888] =	vst v63  }
0x8c: {  	s0 =	sadd.s32 $0x480, s0;
	s1 =	sadd.s32 $0x2C80, s1  }
0x8d: {  	[tilespmem:s1], [sflag:$0x1] =	stream.linear.gather [spmem:s0], $0x80, $0x38;
	[tilespmem:$0x1E888] =	vst v63  }
0x8e: {  	_ =	swait.ge [sflag:s18], $0x500  }
0x8f: {  	s22 =	simm.s32 $0x0;
	s23 =	sadd.s32 s5, s9;
	[sflag:s18] =	ssyncset.done $0x0  }
0x90: {  	s24 =	simm.s32 $0x0;
	s0 =	smul.u32 $0xA000, s22;
	[sflag:s18] =	ssyncadd.s32 $0xFFFFFB00  }
0x91: {  	[hbm4b:s23+s24] =	stream.linear.scatter [tilespmem:s30], [sflag:$0x1], $0x5000, $0x38;
	[tilespmem:$0x1E888] =	vst v63  }
0x92: {  	s25 =	sand.u32 $0x380, s24;
	s0 =	sshra.s32 s0, $0x2;
	_ =	swait.ge [sflag:s18], $0x5000  }
0x93: {  	s1 =	sadd.s32 $0x0, s6;
	s0 =	sor.u32 s25, s0;
	[sflag:s18] =	ssyncset.done $0x0  }
0x94: {  	s28 =	sadd.s32 $0x5000, s1;
	s26 =	sadd.s32 $0x880, s0;
	[sflag:s18] =	ssyncadd.s32 $0xFFFFB000  }
0x95: {  	[tilespmem:s26], [sflag:$0x1] =	stream.linear.gather [spmem:s28], $0x80, $0x38;
	[tilespmem:$0x1E888] =	vst v63  }
0x96: {  	s22 =	sadd.s32 $0x5080, s1;
	s23 =	sadd.s32 $0xC80, s0  }
0x97: {  	[tilespmem:s23], [sflag:$0x1] =	stream.linear.gather [spmem:s22], $0x80, $0x38;
	[tilespmem:$0x1E888] =	vst v63  }
0x98: {  	s24 =	sadd.s32 $0x5100, s1;
	s25 =	sadd.s32 $0x1080, s0  }
0x99: {  	[tilespmem:s25], [sflag:$0x1] =	stream.linear.gather [spmem:s24], $0x80, $0x38;
	[tilespmem:$0x1E888] =	vst v63  }
0x9a: {  	s26 =	sadd.s32 $0x5180, s1;
	s28 =	sadd.s32 $0x1480, s0  }
0x9b: {  	[tilespmem:s28], [sflag:$0x1] =	stream.linear.gather [spmem:s26], $0x80, $0x38;
	[tilespmem:$0x1E888] =	vst v63  }
0x9c: {  	s22 =	sadd.s32 $0x5200, s1;
	s23 =	sadd.s32 $0x1880, s0  }
0x9d: {  	[tilespmem:s23], [sflag:$0x1] =	stream.linear.gather [spmem:s22], $0x80, $0x38;
	[tilespmem:$0x1E888] =	vst v63  }
0x9e: {  	s24 =	sadd.s32 $0x5280, s1;
	s25 =	sadd.s32 $0x1C80, s0  }
0x9f: {  	[tilespmem:s25], [sflag:$0x1] =	stream.linear.gather [spmem:s24], $0x80, $0x38;
	[tilespmem:$0x1E888] =	vst v63  }
0xa0: {  	s26 =	sadd.s32 $0x5300, s1;
	s28 =	sadd.s32 $0x2080, s0  }
0xa1: {  	[tilespmem:s28], [sflag:$0x1] =	stream.linear.gather [spmem:s26], $0x80, $0x38;
	[tilespmem:$0x1E888] =	vst v63  }
0xa2: {  	s21 =	simm.s32 $0x2800;
	s22 =	sadd.s32 $0x5380, s1;
	s23 =	sadd.s32 $0x2480, s0  }
0xa3: {  	[tilespmem:s23], [sflag:$0x1] =	stream.linear.gather [spmem:s22], $0x80, $0x38;
	[tilespmem:$0x1E888] =	vst v63  }
0xa4: {  	s24 =	sadd.s32 $0x5400, s1;
	s25 =	sadd.s32 $0x2880, s0;
	s26 =	simm.s32 $0x0  }
0xa5: {  	[tilespmem:s25], [sflag:$0x1] =	stream.linear.gather [spmem:s24], $0x80, $0x38;
	[tilespmem:$0x1E888] =	vst v63  }
0xa6: {  	s1 =	sadd.s32 $0x5480, s1;
	s0 =	sadd.s32 $0x2C80, s0;
	s28 =	smul.u32 $0xA000, s26  }
0xa7: {  	[tilespmem:s0], [sflag:$0x1] =	stream.linear.gather [spmem:s1], $0x80, $0x38;
	[tilespmem:$0x1E888] =	vst v63  }
0xa8: {  	s22 =	simm.s32 $0x500;
	s24 =	sshra.s32 s28, $0x2;
	s1 =	simm.s32 $0x80  }
0xa9: {  	s0 =	simm.s32 $0x1;
	s23 =	sand.u32 $0x380, s1;
	_ =	swait.ge [sflag:s18], $0x500  }
.LBB2_4:
0xaa: {  	s23 =	sor.u32 s23, s24  }
0xab: {  	s22 =	sadd.s32 s22, s6;
	[sflag:s18] =	ssyncset.done $0x0;
	s24 =	smov.u32 s21  }
0xac: {  	s25 =	sadd.s32 $0x880, s23;
	s26 =	sadd.s32 $0x5000, s22;
	[sflag:s18] =	ssyncadd.s32 $0xFFFFFB00  }
0xad: {  	[tilespmem:s25], [sflag:$0x1] =	stream.linear.gather [spmem:s26], $0x80, $0x38;
	[tilespmem:$0x1E888] =	vst v63  }
0xae: {  	s28 =	sadd.s32 $0xC80, s23;
	s25 =	sadd.s32 $0x1400, s21;
	s26 =	sadd.s32 $0x5080, s22  }
0xaf: {  	[tilespmem:s28], [sflag:$0x1] =	stream.linear.gather [spmem:s26], $0x80, $0x38;
	[tilespmem:$0x1E888] =	vst v63  }
0xb0: {  	p0 =	sne.s32 s21, $0x12C00;
	s21 =	sadd.s32 $0x5100, s22;
	s26 =	sadd.s32 $0x1080, s23  }
0xb1: {  	[tilespmem:s26], [sflag:$0x1] =	stream.linear.gather [spmem:s21], $0x80, $0x38;
	[tilespmem:$0x1E888] =	vst v63  }
0xb2: {  	s21 =	sadd.s32 $0x5180, s22;
	s26 =	sadd.s32 $0x1480, s23  }
0xb3: {  	[tilespmem:s26], [sflag:$0x1] =	stream.linear.gather [spmem:s21], $0x80, $0x38;
	[tilespmem:$0x1E888] =	vst v63  }
0xb4: {  	s21 =	sadd.s32 $0x5200, s22;
	s26 =	sadd.s32 $0x1880, s23  }
0xb5: {  	[tilespmem:s26], [sflag:$0x1] =	stream.linear.gather [spmem:s21], $0x80, $0x38;
	[tilespmem:$0x1E888] =	vst v63  }
0xb6: {  	s21 =	sadd.s32 $0x5280, s22;
	s26 =	sadd.s32 $0x1C80, s23  }
0xb7: {  	[tilespmem:s26], [sflag:$0x1] =	stream.linear.gather [spmem:s21], $0x80, $0x38;
	[tilespmem:$0x1E888] =	vst v63  }
0xb8: {  	s21 =	sadd.s32 $0x5300, s22;
	s26 =	sadd.s32 $0x2080, s23  }
0xb9: {  	[tilespmem:s26], [sflag:$0x1] =	stream.linear.gather [spmem:s21], $0x80, $0x38;
	[tilespmem:$0x1E888] =	vst v63  }
0xba: {  	s0 =	sadd.s32 $0x1, s0;
	s21 =	sadd.s32 $0x5380, s22;
	s26 =	sadd.s32 $0x2480, s23  }
0xbb: {  	[tilespmem:s26], [sflag:$0x1] =	stream.linear.gather [spmem:s21], $0x80, $0x38;
	[tilespmem:$0x1E888] =	vst v63  }
0xbc: {  	s21 =	sadd.s32 $0x5400, s22;
	s26 =	sadd.s32 $0x2880, s23;
	s23 =	sadd.s32 $0x2C80, s23  }
0xbd: {  	[tilespmem:s26], [sflag:$0x1] =	stream.linear.gather [spmem:s21], $0x80, $0x38;
	[tilespmem:$0x1E888] =	vst v63  }
.Ltmp1:
0xbe: {  	s21 =	sshrl.u32 s0, $0x3;
	s26 =	sadd.s32 $0x5480, s22;
	(pc) =	sbr.rel @p0 .LBB2_4-.Ltmp1, $4  }
0xbf: {  	s1 =	sadd.s32 $0x80, s1;
	s22 =	sshra.s32 s24, $0x2;
	s21 =	smul.u32 $0xA000, s21  }
0xc0: {  	[tilespmem:s23], [sflag:$0x1] =	stream.linear.gather [spmem:s26], $0x80, $0x38;
	[tilespmem:$0x1E888] =	vst v63  }
0xc1: {  	s23 =	sand.u32 $0x380, s1  }
0xc2: {  	s24 =	sshra.s32 s21, $0x2;
	s21 =	smov.u32 s25;
	_ =	swait.ge [sflag:s18], $0x500  }
0xc3: {  	s0 =	sor.u32 s23, s24;
	s1 =	sadd.s32 s22, s6;
	[sflag:s18] =	ssyncset.done $0x0  }
0xc4: {  	s21 =	sadd.s32 $0x880, s0;
	s22 =	sadd.s32 $0x5000, s1;
	[sflag:s18] =	ssyncadd.s32 $0xFFFFFB00  }
0xc5: {  	[tilespmem:s21], [sflag:$0x1] =	stream.linear.gather [spmem:s22], $0x80, $0x38;
	[tilespmem:$0x1E888] =	vst v63  }
0xc6: {  	s24 =	sadd.s32 $0x5080, s1;
	s25 =	sadd.s32 $0xC80, s0  }
0xc7: {  	[tilespmem:s25], [sflag:$0x1] =	stream.linear.gather [spmem:s24], $0x80, $0x38;
	[tilespmem:$0x1E888] =	vst v63  }
0xc8: {  	s26 =	sadd.s32 $0x5100, s1;
	s28 =	sadd.s32 $0x1080, s0  }
0xc9: {  	[tilespmem:s28], [sflag:$0x1] =	stream.linear.gather [spmem:s26], $0x80, $0x38;
	[tilespmem:$0x1E888] =	vst v63  }
0xca: {  	s23 =	sadd.s32 $0x1480, s0;
	s22 =	sadd.s32 $0x5180, s1  }
0xcb: {  	[tilespmem:s23], [sflag:$0x1] =	stream.linear.gather [spmem:s22], $0x80, $0x38;
	[tilespmem:$0x1E888] =	vst v63  }
0xcc: {  	s24 =	sadd.s32 $0x5200, s1;
	s25 =	sadd.s32 $0x1880, s0  }
0xcd: {  	[tilespmem:s25], [sflag:$0x1] =	stream.linear.gather [spmem:s24], $0x80, $0x38;
	[tilespmem:$0x1E888] =	vst v63  }
0xce: {  	s26 =	sadd.s32 $0x5280, s1;
	s28 =	sadd.s32 $0x1C80, s0  }
0xcf: {  	[tilespmem:s28], [sflag:$0x1] =	stream.linear.gather [spmem:s26], $0x80, $0x38;
	[tilespmem:$0x1E888] =	vst v63  }
0xd0: {  	s22 =	sadd.s32 $0x5300, s1;
	s23 =	sadd.s32 $0x2080, s0  }
0xd1: {  	[tilespmem:s23], [sflag:$0x1] =	stream.linear.gather [spmem:s22], $0x80, $0x38;
	[tilespmem:$0x1E888] =	vst v63  }
0xd2: {  	s24 =	sadd.s32 $0x5380, s1;
	s25 =	sadd.s32 $0x2480, s0  }
0xd3: {  	[tilespmem:s25], [sflag:$0x1] =	stream.linear.gather [spmem:s24], $0x80, $0x38;
	[tilespmem:$0x1E888] =	vst v63  }
0xd4: {  	s26 =	sadd.s32 $0x5400, s1;
	s28 =	sadd.s32 $0x2880, s0  }
0xd5: {  	[tilespmem:s28], [sflag:$0x1] =	stream.linear.gather [spmem:s26], $0x80, $0x38;
	[tilespmem:$0x1E888] =	vst v63  }
0xd6: {  	s1 =	sadd.s32 $0x5480, s1;
	s0 =	sadd.s32 $0x2C80, s0  }
0xd7: {  	[tilespmem:s0], [sflag:$0x1] =	stream.linear.gather [spmem:s1], $0x80, $0x38;
	[tilespmem:$0x1E888] =	vst v63  }
0xd8: {  	_ =	swait.ge [sflag:s18], $0x500  }
0xd9: {  	s22 =	simm.s32 $0x0;
	s23 =	sadd.s32 s10, s9;
	[sflag:s18] =	ssyncset.done $0x0  }
0xda: {  	s24 =	simm.s32 $0x0;
	s0 =	smul.u32 $0xA000, s22;
	[sflag:s18] =	ssyncadd.s32 $0xFFFFFB00  }
0xdb: {  	[hbm4b:s23+s24] =	stream.linear.scatter [tilespmem:s30], [sflag:$0x1], $0x5000, $0x38;
	[tilespmem:$0x1E888] =	vst v63  }
0xdc: {  	s25 =	sand.u32 $0x380, s24;
	s0 =	sshra.s32 s0, $0x2;
	_ =	swait.ge [sflag:s18], $0x5000  }
0xdd: {  	s1 =	sadd.s32 $0x0, s6;
	s0 =	sor.u32 s25, s0;
	[sflag:s18] =	ssyncset.done $0x0  }
0xde: {  	s28 =	sadd.s32 $0xA000, s1;
	s26 =	sadd.s32 $0x880, s0;
	[sflag:s18] =	ssyncadd.s32 $0xFFFFB000  }
0xdf: {  	[tilespmem:s26], [sflag:$0x1] =	stream.linear.gather [spmem:s28], $0x80, $0x38;
	[tilespmem:$0x1E888] =	vst v63  }
0xe0: {  	s22 =	sadd.s32 $0xA080, s1;
	s23 =	sadd.s32 $0xC80, s0  }
0xe1: {  	[tilespmem:s23], [sflag:$0x1] =	stream.linear.gather [spmem:s22], $0x80, $0x38;
	[tilespmem:$0x1E888] =	vst v63  }
0xe2: {  	s24 =	sadd.s32 $0xA100, s1;
	s25 =	sadd.s32 $0x1080, s0  }
0xe3: {  	[tilespmem:s25], [sflag:$0x1] =	stream.linear.gather [spmem:s24], $0x80, $0x38;
	[tilespmem:$0x1E888] =	vst v63  }
0xe4: {  	s26 =	sadd.s32 $0xA180, s1;
	s28 =	sadd.s32 $0x1480, s0  }
0xe5: {  	[tilespmem:s28], [sflag:$0x1] =	stream.linear.gather [spmem:s26], $0x80, $0x38;
	[tilespmem:$0x1E888] =	vst v63  }
0xe6: {  	s22 =	sadd.s32 $0xA200, s1;
	s23 =	sadd.s32 $0x1880, s0  }
0xe7: {  	[tilespmem:s23], [sflag:$0x1] =	stream.linear.gather [spmem:s22], $0x80, $0x38;
	[tilespmem:$0x1E888] =	vst v63  }
0xe8: {  	s24 =	sadd.s32 $0xA280, s1;
	s25 =	sadd.s32 $0x1C80, s0  }
0xe9: {  	[tilespmem:s25], [sflag:$0x1] =	stream.linear.gather [spmem:s24], $0x80, $0x38;
	[tilespmem:$0x1E888] =	vst v63  }
0xea: {  	s26 =	sadd.s32 $0xA300, s1;
	s28 =	sadd.s32 $0x2080, s0  }
0xeb: {  	[tilespmem:s28], [sflag:$0x1] =	stream.linear.gather [spmem:s26], $0x80, $0x38;
	[tilespmem:$0x1E888] =	vst v63  }
0xec: {  	s21 =	simm.s32 $0x2800;
	s22 =	sadd.s32 $0xA380, s1;
	s23 =	sadd.s32 $0x2480, s0  }
0xed: {  	[tilespmem:s23], [sflag:$0x1] =	stream.linear.gather [spmem:s22], $0x80, $0x38;
	[tilespmem:$0x1E888] =	vst v63  }
0xee: {  	s24 =	sadd.s32 $0xA400, s1;
	s25 =	sadd.s32 $0x2880, s0;
	s26 =	simm.s32 $0x0  }
0xef: {  	[tilespmem:s25], [sflag:$0x1] =	stream.linear.gather [spmem:s24], $0x80, $0x38;
	[tilespmem:$0x1E888] =	vst v63  }
0xf0: {  	s1 =	sadd.s32 $0xA480, s1;
	s0 =	sadd.s32 $0x2C80, s0;
	s28 =	smul.u32 $0xA000, s26  }
0xf1: {  	[tilespmem:s0], [sflag:$0x1] =	stream.linear.gather [spmem:s1], $0x80, $0x38;
	[tilespmem:$0x1E888] =	vst v63  }
0xf2: {  	s22 =	simm.s32 $0x500;
	s24 =	sshra.s32 s28, $0x2;
	s1 =	simm.s32 $0x80  }
0xf3: {  	s0 =	simm.s32 $0x1;
	s23 =	sand.u32 $0x380, s1;
	_ =	swait.ge [sflag:s18], $0x500  }
.LBB2_6:
0xf4: {  	s23 =	sor.u32 s23, s24  }
0xf5: {  	s22 =	sadd.s32 s22, s6;
	[sflag:s18] =	ssyncset.done $0x0;
	s24 =	smov.u32 s21  }
0xf6: {  	s25 =	sadd.s32 $0x880, s23;
	s26 =	sadd.s32 $0xA000, s22;
	[sflag:s18] =	ssyncadd.s32 $0xFFFFFB00  }
0xf7: {  	[tilespmem:s25], [sflag:$0x1] =	stream.linear.gather [spmem:s26], $0x80, $0x38;
	[tilespmem:$0x1E888] =	vst v63  }
0xf8: {  	s28 =	sadd.s32 $0xC80, s23;
	s25 =	sadd.s32 $0x1400, s21;
	s26 =	sadd.s32 $0xA080, s22  }
0xf9: {  	[tilespmem:s28], [sflag:$0x1] =	stream.linear.gather [spmem:s26], $0x80, $0x38;
	[tilespmem:$0x1E888] =	vst v63  }
0xfa: {  	p0 =	sne.s32 s21, $0x12C00;
	s21 =	sadd.s32 $0xA100, s22;
	s26 =	sadd.s32 $0x1080, s23  }
0xfb: {  	[tilespmem:s26], [sflag:$0x1] =	stream.linear.gather [spmem:s21], $0x80, $0x38;
	[tilespmem:$0x1E888] =	vst v63  }
0xfc: {  	s21 =	sadd.s32 $0xA180, s22;
	s26 =	sadd.s32 $0x1480, s23  }
0xfd: {  	[tilespmem:s26], [sflag:$0x1] =	stream.linear.gather [spmem:s21], $0x80, $0x38;
	[tilespmem:$0x1E888] =	vst v63  }
0xfe: {  	s21 =	sadd.s32 $0xA200, s22;
	s26 =	sadd.s32 $0x1880, s23  }
0xff: {  	[tilespmem:s26], [sflag:$0x1] =	stream.linear.gather [spmem:s21], $0x80, $0x38;
	[tilespmem:$0x1E888] =	vst v63  }
0x100: {  	s21 =	sadd.s32 $0xA280, s22;
	s26 =	sadd.s32 $0x1C80, s23  }
0x101: {  	[tilespmem:s26], [sflag:$0x1] =	stream.linear.gather [spmem:s21], $0x80, $0x38;
	[tilespmem:$0x1E888] =	vst v63  }
0x102: {  	s21 =	sadd.s32 $0xA300, s22;
	s26 =	sadd.s32 $0x2080, s23  }
0x103: {  	[tilespmem:s26], [sflag:$0x1] =	stream.linear.gather [spmem:s21], $0x80, $0x38;
	[tilespmem:$0x1E888] =	vst v63  }
0x104: {  	s0 =	sadd.s32 $0x1, s0;
	s21 =	sadd.s32 $0xA380, s22;
	s26 =	sadd.s32 $0x2480, s23  }
0x105: {  	[tilespmem:s26], [sflag:$0x1] =	stream.linear.gather [spmem:s21], $0x80, $0x38;
	[tilespmem:$0x1E888] =	vst v63  }
0x106: {  	s21 =	sadd.s32 $0xA400, s22;
	s26 =	sadd.s32 $0x2880, s23;
	s23 =	sadd.s32 $0x2C80, s23  }
0x107: {  	[tilespmem:s26], [sflag:$0x1] =	stream.linear.gather [spmem:s21], $0x80, $0x38;
	[tilespmem:$0x1E888] =	vst v63  }
.Ltmp2:
0x108: {  	s21 =	sshrl.u32 s0, $0x3;
	s26 =	sadd.s32 $0xA480, s22;
	(pc) =	sbr.rel @p0 .LBB2_6-.Ltmp2, $4  }
0x109: {  	s1 =	sadd.s32 $0x80, s1;
	s22 =	sshra.s32 s24, $0x2;
	s21 =	smul.u32 $0xA000, s21  }
0x10a: {  	[tilespmem:s23], [sflag:$0x1] =	stream.linear.gather [spmem:s26], $0x80, $0x38;
	[tilespmem:$0x1E888] =	vst v63  }
0x10b: {  	s23 =	sand.u32 $0x380, s1  }
0x10c: {  	s24 =	sshra.s32 s21, $0x2;
	s21 =	smov.u32 s25;
	_ =	swait.ge [sflag:s18], $0x500  }
0x10d: {  	s0 =	sor.u32 s23, s24;
	s1 =	sadd.s32 s22, s6;
	[sflag:s18] =	ssyncset.done $0x0  }
0x10e: {  	s21 =	sadd.s32 $0x880, s0;
	s22 =	sadd.s32 $0xA000, s1;
	[sflag:s18] =	ssyncadd.s32 $0xFFFFFB00  }
0x10f: {  	[tilespmem:s21], [sflag:$0x1] =	stream.linear.gather [spmem:s22], $0x80, $0x38;
	[tilespmem:$0x1E888] =	vst v63  }
0x110: {  	s24 =	sadd.s32 $0xA080, s1;
	s25 =	sadd.s32 $0xC80, s0  }
0x111: {  	[tilespmem:s25], [sflag:$0x1] =	stream.linear.gather [spmem:s24], $0x80, $0x38;
	[tilespmem:$0x1E888] =	vst v63  }
0x112: {  	s26 =	sadd.s32 $0xA100, s1;
	s28 =	sadd.s32 $0x1080, s0  }
0x113: {  	[tilespmem:s28], [sflag:$0x1] =	stream.linear.gather [spmem:s26], $0x80, $0x38;
	[tilespmem:$0x1E888] =	vst v63  }
0x114: {  	s23 =	sadd.s32 $0x1480, s0;
	s22 =	sadd.s32 $0xA180, s1  }
0x115: {  	[tilespmem:s23], [sflag:$0x1] =	stream.linear.gather [spmem:s22], $0x80, $0x38;
	[tilespmem:$0x1E888] =	vst v63  }
0x116: {  	s24 =	sadd.s32 $0xA200, s1;
	s25 =	sadd.s32 $0x1880, s0  }
0x117: {  	[tilespmem:s25], [sflag:$0x1] =	stream.linear.gather [spmem:s24], $0x80, $0x38;
	[tilespmem:$0x1E888] =	vst v63  }
0x118: {  	s26 =	sadd.s32 $0xA280, s1;
	s28 =	sadd.s32 $0x1C80, s0  }
0x119: {  	[tilespmem:s28], [sflag:$0x1] =	stream.linear.gather [spmem:s26], $0x80, $0x38;
	[tilespmem:$0x1E888] =	vst v63  }
0x11a: {  	s22 =	sadd.s32 $0xA300, s1;
	s23 =	sadd.s32 $0x2080, s0  }
0x11b: {  	[tilespmem:s23], [sflag:$0x1] =	stream.linear.gather [spmem:s22], $0x80, $0x38;
	[tilespmem:$0x1E888] =	vst v63  }
0x11c: {  	s24 =	sadd.s32 $0xA380, s1;
	s25 =	sadd.s32 $0x2480, s0  }
0x11d: {  	[tilespmem:s25], [sflag:$0x1] =	stream.linear.gather [spmem:s24], $0x80, $0x38;
	[tilespmem:$0x1E888] =	vst v63  }
0x11e: {  	s26 =	sadd.s32 $0xA400, s1;
	s28 =	sadd.s32 $0x2880, s0  }
0x11f: {  	[tilespmem:s28], [sflag:$0x1] =	stream.linear.gather [spmem:s26], $0x80, $0x38;
	[tilespmem:$0x1E888] =	vst v63  }
0x120: {  	s1 =	sadd.s32 $0xA480, s1;
	s0 =	sadd.s32 $0x2C80, s0  }
0x121: {  	[tilespmem:s0], [sflag:$0x1] =	stream.linear.gather [spmem:s1], $0x80, $0x38;
	[tilespmem:$0x1E888] =	vst v63  }
0x122: {  	_ =	swait.ge [sflag:s18], $0x500  }
0x123: {  	s22 =	simm.s32 $0x0;
	s23 =	sadd.s32 s11, s9;
	[sflag:s18] =	ssyncset.done $0x0  }
0x124: {  	s24 =	simm.s32 $0x0;
	s0 =	smul.u32 $0xA000, s22;
	[sflag:s18] =	ssyncadd.s32 $0xFFFFFB00  }
0x125: {  	[hbm4b:s23+s24] =	stream.linear.scatter [tilespmem:s30], [sflag:$0x1], $0x5000, $0x38;
	[tilespmem:$0x1E888] =	vst v63  }
0x126: {  	s25 =	sand.u32 $0x380, s24;
	s0 =	sshra.s32 s0, $0x2;
	_ =	swait.ge [sflag:s18], $0x5000  }
0x127: {  	s1 =	sadd.s32 $0x0, s6;
	s0 =	sor.u32 s25, s0;
	[sflag:s18] =	ssyncset.done $0x0  }
0x128: {  	s28 =	sadd.s32 $0xF000, s1;
	s26 =	sadd.s32 $0x880, s0;
	[sflag:s18] =	ssyncadd.s32 $0xFFFFB000  }
0x129: {  	[tilespmem:s26], [sflag:$0x1] =	stream.linear.gather [spmem:s28], $0x80, $0x38;
	[tilespmem:$0x1E888] =	vst v63  }
0x12a: {  	s22 =	sadd.s32 $0xF080, s1;
	s23 =	sadd.s32 $0xC80, s0  }
0x12b: {  	[tilespmem:s23], [sflag:$0x1] =	stream.linear.gather [spmem:s22], $0x80, $0x38;
	[tilespmem:$0x1E888] =	vst v63  }
0x12c: {  	s24 =	sadd.s32 $0xF100, s1;
	s25 =	sadd.s32 $0x1080, s0  }
0x12d: {  	[tilespmem:s25], [sflag:$0x1] =	stream.linear.gather [spmem:s24], $0x80, $0x38;
	[tilespmem:$0x1E888] =	vst v63  }
0x12e: {  	s26 =	sadd.s32 $0xF180, s1;
	s28 =	sadd.s32 $0x1480, s0  }
0x12f: {  	[tilespmem:s28], [sflag:$0x1] =	stream.linear.gather [spmem:s26], $0x80, $0x38;
	[tilespmem:$0x1E888] =	vst v63  }
0x130: {  	s22 =	sadd.s32 $0xF200, s1;
	s23 =	sadd.s32 $0x1880, s0  }
0x131: {  	[tilespmem:s23], [sflag:$0x1] =	stream.linear.gather [spmem:s22], $0x80, $0x38;
	[tilespmem:$0x1E888] =	vst v63  }
0x132: {  	s24 =	sadd.s32 $0xF280, s1;
	s25 =	sadd.s32 $0x1C80, s0  }
0x133: {  	[tilespmem:s25], [sflag:$0x1] =	stream.linear.gather [spmem:s24], $0x80, $0x38;
	[tilespmem:$0x1E888] =	vst v63  }
0x134: {  	s26 =	sadd.s32 $0xF300, s1;
	s28 =	sadd.s32 $0x2080, s0  }
0x135: {  	[tilespmem:s28], [sflag:$0x1] =	stream.linear.gather [spmem:s26], $0x80, $0x38;
	[tilespmem:$0x1E888] =	vst v63  }
0x136: {  	s21 =	simm.s32 $0x2800;
	s22 =	sadd.s32 $0xF380, s1;
	s23 =	sadd.s32 $0x2480, s0  }
0x137: {  	[tilespmem:s23], [sflag:$0x1] =	stream.linear.gather [spmem:s22], $0x80, $0x38;
	[tilespmem:$0x1E888] =	vst v63  }
0x138: {  	s24 =	sadd.s32 $0xF400, s1;
	s25 =	sadd.s32 $0x2880, s0;
	s26 =	simm.s32 $0x0  }
0x139: {  	[tilespmem:s25], [sflag:$0x1] =	stream.linear.gather [spmem:s24], $0x80, $0x38;
	[tilespmem:$0x1E888] =	vst v63  }
0x13a: {  	s1 =	sadd.s32 $0xF480, s1;
	s0 =	sadd.s32 $0x2C80, s0;
	s28 =	smul.u32 $0xA000, s26  }
0x13b: {  	[tilespmem:s0], [sflag:$0x1] =	stream.linear.gather [spmem:s1], $0x80, $0x38;
	[tilespmem:$0x1E888] =	vst v63  }
0x13c: {  	s22 =	simm.s32 $0x500;
	s24 =	sshra.s32 s28, $0x2;
	s1 =	simm.s32 $0x80  }
0x13d: {  	s0 =	simm.s32 $0x1;
	s23 =	sand.u32 $0x380, s1;
	_ =	swait.ge [sflag:s18], $0x500  }
.LBB2_8:
0x13e: {  	s23 =	sor.u32 s23, s24  }
0x13f: {  	s22 =	sadd.s32 s22, s6;
	[sflag:s18] =	ssyncset.done $0x0;
	s24 =	smov.u32 s21  }
0x140: {  	s25 =	sadd.s32 $0x880, s23;
	s26 =	sadd.s32 $0xF000, s22;
	[sflag:s18] =	ssyncadd.s32 $0xFFFFFB00  }
0x141: {  	[tilespmem:s25], [sflag:$0x1] =	stream.linear.gather [spmem:s26], $0x80, $0x38;
	[tilespmem:$0x1E888] =	vst v63  }
0x142: {  	s28 =	sadd.s32 $0xC80, s23;
	s25 =	sadd.s32 $0x1400, s21;
	s26 =	sadd.s32 $0xF080, s22  }
0x143: {  	[tilespmem:s28], [sflag:$0x1] =	stream.linear.gather [spmem:s26], $0x80, $0x38;
	[tilespmem:$0x1E888] =	vst v63  }
0x144: {  	p0 =	sne.s32 s21, $0x12C00;
	s21 =	sadd.s32 $0xF100, s22;
	s26 =	sadd.s32 $0x1080, s23  }
0x145: {  	[tilespmem:s26], [sflag:$0x1] =	stream.linear.gather [spmem:s21], $0x80, $0x38;
	[tilespmem:$0x1E888] =	vst v63  }
0x146: {  	s21 =	sadd.s32 $0xF180, s22;
	s26 =	sadd.s32 $0x1480, s23  }
0x147: {  	[tilespmem:s26], [sflag:$0x1] =	stream.linear.gather [spmem:s21], $0x80, $0x38;
	[tilespmem:$0x1E888] =	vst v63  }
0x148: {  	s21 =	sadd.s32 $0xF200, s22;
	s26 =	sadd.s32 $0x1880, s23  }
0x149: {  	[tilespmem:s26], [sflag:$0x1] =	stream.linear.gather [spmem:s21], $0x80, $0x38;
	[tilespmem:$0x1E888] =	vst v63  }
0x14a: {  	s21 =	sadd.s32 $0xF280, s22;
	s26 =	sadd.s32 $0x1C80, s23  }
0x14b: {  	[tilespmem:s26], [sflag:$0x1] =	stream.linear.gather [spmem:s21], $0x80, $0x38;
	[tilespmem:$0x1E888] =	vst v63  }
0x14c: {  	s21 =	sadd.s32 $0xF300, s22;
	s26 =	sadd.s32 $0x2080, s23  }
0x14d: {  	[tilespmem:s26], [sflag:$0x1] =	stream.linear.gather [spmem:s21], $0x80, $0x38;
	[tilespmem:$0x1E888] =	vst v63  }
0x14e: {  	s0 =	sadd.s32 $0x1, s0;
	s21 =	sadd.s32 $0xF380, s22;
	s26 =	sadd.s32 $0x2480, s23  }
0x14f: {  	[tilespmem:s26], [sflag:$0x1] =	stream.linear.gather [spmem:s21], $0x80, $0x38;
	[tilespmem:$0x1E888] =	vst v63  }
0x150: {  	s21 =	sadd.s32 $0xF400, s22;
	s26 =	sadd.s32 $0x2880, s23;
	s23 =	sadd.s32 $0x2C80, s23  }
0x151: {  	[tilespmem:s26], [sflag:$0x1] =	stream.linear.gather [spmem:s21], $0x80, $0x38;
	[tilespmem:$0x1E888] =	vst v63  }
.Ltmp3:
0x152: {  	s21 =	sshrl.u32 s0, $0x3;
	s26 =	sadd.s32 $0xF480, s22;
	(pc) =	sbr.rel @p0 .LBB2_8-.Ltmp3, $4  }
0x153: {  	s1 =	sadd.s32 $0x80, s1;
	s22 =	sshra.s32 s24, $0x2;
	s21 =	smul.u32 $0xA000, s21  }
0x154: {  	[tilespmem:s23], [sflag:$0x1] =	stream.linear.gather [spmem:s26], $0x80, $0x38;
	[tilespmem:$0x1E888] =	vst v63  }
0x155: {  	s23 =	sand.u32 $0x380, s1  }
0x156: {  	s24 =	sshra.s32 s21, $0x2;
	s21 =	smov.u32 s25;
	_ =	swait.ge [sflag:s18], $0x500  }
0x157: {  	s0 =	sor.u32 s23, s24;
	s1 =	sadd.s32 s22, s6;
	[sflag:s18] =	ssyncset.done $0x0  }
0x158: {  	s21 =	sadd.s32 $0x880, s0;
	s22 =	sadd.s32 $0xF000, s1;
	[sflag:s18] =	ssyncadd.s32 $0xFFFFFB00  }
0x159: {  	[tilespmem:s21], [sflag:$0x1] =	stream.linear.gather [spmem:s22], $0x80, $0x38;
	[tilespmem:$0x1E888] =	vst v63  }
0x15a: {  	s24 =	sadd.s32 $0xF080, s1;
	s25 =	sadd.s32 $0xC80, s0  }
0x15b: {  	[tilespmem:s25], [sflag:$0x1] =	stream.linear.gather [spmem:s24], $0x80, $0x38;
	[tilespmem:$0x1E888] =	vst v63  }
0x15c: {  	s26 =	sadd.s32 $0xF100, s1;
	s28 =	sadd.s32 $0x1080, s0  }
0x15d: {  	[tilespmem:s28], [sflag:$0x1] =	stream.linear.gather [spmem:s26], $0x80, $0x38;
	[tilespmem:$0x1E888] =	vst v63  }
0x15e: {  	s23 =	sadd.s32 $0x1480, s0;
	s22 =	sadd.s32 $0xF180, s1  }
0x15f: {  	[tilespmem:s23], [sflag:$0x1] =	stream.linear.gather [spmem:s22], $0x80, $0x38;
	[tilespmem:$0x1E888] =	vst v63  }
0x160: {  	s24 =	sadd.s32 $0xF200, s1;
	s25 =	sadd.s32 $0x1880, s0  }
0x161: {  	[tilespmem:s25], [sflag:$0x1] =	stream.linear.gather [spmem:s24], $0x80, $0x38;
	[tilespmem:$0x1E888] =	vst v63  }
0x162: {  	s26 =	sadd.s32 $0xF280, s1;
	s28 =	sadd.s32 $0x1C80, s0  }
0x163: {  	[tilespmem:s28], [sflag:$0x1] =	stream.linear.gather [spmem:s26], $0x80, $0x38;
	[tilespmem:$0x1E888] =	vst v63  }
0x164: {  	s22 =	sadd.s32 $0xF300, s1;
	s23 =	sadd.s32 $0x2080, s0  }
0x165: {  	[tilespmem:s23], [sflag:$0x1] =	stream.linear.gather [spmem:s22], $0x80, $0x38;
	[tilespmem:$0x1E888] =	vst v63  }
0x166: {  	s24 =	sadd.s32 $0xF380, s1;
	s25 =	sadd.s32 $0x2480, s0  }
0x167: {  	[tilespmem:s25], [sflag:$0x1] =	stream.linear.gather [spmem:s24], $0x80, $0x38;
	[tilespmem:$0x1E888] =	vst v63  }
0x168: {  	s26 =	sadd.s32 $0xF400, s1;
	s28 =	sadd.s32 $0x2880, s0  }
0x169: {  	[tilespmem:s28], [sflag:$0x1] =	stream.linear.gather [spmem:s26], $0x80, $0x38;
	[tilespmem:$0x1E888] =	vst v63  }
0x16a: {  	s1 =	sadd.s32 $0xF480, s1;
	s0 =	sadd.s32 $0x2C80, s0  }
0x16b: {  	[tilespmem:s0], [sflag:$0x1] =	stream.linear.gather [spmem:s1], $0x80, $0x38;
	[tilespmem:$0x1E888] =	vst v63  }
0x16c: {  	_ =	swait.ge [sflag:s18], $0x500  }
0x16d: {  	s22 =	simm.s32 $0x0;
	s23 =	sadd.s32 s12, s9;
	[sflag:s18] =	ssyncset.done $0x0  }
0x16e: {  	s24 =	simm.s32 $0x0;
	s0 =	smul.u32 $0xA000, s22;
	[sflag:s18] =	ssyncadd.s32 $0xFFFFFB00  }
0x16f: {  	[hbm4b:s23+s24] =	stream.linear.scatter [tilespmem:s30], [sflag:$0x1], $0x5000, $0x38;
	[tilespmem:$0x1E888] =	vst v63  }
0x170: {  	s25 =	sand.u32 $0x380, s24;
	s0 =	sshra.s32 s0, $0x2;
	_ =	swait.ge [sflag:s18], $0x5000  }
0x171: {  	s1 =	sadd.s32 $0x0, s6;
	s0 =	sor.u32 s25, s0;
	[sflag:s18] =	ssyncset.done $0x0  }
0x172: {  	s28 =	sadd.s32 $0x14000, s1;
	s26 =	sadd.s32 $0x880, s0;
	[sflag:s18] =	ssyncadd.s32 $0xFFFFB000  }
0x173: {  	[tilespmem:s26], [sflag:$0x1] =	stream.linear.gather [spmem:s28], $0x80, $0x38;
	[tilespmem:$0x1E888] =	vst v63  }
0x174: {  	s22 =	sadd.s32 $0x14080, s1;
	s23 =	sadd.s32 $0xC80, s0  }
0x175: {  	[tilespmem:s23], [sflag:$0x1] =	stream.linear.gather [spmem:s22], $0x80, $0x38;
	[tilespmem:$0x1E888] =	vst v63  }
0x176: {  	s24 =	sadd.s32 $0x14100, s1;
	s25 =	sadd.s32 $0x1080, s0  }
0x177: {  	[tilespmem:s25], [sflag:$0x1] =	stream.linear.gather [spmem:s24], $0x80, $0x38;
	[tilespmem:$0x1E888] =	vst v63  }
0x178: {  	s26 =	sadd.s32 $0x14180, s1;
	s28 =	sadd.s32 $0x1480, s0  }
0x179: {  	[tilespmem:s28], [sflag:$0x1] =	stream.linear.gather [spmem:s26], $0x80, $0x38;
	[tilespmem:$0x1E888] =	vst v63  }
0x17a: {  	s22 =	sadd.s32 $0x14200, s1;
	s23 =	sadd.s32 $0x1880, s0  }
0x17b: {  	[tilespmem:s23], [sflag:$0x1] =	stream.linear.gather [spmem:s22], $0x80, $0x38;
	[tilespmem:$0x1E888] =	vst v63  }
0x17c: {  	s24 =	sadd.s32 $0x14280, s1;
	s25 =	sadd.s32 $0x1C80, s0  }
0x17d: {  	[tilespmem:s25], [sflag:$0x1] =	stream.linear.gather [spmem:s24], $0x80, $0x38;
	[tilespmem:$0x1E888] =	vst v63  }
0x17e: {  	s26 =	sadd.s32 $0x14300, s1;
	s28 =	sadd.s32 $0x2080, s0  }
0x17f: {  	[tilespmem:s28], [sflag:$0x1] =	stream.linear.gather [spmem:s26], $0x80, $0x38;
	[tilespmem:$0x1E888] =	vst v63  }
0x180: {  	s21 =	simm.s32 $0x2800;
	s22 =	sadd.s32 $0x14380, s1;
	s23 =	sadd.s32 $0x2480, s0  }
0x181: {  	[tilespmem:s23], [sflag:$0x1] =	stream.linear.gather [spmem:s22], $0x80, $0x38;
	[tilespmem:$0x1E888] =	vst v63  }
0x182: {  	s24 =	sadd.s32 $0x14400, s1;
	s25 =	sadd.s32 $0x2880, s0;
	s26 =	simm.s32 $0x0  }
0x183: {  	[tilespmem:s25], [sflag:$0x1] =	stream.linear.gather [spmem:s24], $0x80, $0x38;
	[tilespmem:$0x1E888] =	vst v63  }
0x184: {  	s1 =	sadd.s32 $0x14480, s1;
	s0 =	sadd.s32 $0x2C80, s0;
	s28 =	smul.u32 $0xA000, s26  }
0x185: {  	[tilespmem:s0], [sflag:$0x1] =	stream.linear.gather [spmem:s1], $0x80, $0x38;
	[tilespmem:$0x1E888] =	vst v63  }
0x186: {  	s22 =	simm.s32 $0x500;
	s24 =	sshra.s32 s28, $0x2;
	s1 =	simm.s32 $0x80  }
0x187: {  	s0 =	simm.s32 $0x1;
	s23 =	sand.u32 $0x380, s1;
	_ =	swait.ge [sflag:s18], $0x500  }
.LBB2_10:
0x188: {  	s23 =	sor.u32 s23, s24  }
0x189: {  	s22 =	sadd.s32 s22, s6;
	[sflag:s18] =	ssyncset.done $0x0;
	s24 =	smov.u32 s21  }
0x18a: {  	s25 =	sadd.s32 $0x880, s23;
	s26 =	sadd.s32 $0x14000, s22;
	[sflag:s18] =	ssyncadd.s32 $0xFFFFFB00  }
0x18b: {  	[tilespmem:s25], [sflag:$0x1] =	stream.linear.gather [spmem:s26], $0x80, $0x38;
	[tilespmem:$0x1E888] =	vst v63  }
0x18c: {  	s28 =	sadd.s32 $0xC80, s23;
	s25 =	sadd.s32 $0x1400, s21;
	s26 =	sadd.s32 $0x14080, s22  }
0x18d: {  	[tilespmem:s28], [sflag:$0x1] =	stream.linear.gather [spmem:s26], $0x80, $0x38;
	[tilespmem:$0x1E888] =	vst v63  }
0x18e: {  	p0 =	sne.s32 s21, $0x12C00;
	s21 =	sadd.s32 $0x14100, s22;
	s26 =	sadd.s32 $0x1080, s23  }
0x18f: {  	[tilespmem:s26], [sflag:$0x1] =	stream.linear.gather [spmem:s21], $0x80, $0x38;
	[tilespmem:$0x1E888] =	vst v63  }
0x190: {  	s21 =	sadd.s32 $0x14180, s22;
	s26 =	sadd.s32 $0x1480, s23  }
0x191: {  	[tilespmem:s26], [sflag:$0x1] =	stream.linear.gather [spmem:s21], $0x80, $0x38;
	[tilespmem:$0x1E888] =	vst v63  }
0x192: {  	s21 =	sadd.s32 $0x14200, s22;
	s26 =	sadd.s32 $0x1880, s23  }
0x193: {  	[tilespmem:s26], [sflag:$0x1] =	stream.linear.gather [spmem:s21], $0x80, $0x38;
	[tilespmem:$0x1E888] =	vst v63  }
0x194: {  	s21 =	sadd.s32 $0x14280, s22;
	s26 =	sadd.s32 $0x1C80, s23  }
0x195: {  	[tilespmem:s26], [sflag:$0x1] =	stream.linear.gather [spmem:s21], $0x80, $0x38;
	[tilespmem:$0x1E888] =	vst v63  }
0x196: {  	s21 =	sadd.s32 $0x14300, s22;
	s26 =	sadd.s32 $0x2080, s23  }
0x197: {  	[tilespmem:s26], [sflag:$0x1] =	stream.linear.gather [spmem:s21], $0x80, $0x38;
	[tilespmem:$0x1E888] =	vst v63  }
0x198: {  	s0 =	sadd.s32 $0x1, s0;
	s21 =	sadd.s32 $0x14380, s22;
	s26 =	sadd.s32 $0x2480, s23  }
0x199: {  	[tilespmem:s26], [sflag:$0x1] =	stream.linear.gather [spmem:s21], $0x80, $0x38;
	[tilespmem:$0x1E888] =	vst v63  }
0x19a: {  	s21 =	sadd.s32 $0x14400, s22;
	s26 =	sadd.s32 $0x2880, s23;
	s23 =	sadd.s32 $0x2C80, s23  }
0x19b: {  	[tilespmem:s26], [sflag:$0x1] =	stream.linear.gather [spmem:s21], $0x80, $0x38;
	[tilespmem:$0x1E888] =	vst v63  }
.Ltmp4:
0x19c: {  	s21 =	sshrl.u32 s0, $0x3;
	s26 =	sadd.s32 $0x14480, s22;
	(pc) =	sbr.rel @p0 .LBB2_10-.Ltmp4, $4  }
0x19d: {  	s1 =	sadd.s32 $0x80, s1;
	s22 =	sshra.s32 s24, $0x2;
	s21 =	smul.u32 $0xA000, s21  }
0x19e: {  	[tilespmem:s23], [sflag:$0x1] =	stream.linear.gather [spmem:s26], $0x80, $0x38;
	[tilespmem:$0x1E888] =	vst v63  }
0x19f: {  	s23 =	sand.u32 $0x380, s1  }
0x1a0: {  	s24 =	sshra.s32 s21, $0x2;
	s21 =	smov.u32 s25;
	_ =	swait.ge [sflag:s18], $0x500  }
0x1a1: {  	s0 =	sor.u32 s23, s24;
	s1 =	sadd.s32 s22, s6;
	[sflag:s18] =	ssyncset.done $0x0  }
0x1a2: {  	s21 =	sadd.s32 $0x880, s0;
	s22 =	sadd.s32 $0x14000, s1;
	[sflag:s18] =	ssyncadd.s32 $0xFFFFFB00  }
0x1a3: {  	[tilespmem:s21], [sflag:$0x1] =	stream.linear.gather [spmem:s22], $0x80, $0x38;
	[tilespmem:$0x1E888] =	vst v63  }
0x1a4: {  	s23 =	sadd.s32 $0xC80, s0;
	s22 =	sadd.s32 $0x14080, s1  }
0x1a5: {  	[tilespmem:s23], [sflag:$0x1] =	stream.linear.gather [spmem:s22], $0x80, $0x38;
	[tilespmem:$0x1E888] =	vst v63  }
0x1a6: {  	s24 =	sadd.s32 $0x14100, s1;
	s25 =	sadd.s32 $0x1080, s0  }
0x1a7: {  	[tilespmem:s25], [sflag:$0x1] =	stream.linear.gather [spmem:s24], $0x80, $0x38;
	[tilespmem:$0x1E888] =	vst v63  }
0x1a8: {  	s26 =	sadd.s32 $0x14180, s1;
	s28 =	sadd.s32 $0x1480, s0  }
0x1a9: {  	[tilespmem:s28], [sflag:$0x1] =	stream.linear.gather [spmem:s26], $0x80, $0x38;
	[tilespmem:$0x1E888] =	vst v63  }
0x1aa: {  	s22 =	sadd.s32 $0x14200, s1;
	s23 =	sadd.s32 $0x1880, s0  }
0x1ab: {  	[tilespmem:s23], [sflag:$0x1] =	stream.linear.gather [spmem:s22], $0x80, $0x38;
	[tilespmem:$0x1E888] =	vst v63  }
0x1ac: {  	s24 =	sadd.s32 $0x14280, s1;
	s25 =	sadd.s32 $0x1C80, s0  }
0x1ad: {  	[tilespmem:s25], [sflag:$0x1] =	stream.linear.gather [spmem:s24], $0x80, $0x38;
	[tilespmem:$0x1E888] =	vst v63  }
0x1ae: {  	s26 =	sadd.s32 $0x14300, s1;
	s28 =	sadd.s32 $0x2080, s0  }
0x1af: {  	[tilespmem:s28], [sflag:$0x1] =	stream.linear.gather [spmem:s26], $0x80, $0x38;
	[tilespmem:$0x1E888] =	vst v63  }
0x1b0: {  	s23 =	sadd.s32 $0x14380, s1;
	s24 =	sadd.s32 $0x2480, s0  }
0x1b1: {  	[tilespmem:s24], [sflag:$0x1] =	stream.linear.gather [spmem:s23], $0x80, $0x38;
	[tilespmem:$0x1E888] =	vst v63  }
0x1b2: {  	s25 =	sadd.s32 $0x14400, s1;
	s26 =	sadd.s32 $0x2880, s0  }
0x1b3: {  	[tilespmem:s26], [sflag:$0x1] =	stream.linear.gather [spmem:s25], $0x80, $0x38;
	[tilespmem:$0x1E888] =	vst v63  }
0x1b4: {  	s1 =	sadd.s32 $0x14480, s1;
	s0 =	sadd.s32 $0x2C80, s0  }
0x1b5: {  	[tilespmem:s0], [sflag:$0x1] =	stream.linear.gather [spmem:s1], $0x80, $0x38;
	[tilespmem:$0x1E888] =	vst v63  }
0x1b6: {  	_ =	swait.ge [sflag:s18], $0x500  }
0x1b7: {  	[sflag:s18] =	ssyncset.done $0x0  }
0x1b8: {  	s28 =	sadd.s32 s13, s9;
	s1 =	simm.s32 $0x0;
	[sflag:s18] =	ssyncadd.s32 $0xFFFFFB00  }
0x1b9: {  	[hbm4b:s28+s1] =	stream.linear.scatter [tilespmem:s30], [sflag:$0x1], $0x5000, $0x38;
	[tilespmem:$0x1E888] =	vst v63  }
0x1ba: {  	_ =	swait.ge [sflag:s18], $0x5000  }
0x1bb: {  	[sflag:s18] =	ssyncset.done $0x0  }
0x1bc: {  	[sflag:s18] =	ssyncadd.s32 $0xFFFFB000  }
0x1bd: {  	[spmem:s17], [sflag:s7] =	dma.local [hbm:s4], $0x3200  }
0x1be: {  	_ =	swait.ge [sflag:s18], $0x3200  }
0x1bf: {  	[sflag:s18] =	ssyncset.done $0x0  }
0x1c0: {  	[sflag:s18] =	ssyncadd.s32 $0xFFFFCE00  }
0x1c1: {  	[bflag:$0x0] =	sbarrier.arrive $0xFFFF  }
0x1c2: {  	[tilespmem:s1], [sflag:$0x1] =	stream.linear.gather [hbm4b:s14+s1], $0x500, $0x38;
	[tilespmem:$0x1E888] =	vst v63  }
0x1c3: {  	_ =	swait.ge [sflag:s18], $0x500  }
0x1c4: {  	[sflag:s18] =	ssyncset.done $0x0  }
0x1c5: {  	[sflag:s18] =	ssyncadd.s32 $0xFFFFFB00  }
0x1c6: {  	[spmem:s2] =	stream.indirect.scatter.add.f32 [tilespmem:s20], [sflag:$0x1], $0x1, s1, s19, $0xb8;
	[tilespmem:$0x1E888] =	vst v63  }
0x1c7: {  	_ =	swait.ge [sflag:s18], $0x80  }
0x1c8: {  	[sflag:s18] =	ssyncset.done $0x0  }
0x1c9: {  	[sflag:s18] =	ssyncadd.s32 $0xFFFFFF80  }
0x1ca: {  	[spmem:s2] =	stream.indirect.scatter.add.f32 [tilespmem:s20], [sflag:$0x1], $0x1, s19, s19, $0xb8;
	[tilespmem:$0x1E888] =	vst v63  }
0x1cb: {  	_ =	swait.ge [sflag:s18], $0x80  }
0x1cc: {  	[sflag:s18] =	ssyncset.done $0x0  }
0x1cd: {  	s21 =	simm.s32 $0x100;
	[sflag:s18] =	ssyncadd.s32 $0xFFFFFF80  }
0x1ce: {  	[spmem:s2] =	stream.indirect.scatter.add.f32 [tilespmem:s20], [sflag:$0x1], $0x1, s21, s19, $0xb8;
	[tilespmem:$0x1E888] =	vst v63  }
0x1cf: {  	_ =	swait.ge [sflag:s18], $0x80  }
0x1d0: {  	[sflag:s18] =	ssyncset.done $0x0  }
0x1d1: {  	s22 =	simm.s32 $0x180;
	[sflag:s18] =	ssyncadd.s32 $0xFFFFFF80  }
0x1d2: {  	[spmem:s2] =	stream.indirect.scatter.add.f32 [tilespmem:s20], [sflag:$0x1], $0x1, s22, s19, $0xb8;
	[tilespmem:$0x1E888] =	vst v63  }
0x1d3: {  	_ =	swait.ge [sflag:s18], $0x80  }
0x1d4: {  	[sflag:s18] =	ssyncset.done $0x0  }
0x1d5: {  	s23 =	simm.s32 $0x200;
	[sflag:s18] =	ssyncadd.s32 $0xFFFFFF80  }
0x1d6: {  	[spmem:s2] =	stream.indirect.scatter.add.f32 [tilespmem:s20], [sflag:$0x1], $0x1, s23, s19, $0xb8;
	[tilespmem:$0x1E888] =	vst v63  }
0x1d7: {  	_ =	swait.ge [sflag:s18], $0x80  }
0x1d8: {  	[sflag:s18] =	ssyncset.done $0x0  }
0x1d9: {  	s24 =	simm.s32 $0x280;
	[sflag:s18] =	ssyncadd.s32 $0xFFFFFF80  }
0x1da: {  	[spmem:s2] =	stream.indirect.scatter.add.f32 [tilespmem:s20], [sflag:$0x1], $0x1, s24, s19, $0xb8;
	[tilespmem:$0x1E888] =	vst v63  }
0x1db: {  	_ =	swait.ge [sflag:s18], $0x80  }
0x1dc: {  	[sflag:s18] =	ssyncset.done $0x0  }
0x1dd: {  	s25 =	simm.s32 $0x300;
	[sflag:s18] =	ssyncadd.s32 $0xFFFFFF80  }
0x1de: {  	[spmem:s2] =	stream.indirect.scatter.add.f32 [tilespmem:s20], [sflag:$0x1], $0x1, s25, s19, $0xb8;
	[tilespmem:$0x1E888] =	vst v63  }
0x1df: {  	_ =	swait.ge [sflag:s18], $0x80  }
0x1e0: {  	[sflag:s18] =	ssyncset.done $0x0  }
0x1e1: {  	s26 =	simm.s32 $0x380;
	[sflag:s18] =	ssyncadd.s32 $0xFFFFFF80  }
0x1e2: {  	[spmem:s2] =	stream.indirect.scatter.add.f32 [tilespmem:s20], [sflag:$0x1], $0x1, s26, s19, $0xb8;
	[tilespmem:$0x1E888] =	vst v63  }
0x1e3: {  	_ =	swait.ge [sflag:s18], $0x80  }
0x1e4: {  	[sflag:s18] =	ssyncset.done $0x0  }
0x1e5: {  	s28 =	simm.s32 $0x400;
	[sflag:s18] =	ssyncadd.s32 $0xFFFFFF80  }
0x1e6: {  	[spmem:s2] =	stream.indirect.scatter.add.f32 [tilespmem:s20], [sflag:$0x1], $0x1, s28, s19, $0xb8;
	[tilespmem:$0x1E888] =	vst v63  }
0x1e7: {  	_ =	swait.ge [sflag:s18], $0x80  }
0x1e8: {  	s21 =	simm.s32 $0x0;
	[sflag:s18] =	ssyncset.done $0x0  }
0x1e9: {  	s0 =	smul.u32 $0xA000, s21;
	[sflag:s18] =	ssyncadd.s32 $0xFFFFFF80  }
0x1ea: {  	[spmem:s2] =	stream.indirect.scatter.add.f32 [tilespmem:s20], [sflag:$0x1], $0x1, s29, s19, $0xb8;
	[tilespmem:$0x1E888] =	vst v63  }
0x1eb: {  	_ =	swait.ge [sflag:s18], $0x80  }
0x1ec: {  	s1 =	sand.u32 $0x380, s1;
	s0 =	sshra.s32 s0, $0x2;
	[sflag:s18] =	ssyncset.done $0x0  }
0x1ed: {  	s1 =	sor.u32 s1, s0;
	[sflag:s18] =	ssyncadd.s32 $0xFFFFFF80  }
0x1ee: {  	s21 =	sadd.s32 $0x0, s6;
	s0 =	sadd.s32 $0x880, s1;
	[bflag:$0x0] =	sbarrier.arrive $0xFFFF  }
0x1ef: {  	[tilespmem:s0], [sflag:$0x1] =	stream.linear.gather [spmem:s21], $0x80, $0x38;
	[tilespmem:$0x1E888] =	vst v63  }
0x1f0: {  	s22 =	sadd.s32 $0x80, s21;
	s23 =	sadd.s32 $0xC80, s1  }
0x1f1: {  	[tilespmem:s23], [sflag:$0x1] =	stream.linear.gather [spmem:s22], $0x80, $0x38;
	[tilespmem:$0x1E888] =	vst v63  }
0x1f2: {  	s24 =	sadd.s32 $0x100, s21;
	s25 =	sadd.s32 $0x1080, s1  }
0x1f3: {  	[tilespmem:s25], [sflag:$0x1] =	stream.linear.gather [spmem:s24], $0x80, $0x38;
	[tilespmem:$0x1E888] =	vst v63  }
0x1f4: {  	s26 =	sadd.s32 $0x180, s21;
	s28 =	sadd.s32 $0x1480, s1  }
0x1f5: {  	[tilespmem:s28], [sflag:$0x1] =	stream.linear.gather [spmem:s26], $0x80, $0x38;
	[tilespmem:$0x1E888] =	vst v63  }
0x1f6: {  	s22 =	sadd.s32 $0x200, s21;
	s23 =	sadd.s32 $0x1880, s1  }
0x1f7: {  	[tilespmem:s23], [sflag:$0x1] =	stream.linear.gather [spmem:s22], $0x80, $0x38;
	[tilespmem:$0x1E888] =	vst v63  }
0x1f8: {  	s24 =	sadd.s32 $0x280, s21;
	s25 =	sadd.s32 $0x1C80, s1  }
0x1f9: {  	[tilespmem:s25], [sflag:$0x1] =	stream.linear.gather [spmem:s24], $0x80, $0x38;
	[tilespmem:$0x1E888] =	vst v63  }
0x1fa: {  	s26 =	sadd.s32 $0x300, s21;
	s28 =	sadd.s32 $0x2080, s1  }
0x1fb: {  	[tilespmem:s28], [sflag:$0x1] =	stream.linear.gather [spmem:s26], $0x80, $0x38;
	[tilespmem:$0x1E888] =	vst v63  }
0x1fc: {  	s0 =	simm.s32 $0x1400;
	s22 =	sadd.s32 $0x380, s21;
	s23 =	sadd.s32 $0x2480, s1  }
0x1fd: {  	[tilespmem:s23], [sflag:$0x1] =	stream.linear.gather [spmem:s22], $0x80, $0x38;
	[tilespmem:$0x1E888] =	vst v63  }
0x1fe: {  	s24 =	sadd.s32 $0x400, s21;
	s25 =	sadd.s32 $0x2880, s1;
	s26 =	simm.s32 $0x0  }
0x1ff: {  	[tilespmem:s25], [sflag:$0x1] =	stream.linear.gather [spmem:s24], $0x80, $0x38;
	[tilespmem:$0x1E888] =	vst v63  }
0x200: {  	s21 =	sadd.s32 $0x480, s21;
	s1 =	sadd.s32 $0x2C80, s1;
	s28 =	smul.u32 $0xA000, s26  }
0x201: {  	[tilespmem:s1], [sflag:$0x1] =	stream.linear.gather [spmem:s21], $0x80, $0x38;
	[tilespmem:$0x1E888] =	vst v63  }
0x202: {  	s22 =	simm.s32 $0x2800;
	s24 =	sshra.s32 s28, $0x2;
	s21 =	simm.s32 $0x80  }
0x203: {  	s1 =	simm.s32 $0x1;
	s23 =	sand.u32 $0x380, s21;
	_ =	swait.ge [sflag:s18], $0x500  }
.LBB2_12:
0x204: {  	s23 =	sor.u32 s23, s24  }
0x205: {  	s24 =	sshra.s32 s0, $0x2;
	[sflag:s18] =	ssyncset.done $0x0;
	s0 =	smov.u32 s22  }
0x206: {  	s25 =	sadd.s32 $0x880, s23;
	s24 =	sadd.s32 s24, s6;
	[sflag:s18] =	ssyncadd.s32 $0xFFFFFB00  }
0x207: {  	[tilespmem:s25], [sflag:$0x1] =	stream.linear.gather [spmem:s24], $0x80, $0x38;
	[tilespmem:$0x1E888] =	vst v63  }
0x208: {  	s28 =	sadd.s32 $0xC80, s23;
	s25 =	sadd.s32 $0x1400, s22;
	s26 =	sadd.s32 $0x80, s24  }
0x209: {  	[tilespmem:s28], [sflag:$0x1] =	stream.linear.gather [spmem:s26], $0x80, $0x38;
	[tilespmem:$0x1E888] =	vst v63  }
0x20a: {  	p0 =	sne.s32 s22, $0x12C00;
	s22 =	sadd.s32 $0x100, s24;
	s26 =	sadd.s32 $0x1080, s23  }
0x20b: {  	[tilespmem:s26], [sflag:$0x1] =	stream.linear.gather [spmem:s22], $0x80, $0x38;
	[tilespmem:$0x1E888] =	vst v63  }
0x20c: {  	s22 =	sadd.s32 $0x180, s24;
	s26 =	sadd.s32 $0x1480, s23  }
0x20d: {  	[tilespmem:s26], [sflag:$0x1] =	stream.linear.gather [spmem:s22], $0x80, $0x38;
	[tilespmem:$0x1E888] =	vst v63  }
0x20e: {  	s22 =	sadd.s32 $0x200, s24;
	s26 =	sadd.s32 $0x1880, s23  }
0x20f: {  	[tilespmem:s26], [sflag:$0x1] =	stream.linear.gather [spmem:s22], $0x80, $0x38;
	[tilespmem:$0x1E888] =	vst v63  }
0x210: {  	s22 =	sadd.s32 $0x280, s24;
	s26 =	sadd.s32 $0x1C80, s23  }
0x211: {  	[tilespmem:s26], [sflag:$0x1] =	stream.linear.gather [spmem:s22], $0x80, $0x38;
	[tilespmem:$0x1E888] =	vst v63  }
0x212: {  	s22 =	sadd.s32 $0x300, s24;
	s26 =	sadd.s32 $0x2080, s23  }
0x213: {  	[tilespmem:s26], [sflag:$0x1] =	stream.linear.gather [spmem:s22], $0x80, $0x38;
	[tilespmem:$0x1E888] =	vst v63  }
0x214: {  	s1 =	sadd.s32 $0x1, s1;
	s22 =	sadd.s32 $0x380, s24;
	s26 =	sadd.s32 $0x2480, s23  }
0x215: {  	[tilespmem:s26], [sflag:$0x1] =	stream.linear.gather [spmem:s22], $0x80, $0x38;
	[tilespmem:$0x1E888] =	vst v63  }
0x216: {  	s22 =	sadd.s32 $0x400, s24;
	s26 =	sadd.s32 $0x2880, s23;
	s24 =	sadd.s32 $0x480, s24  }
0x217: {  	[tilespmem:s26], [sflag:$0x1] =	stream.linear.gather [spmem:s22], $0x80, $0x38;
	[tilespmem:$0x1E888] =	vst v63  }
.Ltmp5:
0x218: {  	s23 =	sadd.s32 $0x2C80, s23;
	s22 =	sshrl.u32 s1, $0x3;
	(pc) =	sbr.rel @p0 .LBB2_12-.Ltmp5, $4  }
0x219: {  	s21 =	sadd.s32 $0x80, s21;
	s22 =	smul.u32 $0xA000, s22  }
0x21a: {  	[tilespmem:s23], [sflag:$0x1] =	stream.linear.gather [spmem:s24], $0x80, $0x38;
	[tilespmem:$0x1E888] =	vst v63  }
0x21b: {  	s23 =	sand.u32 $0x380, s21  }
0x21c: {  	s24 =	sshra.s32 s22, $0x2;
	s22 =	smov.u32 s25;
	_ =	swait.ge [sflag:s18], $0x500  }
0x21d: {  	s1 =	sor.u32 s23, s24;
	s0 =	sshra.s32 s0, $0x2;
	[sflag:s18] =	ssyncset.done $0x0  }
0x21e: {  	s21 =	sadd.s32 $0x880, s1;
	s0 =	sadd.s32 s0, s6;
	[sflag:s18] =	ssyncadd.s32 $0xFFFFFB00  }
0x21f: {  	[tilespmem:s21], [sflag:$0x1] =	stream.linear.gather [spmem:s0], $0x80, $0x38;
	[tilespmem:$0x1E888] =	vst v63  }
0x220: {  	s22 =	sadd.s32 $0xC80, s1;
	s25 =	sadd.s32 $0x80, s0  }
0x221: {  	[tilespmem:s22], [sflag:$0x1] =	stream.linear.gather [spmem:s25], $0x80, $0x38;
	[tilespmem:$0x1E888] =	vst v63  }
0x222: {  	s28 =	sadd.s32 $0x1080, s1;
	s26 =	sadd.s32 $0x100, s0  }
0x223: {  	[tilespmem:s28], [sflag:$0x1] =	stream.linear.gather [spmem:s26], $0x80, $0x38;
	[tilespmem:$0x1E888] =	vst v63  }
0x224: {  	s23 =	sadd.s32 $0x1480, s1;
	s22 =	sadd.s32 $0x180, s0  }
0x225: {  	[tilespmem:s23], [sflag:$0x1] =	stream.linear.gather [spmem:s22], $0x80, $0x38;
	[tilespmem:$0x1E888] =	vst v63  }
0x226: {  	s24 =	sadd.s32 $0x200, s0;
	s25 =	sadd.s32 $0x1880, s1  }
0x227: {  	[tilespmem:s25], [sflag:$0x1] =	stream.linear.gather [spmem:s24], $0x80, $0x38;
	[tilespmem:$0x1E888] =	vst v63  }
0x228: {  	s26 =	sadd.s32 $0x280, s0;
	s28 =	sadd.s32 $0x1C80, s1  }
0x229: {  	[tilespmem:s28], [sflag:$0x1] =	stream.linear.gather [spmem:s26], $0x80, $0x38;
	[tilespmem:$0x1E888] =	vst v63  }
0x22a: {  	s22 =	sadd.s32 $0x300, s0;
	s23 =	sadd.s32 $0x2080, s1  }
0x22b: {  	[tilespmem:s23], [sflag:$0x1] =	stream.linear.gather [spmem:s22], $0x80, $0x38;
	[tilespmem:$0x1E888] =	vst v63  }
0x22c: {  	s24 =	sadd.s32 $0x380, s0;
	s25 =	sadd.s32 $0x2480, s1  }
0x22d: {  	[tilespmem:s25], [sflag:$0x1] =	stream.linear.gather [spmem:s24], $0x80, $0x38;
	[tilespmem:$0x1E888] =	vst v63  }
0x22e: {  	s26 =	sadd.s32 $0x400, s0;
	s28 =	sadd.s32 $0x2880, s1  }
0x22f: {  	[tilespmem:s28], [sflag:$0x1] =	stream.linear.gather [spmem:s26], $0x80, $0x38;
	[tilespmem:$0x1E888] =	vst v63  }
0x230: {  	s0 =	sadd.s32 $0x480, s0;
	s1 =	sadd.s32 $0x2C80, s1  }
0x231: {  	[tilespmem:s1], [sflag:$0x1] =	stream.linear.gather [spmem:s0], $0x80, $0x38;
	[tilespmem:$0x1E888] =	vst v63  }
0x232: {  	_ =	swait.ge [sflag:s18], $0x500  }
0x233: {  	s22 =	simm.s32 $0x0;
	s23 =	sadd.s32 s5, s15;
	[sflag:s18] =	ssyncset.done $0x0  }
0x234: {  	s24 =	simm.s32 $0x0;
	s0 =	smul.u32 $0xA000, s22;
	[sflag:s18] =	ssyncadd.s32 $0xFFFFFB00  }
0x235: {  	[hbm4b:s23+s24] =	stream.linear.scatter [tilespmem:s30], [sflag:$0x1], $0x5000, $0x38;
	[tilespmem:$0x1E888] =	vst v63  }
0x236: {  	s25 =	sand.u32 $0x380, s24;
	s0 =	sshra.s32 s0, $0x2;
	_ =	swait.ge [sflag:s18], $0x5000  }
0x237: {  	s1 =	sadd.s32 $0x0, s6;
	s0 =	sor.u32 s25, s0;
	[sflag:s18] =	ssyncset.done $0x0  }
0x238: {  	s28 =	sadd.s32 $0x5000, s1;
	s26 =	sadd.s32 $0x880, s0;
	[sflag:s18] =	ssyncadd.s32 $0xFFFFB000  }
0x239: {  	[tilespmem:s26], [sflag:$0x1] =	stream.linear.gather [spmem:s28], $0x80, $0x38;
	[tilespmem:$0x1E888] =	vst v63  }
0x23a: {  	s22 =	sadd.s32 $0x5080, s1;
	s23 =	sadd.s32 $0xC80, s0  }
0x23b: {  	[tilespmem:s23], [sflag:$0x1] =	stream.linear.gather [spmem:s22], $0x80, $0x38;
	[tilespmem:$0x1E888] =	vst v63  }
0x23c: {  	s24 =	sadd.s32 $0x5100, s1;
	s25 =	sadd.s32 $0x1080, s0  }
0x23d: {  	[tilespmem:s25], [sflag:$0x1] =	stream.linear.gather [spmem:s24], $0x80, $0x38;
	[tilespmem:$0x1E888] =	vst v63  }
0x23e: {  	s26 =	sadd.s32 $0x5180, s1;
	s28 =	sadd.s32 $0x1480, s0  }
0x23f: {  	[tilespmem:s28], [sflag:$0x1] =	stream.linear.gather [spmem:s26], $0x80, $0x38;
	[tilespmem:$0x1E888] =	vst v63  }
0x240: {  	s22 =	sadd.s32 $0x5200, s1;
	s23 =	sadd.s32 $0x1880, s0  }
0x241: {  	[tilespmem:s23], [sflag:$0x1] =	stream.linear.gather [spmem:s22], $0x80, $0x38;
	[tilespmem:$0x1E888] =	vst v63  }
0x242: {  	s24 =	sadd.s32 $0x5280, s1;
	s25 =	sadd.s32 $0x1C80, s0  }
0x243: {  	[tilespmem:s25], [sflag:$0x1] =	stream.linear.gather [spmem:s24], $0x80, $0x38;
	[tilespmem:$0x1E888] =	vst v63  }
0x244: {  	s26 =	sadd.s32 $0x5300, s1;
	s28 =	sadd.s32 $0x2080, s0  }
0x245: {  	[tilespmem:s28], [sflag:$0x1] =	stream.linear.gather [spmem:s26], $0x80, $0x38;
	[tilespmem:$0x1E888] =	vst v63  }
0x246: {  	s21 =	simm.s32 $0x2800;
	s22 =	sadd.s32 $0x5380, s1;
	s23 =	sadd.s32 $0x2480, s0  }
0x247: {  	[tilespmem:s23], [sflag:$0x1] =	stream.linear.gather [spmem:s22], $0x80, $0x38;
	[tilespmem:$0x1E888] =	vst v63  }
0x248: {  	s24 =	sadd.s32 $0x5400, s1;
	s25 =	sadd.s32 $0x2880, s0;
	s26 =	simm.s32 $0x0  }
0x249: {  	[tilespmem:s25], [sflag:$0x1] =	stream.linear.gather [spmem:s24], $0x80, $0x38;
	[tilespmem:$0x1E888] =	vst v63  }
0x24a: {  	s1 =	sadd.s32 $0x5480, s1;
	s0 =	sadd.s32 $0x2C80, s0;
	s28 =	smul.u32 $0xA000, s26  }
0x24b: {  	[tilespmem:s0], [sflag:$0x1] =	stream.linear.gather [spmem:s1], $0x80, $0x38;
	[tilespmem:$0x1E888] =	vst v63  }
0x24c: {  	s22 =	simm.s32 $0x500;
	s24 =	sshra.s32 s28, $0x2;
	s1 =	simm.s32 $0x80  }
0x24d: {  	s0 =	simm.s32 $0x1;
	s23 =	sand.u32 $0x380, s1;
	_ =	swait.ge [sflag:s18], $0x500  }
.LBB2_14:
0x24e: {  	s23 =	sor.u32 s23, s24  }
0x24f: {  	s22 =	sadd.s32 s22, s6;
	[sflag:s18] =	ssyncset.done $0x0;
	s24 =	smov.u32 s21  }
0x250: {  	s25 =	sadd.s32 $0x880, s23;
	s26 =	sadd.s32 $0x5000, s22;
	[sflag:s18] =	ssyncadd.s32 $0xFFFFFB00  }
0x251: {  	[tilespmem:s25], [sflag:$0x1] =	stream.linear.gather [spmem:s26], $0x80, $0x38;
	[tilespmem:$0x1E888] =	vst v63  }
0x252: {  	s28 =	sadd.s32 $0xC80, s23;
	s25 =	sadd.s32 $0x1400, s21;
	s26 =	sadd.s32 $0x5080, s22  }
0x253: {  	[tilespmem:s28], [sflag:$0x1] =	stream.linear.gather [spmem:s26], $0x80, $0x38;
	[tilespmem:$0x1E888] =	vst v63  }
0x254: {  	p0 =	sne.s32 s21, $0x12C00;
	s21 =	sadd.s32 $0x5100, s22;
	s26 =	sadd.s32 $0x1080, s23  }
0x255: {  	[tilespmem:s26], [sflag:$0x1] =	stream.linear.gather [spmem:s21], $0x80, $0x38;
	[tilespmem:$0x1E888] =	vst v63  }
0x256: {  	s21 =	sadd.s32 $0x5180, s22;
	s26 =	sadd.s32 $0x1480, s23  }
0x257: {  	[tilespmem:s26], [sflag:$0x1] =	stream.linear.gather [spmem:s21], $0x80, $0x38;
	[tilespmem:$0x1E888] =	vst v63  }
0x258: {  	s21 =	sadd.s32 $0x5200, s22;
	s26 =	sadd.s32 $0x1880, s23  }
0x259: {  	[tilespmem:s26], [sflag:$0x1] =	stream.linear.gather [spmem:s21], $0x80, $0x38;
	[tilespmem:$0x1E888] =	vst v63  }
0x25a: {  	s21 =	sadd.s32 $0x5280, s22;
	s26 =	sadd.s32 $0x1C80, s23  }
0x25b: {  	[tilespmem:s26], [sflag:$0x1] =	stream.linear.gather [spmem:s21], $0x80, $0x38;
	[tilespmem:$0x1E888] =	vst v63  }
0x25c: {  	s21 =	sadd.s32 $0x5300, s22;
	s26 =	sadd.s32 $0x2080, s23  }
0x25d: {  	[tilespmem:s26], [sflag:$0x1] =	stream.linear.gather [spmem:s21], $0x80, $0x38;
	[tilespmem:$0x1E888] =	vst v63  }
0x25e: {  	s0 =	sadd.s32 $0x1, s0;
	s21 =	sadd.s32 $0x5380, s22;
	s26 =	sadd.s32 $0x2480, s23  }
0x25f: {  	[tilespmem:s26], [sflag:$0x1] =	stream.linear.gather [spmem:s21], $0x80, $0x38;
	[tilespmem:$0x1E888] =	vst v63  }
0x260: {  	s21 =	sadd.s32 $0x5400, s22;
	s26 =	sadd.s32 $0x2880, s23;
	s23 =	sadd.s32 $0x2C80, s23  }
0x261: {  	[tilespmem:s26], [sflag:$0x1] =	stream.linear.gather [spmem:s21], $0x80, $0x38;
	[tilespmem:$0x1E888] =	vst v63  }
.Ltmp6:
0x262: {  	s21 =	sshrl.u32 s0, $0x3;
	s26 =	sadd.s32 $0x5480, s22;
	(pc) =	sbr.rel @p0 .LBB2_14-.Ltmp6, $4  }
0x263: {  	s1 =	sadd.s32 $0x80, s1;
	s22 =	sshra.s32 s24, $0x2;
	s21 =	smul.u32 $0xA000, s21  }
0x264: {  	[tilespmem:s23], [sflag:$0x1] =	stream.linear.gather [spmem:s26], $0x80, $0x38;
	[tilespmem:$0x1E888] =	vst v63  }
0x265: {  	s23 =	sand.u32 $0x380, s1  }
0x266: {  	s24 =	sshra.s32 s21, $0x2;
	s21 =	smov.u32 s25;
	_ =	swait.ge [sflag:s18], $0x500  }
0x267: {  	s0 =	sor.u32 s23, s24;
	s1 =	sadd.s32 s22, s6;
	[sflag:s18] =	ssyncset.done $0x0  }
0x268: {  	s21 =	sadd.s32 $0x880, s0;
	s22 =	sadd.s32 $0x5000, s1;
	[sflag:s18] =	ssyncadd.s32 $0xFFFFFB00  }
0x269: {  	[tilespmem:s21], [sflag:$0x1] =	stream.linear.gather [spmem:s22], $0x80, $0x38;
	[tilespmem:$0x1E888] =	vst v63  }
0x26a: {  	s24 =	sadd.s32 $0x5080, s1;
	s25 =	sadd.s32 $0xC80, s0  }
0x26b: {  	[tilespmem:s25], [sflag:$0x1] =	stream.linear.gather [spmem:s24], $0x80, $0x38;
	[tilespmem:$0x1E888] =	vst v63  }
0x26c: {  	s26 =	sadd.s32 $0x5100, s1;
	s28 =	sadd.s32 $0x1080, s0  }
0x26d: {  	[tilespmem:s28], [sflag:$0x1] =	stream.linear.gather [spmem:s26], $0x80, $0x38;
	[tilespmem:$0x1E888] =	vst v63  }
0x26e: {  	s23 =	sadd.s32 $0x1480, s0;
	s22 =	sadd.s32 $0x5180, s1  }
0x26f: {  	[tilespmem:s23], [sflag:$0x1] =	stream.linear.gather [spmem:s22], $0x80, $0x38;
	[tilespmem:$0x1E888] =	vst v63  }
0x270: {  	s24 =	sadd.s32 $0x5200, s1;
	s25 =	sadd.s32 $0x1880, s0  }
0x271: {  	[tilespmem:s25], [sflag:$0x1] =	stream.linear.gather [spmem:s24], $0x80, $0x38;
	[tilespmem:$0x1E888] =	vst v63  }
0x272: {  	s26 =	sadd.s32 $0x5280, s1;
	s28 =	sadd.s32 $0x1C80, s0  }
0x273: {  	[tilespmem:s28], [sflag:$0x1] =	stream.linear.gather [spmem:s26], $0x80, $0x38;
	[tilespmem:$0x1E888] =	vst v63  }
0x274: {  	s22 =	sadd.s32 $0x5300, s1;
	s23 =	sadd.s32 $0x2080, s0  }
0x275: {  	[tilespmem:s23], [sflag:$0x1] =	stream.linear.gather [spmem:s22], $0x80, $0x38;
	[tilespmem:$0x1E888] =	vst v63  }
0x276: {  	s24 =	sadd.s32 $0x5380, s1;
	s25 =	sadd.s32 $0x2480, s0  }
0x277: {  	[tilespmem:s25], [sflag:$0x1] =	stream.linear.gather [spmem:s24], $0x80, $0x38;
	[tilespmem:$0x1E888] =	vst v63  }
0x278: {  	s26 =	sadd.s32 $0x5400, s1;
	s28 =	sadd.s32 $0x2880, s0  }
0x279: {  	[tilespmem:s28], [sflag:$0x1] =	stream.linear.gather [spmem:s26], $0x80, $0x38;
	[tilespmem:$0x1E888] =	vst v63  }
0x27a: {  	s1 =	sadd.s32 $0x5480, s1;
	s0 =	sadd.s32 $0x2C80, s0  }
0x27b: {  	[tilespmem:s0], [sflag:$0x1] =	stream.linear.gather [spmem:s1], $0x80, $0x38;
	[tilespmem:$0x1E888] =	vst v63  }
0x27c: {  	_ =	swait.ge [sflag:s18], $0x500  }
0x27d: {  	s22 =	simm.s32 $0x0;
	s23 =	sadd.s32 s10, s15;
	[sflag:s18] =	ssyncset.done $0x0  }
0x27e: {  	s24 =	simm.s32 $0x0;
	s0 =	smul.u32 $0xA000, s22;
	[sflag:s18] =	ssyncadd.s32 $0xFFFFFB00  }
0x27f: {  	[hbm4b:s23+s24] =	stream.linear.scatter [tilespmem:s30], [sflag:$0x1], $0x5000, $0x38;
	[tilespmem:$0x1E888] =	vst v63  }
0x280: {  	s25 =	sand.u32 $0x380, s24;
	s0 =	sshra.s32 s0, $0x2;
	_ =	swait.ge [sflag:s18], $0x5000  }
0x281: {  	s1 =	sadd.s32 $0x0, s6;
	s0 =	sor.u32 s25, s0;
	[sflag:s18] =	ssyncset.done $0x0  }
0x282: {  	s28 =	sadd.s32 $0xA000, s1;
	s26 =	sadd.s32 $0x880, s0;
	[sflag:s18] =	ssyncadd.s32 $0xFFFFB000  }
0x283: {  	[tilespmem:s26], [sflag:$0x1] =	stream.linear.gather [spmem:s28], $0x80, $0x38;
	[tilespmem:$0x1E888] =	vst v63  }
0x284: {  	s22 =	sadd.s32 $0xA080, s1;
	s23 =	sadd.s32 $0xC80, s0  }
0x285: {  	[tilespmem:s23], [sflag:$0x1] =	stream.linear.gather [spmem:s22], $0x80, $0x38;
	[tilespmem:$0x1E888] =	vst v63  }
0x286: {  	s24 =	sadd.s32 $0xA100, s1;
	s25 =	sadd.s32 $0x1080, s0  }
0x287: {  	[tilespmem:s25], [sflag:$0x1] =	stream.linear.gather [spmem:s24], $0x80, $0x38;
	[tilespmem:$0x1E888] =	vst v63  }
0x288: {  	s26 =	sadd.s32 $0xA180, s1;
	s28 =	sadd.s32 $0x1480, s0  }
0x289: {  	[tilespmem:s28], [sflag:$0x1] =	stream.linear.gather [spmem:s26], $0x80, $0x38;
	[tilespmem:$0x1E888] =	vst v63  }
0x28a: {  	s22 =	sadd.s32 $0xA200, s1;
	s23 =	sadd.s32 $0x1880, s0  }
0x28b: {  	[tilespmem:s23], [sflag:$0x1] =	stream.linear.gather [spmem:s22], $0x80, $0x38;
	[tilespmem:$0x1E888] =	vst v63  }
0x28c: {  	s24 =	sadd.s32 $0xA280, s1;
	s25 =	sadd.s32 $0x1C80, s0  }
0x28d: {  	[tilespmem:s25], [sflag:$0x1] =	stream.linear.gather [spmem:s24], $0x80, $0x38;
	[tilespmem:$0x1E888] =	vst v63  }
0x28e: {  	s26 =	sadd.s32 $0xA300, s1;
	s28 =	sadd.s32 $0x2080, s0  }
0x28f: {  	[tilespmem:s28], [sflag:$0x1] =	stream.linear.gather [spmem:s26], $0x80, $0x38;
	[tilespmem:$0x1E888] =	vst v63  }
0x290: {  	s21 =	simm.s32 $0x2800;
	s22 =	sadd.s32 $0xA380, s1;
	s23 =	sadd.s32 $0x2480, s0  }
0x291: {  	[tilespmem:s23], [sflag:$0x1] =	stream.linear.gather [spmem:s22], $0x80, $0x38;
	[tilespmem:$0x1E888] =	vst v63  }
0x292: {  	s24 =	sadd.s32 $0xA400, s1;
	s25 =	sadd.s32 $0x2880, s0;
	s26 =	simm.s32 $0x0  }
0x293: {  	[tilespmem:s25], [sflag:$0x1] =	stream.linear.gather [spmem:s24], $0x80, $0x38;
	[tilespmem:$0x1E888] =	vst v63  }
0x294: {  	s1 =	sadd.s32 $0xA480, s1;
	s0 =	sadd.s32 $0x2C80, s0;
	s28 =	smul.u32 $0xA000, s26  }
0x295: {  	[tilespmem:s0], [sflag:$0x1] =	stream.linear.gather [spmem:s1], $0x80, $0x38;
	[tilespmem:$0x1E888] =	vst v63  }
0x296: {  	s22 =	simm.s32 $0x500;
	s24 =	sshra.s32 s28, $0x2;
	s1 =	simm.s32 $0x80  }
0x297: {  	s0 =	simm.s32 $0x1;
	s23 =	sand.u32 $0x380, s1;
	_ =	swait.ge [sflag:s18], $0x500  }
.LBB2_16:
0x298: {  	s23 =	sor.u32 s23, s24  }
0x299: {  	s22 =	sadd.s32 s22, s6;
	[sflag:s18] =	ssyncset.done $0x0;
	s24 =	smov.u32 s21  }
0x29a: {  	s25 =	sadd.s32 $0x880, s23;
	s26 =	sadd.s32 $0xA000, s22;
	[sflag:s18] =	ssyncadd.s32 $0xFFFFFB00  }
0x29b: {  	[tilespmem:s25], [sflag:$0x1] =	stream.linear.gather [spmem:s26], $0x80, $0x38;
	[tilespmem:$0x1E888] =	vst v63  }
0x29c: {  	s28 =	sadd.s32 $0xC80, s23;
	s25 =	sadd.s32 $0x1400, s21;
	s26 =	sadd.s32 $0xA080, s22  }
0x29d: {  	[tilespmem:s28], [sflag:$0x1] =	stream.linear.gather [spmem:s26], $0x80, $0x38;
	[tilespmem:$0x1E888] =	vst v63  }
0x29e: {  	p0 =	sne.s32 s21, $0x12C00;
	s21 =	sadd.s32 $0xA100, s22;
	s26 =	sadd.s32 $0x1080, s23  }
0x29f: {  	[tilespmem:s26], [sflag:$0x1] =	stream.linear.gather [spmem:s21], $0x80, $0x38;
	[tilespmem:$0x1E888] =	vst v63  }
0x2a0: {  	s21 =	sadd.s32 $0xA180, s22;
	s26 =	sadd.s32 $0x1480, s23  }
0x2a1: {  	[tilespmem:s26], [sflag:$0x1] =	stream.linear.gather [spmem:s21], $0x80, $0x38;
	[tilespmem:$0x1E888] =	vst v63  }
0x2a2: {  	s21 =	sadd.s32 $0xA200, s22;
	s26 =	sadd.s32 $0x1880, s23  }
0x2a3: {  	[tilespmem:s26], [sflag:$0x1] =	stream.linear.gather [spmem:s21], $0x80, $0x38;
	[tilespmem:$0x1E888] =	vst v63  }
0x2a4: {  	s21 =	sadd.s32 $0xA280, s22;
	s26 =	sadd.s32 $0x1C80, s23  }
0x2a5: {  	[tilespmem:s26], [sflag:$0x1] =	stream.linear.gather [spmem:s21], $0x80, $0x38;
	[tilespmem:$0x1E888] =	vst v63  }
0x2a6: {  	s21 =	sadd.s32 $0xA300, s22;
	s26 =	sadd.s32 $0x2080, s23  }
0x2a7: {  	[tilespmem:s26], [sflag:$0x1] =	stream.linear.gather [spmem:s21], $0x80, $0x38;
	[tilespmem:$0x1E888] =	vst v63  }
0x2a8: {  	s0 =	sadd.s32 $0x1, s0;
	s21 =	sadd.s32 $0xA380, s22;
	s26 =	sadd.s32 $0x2480, s23  }
0x2a9: {  	[tilespmem:s26], [sflag:$0x1] =	stream.linear.gather [spmem:s21], $0x80, $0x38;
	[tilespmem:$0x1E888] =	vst v63  }
0x2aa: {  	s21 =	sadd.s32 $0xA400, s22;
	s26 =	sadd.s32 $0x2880, s23;
	s23 =	sadd.s32 $0x2C80, s23  }
0x2ab: {  	[tilespmem:s26], [sflag:$0x1] =	stream.linear.gather [spmem:s21], $0x80, $0x38;
	[tilespmem:$0x1E888] =	vst v63  }
.Ltmp7:
0x2ac: {  	s21 =	sshrl.u32 s0, $0x3;
	s26 =	sadd.s32 $0xA480, s22;
	(pc) =	sbr.rel @p0 .LBB2_16-.Ltmp7, $4  }
0x2ad: {  	s1 =	sadd.s32 $0x80, s1;
	s22 =	sshra.s32 s24, $0x2;
	s21 =	smul.u32 $0xA000, s21  }
0x2ae: {  	[tilespmem:s23], [sflag:$0x1] =	stream.linear.gather [spmem:s26], $0x80, $0x38;
	[tilespmem:$0x1E888] =	vst v63  }
0x2af: {  	s23 =	sand.u32 $0x380, s1  }
0x2b0: {  	s24 =	sshra.s32 s21, $0x2;
	s21 =	smov.u32 s25;
	_ =	swait.ge [sflag:s18], $0x500  }
0x2b1: {  	s0 =	sor.u32 s23, s24;
	s1 =	sadd.s32 s22, s6;
	[sflag:s18] =	ssyncset.done $0x0  }
0x2b2: {  	s21 =	sadd.s32 $0x880, s0;
	s22 =	sadd.s32 $0xA000, s1;
	[sflag:s18] =	ssyncadd.s32 $0xFFFFFB00  }
0x2b3: {  	[tilespmem:s21], [sflag:$0x1] =	stream.linear.gather [spmem:s22], $0x80, $0x38;
	[tilespmem:$0x1E888] =	vst v63  }
0x2b4: {  	s24 =	sadd.s32 $0xA080, s1;
	s25 =	sadd.s32 $0xC80, s0  }
0x2b5: {  	[tilespmem:s25], [sflag:$0x1] =	stream.linear.gather [spmem:s24], $0x80, $0x38;
	[tilespmem:$0x1E888] =	vst v63  }
0x2b6: {  	s26 =	sadd.s32 $0xA100, s1;
	s28 =	sadd.s32 $0x1080, s0  }
0x2b7: {  	[tilespmem:s28], [sflag:$0x1] =	stream.linear.gather [spmem:s26], $0x80, $0x38;
	[tilespmem:$0x1E888] =	vst v63  }
0x2b8: {  	s23 =	sadd.s32 $0x1480, s0;
	s22 =	sadd.s32 $0xA180, s1  }
0x2b9: {  	[tilespmem:s23], [sflag:$0x1] =	stream.linear.gather [spmem:s22], $0x80, $0x38;
	[tilespmem:$0x1E888] =	vst v63  }
0x2ba: {  	s24 =	sadd.s32 $0xA200, s1;
	s25 =	sadd.s32 $0x1880, s0  }
0x2bb: {  	[tilespmem:s25], [sflag:$0x1] =	stream.linear.gather [spmem:s24], $0x80, $0x38;
	[tilespmem:$0x1E888] =	vst v63  }
0x2bc: {  	s26 =	sadd.s32 $0xA280, s1;
	s28 =	sadd.s32 $0x1C80, s0  }
0x2bd: {  	[tilespmem:s28], [sflag:$0x1] =	stream.linear.gather [spmem:s26], $0x80, $0x38;
	[tilespmem:$0x1E888] =	vst v63  }
0x2be: {  	s22 =	sadd.s32 $0xA300, s1;
	s23 =	sadd.s32 $0x2080, s0  }
0x2bf: {  	[tilespmem:s23], [sflag:$0x1] =	stream.linear.gather [spmem:s22], $0x80, $0x38;
	[tilespmem:$0x1E888] =	vst v63  }
0x2c0: {  	s24 =	sadd.s32 $0xA380, s1;
	s25 =	sadd.s32 $0x2480, s0  }
0x2c1: {  	[tilespmem:s25], [sflag:$0x1] =	stream.linear.gather [spmem:s24], $0x80, $0x38;
	[tilespmem:$0x1E888] =	vst v63  }
0x2c2: {  	s26 =	sadd.s32 $0xA400, s1;
	s28 =	sadd.s32 $0x2880, s0  }
0x2c3: {  	[tilespmem:s28], [sflag:$0x1] =	stream.linear.gather [spmem:s26], $0x80, $0x38;
	[tilespmem:$0x1E888] =	vst v63  }
0x2c4: {  	s1 =	sadd.s32 $0xA480, s1;
	s0 =	sadd.s32 $0x2C80, s0  }
0x2c5: {  	[tilespmem:s0], [sflag:$0x1] =	stream.linear.gather [spmem:s1], $0x80, $0x38;
	[tilespmem:$0x1E888] =	vst v63  }
0x2c6: {  	_ =	swait.ge [sflag:s18], $0x500  }
0x2c7: {  	s22 =	simm.s32 $0x0;
	s23 =	sadd.s32 s11, s15;
	[sflag:s18] =	ssyncset.done $0x0  }
0x2c8: {  	s24 =	simm.s32 $0x0;
	s0 =	smul.u32 $0xA000, s22;
	[sflag:s18] =	ssyncadd.s32 $0xFFFFFB00  }
0x2c9: {  	[hbm4b:s23+s24] =	stream.linear.scatter [tilespmem:s30], [sflag:$0x1], $0x5000, $0x38;
	[tilespmem:$0x1E888] =	vst v63  }
0x2ca: {  	s25 =	sand.u32 $0x380, s24;
	s0 =	sshra.s32 s0, $0x2;
	_ =	swait.ge [sflag:s18], $0x5000  }
0x2cb: {  	s1 =	sadd.s32 $0x0, s6;
	s0 =	sor.u32 s25, s0;
	[sflag:s18] =	ssyncset.done $0x0  }
0x2cc: {  	s28 =	sadd.s32 $0xF000, s1;
	s26 =	sadd.s32 $0x880, s0;
	[sflag:s18] =	ssyncadd.s32 $0xFFFFB000  }
0x2cd: {  	[tilespmem:s26], [sflag:$0x1] =	stream.linear.gather [spmem:s28], $0x80, $0x38;
	[tilespmem:$0x1E888] =	vst v63  }
0x2ce: {  	s22 =	sadd.s32 $0xF080, s1;
	s23 =	sadd.s32 $0xC80, s0  }
0x2cf: {  	[tilespmem:s23], [sflag:$0x1] =	stream.linear.gather [spmem:s22], $0x80, $0x38;
	[tilespmem:$0x1E888] =	vst v63  }
0x2d0: {  	s24 =	sadd.s32 $0xF100, s1;
	s25 =	sadd.s32 $0x1080, s0  }
0x2d1: {  	[tilespmem:s25], [sflag:$0x1] =	stream.linear.gather [spmem:s24], $0x80, $0x38;
	[tilespmem:$0x1E888] =	vst v63  }
0x2d2: {  	s26 =	sadd.s32 $0xF180, s1;
	s28 =	sadd.s32 $0x1480, s0  }
0x2d3: {  	[tilespmem:s28], [sflag:$0x1] =	stream.linear.gather [spmem:s26], $0x80, $0x38;
	[tilespmem:$0x1E888] =	vst v63  }
0x2d4: {  	s22 =	sadd.s32 $0xF200, s1;
	s23 =	sadd.s32 $0x1880, s0  }
0x2d5: {  	[tilespmem:s23], [sflag:$0x1] =	stream.linear.gather [spmem:s22], $0x80, $0x38;
	[tilespmem:$0x1E888] =	vst v63  }
0x2d6: {  	s24 =	sadd.s32 $0xF280, s1;
	s25 =	sadd.s32 $0x1C80, s0  }
0x2d7: {  	[tilespmem:s25], [sflag:$0x1] =	stream.linear.gather [spmem:s24], $0x80, $0x38;
	[tilespmem:$0x1E888] =	vst v63  }
0x2d8: {  	s26 =	sadd.s32 $0xF300, s1;
	s28 =	sadd.s32 $0x2080, s0  }
0x2d9: {  	[tilespmem:s28], [sflag:$0x1] =	stream.linear.gather [spmem:s26], $0x80, $0x38;
	[tilespmem:$0x1E888] =	vst v63  }
0x2da: {  	s21 =	simm.s32 $0x2800;
	s22 =	sadd.s32 $0xF380, s1;
	s23 =	sadd.s32 $0x2480, s0  }
0x2db: {  	[tilespmem:s23], [sflag:$0x1] =	stream.linear.gather [spmem:s22], $0x80, $0x38;
	[tilespmem:$0x1E888] =	vst v63  }
0x2dc: {  	s24 =	sadd.s32 $0xF400, s1;
	s25 =	sadd.s32 $0x2880, s0;
	s26 =	simm.s32 $0x0  }
0x2dd: {  	[tilespmem:s25], [sflag:$0x1] =	stream.linear.gather [spmem:s24], $0x80, $0x38;
	[tilespmem:$0x1E888] =	vst v63  }
0x2de: {  	s1 =	sadd.s32 $0xF480, s1;
	s0 =	sadd.s32 $0x2C80, s0;
	s28 =	smul.u32 $0xA000, s26  }
0x2df: {  	[tilespmem:s0], [sflag:$0x1] =	stream.linear.gather [spmem:s1], $0x80, $0x38;
	[tilespmem:$0x1E888] =	vst v63  }
0x2e0: {  	s22 =	simm.s32 $0x500;
	s24 =	sshra.s32 s28, $0x2;
	s1 =	simm.s32 $0x80  }
0x2e1: {  	s0 =	simm.s32 $0x1;
	s23 =	sand.u32 $0x380, s1;
	_ =	swait.ge [sflag:s18], $0x500  }
.LBB2_18:
0x2e2: {  	s23 =	sor.u32 s23, s24  }
0x2e3: {  	s22 =	sadd.s32 s22, s6;
	[sflag:s18] =	ssyncset.done $0x0;
	s24 =	smov.u32 s21  }
0x2e4: {  	s25 =	sadd.s32 $0x880, s23;
	s26 =	sadd.s32 $0xF000, s22;
	[sflag:s18] =	ssyncadd.s32 $0xFFFFFB00  }
0x2e5: {  	[tilespmem:s25], [sflag:$0x1] =	stream.linear.gather [spmem:s26], $0x80, $0x38;
	[tilespmem:$0x1E888] =	vst v63  }
0x2e6: {  	s28 =	sadd.s32 $0xC80, s23;
	s25 =	sadd.s32 $0x1400, s21;
	s26 =	sadd.s32 $0xF080, s22  }
0x2e7: {  	[tilespmem:s28], [sflag:$0x1] =	stream.linear.gather [spmem:s26], $0x80, $0x38;
	[tilespmem:$0x1E888] =	vst v63  }
0x2e8: {  	p0 =	sne.s32 s21, $0x12C00;
	s21 =	sadd.s32 $0xF100, s22;
	s26 =	sadd.s32 $0x1080, s23  }
0x2e9: {  	[tilespmem:s26], [sflag:$0x1] =	stream.linear.gather [spmem:s21], $0x80, $0x38;
	[tilespmem:$0x1E888] =	vst v63  }
0x2ea: {  	s21 =	sadd.s32 $0xF180, s22;
	s26 =	sadd.s32 $0x1480, s23  }
0x2eb: {  	[tilespmem:s26], [sflag:$0x1] =	stream.linear.gather [spmem:s21], $0x80, $0x38;
	[tilespmem:$0x1E888] =	vst v63  }
0x2ec: {  	s21 =	sadd.s32 $0xF200, s22;
	s26 =	sadd.s32 $0x1880, s23  }
0x2ed: {  	[tilespmem:s26], [sflag:$0x1] =	stream.linear.gather [spmem:s21], $0x80, $0x38;
	[tilespmem:$0x1E888] =	vst v63  }
0x2ee: {  	s21 =	sadd.s32 $0xF280, s22;
	s26 =	sadd.s32 $0x1C80, s23  }
0x2ef: {  	[tilespmem:s26], [sflag:$0x1] =	stream.linear.gather [spmem:s21], $0x80, $0x38;
	[tilespmem:$0x1E888] =	vst v63  }
0x2f0: {  	s21 =	sadd.s32 $0xF300, s22;
	s26 =	sadd.s32 $0x2080, s23  }
0x2f1: {  	[tilespmem:s26], [sflag:$0x1] =	stream.linear.gather [spmem:s21], $0x80, $0x38;
	[tilespmem:$0x1E888] =	vst v63  }
0x2f2: {  	s0 =	sadd.s32 $0x1, s0;
	s21 =	sadd.s32 $0xF380, s22;
	s26 =	sadd.s32 $0x2480, s23  }
0x2f3: {  	[tilespmem:s26], [sflag:$0x1] =	stream.linear.gather [spmem:s21], $0x80, $0x38;
	[tilespmem:$0x1E888] =	vst v63  }
0x2f4: {  	s21 =	sadd.s32 $0xF400, s22;
	s26 =	sadd.s32 $0x2880, s23;
	s23 =	sadd.s32 $0x2C80, s23  }
0x2f5: {  	[tilespmem:s26], [sflag:$0x1] =	stream.linear.gather [spmem:s21], $0x80, $0x38;
	[tilespmem:$0x1E888] =	vst v63  }
.Ltmp8:
0x2f6: {  	s21 =	sshrl.u32 s0, $0x3;
	s26 =	sadd.s32 $0xF480, s22;
	(pc) =	sbr.rel @p0 .LBB2_18-.Ltmp8, $4  }
0x2f7: {  	s1 =	sadd.s32 $0x80, s1;
	s22 =	sshra.s32 s24, $0x2;
	s21 =	smul.u32 $0xA000, s21  }
0x2f8: {  	[tilespmem:s23], [sflag:$0x1] =	stream.linear.gather [spmem:s26], $0x80, $0x38;
	[tilespmem:$0x1E888] =	vst v63  }
0x2f9: {  	s23 =	sand.u32 $0x380, s1  }
0x2fa: {  	s24 =	sshra.s32 s21, $0x2;
	s21 =	smov.u32 s25;
	_ =	swait.ge [sflag:s18], $0x500  }
0x2fb: {  	s0 =	sor.u32 s23, s24;
	s1 =	sadd.s32 s22, s6;
	[sflag:s18] =	ssyncset.done $0x0  }
0x2fc: {  	s21 =	sadd.s32 $0x880, s0;
	s22 =	sadd.s32 $0xF000, s1;
	[sflag:s18] =	ssyncadd.s32 $0xFFFFFB00  }
0x2fd: {  	[tilespmem:s21], [sflag:$0x1] =	stream.linear.gather [spmem:s22], $0x80, $0x38;
	[tilespmem:$0x1E888] =	vst v63  }
0x2fe: {  	s24 =	sadd.s32 $0xF080, s1;
	s25 =	sadd.s32 $0xC80, s0  }
0x2ff: {  	[tilespmem:s25], [sflag:$0x1] =	stream.linear.gather [spmem:s24], $0x80, $0x38;
	[tilespmem:$0x1E888] =	vst v63  }
0x300: {  	s26 =	sadd.s32 $0xF100, s1;
	s28 =	sadd.s32 $0x1080, s0  }
0x301: {  	[tilespmem:s28], [sflag:$0x1] =	stream.linear.gather [spmem:s26], $0x80, $0x38;
	[tilespmem:$0x1E888] =	vst v63  }
0x302: {  	s23 =	sadd.s32 $0x1480, s0;
	s22 =	sadd.s32 $0xF180, s1  }
0x303: {  	[tilespmem:s23], [sflag:$0x1] =	stream.linear.gather [spmem:s22], $0x80, $0x38;
	[tilespmem:$0x1E888] =	vst v63  }
0x304: {  	s24 =	sadd.s32 $0xF200, s1;
	s25 =	sadd.s32 $0x1880, s0  }
0x305: {  	[tilespmem:s25], [sflag:$0x1] =	stream.linear.gather [spmem:s24], $0x80, $0x38;
	[tilespmem:$0x1E888] =	vst v63  }
0x306: {  	s26 =	sadd.s32 $0xF280, s1;
	s28 =	sadd.s32 $0x1C80, s0  }
0x307: {  	[tilespmem:s28], [sflag:$0x1] =	stream.linear.gather [spmem:s26], $0x80, $0x38;
	[tilespmem:$0x1E888] =	vst v63  }
0x308: {  	s22 =	sadd.s32 $0xF300, s1;
	s23 =	sadd.s32 $0x2080, s0  }
0x309: {  	[tilespmem:s23], [sflag:$0x1] =	stream.linear.gather [spmem:s22], $0x80, $0x38;
	[tilespmem:$0x1E888] =	vst v63  }
0x30a: {  	s24 =	sadd.s32 $0xF380, s1;
	s25 =	sadd.s32 $0x2480, s0  }
0x30b: {  	[tilespmem:s25], [sflag:$0x1] =	stream.linear.gather [spmem:s24], $0x80, $0x38;
	[tilespmem:$0x1E888] =	vst v63  }
0x30c: {  	s26 =	sadd.s32 $0xF400, s1;
	s28 =	sadd.s32 $0x2880, s0  }
0x30d: {  	[tilespmem:s28], [sflag:$0x1] =	stream.linear.gather [spmem:s26], $0x80, $0x38;
	[tilespmem:$0x1E888] =	vst v63  }
0x30e: {  	s1 =	sadd.s32 $0xF480, s1;
	s0 =	sadd.s32 $0x2C80, s0  }
0x30f: {  	[tilespmem:s0], [sflag:$0x1] =	stream.linear.gather [spmem:s1], $0x80, $0x38;
	[tilespmem:$0x1E888] =	vst v63  }
0x310: {  	_ =	swait.ge [sflag:s18], $0x500  }
0x311: {  	s22 =	simm.s32 $0x0;
	s23 =	sadd.s32 s12, s15;
	[sflag:s18] =	ssyncset.done $0x0  }
0x312: {  	s24 =	simm.s32 $0x0;
	s0 =	smul.u32 $0xA000, s22;
	[sflag:s18] =	ssyncadd.s32 $0xFFFFFB00  }
0x313: {  	[hbm4b:s23+s24] =	stream.linear.scatter [tilespmem:s30], [sflag:$0x1], $0x5000, $0x38;
	[tilespmem:$0x1E888] =	vst v63  }
0x314: {  	s25 =	sand.u32 $0x380, s24;
	s0 =	sshra.s32 s0, $0x2;
	_ =	swait.ge [sflag:s18], $0x5000  }
0x315: {  	s1 =	sadd.s32 $0x0, s6;
	s0 =	sor.u32 s25, s0;
	[sflag:s18] =	ssyncset.done $0x0  }
0x316: {  	s28 =	sadd.s32 $0x14000, s1;
	s26 =	sadd.s32 $0x880, s0;
	[sflag:s18] =	ssyncadd.s32 $0xFFFFB000  }
0x317: {  	[tilespmem:s26], [sflag:$0x1] =	stream.linear.gather [spmem:s28], $0x80, $0x38;
	[tilespmem:$0x1E888] =	vst v63  }
0x318: {  	s22 =	sadd.s32 $0x14080, s1;
	s23 =	sadd.s32 $0xC80, s0  }
0x319: {  	[tilespmem:s23], [sflag:$0x1] =	stream.linear.gather [spmem:s22], $0x80, $0x38;
	[tilespmem:$0x1E888] =	vst v63  }
0x31a: {  	s24 =	sadd.s32 $0x14100, s1;
	s25 =	sadd.s32 $0x1080, s0  }
0x31b: {  	[tilespmem:s25], [sflag:$0x1] =	stream.linear.gather [spmem:s24], $0x80, $0x38;
	[tilespmem:$0x1E888] =	vst v63  }
0x31c: {  	s26 =	sadd.s32 $0x14180, s1;
	s28 =	sadd.s32 $0x1480, s0  }
0x31d: {  	[tilespmem:s28], [sflag:$0x1] =	stream.linear.gather [spmem:s26], $0x80, $0x38;
	[tilespmem:$0x1E888] =	vst v63  }
0x31e: {  	s22 =	sadd.s32 $0x14200, s1;
	s23 =	sadd.s32 $0x1880, s0  }
0x31f: {  	[tilespmem:s23], [sflag:$0x1] =	stream.linear.gather [spmem:s22], $0x80, $0x38;
	[tilespmem:$0x1E888] =	vst v63  }
0x320: {  	s24 =	sadd.s32 $0x14280, s1;
	s25 =	sadd.s32 $0x1C80, s0  }
0x321: {  	[tilespmem:s25], [sflag:$0x1] =	stream.linear.gather [spmem:s24], $0x80, $0x38;
	[tilespmem:$0x1E888] =	vst v63  }
0x322: {  	s26 =	sadd.s32 $0x14300, s1;
	s28 =	sadd.s32 $0x2080, s0  }
0x323: {  	[tilespmem:s28], [sflag:$0x1] =	stream.linear.gather [spmem:s26], $0x80, $0x38;
	[tilespmem:$0x1E888] =	vst v63  }
0x324: {  	s21 =	simm.s32 $0x2800;
	s22 =	sadd.s32 $0x14380, s1;
	s23 =	sadd.s32 $0x2480, s0  }
0x325: {  	[tilespmem:s23], [sflag:$0x1] =	stream.linear.gather [spmem:s22], $0x80, $0x38;
	[tilespmem:$0x1E888] =	vst v63  }
0x326: {  	s24 =	sadd.s32 $0x14400, s1;
	s25 =	sadd.s32 $0x2880, s0;
	s26 =	simm.s32 $0x0  }
0x327: {  	[tilespmem:s25], [sflag:$0x1] =	stream.linear.gather [spmem:s24], $0x80, $0x38;
	[tilespmem:$0x1E888] =	vst v63  }
0x328: {  	s1 =	sadd.s32 $0x14480, s1;
	s0 =	sadd.s32 $0x2C80, s0;
	s28 =	smul.u32 $0xA000, s26  }
0x329: {  	[tilespmem:s0], [sflag:$0x1] =	stream.linear.gather [spmem:s1], $0x80, $0x38;
	[tilespmem:$0x1E888] =	vst v63  }
0x32a: {  	s22 =	simm.s32 $0x500;
	s24 =	sshra.s32 s28, $0x2;
	s1 =	simm.s32 $0x80  }
0x32b: {  	s0 =	simm.s32 $0x1;
	s23 =	sand.u32 $0x380, s1;
	_ =	swait.ge [sflag:s18], $0x500  }
.LBB2_20:
0x32c: {  	s23 =	sor.u32 s23, s24  }
0x32d: {  	s22 =	sadd.s32 s22, s6;
	[sflag:s18] =	ssyncset.done $0x0;
	s24 =	smov.u32 s21  }
0x32e: {  	s25 =	sadd.s32 $0x880, s23;
	s26 =	sadd.s32 $0x14000, s22;
	[sflag:s18] =	ssyncadd.s32 $0xFFFFFB00  }
0x32f: {  	[tilespmem:s25], [sflag:$0x1] =	stream.linear.gather [spmem:s26], $0x80, $0x38;
	[tilespmem:$0x1E888] =	vst v63  }
0x330: {  	s28 =	sadd.s32 $0xC80, s23;
	s25 =	sadd.s32 $0x1400, s21;
	s26 =	sadd.s32 $0x14080, s22  }
0x331: {  	[tilespmem:s28], [sflag:$0x1] =	stream.linear.gather [spmem:s26], $0x80, $0x38;
	[tilespmem:$0x1E888] =	vst v63  }
0x332: {  	p0 =	sne.s32 s21, $0x12C00;
	s21 =	sadd.s32 $0x14100, s22;
	s26 =	sadd.s32 $0x1080, s23  }
0x333: {  	[tilespmem:s26], [sflag:$0x1] =	stream.linear.gather [spmem:s21], $0x80, $0x38;
	[tilespmem:$0x1E888] =	vst v63  }
0x334: {  	s21 =	sadd.s32 $0x14180, s22;
	s26 =	sadd.s32 $0x1480, s23  }
0x335: {  	[tilespmem:s26], [sflag:$0x1] =	stream.linear.gather [spmem:s21], $0x80, $0x38;
	[tilespmem:$0x1E888] =	vst v63  }
0x336: {  	s21 =	sadd.s32 $0x14200, s22;
	s26 =	sadd.s32 $0x1880, s23  }
0x337: {  	[tilespmem:s26], [sflag:$0x1] =	stream.linear.gather [spmem:s21], $0x80, $0x38;
	[tilespmem:$0x1E888] =	vst v63  }
0x338: {  	s21 =	sadd.s32 $0x14280, s22;
	s26 =	sadd.s32 $0x1C80, s23  }
0x339: {  	[tilespmem:s26], [sflag:$0x1] =	stream.linear.gather [spmem:s21], $0x80, $0x38;
	[tilespmem:$0x1E888] =	vst v63  }
0x33a: {  	s21 =	sadd.s32 $0x14300, s22;
	s26 =	sadd.s32 $0x2080, s23  }
0x33b: {  	[tilespmem:s26], [sflag:$0x1] =	stream.linear.gather [spmem:s21], $0x80, $0x38;
	[tilespmem:$0x1E888] =	vst v63  }
0x33c: {  	s0 =	sadd.s32 $0x1, s0;
	s21 =	sadd.s32 $0x14380, s22;
	s26 =	sadd.s32 $0x2480, s23  }
0x33d: {  	[tilespmem:s26], [sflag:$0x1] =	stream.linear.gather [spmem:s21], $0x80, $0x38;
	[tilespmem:$0x1E888] =	vst v63  }
0x33e: {  	s21 =	sadd.s32 $0x14400, s22;
	s26 =	sadd.s32 $0x2880, s23;
	s23 =	sadd.s32 $0x2C80, s23  }
0x33f: {  	[tilespmem:s26], [sflag:$0x1] =	stream.linear.gather [spmem:s21], $0x80, $0x38;
	[tilespmem:$0x1E888] =	vst v63  }
.Ltmp9:
0x340: {  	s21 =	sshrl.u32 s0, $0x3;
	s26 =	sadd.s32 $0x14480, s22;
	(pc) =	sbr.rel @p0 .LBB2_20-.Ltmp9, $4  }
0x341: {  	s1 =	sadd.s32 $0x80, s1;
	s22 =	sshra.s32 s24, $0x2;
	s21 =	smul.u32 $0xA000, s21  }
0x342: {  	[tilespmem:s23], [sflag:$0x1] =	stream.linear.gather [spmem:s26], $0x80, $0x38;
	[tilespmem:$0x1E888] =	vst v63  }
0x343: {  	s23 =	sand.u32 $0x380, s1  }
0x344: {  	s24 =	sshra.s32 s21, $0x2;
	s21 =	smov.u32 s25;
	_ =	swait.ge [sflag:s18], $0x500  }
0x345: {  	s0 =	sor.u32 s23, s24;
	s1 =	sadd.s32 s22, s6;
	[sflag:s18] =	ssyncset.done $0x0  }
0x346: {  	s21 =	sadd.s32 $0x880, s0;
	s22 =	sadd.s32 $0x14000, s1;
	[sflag:s18] =	ssyncadd.s32 $0xFFFFFB00  }
0x347: {  	[tilespmem:s21], [sflag:$0x1] =	stream.linear.gather [spmem:s22], $0x80, $0x38;
	[tilespmem:$0x1E888] =	vst v63  }
0x348: {  	s23 =	sadd.s32 $0xC80, s0;
	s22 =	sadd.s32 $0x14080, s1  }
0x349: {  	[tilespmem:s23], [sflag:$0x1] =	stream.linear.gather [spmem:s22], $0x80, $0x38;
	[tilespmem:$0x1E888] =	vst v63  }
0x34a: {  	s24 =	sadd.s32 $0x14100, s1;
	s25 =	sadd.s32 $0x1080, s0  }
0x34b: {  	[tilespmem:s25], [sflag:$0x1] =	stream.linear.gather [spmem:s24], $0x80, $0x38;
	[tilespmem:$0x1E888] =	vst v63  }
0x34c: {  	s26 =	sadd.s32 $0x14180, s1;
	s28 =	sadd.s32 $0x1480, s0  }
0x34d: {  	[tilespmem:s28], [sflag:$0x1] =	stream.linear.gather [spmem:s26], $0x80, $0x38;
	[tilespmem:$0x1E888] =	vst v63  }
0x34e: {  	s22 =	sadd.s32 $0x14200, s1;
	s23 =	sadd.s32 $0x1880, s0  }
0x34f: {  	[tilespmem:s23], [sflag:$0x1] =	stream.linear.gather [spmem:s22], $0x80, $0x38;
	[tilespmem:$0x1E888] =	vst v63  }
0x350: {  	s24 =	sadd.s32 $0x14280, s1;
	s25 =	sadd.s32 $0x1C80, s0  }
0x351: {  	[tilespmem:s25], [sflag:$0x1] =	stream.linear.gather [spmem:s24], $0x80, $0x38;
	[tilespmem:$0x1E888] =	vst v63  }
0x352: {  	s26 =	sadd.s32 $0x14300, s1;
	s28 =	sadd.s32 $0x2080, s0  }
0x353: {  	[tilespmem:s28], [sflag:$0x1] =	stream.linear.gather [spmem:s26], $0x80, $0x38;
	[tilespmem:$0x1E888] =	vst v63  }
0x354: {  	s23 =	sadd.s32 $0x14380, s1;
	s24 =	sadd.s32 $0x2480, s0  }
0x355: {  	[tilespmem:s24], [sflag:$0x1] =	stream.linear.gather [spmem:s23], $0x80, $0x38;
	[tilespmem:$0x1E888] =	vst v63  }
0x356: {  	s25 =	sadd.s32 $0x14400, s1;
	s26 =	sadd.s32 $0x2880, s0  }
0x357: {  	[tilespmem:s26], [sflag:$0x1] =	stream.linear.gather [spmem:s25], $0x80, $0x38;
	[tilespmem:$0x1E888] =	vst v63  }
0x358: {  	s1 =	sadd.s32 $0x14480, s1;
	s0 =	sadd.s32 $0x2C80, s0  }
0x359: {  	[tilespmem:s0], [sflag:$0x1] =	stream.linear.gather [spmem:s1], $0x80, $0x38;
	[tilespmem:$0x1E888] =	vst v63  }
0x35a: {  	s31 =	sadd.s32 $0x1, s31;
	_ =	swait.ge [sflag:s18], $0x500  }
0x35b: {  	p0 =	sne.s32 s31, s16;
	[sflag:s18] =	ssyncset.done $0x0  }
.Ltmp10:
0x35c: {  	s28 =	sadd.s32 s13, s15;
	[sflag:s18] =	ssyncadd.s32 $0xFFFFFB00;
	(pc) =	sbr.rel @p0 .LBB2_1-.Ltmp10, $4  }
0x35d: {  	[hbm4b:s28+s3] =	stream.linear.scatter [tilespmem:s30], [sflag:$0x1], $0x5000, $0x38;
	[tilespmem:$0x1E888] =	vst v63  }
0x35e: {  	_ =	swait.ge [sflag:s18], $0x5000  }
0x35f: {  	[sflag:s18] =	ssyncset.done $0x0  }
0x360: {  	[sflag:s18] =	ssyncadd.s32 $0xFFFFB000  }
0x361: {  	_ =	sfence.sel $0x180000  }
0x362: {  	[bflag:$0x0] =	sbarrier.arrive $0xFFFF  }
0x363: {  	_ =	strace $0x9000004A  }
0x364: {  	s0 =	stileid.u32;
	[bflag:$0x2] =	sbarrier.arrive $0xFFFF  }
0x365: {  	p0 =	sne.s32 s0, $0x0;
	s0 =	rddreg [dreg:$0x2]  }
0x366: {  	s0 =	sadd.s32 @!p0 $0x100000, s0  }
0x367: {  	[sflag:s0] =	ssyncadd.tile.s32 @!p0 $0x1;
	_ =	shalt  }
.Lfunc_end2:
_tile_overlayer_lowered:
.L_overlay_start_2:
0x368: {  	(tag) =	ssettag $0x2  }
0x369: {  	s0 =	rddreg [dreg:$0x0];
	s2 =	stileid.u32  }
0x36a: {  	s1 =	rddreg [dreg:$0x1];
	p0 =	sne.s32 s2, $0x0  }
0x36b: {  	s3 =	rddreg [dreg:$0x2];
	[bflag:$0x3] =	sbarrier.arrive $0xFFFF;
	s2 =	simm.s32 @!p0 $0x1C01  }
0x36c: {  	[timem:s3], [sflag:s2] =	dma.local @!p0 [hbm:s0], s1  }
0x36d: {  	s0 =	simm.s32 @!p0 $0x1  }
0x36e: {  	_ =	swait.ge @!p0 [sflag:s0], s1  }
0x36f: {  	s1 =	ssub.s32 @!p0 $0x0, s1;
	[sflag:s0] =	ssyncset.done @!p0 $0x0  }
0x370: {  	[sflag:s0] =	ssyncadd.s32 @!p0 s1  }
0x371: {  	[bflag:$0x3] =	sbarrier.arrive $0xFFFF  }
0x372: {  	_ =	shalt  }

</sc_bundles>
